<compile_context>
chip_gen: v7x
topology: tpu7x:2x2x1
jax: 0.10.2.dev20260603
libtpu: 0.0.44.dev20260713+nightly
codegen_flags: <defaults>
</compile_context>

<pallas_src>
import jax
import jax.numpy as jnp
from jax import lax
from jax.experimental import pallas as pl
from jax.experimental.pallas import tpu as pltpu
from jax.experimental.pallas import tpu_sc as plsc

BATCH = 16384
N_FIELDS = 26
VOCAB = 100000
DIM = 50

_NC = 2
_NS = 16
_NW = _NC * _NS
_L = 16

TOTAL_ROWS = BATCH * N_FIELDS
ROWS_PER_W = TOTAL_ROWS // _NW
WORDS_PER_W = ROWS_PER_W * DIM

GRAN = 16
GRANS_ROW = 4

CHUNK_W = 20800
CHUNK_ROWS = CHUNK_W // DIM
CHUNK_GRANS = CHUNK_ROWS * GRANS_ROW
N_CHUNKS = WORDS_PER_W // CHUNK_W

PAT_W = 400
PAT_ROWS = PAT_W // DIM
PAT_VECS = PAT_W // _L
CHUNK_BLOCKS = CHUNK_W // PAT_W

_PAT_A = [(j * _L) // DIM for j in range(PAT_VECS)]
_PAT_T = [(_PAT_A[j] + 1) * DIM - j * _L for j in range(PAT_VECS)]


def _embed_kernel(labels_hbm, table_hbm, out_hbm,
                  gidx_v, idx0, idx1, stage0, stage1, out0, out1,
                  sem0, sem1):
    wid = lax.axis_index("s") * _NC + lax.axis_index("c")
    row_base = wid * ROWS_PER_W
    word_base = row_base * DIM

    pltpu.sync_copy(labels_hbm.at[pl.ds(row_base, ROWS_PER_W)], gidx_v)
    lane = lax.iota(jnp.int32, _L)

    def fix(i, carry):
        sl = pl.ds(i * _L, _L)
        r = row_base + i * _L + lane
        f = lax.rem(r, N_FIELDS)
        gidx_v[sl] = gidx_v[sl] * DIM + f * (VOCAB * DIM)
        return carry

    lax.fori_loop(0, ROWS_PER_W // _L, fix, 0)

    row_off = []
    col = []
    for j in range(PAT_VECS):
        a, t = _PAT_A[j], _PAT_T[j]
        bump = (lane >= t).astype(jnp.int32)
        row_off.append(a + bump)
        col.append((j * _L - a * DIM) + lane - bump * DIM)

    g_row = lane >> 2
    g_quad = lane & 3

    idx_bufs = (idx0, idx1)
    stage_bufs = (stage0, stage1)
    out_bufs = (out0, out1)
    sems = (sem0, sem1)

    def start(k, c):
        def build(v, carry):
            rbase = c * CHUNK_ROWS + v * 4
            w50 = plsc.load_gather(gidx_v, [rbase + g_row])
            idx_bufs[k][pl.ds(v * _L, _L)] = (w50 >> 4) + g_quad
            return carry

        lax.fori_loop(0, CHUNK_GRANS // _L, build, 0)
        pltpu.async_copy(table_hbm.at[idx_bufs[k]], stage_bufs[k], sems[k])

    def finish(k, c):
        pltpu.make_async_copy(
            table_hbm.at[idx_bufs[k]], stage_bufs[k], sems[k]).wait()

        def compact(b, carry):
            for j in range(PAT_VECS):
                r_loc = b * PAT_ROWS + row_off[j]
                w50 = plsc.load_gather(gidx_v, [c * CHUNK_ROWS + r_loc])
                s = (r_loc << 6) + (w50 & 15) + col[j]
                val = plsc.load_gather(stage_bufs[k], [s >> 4, s & 15])
                out_bufs[k][pl.ds(b * PAT_W + j * _L, _L)] = val
            return carry

        lax.fori_loop(0, CHUNK_BLOCKS, compact, 0)
        pltpu.sync_copy(out_bufs[k],
                        out_hbm.at[pl.ds(word_base + c * CHUNK_W, CHUNK_W)])

    start(0, 0)

    def pair(i, carry):
        g = 2 * i
        start(1, g + 1)
        finish(0, g)
        start(0, g + 2)
        finish(1, g + 1)
        return carry

    lax.fori_loop(0, N_CHUNKS // 2 - 1, pair, 0)
    g_last = N_CHUNKS - 2
    start(1, g_last + 1)
    finish(0, g_last)
    finish(1, g_last + 1)


@jax.jit
def kernel(labels, tables):
    labels_flat = labels.reshape(TOTAL_ROWS)
    table_g = tables.reshape(N_FIELDS * VOCAB * DIM // GRAN, GRAN)

    mesh = plsc.VectorSubcoreMesh(core_axis_name="c", subcore_axis_name="s")
    run = pl.kernel(
        _embed_kernel,
        mesh=mesh,
        out_type=jax.ShapeDtypeStruct((TOTAL_ROWS * DIM,), jnp.float32),
        scratch_types=[
            pltpu.VMEM((ROWS_PER_W,), jnp.int32),
            pltpu.VMEM((CHUNK_GRANS,), jnp.int32),
            pltpu.VMEM((CHUNK_GRANS,), jnp.int32),
            pltpu.VMEM((CHUNK_GRANS, GRAN), jnp.float32),
            pltpu.VMEM((CHUNK_GRANS, GRAN), jnp.float32),
            pltpu.VMEM((CHUNK_W,), jnp.float32),
            pltpu.VMEM((CHUNK_W,), jnp.float32),
            pltpu.SemaphoreType.DMA,
            pltpu.SemaphoreType.DMA,
        ],
        compiler_params=pltpu.CompilerParams(
            use_tc_tiling_on_sc=False, needs_layout_passes=False),
    )
    out = run(labels_flat, table_g)
    return out.reshape(BATCH, N_FIELDS * DIM)

# --- scband reference (transcript-rebuilt; emitter-appended) ---
"""Pipeline reference for scband-embed-all-17652315586859 (READ-ONLY COPY).

The authoritative reference and input builder live on the scoring server;
editing this copy changes nothing except your own understanding.
"""

import jax, jax.numpy as jnp
import numpy as np

BATCH = 16384
N_FIELDS = 26
VOCAB = 100000
DIM = 50  # min(50, 100000 // 2)


def setup_inputs(seed: int = 0) -> dict:
    key = jax.random.key(seed)
    k1, k2 = jax.random.split(key)
    labels = jax.random.randint(k1, (BATCH, N_FIELDS), 0, VOCAB, dtype=jnp.int32)
    # 26 embedding tables, all [VOCAB, DIM]; stacked into one array since shapes match
    tables = jax.random.normal(k2, (N_FIELDS, VOCAB, DIM), dtype=jnp.float32) * 0.02
    return {"labels": labels, "tables": tables}


def reference(labels, tables):
    # Faithful to: out.append(embedding_i(labels[:, i])); torch.cat(out, dim=1)
    # gather per field -> [N_FIELDS, BATCH, DIM]
    gathered = jax.vmap(lambda t, l: jnp.take(t, l, axis=0), in_axes=(0, 1))(tables, labels)
    # concat along feature dim, preserving field order
    out = jnp.transpose(gathered, (1, 0, 2)).reshape(labels.shape[0], N_FIELDS * DIM)
    return out

if __name__ == "__main__":
    import jax
    _d = setup_inputs()
    print(jax.jit(kernel)(*tuple(_d.values())))

</pallas_src>

<mosaic_0001>
#map = affine_map<(d0, d1) -> (0)>
#map1 = affine_map<(d0, d1) -> (0, 0)>
module attributes {stable_mosaic.version = 14 : i64} {
  func.func @_embed_kernel(%arg0: i32, %arg1: i32, %arg2: memref<425984xi32, #tpu.memory_space<hbm>>, %arg3: memref<8125000x16xf32, #tpu.memory_space<hbm>>, %arg4: memref<21299200xf32, #tpu.memory_space<hbm>>, %arg5: memref<13312xi32, #tpu.memory_space<vmem>>, %arg6: memref<1664xi32, #tpu.memory_space<vmem>>, %arg7: memref<1664xi32, #tpu.memory_space<vmem>>, %arg8: memref<1664x16xf32, #tpu.memory_space<vmem>>, %arg9: memref<1664x16xf32, #tpu.memory_space<vmem>>, %arg10: memref<20800xf32, #tpu.memory_space<vmem>>, %arg11: memref<20800xf32, #tpu.memory_space<vmem>>, %arg12: memref<!tpu.dma_semaphore, #tpu.memory_space<semaphore_mem>>, %arg13: memref<!tpu.dma_semaphore, #tpu.memory_space<semaphore_mem>>) attributes {dimension_semantics = [#tpu.dimension_semantics<core_parallel>, #tpu.dimension_semantics<subcore_parallel>], iteration_bounds = array<i64: 2, 16>, scalar_prefetch = 0 : i64, scratch_operands = 9 : i64, tpu.core_type = #tpu.core_type<sc_vector_subcore>, window_params = [{transform_indices = #map}, {transform_indices = #map1}, {transform_indices = #map}]} {
    %mul3A = arith.constant 2 : i32
    %mul3A_0 = arith.muli %arg1, %mul3A : i32
    %add3A = arith.addi %mul3A_0, %arg0 : i32
    %mul3A_1 = arith.constant 13312 : i32
    %mul3A_2 = arith.muli %add3A, %mul3A_1 : i32
    %mul3A_3 = arith.constant 50 : i32
    %mul3A_4 = arith.muli %mul3A_2, %mul3A_3 : i32
    "tpu.region"() ({
      %run_scoped3A = tpu.sem_alloc : memref<!tpu.dma_semaphore, #tpu.memory_space<semaphore_mem>>
      %dma_start3A_405 = tpu.memref_slice %arg2[%mul3A_2] : memref<425984xi32, #tpu.memory_space<hbm>> -> memref<13312xi32, #tpu.memory_space<hbm>>
      %dma_start3A_406 = tpu.memref_slice %arg2[%mul3A_2] : memref<425984xi32, #tpu.memory_space<hbm>> -> memref<13312xi32, #tpu.memory_space<hbm>>
      tpu.enqueue_dma source(%dma_start3A_406 : memref<13312xi32, #tpu.memory_space<hbm>>) target(%arg5 : memref<13312xi32, #tpu.memory_space<vmem>>) target_semaphore(%run_scoped3A : memref<!tpu.dma_semaphore, #tpu.memory_space<semaphore_mem>>)
      %dma_wait3A_407 = tpu.memref_slice %arg2[%mul3A_2] : memref<425984xi32, #tpu.memory_space<hbm>> -> memref<13312xi32, #tpu.memory_space<hbm>>
      %dma_wait3A_408 = tpu.memref_slice %arg2[%mul3A_2] : memref<425984xi32, #tpu.memory_space<hbm>> -> memref<13312xi32, #tpu.memory_space<hbm>>
      tpu.wait_dma2 semaphore(%run_scoped3A : memref<!tpu.dma_semaphore, #tpu.memory_space<semaphore_mem>>) src(%dma_wait3A_408 : memref<13312xi32, #tpu.memory_space<hbm>>) dst(%arg5 : memref<13312xi32, #tpu.memory_space<vmem>>)
      tpu.yield
    }) : () -> ()
    %iota3A = tpu.iota {dimensions = array<i32: 0>} : vector<16xi32>
    %scan3A = arith.constant 0 : i32
    %scan3A_5 = arith.constant 0 : i32
    %scan3A_6 = arith.constant 832 : i32
    %scan3A_7 = arith.addi %scan3A_5, %scan3A_6 : i32
    %scan3A_8 = arith.constant 1 : i32
    scf.for %scan3A_405 = %scan3A_5 to %scan3A_7 step %scan3A_8  : i32 {
      %mul3A_406 = arith.constant 16 : i32
      %mul3A_407 = arith.muli %scan3A_405, %mul3A_406 : i32
      %mul3A_408 = arith.constant 16 : i32
      %mul3A_409 = arith.muli %scan3A_405, %mul3A_408 : i32
      %add3A_410 = arith.addi %mul3A_2, %mul3A_409 : i32
      %add3A_411 = vector.broadcast %add3A_410 : i32 to vector<16xi32>
      %add3A_412 = arith.addi %add3A_411, %iota3A : vector<16xi32>
      %rem3A = arith.constant 26 : i32
      %rem3A_413 = vector.broadcast %rem3A : i32 to vector<16xi32>
      %rem3A_414 = arith.remsi %add3A_412, %rem3A_413 : vector<16xi32>
      %get3A = arith.index_cast %mul3A_407 : i32 to index
      %get3A_415 = tpu.vector_load %arg5[%get3A] {strides = array<i32>} : memref<13312xi32, #tpu.memory_space<vmem>>, vector<16xi32>,
      %mul3A_416 = arith.constant 50 : i32
      %mul3A_417 = vector.broadcast %mul3A_416 : i32 to vector<16xi32>
      %mul3A_418 = arith.muli %get3A_415, %mul3A_417 : vector<16xi32>
      %mul3A_419 = arith.constant 5000000 : i32
      %mul3A_420 = vector.broadcast %mul3A_419 : i32 to vector<16xi32>
      %mul3A_421 = arith.muli %rem3A_414, %mul3A_420 : vector<16xi32>
      %add3A_422 = arith.addi %mul3A_418, %mul3A_421 : vector<16xi32>
      %swap3A = arith.index_cast %mul3A_407 : i32 to index
      %swap3A_423 = tpu.vector_load %arg5[%swap3A] {strides = array<i32>} : memref<13312xi32, #tpu.memory_space<vmem>>, vector<16xi32>,
      tpu.vector_store %arg5[%swap3A], %add3A_422 {strides = array<i32>} : memref<13312xi32, #tpu.memory_space<vmem>>, vector<16xi32>,
    }
    %scan3A_9 = arith.constant 832 : i32
    %ge3A = arith.constant 50 : i32
    %ge3A_10 = vector.broadcast %ge3A : i32 to vector<16xi32>
    %ge3A_11 = arith.cmpi sge, %iota3A, %ge3A_10 : vector<16xi32>
    %convert_element_type3A = arith.extui %ge3A_11 : vector<16xi1> to vector<16xi32>
    %add3A_12 = arith.constant 0 : i32
    %add3A_13 = vector.broadcast %add3A_12 : i32 to vector<16xi32>
    %add3A_14 = arith.addi %add3A_13, %convert_element_type3A : vector<16xi32>
    %add3A_15 = arith.constant 0 : i32
    %add3A_16 = vector.broadcast %add3A_15 : i32 to vector<16xi32>
    %add3A_17 = arith.addi %add3A_16, %iota3A : vector<16xi32>
    %mul3A_18 = arith.constant 50 : i32
    %mul3A_19 = vector.broadcast %mul3A_18 : i32 to vector<16xi32>
    %mul3A_20 = arith.muli %convert_element_type3A, %mul3A_19 : vector<16xi32>
    %sub3A = arith.subi %add3A_17, %mul3A_20 : vector<16xi32>
    %ge3A_21 = arith.constant 34 : i32
    %ge3A_22 = vector.broadcast %ge3A_21 : i32 to vector<16xi32>
    %ge3A_23 = arith.cmpi sge, %iota3A, %ge3A_22 : vector<16xi32>
    %convert_element_type3A_24 = arith.extui %ge3A_23 : vector<16xi1> to vector<16xi32>
    %add3A_25 = arith.constant 0 : i32
    %add3A_26 = vector.broadcast %add3A_25 : i32 to vector<16xi32>
    %add3A_27 = arith.addi %add3A_26, %convert_element_type3A_24 : vector<16xi32>
    %add3A_28 = arith.constant 16 : i32
    %add3A_29 = vector.broadcast %add3A_28 : i32 to vector<16xi32>
    %add3A_30 = arith.addi %add3A_29, %iota3A : vector<16xi32>
    %mul3A_31 = arith.constant 50 : i32
    %mul3A_32 = vector.broadcast %mul3A_31 : i32 to vector<16xi32>
    %mul3A_33 = arith.muli %convert_element_type3A_24, %mul3A_32 : vector<16xi32>
    %sub3A_34 = arith.subi %add3A_30, %mul3A_33 : vector<16xi32>
    %ge3A_35 = arith.constant 18 : i32
    %ge3A_36 = vector.broadcast %ge3A_35 : i32 to vector<16xi32>
    %ge3A_37 = arith.cmpi sge, %iota3A, %ge3A_36 : vector<16xi32>
    %convert_element_type3A_38 = arith.extui %ge3A_37 : vector<16xi1> to vector<16xi32>
    %add3A_39 = arith.constant 0 : i32
    %add3A_40 = vector.broadcast %add3A_39 : i32 to vector<16xi32>
    %add3A_41 = arith.addi %add3A_40, %convert_element_type3A_38 : vector<16xi32>
    %add3A_42 = arith.constant 32 : i32
    %add3A_43 = vector.broadcast %add3A_42 : i32 to vector<16xi32>
    %add3A_44 = arith.addi %add3A_43, %iota3A : vector<16xi32>
    %mul3A_45 = arith.constant 50 : i32
    %mul3A_46 = vector.broadcast %mul3A_45 : i32 to vector<16xi32>
    %mul3A_47 = arith.muli %convert_element_type3A_38, %mul3A_46 : vector<16xi32>
    %sub3A_48 = arith.subi %add3A_44, %mul3A_47 : vector<16xi32>
    %ge3A_49 = arith.constant 2 : i32
    %ge3A_50 = vector.broadcast %ge3A_49 : i32 to vector<16xi32>
    %ge3A_51 = arith.cmpi sge, %iota3A, %ge3A_50 : vector<16xi32>
    %convert_element_type3A_52 = arith.extui %ge3A_51 : vector<16xi1> to vector<16xi32>
    %add3A_53 = arith.constant 0 : i32
    %add3A_54 = vector.broadcast %add3A_53 : i32 to vector<16xi32>
    %add3A_55 = arith.addi %add3A_54, %convert_element_type3A_52 : vector<16xi32>
    %add3A_56 = arith.constant 48 : i32
    %add3A_57 = vector.broadcast %add3A_56 : i32 to vector<16xi32>
    %add3A_58 = arith.addi %add3A_57, %iota3A : vector<16xi32>
    %mul3A_59 = arith.constant 50 : i32
    %mul3A_60 = vector.broadcast %mul3A_59 : i32 to vector<16xi32>
    %mul3A_61 = arith.muli %convert_element_type3A_52, %mul3A_60 : vector<16xi32>
    %sub3A_62 = arith.subi %add3A_58, %mul3A_61 : vector<16xi32>
    %ge3A_63 = arith.constant 36 : i32
    %ge3A_64 = vector.broadcast %ge3A_63 : i32 to vector<16xi32>
    %ge3A_65 = arith.cmpi sge, %iota3A, %ge3A_64 : vector<16xi32>
    %convert_element_type3A_66 = arith.extui %ge3A_65 : vector<16xi1> to vector<16xi32>
    %add3A_67 = arith.constant 1 : i32
    %add3A_68 = vector.broadcast %add3A_67 : i32 to vector<16xi32>
    %add3A_69 = arith.addi %add3A_68, %convert_element_type3A_66 : vector<16xi32>
    %add3A_70 = arith.constant 14 : i32
    %add3A_71 = vector.broadcast %add3A_70 : i32 to vector<16xi32>
    %add3A_72 = arith.addi %add3A_71, %iota3A : vector<16xi32>
    %mul3A_73 = arith.constant 50 : i32
    %mul3A_74 = vector.broadcast %mul3A_73 : i32 to vector<16xi32>
    %mul3A_75 = arith.muli %convert_element_type3A_66, %mul3A_74 : vector<16xi32>
    %sub3A_76 = arith.subi %add3A_72, %mul3A_75 : vector<16xi32>
    %ge3A_77 = arith.constant 20 : i32
    %ge3A_78 = vector.broadcast %ge3A_77 : i32 to vector<16xi32>
    %ge3A_79 = arith.cmpi sge, %iota3A, %ge3A_78 : vector<16xi32>
    %convert_element_type3A_80 = arith.extui %ge3A_79 : vector<16xi1> to vector<16xi32>
    %add3A_81 = arith.constant 1 : i32
    %add3A_82 = vector.broadcast %add3A_81 : i32 to vector<16xi32>
    %add3A_83 = arith.addi %add3A_82, %convert_element_type3A_80 : vector<16xi32>
    %add3A_84 = arith.constant 30 : i32
    %add3A_85 = vector.broadcast %add3A_84 : i32 to vector<16xi32>
    %add3A_86 = arith.addi %add3A_85, %iota3A : vector<16xi32>
    %mul3A_87 = arith.constant 50 : i32
    %mul3A_88 = vector.broadcast %mul3A_87 : i32 to vector<16xi32>
    %mul3A_89 = arith.muli %convert_element_type3A_80, %mul3A_88 : vector<16xi32>
    %sub3A_90 = arith.subi %add3A_86, %mul3A_89 : vector<16xi32>
    %ge3A_91 = arith.constant 4 : i32
    %ge3A_92 = vector.broadcast %ge3A_91 : i32 to vector<16xi32>
    %ge3A_93 = arith.cmpi sge, %iota3A, %ge3A_92 : vector<16xi32>
    %convert_element_type3A_94 = arith.extui %ge3A_93 : vector<16xi1> to vector<16xi32>
    %add3A_95 = arith.constant 1 : i32
    %add3A_96 = vector.broadcast %add3A_95 : i32 to vector<16xi32>
    %add3A_97 = arith.addi %add3A_96, %convert_element_type3A_94 : vector<16xi32>
    %add3A_98 = arith.constant 46 : i32
    %add3A_99 = vector.broadcast %add3A_98 : i32 to vector<16xi32>
    %add3A_100 = arith.addi %add3A_99, %iota3A : vector<16xi32>
    %mul3A_101 = arith.constant 50 : i32
    %mul3A_102 = vector.broadcast %mul3A_101 : i32 to vector<16xi32>
    %mul3A_103 = arith.muli %convert_element_type3A_94, %mul3A_102 : vector<16xi32>
    %sub3A_104 = arith.subi %add3A_100, %mul3A_103 : vector<16xi32>
    %ge3A_105 = arith.constant 38 : i32
    %ge3A_106 = vector.broadcast %ge3A_105 : i32 to vector<16xi32>
    %ge3A_107 = arith.cmpi sge, %iota3A, %ge3A_106 : vector<16xi32>
    %convert_element_type3A_108 = arith.extui %ge3A_107 : vector<16xi1> to vector<16xi32>
    %add3A_109 = arith.constant 2 : i32
    %add3A_110 = vector.broadcast %add3A_109 : i32 to vector<16xi32>
    %add3A_111 = arith.addi %add3A_110, %convert_element_type3A_108 : vector<16xi32>
    %add3A_112 = arith.constant 12 : i32
    %add3A_113 = vector.broadcast %add3A_112 : i32 to vector<16xi32>
    %add3A_114 = arith.addi %add3A_113, %iota3A : vector<16xi32>
    %mul3A_115 = arith.constant 50 : i32
    %mul3A_116 = vector.broadcast %mul3A_115 : i32 to vector<16xi32>
    %mul3A_117 = arith.muli %convert_element_type3A_108, %mul3A_116 : vector<16xi32>
    %sub3A_118 = arith.subi %add3A_114, %mul3A_117 : vector<16xi32>
    %ge3A_119 = arith.constant 22 : i32
    %ge3A_120 = vector.broadcast %ge3A_119 : i32 to vector<16xi32>
    %ge3A_121 = arith.cmpi sge, %iota3A, %ge3A_120 : vector<16xi32>
    %convert_element_type3A_122 = arith.extui %ge3A_121 : vector<16xi1> to vector<16xi32>
    %add3A_123 = arith.constant 2 : i32
    %add3A_124 = vector.broadcast %add3A_123 : i32 to vector<16xi32>
    %add3A_125 = arith.addi %add3A_124, %convert_element_type3A_122 : vector<16xi32>
    %add3A_126 = arith.constant 28 : i32
    %add3A_127 = vector.broadcast %add3A_126 : i32 to vector<16xi32>
    %add3A_128 = arith.addi %add3A_127, %iota3A : vector<16xi32>
    %mul3A_129 = arith.constant 50 : i32
    %mul3A_130 = vector.broadcast %mul3A_129 : i32 to vector<16xi32>
    %mul3A_131 = arith.muli %convert_element_type3A_122, %mul3A_130 : vector<16xi32>
    %sub3A_132 = arith.subi %add3A_128, %mul3A_131 : vector<16xi32>
    %ge3A_133 = arith.constant 6 : i32
    %ge3A_134 = vector.broadcast %ge3A_133 : i32 to vector<16xi32>
    %ge3A_135 = arith.cmpi sge, %iota3A, %ge3A_134 : vector<16xi32>
    %convert_element_type3A_136 = arith.extui %ge3A_135 : vector<16xi1> to vector<16xi32>
    %add3A_137 = arith.constant 2 : i32
    %add3A_138 = vector.broadcast %add3A_137 : i32 to vector<16xi32>
    %add3A_139 = arith.addi %add3A_138, %convert_element_type3A_136 : vector<16xi32>
    %add3A_140 = arith.constant 44 : i32
    %add3A_141 = vector.broadcast %add3A_140 : i32 to vector<16xi32>
    %add3A_142 = arith.addi %add3A_141, %iota3A : vector<16xi32>
    %mul3A_143 = arith.constant 50 : i32
    %mul3A_144 = vector.broadcast %mul3A_143 : i32 to vector<16xi32>
    %mul3A_145 = arith.muli %convert_element_type3A_136, %mul3A_144 : vector<16xi32>
    %sub3A_146 = arith.subi %add3A_142, %mul3A_145 : vector<16xi32>
    %ge3A_147 = arith.constant 40 : i32
    %ge3A_148 = vector.broadcast %ge3A_147 : i32 to vector<16xi32>
    %ge3A_149 = arith.cmpi sge, %iota3A, %ge3A_148 : vector<16xi32>
    %convert_element_type3A_150 = arith.extui %ge3A_149 : vector<16xi1> to vector<16xi32>
    %add3A_151 = arith.constant 3 : i32
    %add3A_152 = vector.broadcast %add3A_151 : i32 to vector<16xi32>
    %add3A_153 = arith.addi %add3A_152, %convert_element_type3A_150 : vector<16xi32>
    %add3A_154 = arith.constant 10 : i32
    %add3A_155 = vector.broadcast %add3A_154 : i32 to vector<16xi32>
    %add3A_156 = arith.addi %add3A_155, %iota3A : vector<16xi32>
    %mul3A_157 = arith.constant 50 : i32
    %mul3A_158 = vector.broadcast %mul3A_157 : i32 to vector<16xi32>
    %mul3A_159 = arith.muli %convert_element_type3A_150, %mul3A_158 : vector<16xi32>
    %sub3A_160 = arith.subi %add3A_156, %mul3A_159 : vector<16xi32>
    %ge3A_161 = arith.constant 24 : i32
    %ge3A_162 = vector.broadcast %ge3A_161 : i32 to vector<16xi32>
    %ge3A_163 = arith.cmpi sge, %iota3A, %ge3A_162 : vector<16xi32>
    %convert_element_type3A_164 = arith.extui %ge3A_163 : vector<16xi1> to vector<16xi32>
    %add3A_165 = arith.constant 3 : i32
    %add3A_166 = vector.broadcast %add3A_165 : i32 to vector<16xi32>
    %add3A_167 = arith.addi %add3A_166, %convert_element_type3A_164 : vector<16xi32>
    %add3A_168 = arith.constant 26 : i32
    %add3A_169 = vector.broadcast %add3A_168 : i32 to vector<16xi32>
    %add3A_170 = arith.addi %add3A_169, %iota3A : vector<16xi32>
    %mul3A_171 = arith.constant 50 : i32
    %mul3A_172 = vector.broadcast %mul3A_171 : i32 to vector<16xi32>
    %mul3A_173 = arith.muli %convert_element_type3A_164, %mul3A_172 : vector<16xi32>
    %sub3A_174 = arith.subi %add3A_170, %mul3A_173 : vector<16xi32>
    %ge3A_175 = arith.constant 8 : i32
    %ge3A_176 = vector.broadcast %ge3A_175 : i32 to vector<16xi32>
    %ge3A_177 = arith.cmpi sge, %iota3A, %ge3A_176 : vector<16xi32>
    %convert_element_type3A_178 = arith.extui %ge3A_177 : vector<16xi1> to vector<16xi32>
    %add3A_179 = arith.constant 3 : i32
    %add3A_180 = vector.broadcast %add3A_179 : i32 to vector<16xi32>
    %add3A_181 = arith.addi %add3A_180, %convert_element_type3A_178 : vector<16xi32>
    %add3A_182 = arith.constant 42 : i32
    %add3A_183 = vector.broadcast %add3A_182 : i32 to vector<16xi32>
    %add3A_184 = arith.addi %add3A_183, %iota3A : vector<16xi32>
    %mul3A_185 = arith.constant 50 : i32
    %mul3A_186 = vector.broadcast %mul3A_185 : i32 to vector<16xi32>
    %mul3A_187 = arith.muli %convert_element_type3A_178, %mul3A_186 : vector<16xi32>
    %sub3A_188 = arith.subi %add3A_184, %mul3A_187 : vector<16xi32>
    %ge3A_189 = arith.constant 42 : i32
    %ge3A_190 = vector.broadcast %ge3A_189 : i32 to vector<16xi32>
    %ge3A_191 = arith.cmpi sge, %iota3A, %ge3A_190 : vector<16xi32>
    %convert_element_type3A_192 = arith.extui %ge3A_191 : vector<16xi1> to vector<16xi32>
    %add3A_193 = arith.constant 4 : i32
    %add3A_194 = vector.broadcast %add3A_193 : i32 to vector<16xi32>
    %add3A_195 = arith.addi %add3A_194, %convert_element_type3A_192 : vector<16xi32>
    %add3A_196 = arith.constant 8 : i32
    %add3A_197 = vector.broadcast %add3A_196 : i32 to vector<16xi32>
    %add3A_198 = arith.addi %add3A_197, %iota3A : vector<16xi32>
    %mul3A_199 = arith.constant 50 : i32
    %mul3A_200 = vector.broadcast %mul3A_199 : i32 to vector<16xi32>
    %mul3A_201 = arith.muli %convert_element_type3A_192, %mul3A_200 : vector<16xi32>
    %sub3A_202 = arith.subi %add3A_198, %mul3A_201 : vector<16xi32>
    %ge3A_203 = arith.constant 26 : i32
    %ge3A_204 = vector.broadcast %ge3A_203 : i32 to vector<16xi32>
    %ge3A_205 = arith.cmpi sge, %iota3A, %ge3A_204 : vector<16xi32>
    %convert_element_type3A_206 = arith.extui %ge3A_205 : vector<16xi1> to vector<16xi32>
    %add3A_207 = arith.constant 4 : i32
    %add3A_208 = vector.broadcast %add3A_207 : i32 to vector<16xi32>
    %add3A_209 = arith.addi %add3A_208, %convert_element_type3A_206 : vector<16xi32>
    %add3A_210 = arith.constant 24 : i32
    %add3A_211 = vector.broadcast %add3A_210 : i32 to vector<16xi32>
    %add3A_212 = arith.addi %add3A_211, %iota3A : vector<16xi32>
    %mul3A_213 = arith.constant 50 : i32
    %mul3A_214 = vector.broadcast %mul3A_213 : i32 to vector<16xi32>
    %mul3A_215 = arith.muli %convert_element_type3A_206, %mul3A_214 : vector<16xi32>
    %sub3A_216 = arith.subi %add3A_212, %mul3A_215 : vector<16xi32>
    %ge3A_217 = arith.constant 10 : i32
    %ge3A_218 = vector.broadcast %ge3A_217 : i32 to vector<16xi32>
    %ge3A_219 = arith.cmpi sge, %iota3A, %ge3A_218 : vector<16xi32>
    %convert_element_type3A_220 = arith.extui %ge3A_219 : vector<16xi1> to vector<16xi32>
    %add3A_221 = arith.constant 4 : i32
    %add3A_222 = vector.broadcast %add3A_221 : i32 to vector<16xi32>
    %add3A_223 = arith.addi %add3A_222, %convert_element_type3A_220 : vector<16xi32>
    %add3A_224 = arith.constant 40 : i32
    %add3A_225 = vector.broadcast %add3A_224 : i32 to vector<16xi32>
    %add3A_226 = arith.addi %add3A_225, %iota3A : vector<16xi32>
    %mul3A_227 = arith.constant 50 : i32
    %mul3A_228 = vector.broadcast %mul3A_227 : i32 to vector<16xi32>
    %mul3A_229 = arith.muli %convert_element_type3A_220, %mul3A_228 : vector<16xi32>
    %sub3A_230 = arith.subi %add3A_226, %mul3A_229 : vector<16xi32>
    %ge3A_231 = arith.constant 44 : i32
    %ge3A_232 = vector.broadcast %ge3A_231 : i32 to vector<16xi32>
    %ge3A_233 = arith.cmpi sge, %iota3A, %ge3A_232 : vector<16xi32>
    %convert_element_type3A_234 = arith.extui %ge3A_233 : vector<16xi1> to vector<16xi32>
    %add3A_235 = arith.constant 5 : i32
    %add3A_236 = vector.broadcast %add3A_235 : i32 to vector<16xi32>
    %add3A_237 = arith.addi %add3A_236, %convert_element_type3A_234 : vector<16xi32>
    %add3A_238 = arith.constant 6 : i32
    %add3A_239 = vector.broadcast %add3A_238 : i32 to vector<16xi32>
    %add3A_240 = arith.addi %add3A_239, %iota3A : vector<16xi32>
    %mul3A_241 = arith.constant 50 : i32
    %mul3A_242 = vector.broadcast %mul3A_241 : i32 to vector<16xi32>
    %mul3A_243 = arith.muli %convert_element_type3A_234, %mul3A_242 : vector<16xi32>
    %sub3A_244 = arith.subi %add3A_240, %mul3A_243 : vector<16xi32>
    %ge3A_245 = arith.constant 28 : i32
    %ge3A_246 = vector.broadcast %ge3A_245 : i32 to vector<16xi32>
    %ge3A_247 = arith.cmpi sge, %iota3A, %ge3A_246 : vector<16xi32>
    %convert_element_type3A_248 = arith.extui %ge3A_247 : vector<16xi1> to vector<16xi32>
    %add3A_249 = arith.constant 5 : i32
    %add3A_250 = vector.broadcast %add3A_249 : i32 to vector<16xi32>
    %add3A_251 = arith.addi %add3A_250, %convert_element_type3A_248 : vector<16xi32>
    %add3A_252 = arith.constant 22 : i32
    %add3A_253 = vector.broadcast %add3A_252 : i32 to vector<16xi32>
    %add3A_254 = arith.addi %add3A_253, %iota3A : vector<16xi32>
    %mul3A_255 = arith.constant 50 : i32
    %mul3A_256 = vector.broadcast %mul3A_255 : i32 to vector<16xi32>
    %mul3A_257 = arith.muli %convert_element_type3A_248, %mul3A_256 : vector<16xi32>
    %sub3A_258 = arith.subi %add3A_254, %mul3A_257 : vector<16xi32>
    %ge3A_259 = arith.constant 12 : i32
    %ge3A_260 = vector.broadcast %ge3A_259 : i32 to vector<16xi32>
    %ge3A_261 = arith.cmpi sge, %iota3A, %ge3A_260 : vector<16xi32>
    %convert_element_type3A_262 = arith.extui %ge3A_261 : vector<16xi1> to vector<16xi32>
    %add3A_263 = arith.constant 5 : i32
    %add3A_264 = vector.broadcast %add3A_263 : i32 to vector<16xi32>
    %add3A_265 = arith.addi %add3A_264, %convert_element_type3A_262 : vector<16xi32>
    %add3A_266 = arith.constant 38 : i32
    %add3A_267 = vector.broadcast %add3A_266 : i32 to vector<16xi32>
    %add3A_268 = arith.addi %add3A_267, %iota3A : vector<16xi32>
    %mul3A_269 = arith.constant 50 : i32
    %mul3A_270 = vector.broadcast %mul3A_269 : i32 to vector<16xi32>
    %mul3A_271 = arith.muli %convert_element_type3A_262, %mul3A_270 : vector<16xi32>
    %sub3A_272 = arith.subi %add3A_268, %mul3A_271 : vector<16xi32>
    %ge3A_273 = arith.constant 46 : i32
    %ge3A_274 = vector.broadcast %ge3A_273 : i32 to vector<16xi32>
    %ge3A_275 = arith.cmpi sge, %iota3A, %ge3A_274 : vector<16xi32>
    %convert_element_type3A_276 = arith.extui %ge3A_275 : vector<16xi1> to vector<16xi32>
    %add3A_277 = arith.constant 6 : i32
    %add3A_278 = vector.broadcast %add3A_277 : i32 to vector<16xi32>
    %add3A_279 = arith.addi %add3A_278, %convert_element_type3A_276 : vector<16xi32>
    %add3A_280 = arith.constant 4 : i32
    %add3A_281 = vector.broadcast %add3A_280 : i32 to vector<16xi32>
    %add3A_282 = arith.addi %add3A_281, %iota3A : vector<16xi32>
    %mul3A_283 = arith.constant 50 : i32
    %mul3A_284 = vector.broadcast %mul3A_283 : i32 to vector<16xi32>
    %mul3A_285 = arith.muli %convert_element_type3A_276, %mul3A_284 : vector<16xi32>
    %sub3A_286 = arith.subi %add3A_282, %mul3A_285 : vector<16xi32>
    %ge3A_287 = arith.constant 30 : i32
    %ge3A_288 = vector.broadcast %ge3A_287 : i32 to vector<16xi32>
    %ge3A_289 = arith.cmpi sge, %iota3A, %ge3A_288 : vector<16xi32>
    %convert_element_type3A_290 = arith.extui %ge3A_289 : vector<16xi1> to vector<16xi32>
    %add3A_291 = arith.constant 6 : i32
    %add3A_292 = vector.broadcast %add3A_291 : i32 to vector<16xi32>
    %add3A_293 = arith.addi %add3A_292, %convert_element_type3A_290 : vector<16xi32>
    %add3A_294 = arith.constant 20 : i32
    %add3A_295 = vector.broadcast %add3A_294 : i32 to vector<16xi32>
    %add3A_296 = arith.addi %add3A_295, %iota3A : vector<16xi32>
    %mul3A_297 = arith.constant 50 : i32
    %mul3A_298 = vector.broadcast %mul3A_297 : i32 to vector<16xi32>
    %mul3A_299 = arith.muli %convert_element_type3A_290, %mul3A_298 : vector<16xi32>
    %sub3A_300 = arith.subi %add3A_296, %mul3A_299 : vector<16xi32>
    %ge3A_301 = arith.constant 14 : i32
    %ge3A_302 = vector.broadcast %ge3A_301 : i32 to vector<16xi32>
    %ge3A_303 = arith.cmpi sge, %iota3A, %ge3A_302 : vector<16xi32>
    %convert_element_type3A_304 = arith.extui %ge3A_303 : vector<16xi1> to vector<16xi32>
    %add3A_305 = arith.constant 6 : i32
    %add3A_306 = vector.broadcast %add3A_305 : i32 to vector<16xi32>
    %add3A_307 = arith.addi %add3A_306, %convert_element_type3A_304 : vector<16xi32>
    %add3A_308 = arith.constant 36 : i32
    %add3A_309 = vector.broadcast %add3A_308 : i32 to vector<16xi32>
    %add3A_310 = arith.addi %add3A_309, %iota3A : vector<16xi32>
    %mul3A_311 = arith.constant 50 : i32
    %mul3A_312 = vector.broadcast %mul3A_311 : i32 to vector<16xi32>
    %mul3A_313 = arith.muli %convert_element_type3A_304, %mul3A_312 : vector<16xi32>
    %sub3A_314 = arith.subi %add3A_310, %mul3A_313 : vector<16xi32>
    %ge3A_315 = arith.constant 48 : i32
    %ge3A_316 = vector.broadcast %ge3A_315 : i32 to vector<16xi32>
    %ge3A_317 = arith.cmpi sge, %iota3A, %ge3A_316 : vector<16xi32>
    %convert_element_type3A_318 = arith.extui %ge3A_317 : vector<16xi1> to vector<16xi32>
    %add3A_319 = arith.constant 7 : i32
    %add3A_320 = vector.broadcast %add3A_319 : i32 to vector<16xi32>
    %add3A_321 = arith.addi %add3A_320, %convert_element_type3A_318 : vector<16xi32>
    %add3A_322 = arith.constant 2 : i32
    %add3A_323 = vector.broadcast %add3A_322 : i32 to vector<16xi32>
    %add3A_324 = arith.addi %add3A_323, %iota3A : vector<16xi32>
    %mul3A_325 = arith.constant 50 : i32
    %mul3A_326 = vector.broadcast %mul3A_325 : i32 to vector<16xi32>
    %mul3A_327 = arith.muli %convert_element_type3A_318, %mul3A_326 : vector<16xi32>
    %sub3A_328 = arith.subi %add3A_324, %mul3A_327 : vector<16xi32>
    %ge3A_329 = arith.constant 32 : i32
    %ge3A_330 = vector.broadcast %ge3A_329 : i32 to vector<16xi32>
    %ge3A_331 = arith.cmpi sge, %iota3A, %ge3A_330 : vector<16xi32>
    %convert_element_type3A_332 = arith.extui %ge3A_331 : vector<16xi1> to vector<16xi32>
    %add3A_333 = arith.constant 7 : i32
    %add3A_334 = vector.broadcast %add3A_333 : i32 to vector<16xi32>
    %add3A_335 = arith.addi %add3A_334, %convert_element_type3A_332 : vector<16xi32>
    %add3A_336 = arith.constant 18 : i32
    %add3A_337 = vector.broadcast %add3A_336 : i32 to vector<16xi32>
    %add3A_338 = arith.addi %add3A_337, %iota3A : vector<16xi32>
    %mul3A_339 = arith.constant 50 : i32
    %mul3A_340 = vector.broadcast %mul3A_339 : i32 to vector<16xi32>
    %mul3A_341 = arith.muli %convert_element_type3A_332, %mul3A_340 : vector<16xi32>
    %sub3A_342 = arith.subi %add3A_338, %mul3A_341 : vector<16xi32>
    %ge3A_343 = arith.constant 16 : i32
    %ge3A_344 = vector.broadcast %ge3A_343 : i32 to vector<16xi32>
    %ge3A_345 = arith.cmpi sge, %iota3A, %ge3A_344 : vector<16xi32>
    %convert_element_type3A_346 = arith.extui %ge3A_345 : vector<16xi1> to vector<16xi32>
    %add3A_347 = arith.constant 7 : i32
    %add3A_348 = vector.broadcast %add3A_347 : i32 to vector<16xi32>
    %add3A_349 = arith.addi %add3A_348, %convert_element_type3A_346 : vector<16xi32>
    %add3A_350 = arith.constant 34 : i32
    %add3A_351 = vector.broadcast %add3A_350 : i32 to vector<16xi32>
    %add3A_352 = arith.addi %add3A_351, %iota3A : vector<16xi32>
    %mul3A_353 = arith.constant 50 : i32
    %mul3A_354 = vector.broadcast %mul3A_353 : i32 to vector<16xi32>
    %mul3A_355 = arith.muli %convert_element_type3A_346, %mul3A_354 : vector<16xi32>
    %sub3A_356 = arith.subi %add3A_352, %mul3A_355 : vector<16xi32>
    %shift_right_arithmetic3A = arith.constant 2 : i32
    %shift_right_arithmetic3A_357 = vector.broadcast %shift_right_arithmetic3A : i32 to vector<16xi32>
    %shift_right_arithmetic3A_358 = arith.shrsi %iota3A, %shift_right_arithmetic3A_357 : vector<16xi32>
    %and3A = arith.constant 3 : i32
    %and3A_359 = vector.broadcast %and3A : i32 to vector<16xi32>
    %and3A_360 = arith.andi %iota3A, %and3A_359 : vector<16xi32>
    %scan3A_361 = arith.constant 0 : i32
    %scan3A_362 = arith.constant 0 : i32
    %scan3A_363 = arith.constant 104 : i32
    %scan3A_364 = arith.addi %scan3A_362, %scan3A_363 : i32
    %scan3A_365 = arith.constant 1 : i32
    scf.for %scan3A_405 = %scan3A_362 to %scan3A_364 step %scan3A_365  : i32 {
      %mul3A_406 = arith.constant 4 : i32
      %mul3A_407 = arith.muli %scan3A_405, %mul3A_406 : i32
      %add3A_408 = arith.constant 0 : i32
      %add3A_409 = arith.addi %add3A_408, %mul3A_407 : i32
      %add3A_410 = vector.broadcast %add3A_409 : i32 to vector<16xi32>
      %add3A_411 = arith.addi %add3A_410, %shift_right_arithmetic3A_358 : vector<16xi32>
      %gather3A = tpu.vector_load_idx %arg5[%add3A_411] : memref<13312xi32, #tpu.memory_space<vmem>>[vector<16xi32>], vector<16xi32>,
      %shift_right_arithmetic3A_412 = arith.constant 4 : i32
      %shift_right_arithmetic3A_413 = vector.broadcast %shift_right_arithmetic3A_412 : i32 to vector<16xi32>
      %shift_right_arithmetic3A_414 = arith.shrsi %gather3A, %shift_right_arithmetic3A_413 : vector<16xi32>
      %add3A_415 = arith.addi %shift_right_arithmetic3A_414, %and3A_360 : vector<16xi32>
      %mul3A_416 = arith.constant 16 : i32
      %mul3A_417 = arith.muli %scan3A_405, %mul3A_416 : i32
      %swap3A = arith.index_cast %mul3A_417 : i32 to index
      %swap3A_418 = tpu.vector_load %arg6[%swap3A] {strides = array<i32>} : memref<1664xi32, #tpu.memory_space<vmem>>, vector<16xi32>,
      tpu.vector_store %arg6[%swap3A], %add3A_415 {strides = array<i32>} : memref<1664xi32, #tpu.memory_space<vmem>>, vector<16xi32>,
    }
    %scan3A_366 = arith.constant 104 : i32
    %dma_start3A = arith.constant 0 : i32
    %dma_start3A_367 = arith.constant 0 : i32
    %dma_start3A_368 = tpu.memref_slice %arg3[%dma_start3A, %dma_start3A_367] : memref<8125000x16xf32, #tpu.memory_space<hbm>> -> memref<8125000x16xf32, #tpu.memory_space<hbm>>
    tpu.enqueue_indirect_dma source(%dma_start3A_368 : memref<8125000x16xf32, #tpu.memory_space<hbm>>) target(%arg8 : memref<1664x16xf32, #tpu.memory_space<vmem>>) offsets(%arg6 : memref<1664xi32, #tpu.memory_space<vmem>>) semaphore(%arg12 : memref<!tpu.dma_semaphore, #tpu.memory_space<semaphore_mem>>)
    %scan3A_369 = arith.constant 0 : i32
    %scan3A_370 = arith.constant 0 : i32
    %scan3A_371 = arith.constant 15 : i32
    %scan3A_372 = arith.addi %scan3A_370, %scan3A_371 : i32
    %scan3A_373 = arith.constant 1 : i32
    scf.for %scan3A_405 = %scan3A_370 to %scan3A_372 step %scan3A_373  : i32 {
      %mul3A_406 = arith.constant 2 : i32
      %mul3A_407 = arith.muli %mul3A_406, %scan3A_405 : i32
      %add3A_408 = arith.constant 1 : i32
      %add3A_409 = arith.addi %mul3A_407, %add3A_408 : i32
      %scan3A_410 = arith.constant 0 : i32
      %scan3A_411 = arith.constant 0 : i32
      %scan3A_412 = arith.constant 104 : i32
      %scan3A_413 = arith.addi %scan3A_411, %scan3A_412 : i32
      %scan3A_414 = arith.constant 1 : i32
      scf.for %scan3A_456 = %scan3A_411 to %scan3A_413 step %scan3A_414  : i32 {
        %mul3A_457 = arith.constant 416 : i32
        %mul3A_458 = arith.muli %add3A_409, %mul3A_457 : i32
        %mul3A_459 = arith.constant 4 : i32
        %mul3A_460 = arith.muli %scan3A_456, %mul3A_459 : i32
        %add3A_461 = arith.addi %mul3A_458, %mul3A_460 : i32
        %add3A_462 = vector.broadcast %add3A_461 : i32 to vector<16xi32>
        %add3A_463 = arith.addi %add3A_462, %shift_right_arithmetic3A_358 : vector<16xi32>
        %gather3A = tpu.vector_load_idx %arg5[%add3A_463] : memref<13312xi32, #tpu.memory_space<vmem>>[vector<16xi32>], vector<16xi32>,
        %shift_right_arithmetic3A_464 = arith.constant 4 : i32
        %shift_right_arithmetic3A_465 = vector.broadcast %shift_right_arithmetic3A_464 : i32 to vector<16xi32>
        %shift_right_arithmetic3A_466 = arith.shrsi %gather3A, %shift_right_arithmetic3A_465 : vector<16xi32>
        %add3A_467 = arith.addi %shift_right_arithmetic3A_466, %and3A_360 : vector<16xi32>
        %mul3A_468 = arith.constant 16 : i32
        %mul3A_469 = arith.muli %scan3A_456, %mul3A_468 : i32
        %swap3A = arith.index_cast %mul3A_469 : i32 to index
        %swap3A_470 = tpu.vector_load %arg7[%swap3A] {strides = array<i32>} : memref<1664xi32, #tpu.memory_space<vmem>>, vector<16xi32>,
        tpu.vector_store %arg7[%swap3A], %add3A_467 {strides = array<i32>} : memref<1664xi32, #tpu.memory_space<vmem>>, vector<16xi32>,
      }
      %scan3A_415 = arith.constant 104 : i32
      %dma_start3A_416 = arith.constant 0 : i32
      %dma_start3A_417 = arith.constant 0 : i32
      %dma_start3A_418 = tpu.memref_slice %arg3[%dma_start3A_416, %dma_start3A_417] : memref<8125000x16xf32, #tpu.memory_space<hbm>> -> memref<8125000x16xf32, #tpu.memory_space<hbm>>
      tpu.enqueue_indirect_dma source(%dma_start3A_418 : memref<8125000x16xf32, #tpu.memory_space<hbm>>) target(%arg9 : memref<1664x16xf32, #tpu.memory_space<vmem>>) offsets(%arg7 : memref<1664xi32, #tpu.memory_space<vmem>>) semaphore(%arg13 : memref<!tpu.dma_semaphore, #tpu.memory_space<semaphore_mem>>)
      %dma_wait3A_419 = arith.constant 0 : i32
      %dma_wait3A_420 = arith.constant 0 : i32
      %dma_wait3A_421 = tpu.memref_slice %arg3[%dma_wait3A_419, %dma_wait3A_420] : memref<8125000x16xf32, #tpu.memory_space<hbm>> -> memref<8125000x16xf32, #tpu.memory_space<hbm>>
      tpu.wait_indirect_dma semaphore(%arg12 : memref<!tpu.dma_semaphore, #tpu.memory_space<semaphore_mem>>) src(%dma_wait3A_421 : memref<8125000x16xf32, #tpu.memory_space<hbm>>) dst(%arg8 : memref<1664x16xf32, #tpu.memory_space<vmem>>)
      %scan3A_422 = arith.constant 0 : i32
      %scan3A_423 = arith.constant 0 : i32
      %scan3A_424 = arith.constant 52 : i32
      %scan3A_425 = arith.addi %scan3A_423, %scan3A_424 : i32
      %scan3A_426 = arith.constant 1 : i32
      scf.for %scan3A_456 = %scan3A_423 to %scan3A_425 step %scan3A_426  : i32 {
        %mul3A_457 = arith.constant 8 : i32
        %mul3A_458 = arith.muli %scan3A_456, %mul3A_457 : i32
        %add3A_459 = vector.broadcast %mul3A_458 : i32 to vector<16xi32>
        %add3A_460 = arith.addi %add3A_459, %add3A_14 : vector<16xi32>
        %mul3A_461 = arith.constant 416 : i32
        %mul3A_462 = arith.muli %mul3A_407, %mul3A_461 : i32
        %add3A_463 = vector.broadcast %mul3A_462 : i32 to vector<16xi32>
        %add3A_464 = arith.addi %add3A_463, %add3A_460 : vector<16xi32>
        %gather3A = tpu.vector_load_idx %arg5[%add3A_464] : memref<13312xi32, #tpu.memory_space<vmem>>[vector<16xi32>], vector<16xi32>,
        %shift_left3A = arith.constant 6 : i32
        %shift_left3A_465 = vector.broadcast %shift_left3A : i32 to vector<16xi32>
        %shift_left3A_466 = arith.shli %add3A_460, %shift_left3A_465 : vector<16xi32>
        %and3A_467 = arith.constant 15 : i32
        %and3A_468 = vector.broadcast %and3A_467 : i32 to vector<16xi32>
        %and3A_469 = arith.andi %gather3A, %and3A_468 : vector<16xi32>
        %add3A_470 = arith.addi %shift_left3A_466, %and3A_469 : vector<16xi32>
        %add3A_471 = arith.addi %add3A_470, %sub3A : vector<16xi32>
        %shift_right_arithmetic3A_472 = arith.constant 4 : i32
        %shift_right_arithmetic3A_473 = vector.broadcast %shift_right_arithmetic3A_472 : i32 to vector<16xi32>
        %shift_right_arithmetic3A_474 = arith.shrsi %add3A_471, %shift_right_arithmetic3A_473 : vector<16xi32>
        %and3A_475 = arith.constant 15 : i32
        %and3A_476 = vector.broadcast %and3A_475 : i32 to vector<16xi32>
        %and3A_477 = arith.andi %add3A_471, %and3A_476 : vector<16xi32>
        %gather3A_478 = tpu.vector_load_idx %arg8[%shift_right_arithmetic3A_474, %and3A_477] : memref<1664x16xf32, #tpu.memory_space<vmem>>[vector<16xi32>, vector<16xi32>], vector<16xf32>,
        %mul3A_479 = arith.constant 400 : i32
        %mul3A_480 = arith.muli %scan3A_456, %mul3A_479 : i32
        %add3A_481 = arith.constant 0 : i32
        %add3A_482 = arith.addi %mul3A_480, %add3A_481 : i32
        %swap3A = arith.index_cast %add3A_482 : i32 to index
        %swap3A_483 = tpu.vector_load %arg10[%swap3A] {strides = array<i32>} : memref<20800xf32, #tpu.memory_space<vmem>>, vector<16xf32>,
        tpu.vector_store %arg10[%swap3A], %gather3A_478 {strides = array<i32>} : memref<20800xf32, #tpu.memory_space<vmem>>, vector<16xf32>,
        %mul3A_484 = arith.constant 8 : i32
        %mul3A_485 = arith.muli %scan3A_456, %mul3A_484 : i32
        %add3A_486 = vector.broadcast %mul3A_485 : i32 to vector<16xi32>
        %add3A_487 = arith.addi %add3A_486, %add3A_27 : vector<16xi32>
        %mul3A_488 = arith.constant 416 : i32
        %mul3A_489 = arith.muli %mul3A_407, %mul3A_488 : i32
        %add3A_490 = vector.broadcast %mul3A_489 : i32 to vector<16xi32>
        %add3A_491 = arith.addi %add3A_490, %add3A_487 : vector<16xi32>
        %gather3A_492 = tpu.vector_load_idx %arg5[%add3A_491] : memref<13312xi32, #tpu.memory_space<vmem>>[vector<16xi32>], vector<16xi32>,
        %shift_left3A_493 = arith.constant 6 : i32
        %shift_left3A_494 = vector.broadcast %shift_left3A_493 : i32 to vector<16xi32>
        %shift_left3A_495 = arith.shli %add3A_487, %shift_left3A_494 : vector<16xi32>
        %and3A_496 = arith.constant 15 : i32
        %and3A_497 = vector.broadcast %and3A_496 : i32 to vector<16xi32>
        %and3A_498 = arith.andi %gather3A_492, %and3A_497 : vector<16xi32>
        %add3A_499 = arith.addi %shift_left3A_495, %and3A_498 : vector<16xi32>
        %add3A_500 = arith.addi %add3A_499, %sub3A_34 : vector<16xi32>
        %shift_right_arithmetic3A_501 = arith.constant 4 : i32
        %shift_right_arithmetic3A_502 = vector.broadcast %shift_right_arithmetic3A_501 : i32 to vector<16xi32>
        %shift_right_arithmetic3A_503 = arith.shrsi %add3A_500, %shift_right_arithmetic3A_502 : vector<16xi32>
        %and3A_504 = arith.constant 15 : i32
        %and3A_505 = vector.broadcast %and3A_504 : i32 to vector<16xi32>
        %and3A_506 = arith.andi %add3A_500, %and3A_505 : vector<16xi32>
        %gather3A_507 = tpu.vector_load_idx %arg8[%shift_right_arithmetic3A_503, %and3A_506] : memref<1664x16xf32, #tpu.memory_space<vmem>>[vector<16xi32>, vector<16xi32>], vector<16xf32>,
        %mul3A_508 = arith.constant 400 : i32
        %mul3A_509 = arith.muli %scan3A_456, %mul3A_508 : i32
        %add3A_510 = arith.constant 16 : i32
        %add3A_511 = arith.addi %mul3A_509, %add3A_510 : i32
        %swap3A_512 = arith.index_cast %add3A_511 : i32 to index
        %swap3A_513 = tpu.vector_load %arg10[%swap3A_512] {strides = array<i32>} : memref<20800xf32, #tpu.memory_space<vmem>>, vector<16xf32>,
        tpu.vector_store %arg10[%swap3A_512], %gather3A_507 {strides = array<i32>} : memref<20800xf32, #tpu.memory_space<vmem>>, vector<16xf32>,
        %mul3A_514 = arith.constant 8 : i32
        %mul3A_515 = arith.muli %scan3A_456, %mul3A_514 : i32
        %add3A_516 = vector.broadcast %mul3A_515 : i32 to vector<16xi32>
        %add3A_517 = arith.addi %add3A_516, %add3A_41 : vector<16xi32>
        %mul3A_518 = arith.constant 416 : i32
        %mul3A_519 = arith.muli %mul3A_407, %mul3A_518 : i32
        %add3A_520 = vector.broadcast %mul3A_519 : i32 to vector<16xi32>
        %add3A_521 = arith.addi %add3A_520, %add3A_517 : vector<16xi32>
        %gather3A_522 = tpu.vector_load_idx %arg5[%add3A_521] : memref<13312xi32, #tpu.memory_space<vmem>>[vector<16xi32>], vector<16xi32>,
        %shift_left3A_523 = arith.constant 6 : i32
        %shift_left3A_524 = vector.broadcast %shift_left3A_523 : i32 to vector<16xi32>
        %shift_left3A_525 = arith.shli %add3A_517, %shift_left3A_524 : vector<16xi32>
        %and3A_526 = arith.constant 15 : i32
        %and3A_527 = vector.broadcast %and3A_526 : i32 to vector<16xi32>
        %and3A_528 = arith.andi %gather3A_522, %and3A_527 : vector<16xi32>
        %add3A_529 = arith.addi %shift_left3A_525, %and3A_528 : vector<16xi32>
        %add3A_530 = arith.addi %add3A_529, %sub3A_48 : vector<16xi32>
        %shift_right_arithmetic3A_531 = arith.constant 4 : i32
        %shift_right_arithmetic3A_532 = vector.broadcast %shift_right_arithmetic3A_531 : i32 to vector<16xi32>
        %shift_right_arithmetic3A_533 = arith.shrsi %add3A_530, %shift_right_arithmetic3A_532 : vector<16xi32>
        %and3A_534 = arith.constant 15 : i32
        %and3A_535 = vector.broadcast %and3A_534 : i32 to vector<16xi32>
        %and3A_536 = arith.andi %add3A_530, %and3A_535 : vector<16xi32>
        %gather3A_537 = tpu.vector_load_idx %arg8[%shift_right_arithmetic3A_533, %and3A_536] : memref<1664x16xf32, #tpu.memory_space<vmem>>[vector<16xi32>, vector<16xi32>], vector<16xf32>,
        %mul3A_538 = arith.constant 400 : i32
        %mul3A_539 = arith.muli %scan3A_456, %mul3A_538 : i32
        %add3A_540 = arith.constant 32 : i32
        %add3A_541 = arith.addi %mul3A_539, %add3A_540 : i32
        %swap3A_542 = arith.index_cast %add3A_541 : i32 to index
        %swap3A_543 = tpu.vector_load %arg10[%swap3A_542] {strides = array<i32>} : memref<20800xf32, #tpu.memory_space<vmem>>, vector<16xf32>,
        tpu.vector_store %arg10[%swap3A_542], %gather3A_537 {strides = array<i32>} : memref<20800xf32, #tpu.memory_space<vmem>>, vector<16xf32>,
        %mul3A_544 = arith.constant 8 : i32
        %mul3A_545 = arith.muli %scan3A_456, %mul3A_544 : i32
        %add3A_546 = vector.broadcast %mul3A_545 : i32 to vector<16xi32>
        %add3A_547 = arith.addi %add3A_546, %add3A_55 : vector<16xi32>
        %mul3A_548 = arith.constant 416 : i32
        %mul3A_549 = arith.muli %mul3A_407, %mul3A_548 : i32
        %add3A_550 = vector.broadcast %mul3A_549 : i32 to vector<16xi32>
        %add3A_551 = arith.addi %add3A_550, %add3A_547 : vector<16xi32>
        %gather3A_552 = tpu.vector_load_idx %arg5[%add3A_551] : memref<13312xi32, #tpu.memory_space<vmem>>[vector<16xi32>], vector<16xi32>,
        %shift_left3A_553 = arith.constant 6 : i32
        %shift_left3A_554 = vector.broadcast %shift_left3A_553 : i32 to vector<16xi32>
        %shift_left3A_555 = arith.shli %add3A_547, %shift_left3A_554 : vector<16xi32>
        %and3A_556 = arith.constant 15 : i32
        %and3A_557 = vector.broadcast %and3A_556 : i32 to vector<16xi32>
        %and3A_558 = arith.andi %gather3A_552, %and3A_557 : vector<16xi32>
        %add3A_559 = arith.addi %shift_left3A_555, %and3A_558 : vector<16xi32>
        %add3A_560 = arith.addi %add3A_559, %sub3A_62 : vector<16xi32>
        %shift_right_arithmetic3A_561 = arith.constant 4 : i32
        %shift_right_arithmetic3A_562 = vector.broadcast %shift_right_arithmetic3A_561 : i32 to vector<16xi32>
        %shift_right_arithmetic3A_563 = arith.shrsi %add3A_560, %shift_right_arithmetic3A_562 : vector<16xi32>
        %and3A_564 = arith.constant 15 : i32
        %and3A_565 = vector.broadcast %and3A_564 : i32 to vector<16xi32>
        %and3A_566 = arith.andi %add3A_560, %and3A_565 : vector<16xi32>
        %gather3A_567 = tpu.vector_load_idx %arg8[%shift_right_arithmetic3A_563, %and3A_566] : memref<1664x16xf32, #tpu.memory_space<vmem>>[vector<16xi32>, vector<16xi32>], vector<16xf32>,
        %mul3A_568 = arith.constant 400 : i32
        %mul3A_569 = arith.muli %scan3A_456, %mul3A_568 : i32
        %add3A_570 = arith.constant 48 : i32
        %add3A_571 = arith.addi %mul3A_569, %add3A_570 : i32
        %swap3A_572 = arith.index_cast %add3A_571 : i32 to index
        %swap3A_573 = tpu.vector_load %arg10[%swap3A_572] {strides = array<i32>} : memref<20800xf32, #tpu.memory_space<vmem>>, vector<16xf32>,
        tpu.vector_store %arg10[%swap3A_572], %gather3A_567 {strides = array<i32>} : memref<20800xf32, #tpu.memory_space<vmem>>, vector<16xf32>,
        %mul3A_574 = arith.constant 8 : i32
        %mul3A_575 = arith.muli %scan3A_456, %mul3A_574 : i32
        %add3A_576 = vector.broadcast %mul3A_575 : i32 to vector<16xi32>
        %add3A_577 = arith.addi %add3A_576, %add3A_69 : vector<16xi32>
        %mul3A_578 = arith.constant 416 : i32
        %mul3A_579 = arith.muli %mul3A_407, %mul3A_578 : i32
        %add3A_580 = vector.broadcast %mul3A_579 : i32 to vector<16xi32>
        %add3A_581 = arith.addi %add3A_580, %add3A_577 : vector<16xi32>
        %gather3A_582 = tpu.vector_load_idx %arg5[%add3A_581] : memref<13312xi32, #tpu.memory_space<vmem>>[vector<16xi32>], vector<16xi32>,
        %shift_left3A_583 = arith.constant 6 : i32
        %shift_left3A_584 = vector.broadcast %shift_left3A_583 : i32 to vector<16xi32>
        %shift_left3A_585 = arith.shli %add3A_577, %shift_left3A_584 : vector<16xi32>
        %and3A_586 = arith.constant 15 : i32
        %and3A_587 = vector.broadcast %and3A_586 : i32 to vector<16xi32>
        %and3A_588 = arith.andi %gather3A_582, %and3A_587 : vector<16xi32>
        %add3A_589 = arith.addi %shift_left3A_585, %and3A_588 : vector<16xi32>
        %add3A_590 = arith.addi %add3A_589, %sub3A_76 : vector<16xi32>
        %shift_right_arithmetic3A_591 = arith.constant 4 : i32
        %shift_right_arithmetic3A_592 = vector.broadcast %shift_right_arithmetic3A_591 : i32 to vector<16xi32>
        %shift_right_arithmetic3A_593 = arith.shrsi %add3A_590, %shift_right_arithmetic3A_592 : vector<16xi32>
        %and3A_594 = arith.constant 15 : i32
        %and3A_595 = vector.broadcast %and3A_594 : i32 to vector<16xi32>
        %and3A_596 = arith.andi %add3A_590, %and3A_595 : vector<16xi32>
        %gather3A_597 = tpu.vector_load_idx %arg8[%shift_right_arithmetic3A_593, %and3A_596] : memref<1664x16xf32, #tpu.memory_space<vmem>>[vector<16xi32>, vector<16xi32>], vector<16xf32>,
        %mul3A_598 = arith.constant 400 : i32
        %mul3A_599 = arith.muli %scan3A_456, %mul3A_598 : i32
        %add3A_600 = arith.constant 64 : i32
        %add3A_601 = arith.addi %mul3A_599, %add3A_600 : i32
        %swap3A_602 = arith.index_cast %add3A_601 : i32 to index
        %swap3A_603 = tpu.vector_load %arg10[%swap3A_602] {strides = array<i32>} : memref<20800xf32, #tpu.memory_space<vmem>>, vector<16xf32>,
        tpu.vector_store %arg10[%swap3A_602], %gather3A_597 {strides = array<i32>} : memref<20800xf32, #tpu.memory_space<vmem>>, vector<16xf32>,
        %mul3A_604 = arith.constant 8 : i32
        %mul3A_605 = arith.muli %scan3A_456, %mul3A_604 : i32
        %add3A_606 = vector.broadcast %mul3A_605 : i32 to vector<16xi32>
        %add3A_607 = arith.addi %add3A_606, %add3A_83 : vector<16xi32>
        %mul3A_608 = arith.constant 416 : i32
        %mul3A_609 = arith.muli %mul3A_407, %mul3A_608 : i32
        %add3A_610 = vector.broadcast %mul3A_609 : i32 to vector<16xi32>
        %add3A_611 = arith.addi %add3A_610, %add3A_607 : vector<16xi32>
        %gather3A_612 = tpu.vector_load_idx %arg5[%add3A_611] : memref<13312xi32, #tpu.memory_space<vmem>>[vector<16xi32>], vector<16xi32>,
        %shift_left3A_613 = arith.constant 6 : i32
        %shift_left3A_614 = vector.broadcast %shift_left3A_613 : i32 to vector<16xi32>
        %shift_left3A_615 = arith.shli %add3A_607, %shift_left3A_614 : vector<16xi32>
        %and3A_616 = arith.constant 15 : i32
        %and3A_617 = vector.broadcast %and3A_616 : i32 to vector<16xi32>
        %and3A_618 = arith.andi %gather3A_612, %and3A_617 : vector<16xi32>
        %add3A_619 = arith.addi %shift_left3A_615, %and3A_618 : vector<16xi32>
        %add3A_620 = arith.addi %add3A_619, %sub3A_90 : vector<16xi32>
        %shift_right_arithmetic3A_621 = arith.constant 4 : i32
        %shift_right_arithmetic3A_622 = vector.broadcast %shift_right_arithmetic3A_621 : i32 to vector<16xi32>
        %shift_right_arithmetic3A_623 = arith.shrsi %add3A_620, %shift_right_arithmetic3A_622 : vector<16xi32>
        %and3A_624 = arith.constant 15 : i32
        %and3A_625 = vector.broadcast %and3A_624 : i32 to vector<16xi32>
        %and3A_626 = arith.andi %add3A_620, %and3A_625 : vector<16xi32>
        %gather3A_627 = tpu.vector_load_idx %arg8[%shift_right_arithmetic3A_623, %and3A_626] : memref<1664x16xf32, #tpu.memory_space<vmem>>[vector<16xi32>, vector<16xi32>], vector<16xf32>,
        %mul3A_628 = arith.constant 400 : i32
        %mul3A_629 = arith.muli %scan3A_456, %mul3A_628 : i32
        %add3A_630 = arith.constant 80 : i32
        %add3A_631 = arith.addi %mul3A_629, %add3A_630 : i32
        %swap3A_632 = arith.index_cast %add3A_631 : i32 to index
        %swap3A_633 = tpu.vector_load %arg10[%swap3A_632] {strides = array<i32>} : memref<20800xf32, #tpu.memory_space<vmem>>, vector<16xf32>,
        tpu.vector_store %arg10[%swap3A_632], %gather3A_627 {strides = array<i32>} : memref<20800xf32, #tpu.memory_space<vmem>>, vector<16xf32>,
        %mul3A_634 = arith.constant 8 : i32
        %mul3A_635 = arith.muli %scan3A_456, %mul3A_634 : i32
        %add3A_636 = vector.broadcast %mul3A_635 : i32 to vector<16xi32>
        %add3A_637 = arith.addi %add3A_636, %add3A_97 : vector<16xi32>
        %mul3A_638 = arith.constant 416 : i32
        %mul3A_639 = arith.muli %mul3A_407, %mul3A_638 : i32
        %add3A_640 = vector.broadcast %mul3A_639 : i32 to vector<16xi32>
        %add3A_641 = arith.addi %add3A_640, %add3A_637 : vector<16xi32>
        %gather3A_642 = tpu.vector_load_idx %arg5[%add3A_641] : memref<13312xi32, #tpu.memory_space<vmem>>[vector<16xi32>], vector<16xi32>,
        %shift_left3A_643 = arith.constant 6 : i32
        %shift_left3A_644 = vector.broadcast %shift_left3A_643 : i32 to vector<16xi32>
        %shift_left3A_645 = arith.shli %add3A_637, %shift_left3A_644 : vector<16xi32>
        %and3A_646 = arith.constant 15 : i32
        %and3A_647 = vector.broadcast %and3A_646 : i32 to vector<16xi32>
        %and3A_648 = arith.andi %gather3A_642, %and3A_647 : vector<16xi32>
        %add3A_649 = arith.addi %shift_left3A_645, %and3A_648 : vector<16xi32>
        %add3A_650 = arith.addi %add3A_649, %sub3A_104 : vector<16xi32>
        %shift_right_arithmetic3A_651 = arith.constant 4 : i32
        %shift_right_arithmetic3A_652 = vector.broadcast %shift_right_arithmetic3A_651 : i32 to vector<16xi32>
        %shift_right_arithmetic3A_653 = arith.shrsi %add3A_650, %shift_right_arithmetic3A_652 : vector<16xi32>
        %and3A_654 = arith.constant 15 : i32
        %and3A_655 = vector.broadcast %and3A_654 : i32 to vector<16xi32>
        %and3A_656 = arith.andi %add3A_650, %and3A_655 : vector<16xi32>
        %gather3A_657 = tpu.vector_load_idx %arg8[%shift_right_arithmetic3A_653, %and3A_656] : memref<1664x16xf32, #tpu.memory_space<vmem>>[vector<16xi32>, vector<16xi32>], vector<16xf32>,
        %mul3A_658 = arith.constant 400 : i32
        %mul3A_659 = arith.muli %scan3A_456, %mul3A_658 : i32
        %add3A_660 = arith.constant 96 : i32
        %add3A_661 = arith.addi %mul3A_659, %add3A_660 : i32
        %swap3A_662 = arith.index_cast %add3A_661 : i32 to index
        %swap3A_663 = tpu.vector_load %arg10[%swap3A_662] {strides = array<i32>} : memref<20800xf32, #tpu.memory_space<vmem>>, vector<16xf32>,
        tpu.vector_store %arg10[%swap3A_662], %gather3A_657 {strides = array<i32>} : memref<20800xf32, #tpu.memory_space<vmem>>, vector<16xf32>,
        %mul3A_664 = arith.constant 8 : i32
        %mul3A_665 = arith.muli %scan3A_456, %mul3A_664 : i32
        %add3A_666 = vector.broadcast %mul3A_665 : i32 to vector<16xi32>
        %add3A_667 = arith.addi %add3A_666, %add3A_111 : vector<16xi32>
        %mul3A_668 = arith.constant 416 : i32
        %mul3A_669 = arith.muli %mul3A_407, %mul3A_668 : i32
        %add3A_670 = vector.broadcast %mul3A_669 : i32 to vector<16xi32>
        %add3A_671 = arith.addi %add3A_670, %add3A_667 : vector<16xi32>
        %gather3A_672 = tpu.vector_load_idx %arg5[%add3A_671] : memref<13312xi32, #tpu.memory_space<vmem>>[vector<16xi32>], vector<16xi32>,
        %shift_left3A_673 = arith.constant 6 : i32
        %shift_left3A_674 = vector.broadcast %shift_left3A_673 : i32 to vector<16xi32>
        %shift_left3A_675 = arith.shli %add3A_667, %shift_left3A_674 : vector<16xi32>
        %and3A_676 = arith.constant 15 : i32
        %and3A_677 = vector.broadcast %and3A_676 : i32 to vector<16xi32>
        %and3A_678 = arith.andi %gather3A_672, %and3A_677 : vector<16xi32>
        %add3A_679 = arith.addi %shift_left3A_675, %and3A_678 : vector<16xi32>
        %add3A_680 = arith.addi %add3A_679, %sub3A_118 : vector<16xi32>
        %shift_right_arithmetic3A_681 = arith.constant 4 : i32
        %shift_right_arithmetic3A_682 = vector.broadcast %shift_right_arithmetic3A_681 : i32 to vector<16xi32>
        %shift_right_arithmetic3A_683 = arith.shrsi %add3A_680, %shift_right_arithmetic3A_682 : vector<16xi32>
        %and3A_684 = arith.constant 15 : i32
        %and3A_685 = vector.broadcast %and3A_684 : i32 to vector<16xi32>
        %and3A_686 = arith.andi %add3A_680, %and3A_685 : vector<16xi32>
        %gather3A_687 = tpu.vector_load_idx %arg8[%shift_right_arithmetic3A_683, %and3A_686] : memref<1664x16xf32, #tpu.memory_space<vmem>>[vector<16xi32>, vector<16xi32>], vector<16xf32>,
        %mul3A_688 = arith.constant 400 : i32
        %mul3A_689 = arith.muli %scan3A_456, %mul3A_688 : i32
        %add3A_690 = arith.constant 112 : i32
        %add3A_691 = arith.addi %mul3A_689, %add3A_690 : i32
        %swap3A_692 = arith.index_cast %add3A_691 : i32 to index
        %swap3A_693 = tpu.vector_load %arg10[%swap3A_692] {strides = array<i32>} : memref<20800xf32, #tpu.memory_space<vmem>>, vector<16xf32>,
        tpu.vector_store %arg10[%swap3A_692], %gather3A_687 {strides = array<i32>} : memref<20800xf32, #tpu.memory_space<vmem>>, vector<16xf32>,
        %mul3A_694 = arith.constant 8 : i32
        %mul3A_695 = arith.muli %scan3A_456, %mul3A_694 : i32
        %add3A_696 = vector.broadcast %mul3A_695 : i32 to vector<16xi32>
        %add3A_697 = arith.addi %add3A_696, %add3A_125 : vector<16xi32>
        %mul3A_698 = arith.constant 416 : i32
        %mul3A_699 = arith.muli %mul3A_407, %mul3A_698 : i32
        %add3A_700 = vector.broadcast %mul3A_699 : i32 to vector<16xi32>
        %add3A_701 = arith.addi %add3A_700, %add3A_697 : vector<16xi32>
        %gather3A_702 = tpu.vector_load_idx %arg5[%add3A_701] : memref<13312xi32, #tpu.memory_space<vmem>>[vector<16xi32>], vector<16xi32>,
        %shift_left3A_703 = arith.constant 6 : i32
        %shift_left3A_704 = vector.broadcast %shift_left3A_703 : i32 to vector<16xi32>
        %shift_left3A_705 = arith.shli %add3A_697, %shift_left3A_704 : vector<16xi32>
        %and3A_706 = arith.constant 15 : i32
        %and3A_707 = vector.broadcast %and3A_706 : i32 to vector<16xi32>
        %and3A_708 = arith.andi %gather3A_702, %and3A_707 : vector<16xi32>
        %add3A_709 = arith.addi %shift_left3A_705, %and3A_708 : vector<16xi32>
        %add3A_710 = arith.addi %add3A_709, %sub3A_132 : vector<16xi32>
        %shift_right_arithmetic3A_711 = arith.constant 4 : i32
        %shift_right_arithmetic3A_712 = vector.broadcast %shift_right_arithmetic3A_711 : i32 to vector<16xi32>
        %shift_right_arithmetic3A_713 = arith.shrsi %add3A_710, %shift_right_arithmetic3A_712 : vector<16xi32>
        %and3A_714 = arith.constant 15 : i32
        %and3A_715 = vector.broadcast %and3A_714 : i32 to vector<16xi32>
        %and3A_716 = arith.andi %add3A_710, %and3A_715 : vector<16xi32>
        %gather3A_717 = tpu.vector_load_idx %arg8[%shift_right_arithmetic3A_713, %and3A_716] : memref<1664x16xf32, #tpu.memory_space<vmem>>[vector<16xi32>, vector<16xi32>], vector<16xf32>,
        %mul3A_718 = arith.constant 400 : i32
        %mul3A_719 = arith.muli %scan3A_456, %mul3A_718 : i32
        %add3A_720 = arith.constant 128 : i32
        %add3A_721 = arith.addi %mul3A_719, %add3A_720 : i32
        %swap3A_722 = arith.index_cast %add3A_721 : i32 to index
        %swap3A_723 = tpu.vector_load %arg10[%swap3A_722] {strides = array<i32>} : memref<20800xf32, #tpu.memory_space<vmem>>, vector<16xf32>,
        tpu.vector_store %arg10[%swap3A_722], %gather3A_717 {strides = array<i32>} : memref<20800xf32, #tpu.memory_space<vmem>>, vector<16xf32>,
        %mul3A_724 = arith.constant 8 : i32
        %mul3A_725 = arith.muli %scan3A_456, %mul3A_724 : i32
        %add3A_726 = vector.broadcast %mul3A_725 : i32 to vector<16xi32>
        %add3A_727 = arith.addi %add3A_726, %add3A_139 : vector<16xi32>
        %mul3A_728 = arith.constant 416 : i32
        %mul3A_729 = arith.muli %mul3A_407, %mul3A_728 : i32
        %add3A_730 = vector.broadcast %mul3A_729 : i32 to vector<16xi32>
        %add3A_731 = arith.addi %add3A_730, %add3A_727 : vector<16xi32>
        %gather3A_732 = tpu.vector_load_idx %arg5[%add3A_731] : memref<13312xi32, #tpu.memory_space<vmem>>[vector<16xi32>], vector<16xi32>,
        %shift_left3A_733 = arith.constant 6 : i32
        %shift_left3A_734 = vector.broadcast %shift_left3A_733 : i32 to vector<16xi32>
        %shift_left3A_735 = arith.shli %add3A_727, %shift_left3A_734 : vector<16xi32>
        %and3A_736 = arith.constant 15 : i32
        %and3A_737 = vector.broadcast %and3A_736 : i32 to vector<16xi32>
        %and3A_738 = arith.andi %gather3A_732, %and3A_737 : vector<16xi32>
        %add3A_739 = arith.addi %shift_left3A_735, %and3A_738 : vector<16xi32>
        %add3A_740 = arith.addi %add3A_739, %sub3A_146 : vector<16xi32>
        %shift_right_arithmetic3A_741 = arith.constant 4 : i32
        %shift_right_arithmetic3A_742 = vector.broadcast %shift_right_arithmetic3A_741 : i32 to vector<16xi32>
        %shift_right_arithmetic3A_743 = arith.shrsi %add3A_740, %shift_right_arithmetic3A_742 : vector<16xi32>
        %and3A_744 = arith.constant 15 : i32
        %and3A_745 = vector.broadcast %and3A_744 : i32 to vector<16xi32>
        %and3A_746 = arith.andi %add3A_740, %and3A_745 : vector<16xi32>
        %gather3A_747 = tpu.vector_load_idx %arg8[%shift_right_arithmetic3A_743, %and3A_746] : memref<1664x16xf32, #tpu.memory_space<vmem>>[vector<16xi32>, vector<16xi32>], vector<16xf32>,
        %mul3A_748 = arith.constant 400 : i32
        %mul3A_749 = arith.muli %scan3A_456, %mul3A_748 : i32
        %add3A_750 = arith.constant 144 : i32
        %add3A_751 = arith.addi %mul3A_749, %add3A_750 : i32
        %swap3A_752 = arith.index_cast %add3A_751 : i32 to index
        %swap3A_753 = tpu.vector_load %arg10[%swap3A_752] {strides = array<i32>} : memref<20800xf32, #tpu.memory_space<vmem>>, vector<16xf32>,
        tpu.vector_store %arg10[%swap3A_752], %gather3A_747 {strides = array<i32>} : memref<20800xf32, #tpu.memory_space<vmem>>, vector<16xf32>,
        %mul3A_754 = arith.constant 8 : i32
        %mul3A_755 = arith.muli %scan3A_456, %mul3A_754 : i32
        %add3A_756 = vector.broadcast %mul3A_755 : i32 to vector<16xi32>
        %add3A_757 = arith.addi %add3A_756, %add3A_153 : vector<16xi32>
        %mul3A_758 = arith.constant 416 : i32
        %mul3A_759 = arith.muli %mul3A_407, %mul3A_758 : i32
        %add3A_760 = vector.broadcast %mul3A_759 : i32 to vector<16xi32>
        %add3A_761 = arith.addi %add3A_760, %add3A_757 : vector<16xi32>
        %gather3A_762 = tpu.vector_load_idx %arg5[%add3A_761] : memref<13312xi32, #tpu.memory_space<vmem>>[vector<16xi32>], vector<16xi32>,
        %shift_left3A_763 = arith.constant 6 : i32
        %shift_left3A_764 = vector.broadcast %shift_left3A_763 : i32 to vector<16xi32>
        %shift_left3A_765 = arith.shli %add3A_757, %shift_left3A_764 : vector<16xi32>
        %and3A_766 = arith.constant 15 : i32
        %and3A_767 = vector.broadcast %and3A_766 : i32 to vector<16xi32>
        %and3A_768 = arith.andi %gather3A_762, %and3A_767 : vector<16xi32>
        %add3A_769 = arith.addi %shift_left3A_765, %and3A_768 : vector<16xi32>
        %add3A_770 = arith.addi %add3A_769, %sub3A_160 : vector<16xi32>
        %shift_right_arithmetic3A_771 = arith.constant 4 : i32
        %shift_right_arithmetic3A_772 = vector.broadcast %shift_right_arithmetic3A_771 : i32 to vector<16xi32>
        %shift_right_arithmetic3A_773 = arith.shrsi %add3A_770, %shift_right_arithmetic3A_772 : vector<16xi32>
        %and3A_774 = arith.constant 15 : i32
        %and3A_775 = vector.broadcast %and3A_774 : i32 to vector<16xi32>
        %and3A_776 = arith.andi %add3A_770, %and3A_775 : vector<16xi32>
        %gather3A_777 = tpu.vector_load_idx %arg8[%shift_right_arithmetic3A_773, %and3A_776] : memref<1664x16xf32, #tpu.memory_space<vmem>>[vector<16xi32>, vector<16xi32>], vector<16xf32>,
        %mul3A_778 = arith.constant 400 : i32
        %mul3A_779 = arith.muli %scan3A_456, %mul3A_778 : i32
        %add3A_780 = arith.constant 160 : i32
        %add3A_781 = arith.addi %mul3A_779, %add3A_780 : i32
        %swap3A_782 = arith.index_cast %add3A_781 : i32 to index
        %swap3A_783 = tpu.vector_load %arg10[%swap3A_782] {strides = array<i32>} : memref<20800xf32, #tpu.memory_space<vmem>>, vector<16xf32>,
        tpu.vector_store %arg10[%swap3A_782], %gather3A_777 {strides = array<i32>} : memref<20800xf32, #tpu.memory_space<vmem>>, vector<16xf32>,
        %mul3A_784 = arith.constant 8 : i32
        %mul3A_785 = arith.muli %scan3A_456, %mul3A_784 : i32
        %add3A_786 = vector.broadcast %mul3A_785 : i32 to vector<16xi32>
        %add3A_787 = arith.addi %add3A_786, %add3A_167 : vector<16xi32>
        %mul3A_788 = arith.constant 416 : i32
        %mul3A_789 = arith.muli %mul3A_407, %mul3A_788 : i32
        %add3A_790 = vector.broadcast %mul3A_789 : i32 to vector<16xi32>
        %add3A_791 = arith.addi %add3A_790, %add3A_787 : vector<16xi32>
        %gather3A_792 = tpu.vector_load_idx %arg5[%add3A_791] : memref<13312xi32, #tpu.memory_space<vmem>>[vector<16xi32>], vector<16xi32>,
        %shift_left3A_793 = arith.constant 6 : i32
        %shift_left3A_794 = vector.broadcast %shift_left3A_793 : i32 to vector<16xi32>
        %shift_left3A_795 = arith.shli %add3A_787, %shift_left3A_794 : vector<16xi32>
        %and3A_796 = arith.constant 15 : i32
        %and3A_797 = vector.broadcast %and3A_796 : i32 to vector<16xi32>
        %and3A_798 = arith.andi %gather3A_792, %and3A_797 : vector<16xi32>
        %add3A_799 = arith.addi %shift_left3A_795, %and3A_798 : vector<16xi32>
        %add3A_800 = arith.addi %add3A_799, %sub3A_174 : vector<16xi32>
        %shift_right_arithmetic3A_801 = arith.constant 4 : i32
        %shift_right_arithmetic3A_802 = vector.broadcast %shift_right_arithmetic3A_801 : i32 to vector<16xi32>
        %shift_right_arithmetic3A_803 = arith.shrsi %add3A_800, %shift_right_arithmetic3A_802 : vector<16xi32>
        %and3A_804 = arith.constant 15 : i32
        %and3A_805 = vector.broadcast %and3A_804 : i32 to vector<16xi32>
        %and3A_806 = arith.andi %add3A_800, %and3A_805 : vector<16xi32>
        %gather3A_807 = tpu.vector_load_idx %arg8[%shift_right_arithmetic3A_803, %and3A_806] : memref<1664x16xf32, #tpu.memory_space<vmem>>[vector<16xi32>, vector<16xi32>], vector<16xf32>,
        %mul3A_808 = arith.constant 400 : i32
        %mul3A_809 = arith.muli %scan3A_456, %mul3A_808 : i32
        %add3A_810 = arith.constant 176 : i32
        %add3A_811 = arith.addi %mul3A_809, %add3A_810 : i32
        %swap3A_812 = arith.index_cast %add3A_811 : i32 to index
        %swap3A_813 = tpu.vector_load %arg10[%swap3A_812] {strides = array<i32>} : memref<20800xf32, #tpu.memory_space<vmem>>, vector<16xf32>,
        tpu.vector_store %arg10[%swap3A_812], %gather3A_807 {strides = array<i32>} : memref<20800xf32, #tpu.memory_space<vmem>>, vector<16xf32>,
        %mul3A_814 = arith.constant 8 : i32
        %mul3A_815 = arith.muli %scan3A_456, %mul3A_814 : i32
        %add3A_816 = vector.broadcast %mul3A_815 : i32 to vector<16xi32>
        %add3A_817 = arith.addi %add3A_816, %add3A_181 : vector<16xi32>
        %mul3A_818 = arith.constant 416 : i32
        %mul3A_819 = arith.muli %mul3A_407, %mul3A_818 : i32
        %add3A_820 = vector.broadcast %mul3A_819 : i32 to vector<16xi32>
        %add3A_821 = arith.addi %add3A_820, %add3A_817 : vector<16xi32>
        %gather3A_822 = tpu.vector_load_idx %arg5[%add3A_821] : memref<13312xi32, #tpu.memory_space<vmem>>[vector<16xi32>], vector<16xi32>,
        %shift_left3A_823 = arith.constant 6 : i32
        %shift_left3A_824 = vector.broadcast %shift_left3A_823 : i32 to vector<16xi32>
        %shift_left3A_825 = arith.shli %add3A_817, %shift_left3A_824 : vector<16xi32>
        %and3A_826 = arith.constant 15 : i32
        %and3A_827 = vector.broadcast %and3A_826 : i32 to vector<16xi32>
        %and3A_828 = arith.andi %gather3A_822, %and3A_827 : vector<16xi32>
        %add3A_829 = arith.addi %shift_left3A_825, %and3A_828 : vector<16xi32>
        %add3A_830 = arith.addi %add3A_829, %sub3A_188 : vector<16xi32>
        %shift_right_arithmetic3A_831 = arith.constant 4 : i32
        %shift_right_arithmetic3A_832 = vector.broadcast %shift_right_arithmetic3A_831 : i32 to vector<16xi32>
        %shift_right_arithmetic3A_833 = arith.shrsi %add3A_830, %shift_right_arithmetic3A_832 : vector<16xi32>
        %and3A_834 = arith.constant 15 : i32
        %and3A_835 = vector.broadcast %and3A_834 : i32 to vector<16xi32>
        %and3A_836 = arith.andi %add3A_830, %and3A_835 : vector<16xi32>
        %gather3A_837 = tpu.vector_load_idx %arg8[%shift_right_arithmetic3A_833, %and3A_836] : memref<1664x16xf32, #tpu.memory_space<vmem>>[vector<16xi32>, vector<16xi32>], vector<16xf32>,
        %mul3A_838 = arith.constant 400 : i32
        %mul3A_839 = arith.muli %scan3A_456, %mul3A_838 : i32
        %add3A_840 = arith.constant 192 : i32
        %add3A_841 = arith.addi %mul3A_839, %add3A_840 : i32
        %swap3A_842 = arith.index_cast %add3A_841 : i32 to index
        %swap3A_843 = tpu.vector_load %arg10[%swap3A_842] {strides = array<i32>} : memref<20800xf32, #tpu.memory_space<vmem>>, vector<16xf32>,
        tpu.vector_store %arg10[%swap3A_842], %gather3A_837 {strides = array<i32>} : memref<20800xf32, #tpu.memory_space<vmem>>, vector<16xf32>,
        %mul3A_844 = arith.constant 8 : i32
        %mul3A_845 = arith.muli %scan3A_456, %mul3A_844 : i32
        %add3A_846 = vector.broadcast %mul3A_845 : i32 to vector<16xi32>
        %add3A_847 = arith.addi %add3A_846, %add3A_195 : vector<16xi32>
        %mul3A_848 = arith.constant 416 : i32
        %mul3A_849 = arith.muli %mul3A_407, %mul3A_848 : i32
        %add3A_850 = vector.broadcast %mul3A_849 : i32 to vector<16xi32>
        %add3A_851 = arith.addi %add3A_850, %add3A_847 : vector<16xi32>
        %gather3A_852 = tpu.vector_load_idx %arg5[%add3A_851] : memref<13312xi32, #tpu.memory_space<vmem>>[vector<16xi32>], vector<16xi32>,
        %shift_left3A_853 = arith.constant 6 : i32
        %shift_left3A_854 = vector.broadcast %shift_left3A_853 : i32 to vector<16xi32>
        %shift_left3A_855 = arith.shli %add3A_847, %shift_left3A_854 : vector<16xi32>
        %and3A_856 = arith.constant 15 : i32
        %and3A_857 = vector.broadcast %and3A_856 : i32 to vector<16xi32>
        %and3A_858 = arith.andi %gather3A_852, %and3A_857 : vector<16xi32>
        %add3A_859 = arith.addi %shift_left3A_855, %and3A_858 : vector<16xi32>
        %add3A_860 = arith.addi %add3A_859, %sub3A_202 : vector<16xi32>
        %shift_right_arithmetic3A_861 = arith.constant 4 : i32
        %shift_right_arithmetic3A_862 = vector.broadcast %shift_right_arithmetic3A_861 : i32 to vector<16xi32>
        %shift_right_arithmetic3A_863 = arith.shrsi %add3A_860, %shift_right_arithmetic3A_862 : vector<16xi32>
        %and3A_864 = arith.constant 15 : i32
        %and3A_865 = vector.broadcast %and3A_864 : i32 to vector<16xi32>
        %and3A_866 = arith.andi %add3A_860, %and3A_865 : vector<16xi32>
        %gather3A_867 = tpu.vector_load_idx %arg8[%shift_right_arithmetic3A_863, %and3A_866] : memref<1664x16xf32, #tpu.memory_space<vmem>>[vector<16xi32>, vector<16xi32>], vector<16xf32>,
        %mul3A_868 = arith.constant 400 : i32
        %mul3A_869 = arith.muli %scan3A_456, %mul3A_868 : i32
        %add3A_870 = arith.constant 208 : i32
        %add3A_871 = arith.addi %mul3A_869, %add3A_870 : i32
        %swap3A_872 = arith.index_cast %add3A_871 : i32 to index
        %swap3A_873 = tpu.vector_load %arg10[%swap3A_872] {strides = array<i32>} : memref<20800xf32, #tpu.memory_space<vmem>>, vector<16xf32>,
        tpu.vector_store %arg10[%swap3A_872], %gather3A_867 {strides = array<i32>} : memref<20800xf32, #tpu.memory_space<vmem>>, vector<16xf32>,
        %mul3A_874 = arith.constant 8 : i32
        %mul3A_875 = arith.muli %scan3A_456, %mul3A_874 : i32
        %add3A_876 = vector.broadcast %mul3A_875 : i32 to vector<16xi32>
        %add3A_877 = arith.addi %add3A_876, %add3A_209 : vector<16xi32>
        %mul3A_878 = arith.constant 416 : i32
        %mul3A_879 = arith.muli %mul3A_407, %mul3A_878 : i32
        %add3A_880 = vector.broadcast %mul3A_879 : i32 to vector<16xi32>
        %add3A_881 = arith.addi %add3A_880, %add3A_877 : vector<16xi32>
        %gather3A_882 = tpu.vector_load_idx %arg5[%add3A_881] : memref<13312xi32, #tpu.memory_space<vmem>>[vector<16xi32>], vector<16xi32>,
        %shift_left3A_883 = arith.constant 6 : i32
        %shift_left3A_884 = vector.broadcast %shift_left3A_883 : i32 to vector<16xi32>
        %shift_left3A_885 = arith.shli %add3A_877, %shift_left3A_884 : vector<16xi32>
        %and3A_886 = arith.constant 15 : i32
        %and3A_887 = vector.broadcast %and3A_886 : i32 to vector<16xi32>
        %and3A_888 = arith.andi %gather3A_882, %and3A_887 : vector<16xi32>
        %add3A_889 = arith.addi %shift_left3A_885, %and3A_888 : vector<16xi32>
        %add3A_890 = arith.addi %add3A_889, %sub3A_216 : vector<16xi32>
        %shift_right_arithmetic3A_891 = arith.constant 4 : i32
        %shift_right_arithmetic3A_892 = vector.broadcast %shift_right_arithmetic3A_891 : i32 to vector<16xi32>
        %shift_right_arithmetic3A_893 = arith.shrsi %add3A_890, %shift_right_arithmetic3A_892 : vector<16xi32>
        %and3A_894 = arith.constant 15 : i32
        %and3A_895 = vector.broadcast %and3A_894 : i32 to vector<16xi32>
        %and3A_896 = arith.andi %add3A_890, %and3A_895 : vector<16xi32>
        %gather3A_897 = tpu.vector_load_idx %arg8[%shift_right_arithmetic3A_893, %and3A_896] : memref<1664x16xf32, #tpu.memory_space<vmem>>[vector<16xi32>, vector<16xi32>], vector<16xf32>,
        %mul3A_898 = arith.constant 400 : i32
        %mul3A_899 = arith.muli %scan3A_456, %mul3A_898 : i32
        %add3A_900 = arith.constant 224 : i32
        %add3A_901 = arith.addi %mul3A_899, %add3A_900 : i32
        %swap3A_902 = arith.index_cast %add3A_901 : i32 to index
        %swap3A_903 = tpu.vector_load %arg10[%swap3A_902] {strides = array<i32>} : memref<20800xf32, #tpu.memory_space<vmem>>, vector<16xf32>,
        tpu.vector_store %arg10[%swap3A_902], %gather3A_897 {strides = array<i32>} : memref<20800xf32, #tpu.memory_space<vmem>>, vector<16xf32>,
        %mul3A_904 = arith.constant 8 : i32
        %mul3A_905 = arith.muli %scan3A_456, %mul3A_904 : i32
        %add3A_906 = vector.broadcast %mul3A_905 : i32 to vector<16xi32>
        %add3A_907 = arith.addi %add3A_906, %add3A_223 : vector<16xi32>
        %mul3A_908 = arith.constant 416 : i32
        %mul3A_909 = arith.muli %mul3A_407, %mul3A_908 : i32
        %add3A_910 = vector.broadcast %mul3A_909 : i32 to vector<16xi32>
        %add3A_911 = arith.addi %add3A_910, %add3A_907 : vector<16xi32>
        %gather3A_912 = tpu.vector_load_idx %arg5[%add3A_911] : memref<13312xi32, #tpu.memory_space<vmem>>[vector<16xi32>], vector<16xi32>,
        %shift_left3A_913 = arith.constant 6 : i32
        %shift_left3A_914 = vector.broadcast %shift_left3A_913 : i32 to vector<16xi32>
        %shift_left3A_915 = arith.shli %add3A_907, %shift_left3A_914 : vector<16xi32>
        %and3A_916 = arith.constant 15 : i32
        %and3A_917 = vector.broadcast %and3A_916 : i32 to vector<16xi32>
        %and3A_918 = arith.andi %gather3A_912, %and3A_917 : vector<16xi32>
        %add3A_919 = arith.addi %shift_left3A_915, %and3A_918 : vector<16xi32>
        %add3A_920 = arith.addi %add3A_919, %sub3A_230 : vector<16xi32>
        %shift_right_arithmetic3A_921 = arith.constant 4 : i32
        %shift_right_arithmetic3A_922 = vector.broadcast %shift_right_arithmetic3A_921 : i32 to vector<16xi32>
        %shift_right_arithmetic3A_923 = arith.shrsi %add3A_920, %shift_right_arithmetic3A_922 : vector<16xi32>
        %and3A_924 = arith.constant 15 : i32
        %and3A_925 = vector.broadcast %and3A_924 : i32 to vector<16xi32>
        %and3A_926 = arith.andi %add3A_920, %and3A_925 : vector<16xi32>
        %gather3A_927 = tpu.vector_load_idx %arg8[%shift_right_arithmetic3A_923, %and3A_926] : memref<1664x16xf32, #tpu.memory_space<vmem>>[vector<16xi32>, vector<16xi32>], vector<16xf32>,
        %mul3A_928 = arith.constant 400 : i32
        %mul3A_929 = arith.muli %scan3A_456, %mul3A_928 : i32
        %add3A_930 = arith.constant 240 : i32
        %add3A_931 = arith.addi %mul3A_929, %add3A_930 : i32
        %swap3A_932 = arith.index_cast %add3A_931 : i32 to index
        %swap3A_933 = tpu.vector_load %arg10[%swap3A_932] {strides = array<i32>} : memref<20800xf32, #tpu.memory_space<vmem>>, vector<16xf32>,
        tpu.vector_store %arg10[%swap3A_932], %gather3A_927 {strides = array<i32>} : memref<20800xf32, #tpu.memory_space<vmem>>, vector<16xf32>,
        %mul3A_934 = arith.constant 8 : i32
        %mul3A_935 = arith.muli %scan3A_456, %mul3A_934 : i32
        %add3A_936 = vector.broadcast %mul3A_935 : i32 to vector<16xi32>
        %add3A_937 = arith.addi %add3A_936, %add3A_237 : vector<16xi32>
        %mul3A_938 = arith.constant 416 : i32
        %mul3A_939 = arith.muli %mul3A_407, %mul3A_938 : i32
        %add3A_940 = vector.broadcast %mul3A_939 : i32 to vector<16xi32>
        %add3A_941 = arith.addi %add3A_940, %add3A_937 : vector<16xi32>
        %gather3A_942 = tpu.vector_load_idx %arg5[%add3A_941] : memref<13312xi32, #tpu.memory_space<vmem>>[vector<16xi32>], vector<16xi32>,
        %shift_left3A_943 = arith.constant 6 : i32
        %shift_left3A_944 = vector.broadcast %shift_left3A_943 : i32 to vector<16xi32>
        %shift_left3A_945 = arith.shli %add3A_937, %shift_left3A_944 : vector<16xi32>
        %and3A_946 = arith.constant 15 : i32
        %and3A_947 = vector.broadcast %and3A_946 : i32 to vector<16xi32>
        %and3A_948 = arith.andi %gather3A_942, %and3A_947 : vector<16xi32>
        %add3A_949 = arith.addi %shift_left3A_945, %and3A_948 : vector<16xi32>
        %add3A_950 = arith.addi %add3A_949, %sub3A_244 : vector<16xi32>
        %shift_right_arithmetic3A_951 = arith.constant 4 : i32
        %shift_right_arithmetic3A_952 = vector.broadcast %shift_right_arithmetic3A_951 : i32 to vector<16xi32>
        %shift_right_arithmetic3A_953 = arith.shrsi %add3A_950, %shift_right_arithmetic3A_952 : vector<16xi32>
        %and3A_954 = arith.constant 15 : i32
        %and3A_955 = vector.broadcast %and3A_954 : i32 to vector<16xi32>
        %and3A_956 = arith.andi %add3A_950, %and3A_955 : vector<16xi32>
        %gather3A_957 = tpu.vector_load_idx %arg8[%shift_right_arithmetic3A_953, %and3A_956] : memref<1664x16xf32, #tpu.memory_space<vmem>>[vector<16xi32>, vector<16xi32>], vector<16xf32>,
        %mul3A_958 = arith.constant 400 : i32
        %mul3A_959 = arith.muli %scan3A_456, %mul3A_958 : i32
        %add3A_960 = arith.constant 256 : i32
        %add3A_961 = arith.addi %mul3A_959, %add3A_960 : i32
        %swap3A_962 = arith.index_cast %add3A_961 : i32 to index
        %swap3A_963 = tpu.vector_load %arg10[%swap3A_962] {strides = array<i32>} : memref<20800xf32, #tpu.memory_space<vmem>>, vector<16xf32>,
        tpu.vector_store %arg10[%swap3A_962], %gather3A_957 {strides = array<i32>} : memref<20800xf32, #tpu.memory_space<vmem>>, vector<16xf32>,
        %mul3A_964 = arith.constant 8 : i32
        %mul3A_965 = arith.muli %scan3A_456, %mul3A_964 : i32
        %add3A_966 = vector.broadcast %mul3A_965 : i32 to vector<16xi32>
        %add3A_967 = arith.addi %add3A_966, %add3A_251 : vector<16xi32>
        %mul3A_968 = arith.constant 416 : i32
        %mul3A_969 = arith.muli %mul3A_407, %mul3A_968 : i32
        %add3A_970 = vector.broadcast %mul3A_969 : i32 to vector<16xi32>
        %add3A_971 = arith.addi %add3A_970, %add3A_967 : vector<16xi32>
        %gather3A_972 = tpu.vector_load_idx %arg5[%add3A_971] : memref<13312xi32, #tpu.memory_space<vmem>>[vector<16xi32>], vector<16xi32>,
        %shift_left3A_973 = arith.constant 6 : i32
        %shift_left3A_974 = vector.broadcast %shift_left3A_973 : i32 to vector<16xi32>
        %shift_left3A_975 = arith.shli %add3A_967, %shift_left3A_974 : vector<16xi32>
        %and3A_976 = arith.constant 15 : i32
        %and3A_977 = vector.broadcast %and3A_976 : i32 to vector<16xi32>
        %and3A_978 = arith.andi %gather3A_972, %and3A_977 : vector<16xi32>
        %add3A_979 = arith.addi %shift_left3A_975, %and3A_978 : vector<16xi32>
        %add3A_980 = arith.addi %add3A_979, %sub3A_258 : vector<16xi32>
        %shift_right_arithmetic3A_981 = arith.constant 4 : i32
        %shift_right_arithmetic3A_982 = vector.broadcast %shift_right_arithmetic3A_981 : i32 to vector<16xi32>
        %shift_right_arithmetic3A_983 = arith.shrsi %add3A_980, %shift_right_arithmetic3A_982 : vector<16xi32>
        %and3A_984 = arith.constant 15 : i32
        %and3A_985 = vector.broadcast %and3A_984 : i32 to vector<16xi32>
        %and3A_986 = arith.andi %add3A_980, %and3A_985 : vector<16xi32>
        %gather3A_987 = tpu.vector_load_idx %arg8[%shift_right_arithmetic3A_983, %and3A_986] : memref<1664x16xf32, #tpu.memory_space<vmem>>[vector<16xi32>, vector<16xi32>], vector<16xf32>,
        %mul3A_988 = arith.constant 400 : i32
        %mul3A_989 = arith.muli %scan3A_456, %mul3A_988 : i32
        %add3A_990 = arith.constant 272 : i32
        %add3A_991 = arith.addi %mul3A_989, %add3A_990 : i32
        %swap3A_992 = arith.index_cast %add3A_991 : i32 to index
        %swap3A_993 = tpu.vector_load %arg10[%swap3A_992] {strides = array<i32>} : memref<20800xf32, #tpu.memory_space<vmem>>, vector<16xf32>,
        tpu.vector_store %arg10[%swap3A_992], %gather3A_987 {strides = array<i32>} : memref<20800xf32, #tpu.memory_space<vmem>>, vector<16xf32>,
        %mul3A_994 = arith.constant 8 : i32
        %mul3A_995 = arith.muli %scan3A_456, %mul3A_994 : i32
        %add3A_996 = vector.broadcast %mul3A_995 : i32 to vector<16xi32>
        %add3A_997 = arith.addi %add3A_996, %add3A_265 : vector<16xi32>
        %mul3A_998 = arith.constant 416 : i32
        %mul3A_999 = arith.muli %mul3A_407, %mul3A_998 : i32
        %add3A_1000 = vector.broadcast %mul3A_999 : i32 to vector<16xi32>
        %add3A_1001 = arith.addi %add3A_1000, %add3A_997 : vector<16xi32>
        %gather3A_1002 = tpu.vector_load_idx %arg5[%add3A_1001] : memref<13312xi32, #tpu.memory_space<vmem>>[vector<16xi32>], vector<16xi32>,
        %shift_left3A_1003 = arith.constant 6 : i32
        %shift_left3A_1004 = vector.broadcast %shift_left3A_1003 : i32 to vector<16xi32>
        %shift_left3A_1005 = arith.shli %add3A_997, %shift_left3A_1004 : vector<16xi32>
        %and3A_1006 = arith.constant 15 : i32
        %and3A_1007 = vector.broadcast %and3A_1006 : i32 to vector<16xi32>
        %and3A_1008 = arith.andi %gather3A_1002, %and3A_1007 : vector<16xi32>
        %add3A_1009 = arith.addi %shift_left3A_1005, %and3A_1008 : vector<16xi32>
        %add3A_1010 = arith.addi %add3A_1009, %sub3A_272 : vector<16xi32>
        %shift_right_arithmetic3A_1011 = arith.constant 4 : i32
        %shift_right_arithmetic3A_1012 = vector.broadcast %shift_right_arithmetic3A_1011 : i32 to vector<16xi32>
        %shift_right_arithmetic3A_1013 = arith.shrsi %add3A_1010, %shift_right_arithmetic3A_1012 : vector<16xi32>
        %and3A_1014 = arith.constant 15 : i32
        %and3A_1015 = vector.broadcast %and3A_1014 : i32 to vector<16xi32>
        %and3A_1016 = arith.andi %add3A_1010, %and3A_1015 : vector<16xi32>
        %gather3A_1017 = tpu.vector_load_idx %arg8[%shift_right_arithmetic3A_1013, %and3A_1016] : memref<1664x16xf32, #tpu.memory_space<vmem>>[vector<16xi32>, vector<16xi32>], vector<16xf32>,
        %mul3A_1018 = arith.constant 400 : i32
        %mul3A_1019 = arith.muli %scan3A_456, %mul3A_1018 : i32
        %add3A_1020 = arith.constant 288 : i32
        %add3A_1021 = arith.addi %mul3A_1019, %add3A_1020 : i32
        %swap3A_1022 = arith.index_cast %add3A_1021 : i32 to index
        %swap3A_1023 = tpu.vector_load %arg10[%swap3A_1022] {strides = array<i32>} : memref<20800xf32, #tpu.memory_space<vmem>>, vector<16xf32>,
        tpu.vector_store %arg10[%swap3A_1022], %gather3A_1017 {strides = array<i32>} : memref<20800xf32, #tpu.memory_space<vmem>>, vector<16xf32>,
        %mul3A_1024 = arith.constant 8 : i32
        %mul3A_1025 = arith.muli %scan3A_456, %mul3A_1024 : i32
        %add3A_1026 = vector.broadcast %mul3A_1025 : i32 to vector<16xi32>
        %add3A_1027 = arith.addi %add3A_1026, %add3A_279 : vector<16xi32>
        %mul3A_1028 = arith.constant 416 : i32
        %mul3A_1029 = arith.muli %mul3A_407, %mul3A_1028 : i32
        %add3A_1030 = vector.broadcast %mul3A_1029 : i32 to vector<16xi32>
        %add3A_1031 = arith.addi %add3A_1030, %add3A_1027 : vector<16xi32>
        %gather3A_1032 = tpu.vector_load_idx %arg5[%add3A_1031] : memref<13312xi32, #tpu.memory_space<vmem>>[vector<16xi32>], vector<16xi32>,
        %shift_left3A_1033 = arith.constant 6 : i32
        %shift_left3A_1034 = vector.broadcast %shift_left3A_1033 : i32 to vector<16xi32>
        %shift_left3A_1035 = arith.shli %add3A_1027, %shift_left3A_1034 : vector<16xi32>
        %and3A_1036 = arith.constant 15 : i32
        %and3A_1037 = vector.broadcast %and3A_1036 : i32 to vector<16xi32>
        %and3A_1038 = arith.andi %gather3A_1032, %and3A_1037 : vector<16xi32>
        %add3A_1039 = arith.addi %shift_left3A_1035, %and3A_1038 : vector<16xi32>
        %add3A_1040 = arith.addi %add3A_1039, %sub3A_286 : vector<16xi32>
        %shift_right_arithmetic3A_1041 = arith.constant 4 : i32
        %shift_right_arithmetic3A_1042 = vector.broadcast %shift_right_arithmetic3A_1041 : i32 to vector<16xi32>
        %shift_right_arithmetic3A_1043 = arith.shrsi %add3A_1040, %shift_right_arithmetic3A_1042 : vector<16xi32>
        %and3A_1044 = arith.constant 15 : i32
        %and3A_1045 = vector.broadcast %and3A_1044 : i32 to vector<16xi32>
        %and3A_1046 = arith.andi %add3A_1040, %and3A_1045 : vector<16xi32>
        %gather3A_1047 = tpu.vector_load_idx %arg8[%shift_right_arithmetic3A_1043, %and3A_1046] : memref<1664x16xf32, #tpu.memory_space<vmem>>[vector<16xi32>, vector<16xi32>], vector<16xf32>,
        %mul3A_1048 = arith.constant 400 : i32
        %mul3A_1049 = arith.muli %scan3A_456, %mul3A_1048 : i32
        %add3A_1050 = arith.constant 304 : i32
        %add3A_1051 = arith.addi %mul3A_1049, %add3A_1050 : i32
        %swap3A_1052 = arith.index_cast %add3A_1051 : i32 to index
        %swap3A_1053 = tpu.vector_load %arg10[%swap3A_1052] {strides = array<i32>} : memref<20800xf32, #tpu.memory_space<vmem>>, vector<16xf32>,
        tpu.vector_store %arg10[%swap3A_1052], %gather3A_1047 {strides = array<i32>} : memref<20800xf32, #tpu.memory_space<vmem>>, vector<16xf32>,
        %mul3A_1054 = arith.constant 8 : i32
        %mul3A_1055 = arith.muli %scan3A_456, %mul3A_1054 : i32
        %add3A_1056 = vector.broadcast %mul3A_1055 : i32 to vector<16xi32>
        %add3A_1057 = arith.addi %add3A_1056, %add3A_293 : vector<16xi32>
        %mul3A_1058 = arith.constant 416 : i32
        %mul3A_1059 = arith.muli %mul3A_407, %mul3A_1058 : i32
        %add3A_1060 = vector.broadcast %mul3A_1059 : i32 to vector<16xi32>
        %add3A_1061 = arith.addi %add3A_1060, %add3A_1057 : vector<16xi32>
        %gather3A_1062 = tpu.vector_load_idx %arg5[%add3A_1061] : memref<13312xi32, #tpu.memory_space<vmem>>[vector<16xi32>], vector<16xi32>,
        %shift_left3A_1063 = arith.constant 6 : i32
        %shift_left3A_1064 = vector.broadcast %shift_left3A_1063 : i32 to vector<16xi32>
        %shift_left3A_1065 = arith.shli %add3A_1057, %shift_left3A_1064 : vector<16xi32>
        %and3A_1066 = arith.constant 15 : i32
        %and3A_1067 = vector.broadcast %and3A_1066 : i32 to vector<16xi32>
        %and3A_1068 = arith.andi %gather3A_1062, %and3A_1067 : vector<16xi32>
        %add3A_1069 = arith.addi %shift_left3A_1065, %and3A_1068 : vector<16xi32>
        %add3A_1070 = arith.addi %add3A_1069, %sub3A_300 : vector<16xi32>
        %shift_right_arithmetic3A_1071 = arith.constant 4 : i32
        %shift_right_arithmetic3A_1072 = vector.broadcast %shift_right_arithmetic3A_1071 : i32 to vector<16xi32>
        %shift_right_arithmetic3A_1073 = arith.shrsi %add3A_1070, %shift_right_arithmetic3A_1072 : vector<16xi32>
        %and3A_1074 = arith.constant 15 : i32
        %and3A_1075 = vector.broadcast %and3A_1074 : i32 to vector<16xi32>
        %and3A_1076 = arith.andi %add3A_1070, %and3A_1075 : vector<16xi32>
        %gather3A_1077 = tpu.vector_load_idx %arg8[%shift_right_arithmetic3A_1073, %and3A_1076] : memref<1664x16xf32, #tpu.memory_space<vmem>>[vector<16xi32>, vector<16xi32>], vector<16xf32>,
        %mul3A_1078 = arith.constant 400 : i32
        %mul3A_1079 = arith.muli %scan3A_456, %mul3A_1078 : i32
        %add3A_1080 = arith.constant 320 : i32
        %add3A_1081 = arith.addi %mul3A_1079, %add3A_1080 : i32
        %swap3A_1082 = arith.index_cast %add3A_1081 : i32 to index
        %swap3A_1083 = tpu.vector_load %arg10[%swap3A_1082] {strides = array<i32>} : memref<20800xf32, #tpu.memory_space<vmem>>, vector<16xf32>,
        tpu.vector_store %arg10[%swap3A_1082], %gather3A_1077 {strides = array<i32>} : memref<20800xf32, #tpu.memory_space<vmem>>, vector<16xf32>,
        %mul3A_1084 = arith.constant 8 : i32
        %mul3A_1085 = arith.muli %scan3A_456, %mul3A_1084 : i32
        %add3A_1086 = vector.broadcast %mul3A_1085 : i32 to vector<16xi32>
        %add3A_1087 = arith.addi %add3A_1086, %add3A_307 : vector<16xi32>
        %mul3A_1088 = arith.constant 416 : i32
        %mul3A_1089 = arith.muli %mul3A_407, %mul3A_1088 : i32
        %add3A_1090 = vector.broadcast %mul3A_1089 : i32 to vector<16xi32>
        %add3A_1091 = arith.addi %add3A_1090, %add3A_1087 : vector<16xi32>
        %gather3A_1092 = tpu.vector_load_idx %arg5[%add3A_1091] : memref<13312xi32, #tpu.memory_space<vmem>>[vector<16xi32>], vector<16xi32>,
        %shift_left3A_1093 = arith.constant 6 : i32
        %shift_left3A_1094 = vector.broadcast %shift_left3A_1093 : i32 to vector<16xi32>
        %shift_left3A_1095 = arith.shli %add3A_1087, %shift_left3A_1094 : vector<16xi32>
        %and3A_1096 = arith.constant 15 : i32
        %and3A_1097 = vector.broadcast %and3A_1096 : i32 to vector<16xi32>
        %and3A_1098 = arith.andi %gather3A_1092, %and3A_1097 : vector<16xi32>
        %add3A_1099 = arith.addi %shift_left3A_1095, %and3A_1098 : vector<16xi32>
        %add3A_1100 = arith.addi %add3A_1099, %sub3A_314 : vector<16xi32>
        %shift_right_arithmetic3A_1101 = arith.constant 4 : i32
        %shift_right_arithmetic3A_1102 = vector.broadcast %shift_right_arithmetic3A_1101 : i32 to vector<16xi32>
        %shift_right_arithmetic3A_1103 = arith.shrsi %add3A_1100, %shift_right_arithmetic3A_1102 : vector<16xi32>
        %and3A_1104 = arith.constant 15 : i32
        %and3A_1105 = vector.broadcast %and3A_1104 : i32 to vector<16xi32>
        %and3A_1106 = arith.andi %add3A_1100, %and3A_1105 : vector<16xi32>
        %gather3A_1107 = tpu.vector_load_idx %arg8[%shift_right_arithmetic3A_1103, %and3A_1106] : memref<1664x16xf32, #tpu.memory_space<vmem>>[vector<16xi32>, vector<16xi32>], vector<16xf32>,
        %mul3A_1108 = arith.constant 400 : i32
        %mul3A_1109 = arith.muli %scan3A_456, %mul3A_1108 : i32
        %add3A_1110 = arith.constant 336 : i32
        %add3A_1111 = arith.addi %mul3A_1109, %add3A_1110 : i32
        %swap3A_1112 = arith.index_cast %add3A_1111 : i32 to index
        %swap3A_1113 = tpu.vector_load %arg10[%swap3A_1112] {strides = array<i32>} : memref<20800xf32, #tpu.memory_space<vmem>>, vector<16xf32>,
        tpu.vector_store %arg10[%swap3A_1112], %gather3A_1107 {strides = array<i32>} : memref<20800xf32, #tpu.memory_space<vmem>>, vector<16xf32>,
        %mul3A_1114 = arith.constant 8 : i32
        %mul3A_1115 = arith.muli %scan3A_456, %mul3A_1114 : i32
        %add3A_1116 = vector.broadcast %mul3A_1115 : i32 to vector<16xi32>
        %add3A_1117 = arith.addi %add3A_1116, %add3A_321 : vector<16xi32>
        %mul3A_1118 = arith.constant 416 : i32
        %mul3A_1119 = arith.muli %mul3A_407, %mul3A_1118 : i32
        %add3A_1120 = vector.broadcast %mul3A_1119 : i32 to vector<16xi32>
        %add3A_1121 = arith.addi %add3A_1120, %add3A_1117 : vector<16xi32>
        %gather3A_1122 = tpu.vector_load_idx %arg5[%add3A_1121] : memref<13312xi32, #tpu.memory_space<vmem>>[vector<16xi32>], vector<16xi32>,
        %shift_left3A_1123 = arith.constant 6 : i32
        %shift_left3A_1124 = vector.broadcast %shift_left3A_1123 : i32 to vector<16xi32>
        %shift_left3A_1125 = arith.shli %add3A_1117, %shift_left3A_1124 : vector<16xi32>
        %and3A_1126 = arith.constant 15 : i32
        %and3A_1127 = vector.broadcast %and3A_1126 : i32 to vector<16xi32>
        %and3A_1128 = arith.andi %gather3A_1122, %and3A_1127 : vector<16xi32>
        %add3A_1129 = arith.addi %shift_left3A_1125, %and3A_1128 : vector<16xi32>
        %add3A_1130 = arith.addi %add3A_1129, %sub3A_328 : vector<16xi32>
        %shift_right_arithmetic3A_1131 = arith.constant 4 : i32
        %shift_right_arithmetic3A_1132 = vector.broadcast %shift_right_arithmetic3A_1131 : i32 to vector<16xi32>
        %shift_right_arithmetic3A_1133 = arith.shrsi %add3A_1130, %shift_right_arithmetic3A_1132 : vector<16xi32>
        %and3A_1134 = arith.constant 15 : i32
        %and3A_1135 = vector.broadcast %and3A_1134 : i32 to vector<16xi32>
        %and3A_1136 = arith.andi %add3A_1130, %and3A_1135 : vector<16xi32>
        %gather3A_1137 = tpu.vector_load_idx %arg8[%shift_right_arithmetic3A_1133, %and3A_1136] : memref<1664x16xf32, #tpu.memory_space<vmem>>[vector<16xi32>, vector<16xi32>], vector<16xf32>,
        %mul3A_1138 = arith.constant 400 : i32
        %mul3A_1139 = arith.muli %scan3A_456, %mul3A_1138 : i32
        %add3A_1140 = arith.constant 352 : i32
        %add3A_1141 = arith.addi %mul3A_1139, %add3A_1140 : i32
        %swap3A_1142 = arith.index_cast %add3A_1141 : i32 to index
        %swap3A_1143 = tpu.vector_load %arg10[%swap3A_1142] {strides = array<i32>} : memref<20800xf32, #tpu.memory_space<vmem>>, vector<16xf32>,
        tpu.vector_store %arg10[%swap3A_1142], %gather3A_1137 {strides = array<i32>} : memref<20800xf32, #tpu.memory_space<vmem>>, vector<16xf32>,
        %mul3A_1144 = arith.constant 8 : i32
        %mul3A_1145 = arith.muli %scan3A_456, %mul3A_1144 : i32
        %add3A_1146 = vector.broadcast %mul3A_1145 : i32 to vector<16xi32>
        %add3A_1147 = arith.addi %add3A_1146, %add3A_335 : vector<16xi32>
        %mul3A_1148 = arith.constant 416 : i32
        %mul3A_1149 = arith.muli %mul3A_407, %mul3A_1148 : i32
        %add3A_1150 = vector.broadcast %mul3A_1149 : i32 to vector<16xi32>
        %add3A_1151 = arith.addi %add3A_1150, %add3A_1147 : vector<16xi32>
        %gather3A_1152 = tpu.vector_load_idx %arg5[%add3A_1151] : memref<13312xi32, #tpu.memory_space<vmem>>[vector<16xi32>], vector<16xi32>,
        %shift_left3A_1153 = arith.constant 6 : i32
        %shift_left3A_1154 = vector.broadcast %shift_left3A_1153 : i32 to vector<16xi32>
        %shift_left3A_1155 = arith.shli %add3A_1147, %shift_left3A_1154 : vector<16xi32>
        %and3A_1156 = arith.constant 15 : i32
        %and3A_1157 = vector.broadcast %and3A_1156 : i32 to vector<16xi32>
        %and3A_1158 = arith.andi %gather3A_1152, %and3A_1157 : vector<16xi32>
        %add3A_1159 = arith.addi %shift_left3A_1155, %and3A_1158 : vector<16xi32>
        %add3A_1160 = arith.addi %add3A_1159, %sub3A_342 : vector<16xi32>
        %shift_right_arithmetic3A_1161 = arith.constant 4 : i32
        %shift_right_arithmetic3A_1162 = vector.broadcast %shift_right_arithmetic3A_1161 : i32 to vector<16xi32>
        %shift_right_arithmetic3A_1163 = arith.shrsi %add3A_1160, %shift_right_arithmetic3A_1162 : vector<16xi32>
        %and3A_1164 = arith.constant 15 : i32
        %and3A_1165 = vector.broadcast %and3A_1164 : i32 to vector<16xi32>
        %and3A_1166 = arith.andi %add3A_1160, %and3A_1165 : vector<16xi32>
        %gather3A_1167 = tpu.vector_load_idx %arg8[%shift_right_arithmetic3A_1163, %and3A_1166] : memref<1664x16xf32, #tpu.memory_space<vmem>>[vector<16xi32>, vector<16xi32>], vector<16xf32>,
        %mul3A_1168 = arith.constant 400 : i32
        %mul3A_1169 = arith.muli %scan3A_456, %mul3A_1168 : i32
        %add3A_1170 = arith.constant 368 : i32
        %add3A_1171 = arith.addi %mul3A_1169, %add3A_1170 : i32
        %swap3A_1172 = arith.index_cast %add3A_1171 : i32 to index
        %swap3A_1173 = tpu.vector_load %arg10[%swap3A_1172] {strides = array<i32>} : memref<20800xf32, #tpu.memory_space<vmem>>, vector<16xf32>,
        tpu.vector_store %arg10[%swap3A_1172], %gather3A_1167 {strides = array<i32>} : memref<20800xf32, #tpu.memory_space<vmem>>, vector<16xf32>,
        %mul3A_1174 = arith.constant 8 : i32
        %mul3A_1175 = arith.muli %scan3A_456, %mul3A_1174 : i32
        %add3A_1176 = vector.broadcast %mul3A_1175 : i32 to vector<16xi32>
        %add3A_1177 = arith.addi %add3A_1176, %add3A_349 : vector<16xi32>
        %mul3A_1178 = arith.constant 416 : i32
        %mul3A_1179 = arith.muli %mul3A_407, %mul3A_1178 : i32
        %add3A_1180 = vector.broadcast %mul3A_1179 : i32 to vector<16xi32>
        %add3A_1181 = arith.addi %add3A_1180, %add3A_1177 : vector<16xi32>
        %gather3A_1182 = tpu.vector_load_idx %arg5[%add3A_1181] : memref<13312xi32, #tpu.memory_space<vmem>>[vector<16xi32>], vector<16xi32>,
        %shift_left3A_1183 = arith.constant 6 : i32
        %shift_left3A_1184 = vector.broadcast %shift_left3A_1183 : i32 to vector<16xi32>
        %shift_left3A_1185 = arith.shli %add3A_1177, %shift_left3A_1184 : vector<16xi32>
        %and3A_1186 = arith.constant 15 : i32
        %and3A_1187 = vector.broadcast %and3A_1186 : i32 to vector<16xi32>
        %and3A_1188 = arith.andi %gather3A_1182, %and3A_1187 : vector<16xi32>
        %add3A_1189 = arith.addi %shift_left3A_1185, %and3A_1188 : vector<16xi32>
        %add3A_1190 = arith.addi %add3A_1189, %sub3A_356 : vector<16xi32>
        %shift_right_arithmetic3A_1191 = arith.constant 4 : i32
        %shift_right_arithmetic3A_1192 = vector.broadcast %shift_right_arithmetic3A_1191 : i32 to vector<16xi32>
        %shift_right_arithmetic3A_1193 = arith.shrsi %add3A_1190, %shift_right_arithmetic3A_1192 : vector<16xi32>
        %and3A_1194 = arith.constant 15 : i32
        %and3A_1195 = vector.broadcast %and3A_1194 : i32 to vector<16xi32>
        %and3A_1196 = arith.andi %add3A_1190, %and3A_1195 : vector<16xi32>
        %gather3A_1197 = tpu.vector_load_idx %arg8[%shift_right_arithmetic3A_1193, %and3A_1196] : memref<1664x16xf32, #tpu.memory_space<vmem>>[vector<16xi32>, vector<16xi32>], vector<16xf32>,
        %mul3A_1198 = arith.constant 400 : i32
        %mul3A_1199 = arith.muli %scan3A_456, %mul3A_1198 : i32
        %add3A_1200 = arith.constant 384 : i32
        %add3A_1201 = arith.addi %mul3A_1199, %add3A_1200 : i32
        %swap3A_1202 = arith.index_cast %add3A_1201 : i32 to index
        %swap3A_1203 = tpu.vector_load %arg10[%swap3A_1202] {strides = array<i32>} : memref<20800xf32, #tpu.memory_space<vmem>>, vector<16xf32>,
        tpu.vector_store %arg10[%swap3A_1202], %gather3A_1197 {strides = array<i32>} : memref<20800xf32, #tpu.memory_space<vmem>>, vector<16xf32>,
      }
      %scan3A_427 = arith.constant 52 : i32
      %mul3A_428 = arith.constant 20800 : i32
      %mul3A_429 = arith.muli %mul3A_407, %mul3A_428 : i32
      %add3A_430 = arith.addi %mul3A_4, %mul3A_429 : i32
      "tpu.region"() ({
        %run_scoped3A = tpu.sem_alloc : memref<!tpu.dma_semaphore, #tpu.memory_space<semaphore_mem>>
        %dma_start3A_456 = tpu.memref_slice %arg4[%add3A_430] : memref<21299200xf32, #tpu.memory_space<hbm>> -> memref<20800xf32, #tpu.memory_space<hbm>>
        %dma_start3A_457 = tpu.memref_slice %arg4[%add3A_430] : memref<21299200xf32, #tpu.memory_space<hbm>> -> memref<20800xf32, #tpu.memory_space<hbm>>
        tpu.enqueue_dma source(%arg10 : memref<20800xf32, #tpu.memory_space<vmem>>) target(%dma_start3A_457 : memref<20800xf32, #tpu.memory_space<hbm>>) target_semaphore(%run_scoped3A : memref<!tpu.dma_semaphore, #tpu.memory_space<semaphore_mem>>)
        %dma_wait3A_458 = tpu.memref_slice %arg4[%add3A_430] : memref<21299200xf32, #tpu.memory_space<hbm>> -> memref<20800xf32, #tpu.memory_space<hbm>>
        %dma_wait3A_459 = tpu.memref_slice %arg4[%add3A_430] : memref<21299200xf32, #tpu.memory_space<hbm>> -> memref<20800xf32, #tpu.memory_space<hbm>>
        tpu.wait_dma2 semaphore(%run_scoped3A : memref<!tpu.dma_semaphore, #tpu.memory_space<semaphore_mem>>) src(%arg10 : memref<20800xf32, #tpu.memory_space<vmem>>) dst(%dma_wait3A_459 : memref<20800xf32, #tpu.memory_space<hbm>>)
        tpu.yield
      }) : () -> ()
      %add3A_431 = arith.constant 2 : i32
      %add3A_432 = arith.addi %mul3A_407, %add3A_431 : i32
      %scan3A_433 = arith.constant 0 : i32
      %scan3A_434 = arith.constant 0 : i32
      %scan3A_435 = arith.constant 104 : i32
      %scan3A_436 = arith.addi %scan3A_434, %scan3A_435 : i32
      %scan3A_437 = arith.constant 1 : i32
      scf.for %scan3A_456 = %scan3A_434 to %scan3A_436 step %scan3A_437  : i32 {
        %mul3A_457 = arith.constant 416 : i32
        %mul3A_458 = arith.muli %add3A_432, %mul3A_457 : i32
        %mul3A_459 = arith.constant 4 : i32
        %mul3A_460 = arith.muli %scan3A_456, %mul3A_459 : i32
        %add3A_461 = arith.addi %mul3A_458, %mul3A_460 : i32
        %add3A_462 = vector.broadcast %add3A_461 : i32 to vector<16xi32>
        %add3A_463 = arith.addi %add3A_462, %shift_right_arithmetic3A_358 : vector<16xi32>
        %gather3A = tpu.vector_load_idx %arg5[%add3A_463] : memref<13312xi32, #tpu.memory_space<vmem>>[vector<16xi32>], vector<16xi32>,
        %shift_right_arithmetic3A_464 = arith.constant 4 : i32
        %shift_right_arithmetic3A_465 = vector.broadcast %shift_right_arithmetic3A_464 : i32 to vector<16xi32>
        %shift_right_arithmetic3A_466 = arith.shrsi %gather3A, %shift_right_arithmetic3A_465 : vector<16xi32>
        %add3A_467 = arith.addi %shift_right_arithmetic3A_466, %and3A_360 : vector<16xi32>
        %mul3A_468 = arith.constant 16 : i32
        %mul3A_469 = arith.muli %scan3A_456, %mul3A_468 : i32
        %swap3A = arith.index_cast %mul3A_469 : i32 to index
        %swap3A_470 = tpu.vector_load %arg6[%swap3A] {strides = array<i32>} : memref<1664xi32, #tpu.memory_space<vmem>>, vector<16xi32>,
        tpu.vector_store %arg6[%swap3A], %add3A_467 {strides = array<i32>} : memref<1664xi32, #tpu.memory_space<vmem>>, vector<16xi32>,
      }
      %scan3A_438 = arith.constant 104 : i32
      %dma_start3A_439 = arith.constant 0 : i32
      %dma_start3A_440 = arith.constant 0 : i32
      %dma_start3A_441 = tpu.memref_slice %arg3[%dma_start3A_439, %dma_start3A_440] : memref<8125000x16xf32, #tpu.memory_space<hbm>> -> memref<8125000x16xf32, #tpu.memory_space<hbm>>
      tpu.enqueue_indirect_dma source(%dma_start3A_441 : memref<8125000x16xf32, #tpu.memory_space<hbm>>) target(%arg8 : memref<1664x16xf32, #tpu.memory_space<vmem>>) offsets(%arg6 : memref<1664xi32, #tpu.memory_space<vmem>>) semaphore(%arg12 : memref<!tpu.dma_semaphore, #tpu.memory_space<semaphore_mem>>)
      %add3A_442 = arith.constant 1 : i32
      %add3A_443 = arith.addi %mul3A_407, %add3A_442 : i32
      %dma_wait3A_444 = arith.constant 0 : i32
      %dma_wait3A_445 = arith.constant 0 : i32
      %dma_wait3A_446 = tpu.memref_slice %arg3[%dma_wait3A_444, %dma_wait3A_445] : memref<8125000x16xf32, #tpu.memory_space<hbm>> -> memref<8125000x16xf32, #tpu.memory_space<hbm>>
      tpu.wait_indirect_dma semaphore(%arg13 : memref<!tpu.dma_semaphore, #tpu.memory_space<semaphore_mem>>) src(%dma_wait3A_446 : memref<8125000x16xf32, #tpu.memory_space<hbm>>) dst(%arg9 : memref<1664x16xf32, #tpu.memory_space<vmem>>)
      %scan3A_447 = arith.constant 0 : i32
      %scan3A_448 = arith.constant 0 : i32
      %scan3A_449 = arith.constant 52 : i32
      %scan3A_450 = arith.addi %scan3A_448, %scan3A_449 : i32
      %scan3A_451 = arith.constant 1 : i32
      scf.for %scan3A_456 = %scan3A_448 to %scan3A_450 step %scan3A_451  : i32 {
        %mul3A_457 = arith.constant 8 : i32
        %mul3A_458 = arith.muli %scan3A_456, %mul3A_457 : i32
        %add3A_459 = vector.broadcast %mul3A_458 : i32 to vector<16xi32>
        %add3A_460 = arith.addi %add3A_459, %add3A_14 : vector<16xi32>
        %mul3A_461 = arith.constant 416 : i32
        %mul3A_462 = arith.muli %add3A_443, %mul3A_461 : i32
        %add3A_463 = vector.broadcast %mul3A_462 : i32 to vector<16xi32>
        %add3A_464 = arith.addi %add3A_463, %add3A_460 : vector<16xi32>
        %gather3A = tpu.vector_load_idx %arg5[%add3A_464] : memref<13312xi32, #tpu.memory_space<vmem>>[vector<16xi32>], vector<16xi32>,
        %shift_left3A = arith.constant 6 : i32
        %shift_left3A_465 = vector.broadcast %shift_left3A : i32 to vector<16xi32>
        %shift_left3A_466 = arith.shli %add3A_460, %shift_left3A_465 : vector<16xi32>
        %and3A_467 = arith.constant 15 : i32
        %and3A_468 = vector.broadcast %and3A_467 : i32 to vector<16xi32>
        %and3A_469 = arith.andi %gather3A, %and3A_468 : vector<16xi32>
        %add3A_470 = arith.addi %shift_left3A_466, %and3A_469 : vector<16xi32>
        %add3A_471 = arith.addi %add3A_470, %sub3A : vector<16xi32>
        %shift_right_arithmetic3A_472 = arith.constant 4 : i32
        %shift_right_arithmetic3A_473 = vector.broadcast %shift_right_arithmetic3A_472 : i32 to vector<16xi32>
        %shift_right_arithmetic3A_474 = arith.shrsi %add3A_471, %shift_right_arithmetic3A_473 : vector<16xi32>
        %and3A_475 = arith.constant 15 : i32
        %and3A_476 = vector.broadcast %and3A_475 : i32 to vector<16xi32>
        %and3A_477 = arith.andi %add3A_471, %and3A_476 : vector<16xi32>
        %gather3A_478 = tpu.vector_load_idx %arg9[%shift_right_arithmetic3A_474, %and3A_477] : memref<1664x16xf32, #tpu.memory_space<vmem>>[vector<16xi32>, vector<16xi32>], vector<16xf32>,
        %mul3A_479 = arith.constant 400 : i32
        %mul3A_480 = arith.muli %scan3A_456, %mul3A_479 : i32
        %add3A_481 = arith.constant 0 : i32
        %add3A_482 = arith.addi %mul3A_480, %add3A_481 : i32
        %swap3A = arith.index_cast %add3A_482 : i32 to index
        %swap3A_483 = tpu.vector_load %arg11[%swap3A] {strides = array<i32>} : memref<20800xf32, #tpu.memory_space<vmem>>, vector<16xf32>,
        tpu.vector_store %arg11[%swap3A], %gather3A_478 {strides = array<i32>} : memref<20800xf32, #tpu.memory_space<vmem>>, vector<16xf32>,
        %mul3A_484 = arith.constant 8 : i32
        %mul3A_485 = arith.muli %scan3A_456, %mul3A_484 : i32
        %add3A_486 = vector.broadcast %mul3A_485 : i32 to vector<16xi32>
        %add3A_487 = arith.addi %add3A_486, %add3A_27 : vector<16xi32>
        %mul3A_488 = arith.constant 416 : i32
        %mul3A_489 = arith.muli %add3A_443, %mul3A_488 : i32
        %add3A_490 = vector.broadcast %mul3A_489 : i32 to vector<16xi32>
        %add3A_491 = arith.addi %add3A_490, %add3A_487 : vector<16xi32>
        %gather3A_492 = tpu.vector_load_idx %arg5[%add3A_491] : memref<13312xi32, #tpu.memory_space<vmem>>[vector<16xi32>], vector<16xi32>,
        %shift_left3A_493 = arith.constant 6 : i32
        %shift_left3A_494 = vector.broadcast %shift_left3A_493 : i32 to vector<16xi32>
        %shift_left3A_495 = arith.shli %add3A_487, %shift_left3A_494 : vector<16xi32>
        %and3A_496 = arith.constant 15 : i32
        %and3A_497 = vector.broadcast %and3A_496 : i32 to vector<16xi32>
        %and3A_498 = arith.andi %gather3A_492, %and3A_497 : vector<16xi32>
        %add3A_499 = arith.addi %shift_left3A_495, %and3A_498 : vector<16xi32>
        %add3A_500 = arith.addi %add3A_499, %sub3A_34 : vector<16xi32>
        %shift_right_arithmetic3A_501 = arith.constant 4 : i32
        %shift_right_arithmetic3A_502 = vector.broadcast %shift_right_arithmetic3A_501 : i32 to vector<16xi32>
        %shift_right_arithmetic3A_503 = arith.shrsi %add3A_500, %shift_right_arithmetic3A_502 : vector<16xi32>
        %and3A_504 = arith.constant 15 : i32
        %and3A_505 = vector.broadcast %and3A_504 : i32 to vector<16xi32>
        %and3A_506 = arith.andi %add3A_500, %and3A_505 : vector<16xi32>
        %gather3A_507 = tpu.vector_load_idx %arg9[%shift_right_arithmetic3A_503, %and3A_506] : memref<1664x16xf32, #tpu.memory_space<vmem>>[vector<16xi32>, vector<16xi32>], vector<16xf32>,
        %mul3A_508 = arith.constant 400 : i32
        %mul3A_509 = arith.muli %scan3A_456, %mul3A_508 : i32
        %add3A_510 = arith.constant 16 : i32
        %add3A_511 = arith.addi %mul3A_509, %add3A_510 : i32
        %swap3A_512 = arith.index_cast %add3A_511 : i32 to index
        %swap3A_513 = tpu.vector_load %arg11[%swap3A_512] {strides = array<i32>} : memref<20800xf32, #tpu.memory_space<vmem>>, vector<16xf32>,
        tpu.vector_store %arg11[%swap3A_512], %gather3A_507 {strides = array<i32>} : memref<20800xf32, #tpu.memory_space<vmem>>, vector<16xf32>,
        %mul3A_514 = arith.constant 8 : i32
        %mul3A_515 = arith.muli %scan3A_456, %mul3A_514 : i32
        %add3A_516 = vector.broadcast %mul3A_515 : i32 to vector<16xi32>
        %add3A_517 = arith.addi %add3A_516, %add3A_41 : vector<16xi32>
        %mul3A_518 = arith.constant 416 : i32
        %mul3A_519 = arith.muli %add3A_443, %mul3A_518 : i32
        %add3A_520 = vector.broadcast %mul3A_519 : i32 to vector<16xi32>
        %add3A_521 = arith.addi %add3A_520, %add3A_517 : vector<16xi32>
        %gather3A_522 = tpu.vector_load_idx %arg5[%add3A_521] : memref<13312xi32, #tpu.memory_space<vmem>>[vector<16xi32>], vector<16xi32>,
        %shift_left3A_523 = arith.constant 6 : i32
        %shift_left3A_524 = vector.broadcast %shift_left3A_523 : i32 to vector<16xi32>
        %shift_left3A_525 = arith.shli %add3A_517, %shift_left3A_524 : vector<16xi32>
        %and3A_526 = arith.constant 15 : i32
        %and3A_527 = vector.broadcast %and3A_526 : i32 to vector<16xi32>
        %and3A_528 = arith.andi %gather3A_522, %and3A_527 : vector<16xi32>
        %add3A_529 = arith.addi %shift_left3A_525, %and3A_528 : vector<16xi32>
        %add3A_530 = arith.addi %add3A_529, %sub3A_48 : vector<16xi32>
        %shift_right_arithmetic3A_531 = arith.constant 4 : i32
        %shift_right_arithmetic3A_532 = vector.broadcast %shift_right_arithmetic3A_531 : i32 to vector<16xi32>
        %shift_right_arithmetic3A_533 = arith.shrsi %add3A_530, %shift_right_arithmetic3A_532 : vector<16xi32>
        %and3A_534 = arith.constant 15 : i32
        %and3A_535 = vector.broadcast %and3A_534 : i32 to vector<16xi32>
        %and3A_536 = arith.andi %add3A_530, %and3A_535 : vector<16xi32>
        %gather3A_537 = tpu.vector_load_idx %arg9[%shift_right_arithmetic3A_533, %and3A_536] : memref<1664x16xf32, #tpu.memory_space<vmem>>[vector<16xi32>, vector<16xi32>], vector<16xf32>,
        %mul3A_538 = arith.constant 400 : i32
        %mul3A_539 = arith.muli %scan3A_456, %mul3A_538 : i32
        %add3A_540 = arith.constant 32 : i32
        %add3A_541 = arith.addi %mul3A_539, %add3A_540 : i32
        %swap3A_542 = arith.index_cast %add3A_541 : i32 to index
        %swap3A_543 = tpu.vector_load %arg11[%swap3A_542] {strides = array<i32>} : memref<20800xf32, #tpu.memory_space<vmem>>, vector<16xf32>,
        tpu.vector_store %arg11[%swap3A_542], %gather3A_537 {strides = array<i32>} : memref<20800xf32, #tpu.memory_space<vmem>>, vector<16xf32>,
        %mul3A_544 = arith.constant 8 : i32
        %mul3A_545 = arith.muli %scan3A_456, %mul3A_544 : i32
        %add3A_546 = vector.broadcast %mul3A_545 : i32 to vector<16xi32>
        %add3A_547 = arith.addi %add3A_546, %add3A_55 : vector<16xi32>
        %mul3A_548 = arith.constant 416 : i32
        %mul3A_549 = arith.muli %add3A_443, %mul3A_548 : i32
        %add3A_550 = vector.broadcast %mul3A_549 : i32 to vector<16xi32>
        %add3A_551 = arith.addi %add3A_550, %add3A_547 : vector<16xi32>
        %gather3A_552 = tpu.vector_load_idx %arg5[%add3A_551] : memref<13312xi32, #tpu.memory_space<vmem>>[vector<16xi32>], vector<16xi32>,
        %shift_left3A_553 = arith.constant 6 : i32
        %shift_left3A_554 = vector.broadcast %shift_left3A_553 : i32 to vector<16xi32>
        %shift_left3A_555 = arith.shli %add3A_547, %shift_left3A_554 : vector<16xi32>
        %and3A_556 = arith.constant 15 : i32
        %and3A_557 = vector.broadcast %and3A_556 : i32 to vector<16xi32>
        %and3A_558 = arith.andi %gather3A_552, %and3A_557 : vector<16xi32>
        %add3A_559 = arith.addi %shift_left3A_555, %and3A_558 : vector<16xi32>
        %add3A_560 = arith.addi %add3A_559, %sub3A_62 : vector<16xi32>
        %shift_right_arithmetic3A_561 = arith.constant 4 : i32
        %shift_right_arithmetic3A_562 = vector.broadcast %shift_right_arithmetic3A_561 : i32 to vector<16xi32>
        %shift_right_arithmetic3A_563 = arith.shrsi %add3A_560, %shift_right_arithmetic3A_562 : vector<16xi32>
        %and3A_564 = arith.constant 15 : i32
        %and3A_565 = vector.broadcast %and3A_564 : i32 to vector<16xi32>
        %and3A_566 = arith.andi %add3A_560, %and3A_565 : vector<16xi32>
        %gather3A_567 = tpu.vector_load_idx %arg9[%shift_right_arithmetic3A_563, %and3A_566] : memref<1664x16xf32, #tpu.memory_space<vmem>>[vector<16xi32>, vector<16xi32>], vector<16xf32>,
        %mul3A_568 = arith.constant 400 : i32
        %mul3A_569 = arith.muli %scan3A_456, %mul3A_568 : i32
        %add3A_570 = arith.constant 48 : i32
        %add3A_571 = arith.addi %mul3A_569, %add3A_570 : i32
        %swap3A_572 = arith.index_cast %add3A_571 : i32 to index
        %swap3A_573 = tpu.vector_load %arg11[%swap3A_572] {strides = array<i32>} : memref<20800xf32, #tpu.memory_space<vmem>>, vector<16xf32>,
        tpu.vector_store %arg11[%swap3A_572], %gather3A_567 {strides = array<i32>} : memref<20800xf32, #tpu.memory_space<vmem>>, vector<16xf32>,
        %mul3A_574 = arith.constant 8 : i32
        %mul3A_575 = arith.muli %scan3A_456, %mul3A_574 : i32
        %add3A_576 = vector.broadcast %mul3A_575 : i32 to vector<16xi32>
        %add3A_577 = arith.addi %add3A_576, %add3A_69 : vector<16xi32>
        %mul3A_578 = arith.constant 416 : i32
        %mul3A_579 = arith.muli %add3A_443, %mul3A_578 : i32
        %add3A_580 = vector.broadcast %mul3A_579 : i32 to vector<16xi32>
        %add3A_581 = arith.addi %add3A_580, %add3A_577 : vector<16xi32>
        %gather3A_582 = tpu.vector_load_idx %arg5[%add3A_581] : memref<13312xi32, #tpu.memory_space<vmem>>[vector<16xi32>], vector<16xi32>,
        %shift_left3A_583 = arith.constant 6 : i32
        %shift_left3A_584 = vector.broadcast %shift_left3A_583 : i32 to vector<16xi32>
        %shift_left3A_585 = arith.shli %add3A_577, %shift_left3A_584 : vector<16xi32>
        %and3A_586 = arith.constant 15 : i32
        %and3A_587 = vector.broadcast %and3A_586 : i32 to vector<16xi32>
        %and3A_588 = arith.andi %gather3A_582, %and3A_587 : vector<16xi32>
        %add3A_589 = arith.addi %shift_left3A_585, %and3A_588 : vector<16xi32>
        %add3A_590 = arith.addi %add3A_589, %sub3A_76 : vector<16xi32>
        %shift_right_arithmetic3A_591 = arith.constant 4 : i32
        %shift_right_arithmetic3A_592 = vector.broadcast %shift_right_arithmetic3A_591 : i32 to vector<16xi32>
        %shift_right_arithmetic3A_593 = arith.shrsi %add3A_590, %shift_right_arithmetic3A_592 : vector<16xi32>
        %and3A_594 = arith.constant 15 : i32
        %and3A_595 = vector.broadcast %and3A_594 : i32 to vector<16xi32>
        %and3A_596 = arith.andi %add3A_590, %and3A_595 : vector<16xi32>
        %gather3A_597 = tpu.vector_load_idx %arg9[%shift_right_arithmetic3A_593, %and3A_596] : memref<1664x16xf32, #tpu.memory_space<vmem>>[vector<16xi32>, vector<16xi32>], vector<16xf32>,
        %mul3A_598 = arith.constant 400 : i32
        %mul3A_599 = arith.muli %scan3A_456, %mul3A_598 : i32
        %add3A_600 = arith.constant 64 : i32
        %add3A_601 = arith.addi %mul3A_599, %add3A_600 : i32
        %swap3A_602 = arith.index_cast %add3A_601 : i32 to index
        %swap3A_603 = tpu.vector_load %arg11[%swap3A_602] {strides = array<i32>} : memref<20800xf32, #tpu.memory_space<vmem>>, vector<16xf32>,
        tpu.vector_store %arg11[%swap3A_602], %gather3A_597 {strides = array<i32>} : memref<20800xf32, #tpu.memory_space<vmem>>, vector<16xf32>,
        %mul3A_604 = arith.constant 8 : i32
        %mul3A_605 = arith.muli %scan3A_456, %mul3A_604 : i32
        %add3A_606 = vector.broadcast %mul3A_605 : i32 to vector<16xi32>
        %add3A_607 = arith.addi %add3A_606, %add3A_83 : vector<16xi32>
        %mul3A_608 = arith.constant 416 : i32
        %mul3A_609 = arith.muli %add3A_443, %mul3A_608 : i32
        %add3A_610 = vector.broadcast %mul3A_609 : i32 to vector<16xi32>
        %add3A_611 = arith.addi %add3A_610, %add3A_607 : vector<16xi32>
        %gather3A_612 = tpu.vector_load_idx %arg5[%add3A_611] : memref<13312xi32, #tpu.memory_space<vmem>>[vector<16xi32>], vector<16xi32>,
        %shift_left3A_613 = arith.constant 6 : i32
        %shift_left3A_614 = vector.broadcast %shift_left3A_613 : i32 to vector<16xi32>
        %shift_left3A_615 = arith.shli %add3A_607, %shift_left3A_614 : vector<16xi32>
        %and3A_616 = arith.constant 15 : i32
        %and3A_617 = vector.broadcast %and3A_616 : i32 to vector<16xi32>
        %and3A_618 = arith.andi %gather3A_612, %and3A_617 : vector<16xi32>
        %add3A_619 = arith.addi %shift_left3A_615, %and3A_618 : vector<16xi32>
        %add3A_620 = arith.addi %add3A_619, %sub3A_90 : vector<16xi32>
        %shift_right_arithmetic3A_621 = arith.constant 4 : i32
        %shift_right_arithmetic3A_622 = vector.broadcast %shift_right_arithmetic3A_621 : i32 to vector<16xi32>
        %shift_right_arithmetic3A_623 = arith.shrsi %add3A_620, %shift_right_arithmetic3A_622 : vector<16xi32>
        %and3A_624 = arith.constant 15 : i32
        %and3A_625 = vector.broadcast %and3A_624 : i32 to vector<16xi32>
        %and3A_626 = arith.andi %add3A_620, %and3A_625 : vector<16xi32>
        %gather3A_627 = tpu.vector_load_idx %arg9[%shift_right_arithmetic3A_623, %and3A_626] : memref<1664x16xf32, #tpu.memory_space<vmem>>[vector<16xi32>, vector<16xi32>], vector<16xf32>,
        %mul3A_628 = arith.constant 400 : i32
        %mul3A_629 = arith.muli %scan3A_456, %mul3A_628 : i32
        %add3A_630 = arith.constant 80 : i32
        %add3A_631 = arith.addi %mul3A_629, %add3A_630 : i32
        %swap3A_632 = arith.index_cast %add3A_631 : i32 to index
        %swap3A_633 = tpu.vector_load %arg11[%swap3A_632] {strides = array<i32>} : memref<20800xf32, #tpu.memory_space<vmem>>, vector<16xf32>,
        tpu.vector_store %arg11[%swap3A_632], %gather3A_627 {strides = array<i32>} : memref<20800xf32, #tpu.memory_space<vmem>>, vector<16xf32>,
        %mul3A_634 = arith.constant 8 : i32
        %mul3A_635 = arith.muli %scan3A_456, %mul3A_634 : i32
        %add3A_636 = vector.broadcast %mul3A_635 : i32 to vector<16xi32>
        %add3A_637 = arith.addi %add3A_636, %add3A_97 : vector<16xi32>
        %mul3A_638 = arith.constant 416 : i32
        %mul3A_639 = arith.muli %add3A_443, %mul3A_638 : i32
        %add3A_640 = vector.broadcast %mul3A_639 : i32 to vector<16xi32>
        %add3A_641 = arith.addi %add3A_640, %add3A_637 : vector<16xi32>
        %gather3A_642 = tpu.vector_load_idx %arg5[%add3A_641] : memref<13312xi32, #tpu.memory_space<vmem>>[vector<16xi32>], vector<16xi32>,
        %shift_left3A_643 = arith.constant 6 : i32
        %shift_left3A_644 = vector.broadcast %shift_left3A_643 : i32 to vector<16xi32>
        %shift_left3A_645 = arith.shli %add3A_637, %shift_left3A_644 : vector<16xi32>
        %and3A_646 = arith.constant 15 : i32
        %and3A_647 = vector.broadcast %and3A_646 : i32 to vector<16xi32>
        %and3A_648 = arith.andi %gather3A_642, %and3A_647 : vector<16xi32>
        %add3A_649 = arith.addi %shift_left3A_645, %and3A_648 : vector<16xi32>
        %add3A_650 = arith.addi %add3A_649, %sub3A_104 : vector<16xi32>
        %shift_right_arithmetic3A_651 = arith.constant 4 : i32
        %shift_right_arithmetic3A_652 = vector.broadcast %shift_right_arithmetic3A_651 : i32 to vector<16xi32>
        %shift_right_arithmetic3A_653 = arith.shrsi %add3A_650, %shift_right_arithmetic3A_652 : vector<16xi32>
        %and3A_654 = arith.constant 15 : i32
        %and3A_655 = vector.broadcast %and3A_654 : i32 to vector<16xi32>
        %and3A_656 = arith.andi %add3A_650, %and3A_655 : vector<16xi32>
        %gather3A_657 = tpu.vector_load_idx %arg9[%shift_right_arithmetic3A_653, %and3A_656] : memref<1664x16xf32, #tpu.memory_space<vmem>>[vector<16xi32>, vector<16xi32>], vector<16xf32>,
        %mul3A_658 = arith.constant 400 : i32
        %mul3A_659 = arith.muli %scan3A_456, %mul3A_658 : i32
        %add3A_660 = arith.constant 96 : i32
        %add3A_661 = arith.addi %mul3A_659, %add3A_660 : i32
        %swap3A_662 = arith.index_cast %add3A_661 : i32 to index
        %swap3A_663 = tpu.vector_load %arg11[%swap3A_662] {strides = array<i32>} : memref<20800xf32, #tpu.memory_space<vmem>>, vector<16xf32>,
        tpu.vector_store %arg11[%swap3A_662], %gather3A_657 {strides = array<i32>} : memref<20800xf32, #tpu.memory_space<vmem>>, vector<16xf32>,
        %mul3A_664 = arith.constant 8 : i32
        %mul3A_665 = arith.muli %scan3A_456, %mul3A_664 : i32
        %add3A_666 = vector.broadcast %mul3A_665 : i32 to vector<16xi32>
        %add3A_667 = arith.addi %add3A_666, %add3A_111 : vector<16xi32>
        %mul3A_668 = arith.constant 416 : i32
        %mul3A_669 = arith.muli %add3A_443, %mul3A_668 : i32
        %add3A_670 = vector.broadcast %mul3A_669 : i32 to vector<16xi32>
        %add3A_671 = arith.addi %add3A_670, %add3A_667 : vector<16xi32>
        %gather3A_672 = tpu.vector_load_idx %arg5[%add3A_671] : memref<13312xi32, #tpu.memory_space<vmem>>[vector<16xi32>], vector<16xi32>,
        %shift_left3A_673 = arith.constant 6 : i32
        %shift_left3A_674 = vector.broadcast %shift_left3A_673 : i32 to vector<16xi32>
        %shift_left3A_675 = arith.shli %add3A_667, %shift_left3A_674 : vector<16xi32>
        %and3A_676 = arith.constant 15 : i32
        %and3A_677 = vector.broadcast %and3A_676 : i32 to vector<16xi32>
        %and3A_678 = arith.andi %gather3A_672, %and3A_677 : vector<16xi32>
        %add3A_679 = arith.addi %shift_left3A_675, %and3A_678 : vector<16xi32>
        %add3A_680 = arith.addi %add3A_679, %sub3A_118 : vector<16xi32>
        %shift_right_arithmetic3A_681 = arith.constant 4 : i32
        %shift_right_arithmetic3A_682 = vector.broadcast %shift_right_arithmetic3A_681 : i32 to vector<16xi32>
        %shift_right_arithmetic3A_683 = arith.shrsi %add3A_680, %shift_right_arithmetic3A_682 : vector<16xi32>
        %and3A_684 = arith.constant 15 : i32
        %and3A_685 = vector.broadcast %and3A_684 : i32 to vector<16xi32>
        %and3A_686 = arith.andi %add3A_680, %and3A_685 : vector<16xi32>
        %gather3A_687 = tpu.vector_load_idx %arg9[%shift_right_arithmetic3A_683, %and3A_686] : memref<1664x16xf32, #tpu.memory_space<vmem>>[vector<16xi32>, vector<16xi32>], vector<16xf32>,
        %mul3A_688 = arith.constant 400 : i32
        %mul3A_689 = arith.muli %scan3A_456, %mul3A_688 : i32
        %add3A_690 = arith.constant 112 : i32
        %add3A_691 = arith.addi %mul3A_689, %add3A_690 : i32
        %swap3A_692 = arith.index_cast %add3A_691 : i32 to index
        %swap3A_693 = tpu.vector_load %arg11[%swap3A_692] {strides = array<i32>} : memref<20800xf32, #tpu.memory_space<vmem>>, vector<16xf32>,
        tpu.vector_store %arg11[%swap3A_692], %gather3A_687 {strides = array<i32>} : memref<20800xf32, #tpu.memory_space<vmem>>, vector<16xf32>,
        %mul3A_694 = arith.constant 8 : i32
        %mul3A_695 = arith.muli %scan3A_456, %mul3A_694 : i32
        %add3A_696 = vector.broadcast %mul3A_695 : i32 to vector<16xi32>
        %add3A_697 = arith.addi %add3A_696, %add3A_125 : vector<16xi32>
        %mul3A_698 = arith.constant 416 : i32
        %mul3A_699 = arith.muli %add3A_443, %mul3A_698 : i32
        %add3A_700 = vector.broadcast %mul3A_699 : i32 to vector<16xi32>
        %add3A_701 = arith.addi %add3A_700, %add3A_697 : vector<16xi32>
        %gather3A_702 = tpu.vector_load_idx %arg5[%add3A_701] : memref<13312xi32, #tpu.memory_space<vmem>>[vector<16xi32>], vector<16xi32>,
        %shift_left3A_703 = arith.constant 6 : i32
        %shift_left3A_704 = vector.broadcast %shift_left3A_703 : i32 to vector<16xi32>
        %shift_left3A_705 = arith.shli %add3A_697, %shift_left3A_704 : vector<16xi32>
        %and3A_706 = arith.constant 15 : i32
        %and3A_707 = vector.broadcast %and3A_706 : i32 to vector<16xi32>
        %and3A_708 = arith.andi %gather3A_702, %and3A_707 : vector<16xi32>
        %add3A_709 = arith.addi %shift_left3A_705, %and3A_708 : vector<16xi32>
        %add3A_710 = arith.addi %add3A_709, %sub3A_132 : vector<16xi32>
        %shift_right_arithmetic3A_711 = arith.constant 4 : i32
        %shift_right_arithmetic3A_712 = vector.broadcast %shift_right_arithmetic3A_711 : i32 to vector<16xi32>
        %shift_right_arithmetic3A_713 = arith.shrsi %add3A_710, %shift_right_arithmetic3A_712 : vector<16xi32>
        %and3A_714 = arith.constant 15 : i32
        %and3A_715 = vector.broadcast %and3A_714 : i32 to vector<16xi32>
        %and3A_716 = arith.andi %add3A_710, %and3A_715 : vector<16xi32>
        %gather3A_717 = tpu.vector_load_idx %arg9[%shift_right_arithmetic3A_713, %and3A_716] : memref<1664x16xf32, #tpu.memory_space<vmem>>[vector<16xi32>, vector<16xi32>], vector<16xf32>,
        %mul3A_718 = arith.constant 400 : i32
        %mul3A_719 = arith.muli %scan3A_456, %mul3A_718 : i32
        %add3A_720 = arith.constant 128 : i32
        %add3A_721 = arith.addi %mul3A_719, %add3A_720 : i32
        %swap3A_722 = arith.index_cast %add3A_721 : i32 to index
        %swap3A_723 = tpu.vector_load %arg11[%swap3A_722] {strides = array<i32>} : memref<20800xf32, #tpu.memory_space<vmem>>, vector<16xf32>,
        tpu.vector_store %arg11[%swap3A_722], %gather3A_717 {strides = array<i32>} : memref<20800xf32, #tpu.memory_space<vmem>>, vector<16xf32>,
        %mul3A_724 = arith.constant 8 : i32
        %mul3A_725 = arith.muli %scan3A_456, %mul3A_724 : i32
        %add3A_726 = vector.broadcast %mul3A_725 : i32 to vector<16xi32>
        %add3A_727 = arith.addi %add3A_726, %add3A_139 : vector<16xi32>
        %mul3A_728 = arith.constant 416 : i32
        %mul3A_729 = arith.muli %add3A_443, %mul3A_728 : i32
        %add3A_730 = vector.broadcast %mul3A_729 : i32 to vector<16xi32>
        %add3A_731 = arith.addi %add3A_730, %add3A_727 : vector<16xi32>
        %gather3A_732 = tpu.vector_load_idx %arg5[%add3A_731] : memref<13312xi32, #tpu.memory_space<vmem>>[vector<16xi32>], vector<16xi32>,
        %shift_left3A_733 = arith.constant 6 : i32
        %shift_left3A_734 = vector.broadcast %shift_left3A_733 : i32 to vector<16xi32>
        %shift_left3A_735 = arith.shli %add3A_727, %shift_left3A_734 : vector<16xi32>
        %and3A_736 = arith.constant 15 : i32
        %and3A_737 = vector.broadcast %and3A_736 : i32 to vector<16xi32>
        %and3A_738 = arith.andi %gather3A_732, %and3A_737 : vector<16xi32>
        %add3A_739 = arith.addi %shift_left3A_735, %and3A_738 : vector<16xi32>
        %add3A_740 = arith.addi %add3A_739, %sub3A_146 : vector<16xi32>
        %shift_right_arithmetic3A_741 = arith.constant 4 : i32
        %shift_right_arithmetic3A_742 = vector.broadcast %shift_right_arithmetic3A_741 : i32 to vector<16xi32>
        %shift_right_arithmetic3A_743 = arith.shrsi %add3A_740, %shift_right_arithmetic3A_742 : vector<16xi32>
        %and3A_744 = arith.constant 15 : i32
        %and3A_745 = vector.broadcast %and3A_744 : i32 to vector<16xi32>
        %and3A_746 = arith.andi %add3A_740, %and3A_745 : vector<16xi32>
        %gather3A_747 = tpu.vector_load_idx %arg9[%shift_right_arithmetic3A_743, %and3A_746] : memref<1664x16xf32, #tpu.memory_space<vmem>>[vector<16xi32>, vector<16xi32>], vector<16xf32>,
        %mul3A_748 = arith.constant 400 : i32
        %mul3A_749 = arith.muli %scan3A_456, %mul3A_748 : i32
        %add3A_750 = arith.constant 144 : i32
        %add3A_751 = arith.addi %mul3A_749, %add3A_750 : i32
        %swap3A_752 = arith.index_cast %add3A_751 : i32 to index
        %swap3A_753 = tpu.vector_load %arg11[%swap3A_752] {strides = array<i32>} : memref<20800xf32, #tpu.memory_space<vmem>>, vector<16xf32>,
        tpu.vector_store %arg11[%swap3A_752], %gather3A_747 {strides = array<i32>} : memref<20800xf32, #tpu.memory_space<vmem>>, vector<16xf32>,
        %mul3A_754 = arith.constant 8 : i32
        %mul3A_755 = arith.muli %scan3A_456, %mul3A_754 : i32
        %add3A_756 = vector.broadcast %mul3A_755 : i32 to vector<16xi32>
        %add3A_757 = arith.addi %add3A_756, %add3A_153 : vector<16xi32>
        %mul3A_758 = arith.constant 416 : i32
        %mul3A_759 = arith.muli %add3A_443, %mul3A_758 : i32
        %add3A_760 = vector.broadcast %mul3A_759 : i32 to vector<16xi32>
        %add3A_761 = arith.addi %add3A_760, %add3A_757 : vector<16xi32>
        %gather3A_762 = tpu.vector_load_idx %arg5[%add3A_761] : memref<13312xi32, #tpu.memory_space<vmem>>[vector<16xi32>], vector<16xi32>,
        %shift_left3A_763 = arith.constant 6 : i32
        %shift_left3A_764 = vector.broadcast %shift_left3A_763 : i32 to vector<16xi32>
        %shift_left3A_765 = arith.shli %add3A_757, %shift_left3A_764 : vector<16xi32>
        %and3A_766 = arith.constant 15 : i32
        %and3A_767 = vector.broadcast %and3A_766 : i32 to vector<16xi32>
        %and3A_768 = arith.andi %gather3A_762, %and3A_767 : vector<16xi32>
        %add3A_769 = arith.addi %shift_left3A_765, %and3A_768 : vector<16xi32>
        %add3A_770 = arith.addi %add3A_769, %sub3A_160 : vector<16xi32>
        %shift_right_arithmetic3A_771 = arith.constant 4 : i32
        %shift_right_arithmetic3A_772 = vector.broadcast %shift_right_arithmetic3A_771 : i32 to vector<16xi32>
        %shift_right_arithmetic3A_773 = arith.shrsi %add3A_770, %shift_right_arithmetic3A_772 : vector<16xi32>
        %and3A_774 = arith.constant 15 : i32
        %and3A_775 = vector.broadcast %and3A_774 : i32 to vector<16xi32>
        %and3A_776 = arith.andi %add3A_770, %and3A_775 : vector<16xi32>
        %gather3A_777 = tpu.vector_load_idx %arg9[%shift_right_arithmetic3A_773, %and3A_776] : memref<1664x16xf32, #tpu.memory_space<vmem>>[vector<16xi32>, vector<16xi32>], vector<16xf32>,
        %mul3A_778 = arith.constant 400 : i32
        %mul3A_779 = arith.muli %scan3A_456, %mul3A_778 : i32
        %add3A_780 = arith.constant 160 : i32
        %add3A_781 = arith.addi %mul3A_779, %add3A_780 : i32
        %swap3A_782 = arith.index_cast %add3A_781 : i32 to index
        %swap3A_783 = tpu.vector_load %arg11[%swap3A_782] {strides = array<i32>} : memref<20800xf32, #tpu.memory_space<vmem>>, vector<16xf32>,
        tpu.vector_store %arg11[%swap3A_782], %gather3A_777 {strides = array<i32>} : memref<20800xf32, #tpu.memory_space<vmem>>, vector<16xf32>,
        %mul3A_784 = arith.constant 8 : i32
        %mul3A_785 = arith.muli %scan3A_456, %mul3A_784 : i32
        %add3A_786 = vector.broadcast %mul3A_785 : i32 to vector<16xi32>
        %add3A_787 = arith.addi %add3A_786, %add3A_167 : vector<16xi32>
        %mul3A_788 = arith.constant 416 : i32
        %mul3A_789 = arith.muli %add3A_443, %mul3A_788 : i32
        %add3A_790 = vector.broadcast %mul3A_789 : i32 to vector<16xi32>
        %add3A_791 = arith.addi %add3A_790, %add3A_787 : vector<16xi32>
        %gather3A_792 = tpu.vector_load_idx %arg5[%add3A_791] : memref<13312xi32, #tpu.memory_space<vmem>>[vector<16xi32>], vector<16xi32>,
        %shift_left3A_793 = arith.constant 6 : i32
        %shift_left3A_794 = vector.broadcast %shift_left3A_793 : i32 to vector<16xi32>
        %shift_left3A_795 = arith.shli %add3A_787, %shift_left3A_794 : vector<16xi32>
        %and3A_796 = arith.constant 15 : i32
        %and3A_797 = vector.broadcast %and3A_796 : i32 to vector<16xi32>
        %and3A_798 = arith.andi %gather3A_792, %and3A_797 : vector<16xi32>
        %add3A_799 = arith.addi %shift_left3A_795, %and3A_798 : vector<16xi32>
        %add3A_800 = arith.addi %add3A_799, %sub3A_174 : vector<16xi32>
        %shift_right_arithmetic3A_801 = arith.constant 4 : i32
        %shift_right_arithmetic3A_802 = vector.broadcast %shift_right_arithmetic3A_801 : i32 to vector<16xi32>
        %shift_right_arithmetic3A_803 = arith.shrsi %add3A_800, %shift_right_arithmetic3A_802 : vector<16xi32>
        %and3A_804 = arith.constant 15 : i32
        %and3A_805 = vector.broadcast %and3A_804 : i32 to vector<16xi32>
        %and3A_806 = arith.andi %add3A_800, %and3A_805 : vector<16xi32>
        %gather3A_807 = tpu.vector_load_idx %arg9[%shift_right_arithmetic3A_803, %and3A_806] : memref<1664x16xf32, #tpu.memory_space<vmem>>[vector<16xi32>, vector<16xi32>], vector<16xf32>,
        %mul3A_808 = arith.constant 400 : i32
        %mul3A_809 = arith.muli %scan3A_456, %mul3A_808 : i32
        %add3A_810 = arith.constant 176 : i32
        %add3A_811 = arith.addi %mul3A_809, %add3A_810 : i32
        %swap3A_812 = arith.index_cast %add3A_811 : i32 to index
        %swap3A_813 = tpu.vector_load %arg11[%swap3A_812] {strides = array<i32>} : memref<20800xf32, #tpu.memory_space<vmem>>, vector<16xf32>,
        tpu.vector_store %arg11[%swap3A_812], %gather3A_807 {strides = array<i32>} : memref<20800xf32, #tpu.memory_space<vmem>>, vector<16xf32>,
        %mul3A_814 = arith.constant 8 : i32
        %mul3A_815 = arith.muli %scan3A_456, %mul3A_814 : i32
        %add3A_816 = vector.broadcast %mul3A_815 : i32 to vector<16xi32>
        %add3A_817 = arith.addi %add3A_816, %add3A_181 : vector<16xi32>
        %mul3A_818 = arith.constant 416 : i32
        %mul3A_819 = arith.muli %add3A_443, %mul3A_818 : i32
        %add3A_820 = vector.broadcast %mul3A_819 : i32 to vector<16xi32>
        %add3A_821 = arith.addi %add3A_820, %add3A_817 : vector<16xi32>
        %gather3A_822 = tpu.vector_load_idx %arg5[%add3A_821] : memref<13312xi32, #tpu.memory_space<vmem>>[vector<16xi32>], vector<16xi32>,
        %shift_left3A_823 = arith.constant 6 : i32
        %shift_left3A_824 = vector.broadcast %shift_left3A_823 : i32 to vector<16xi32>
        %shift_left3A_825 = arith.shli %add3A_817, %shift_left3A_824 : vector<16xi32>
        %and3A_826 = arith.constant 15 : i32
        %and3A_827 = vector.broadcast %and3A_826 : i32 to vector<16xi32>
        %and3A_828 = arith.andi %gather3A_822, %and3A_827 : vector<16xi32>
        %add3A_829 = arith.addi %shift_left3A_825, %and3A_828 : vector<16xi32>
        %add3A_830 = arith.addi %add3A_829, %sub3A_188 : vector<16xi32>
        %shift_right_arithmetic3A_831 = arith.constant 4 : i32
        %shift_right_arithmetic3A_832 = vector.broadcast %shift_right_arithmetic3A_831 : i32 to vector<16xi32>
        %shift_right_arithmetic3A_833 = arith.shrsi %add3A_830, %shift_right_arithmetic3A_832 : vector<16xi32>
        %and3A_834 = arith.constant 15 : i32
        %and3A_835 = vector.broadcast %and3A_834 : i32 to vector<16xi32>
        %and3A_836 = arith.andi %add3A_830, %and3A_835 : vector<16xi32>
        %gather3A_837 = tpu.vector_load_idx %arg9[%shift_right_arithmetic3A_833, %and3A_836] : memref<1664x16xf32, #tpu.memory_space<vmem>>[vector<16xi32>, vector<16xi32>], vector<16xf32>,
        %mul3A_838 = arith.constant 400 : i32
        %mul3A_839 = arith.muli %scan3A_456, %mul3A_838 : i32
        %add3A_840 = arith.constant 192 : i32
        %add3A_841 = arith.addi %mul3A_839, %add3A_840 : i32
        %swap3A_842 = arith.index_cast %add3A_841 : i32 to index
        %swap3A_843 = tpu.vector_load %arg11[%swap3A_842] {strides = array<i32>} : memref<20800xf32, #tpu.memory_space<vmem>>, vector<16xf32>,
        tpu.vector_store %arg11[%swap3A_842], %gather3A_837 {strides = array<i32>} : memref<20800xf32, #tpu.memory_space<vmem>>, vector<16xf32>,
        %mul3A_844 = arith.constant 8 : i32
        %mul3A_845 = arith.muli %scan3A_456, %mul3A_844 : i32
        %add3A_846 = vector.broadcast %mul3A_845 : i32 to vector<16xi32>
        %add3A_847 = arith.addi %add3A_846, %add3A_195 : vector<16xi32>
        %mul3A_848 = arith.constant 416 : i32
        %mul3A_849 = arith.muli %add3A_443, %mul3A_848 : i32
        %add3A_850 = vector.broadcast %mul3A_849 : i32 to vector<16xi32>
        %add3A_851 = arith.addi %add3A_850, %add3A_847 : vector<16xi32>
        %gather3A_852 = tpu.vector_load_idx %arg5[%add3A_851] : memref<13312xi32, #tpu.memory_space<vmem>>[vector<16xi32>], vector<16xi32>,
        %shift_left3A_853 = arith.constant 6 : i32
        %shift_left3A_854 = vector.broadcast %shift_left3A_853 : i32 to vector<16xi32>
        %shift_left3A_855 = arith.shli %add3A_847, %shift_left3A_854 : vector<16xi32>
        %and3A_856 = arith.constant 15 : i32
        %and3A_857 = vector.broadcast %and3A_856 : i32 to vector<16xi32>
        %and3A_858 = arith.andi %gather3A_852, %and3A_857 : vector<16xi32>
        %add3A_859 = arith.addi %shift_left3A_855, %and3A_858 : vector<16xi32>
        %add3A_860 = arith.addi %add3A_859, %sub3A_202 : vector<16xi32>
        %shift_right_arithmetic3A_861 = arith.constant 4 : i32
        %shift_right_arithmetic3A_862 = vector.broadcast %shift_right_arithmetic3A_861 : i32 to vector<16xi32>
        %shift_right_arithmetic3A_863 = arith.shrsi %add3A_860, %shift_right_arithmetic3A_862 : vector<16xi32>
        %and3A_864 = arith.constant 15 : i32
        %and3A_865 = vector.broadcast %and3A_864 : i32 to vector<16xi32>
        %and3A_866 = arith.andi %add3A_860, %and3A_865 : vector<16xi32>
        %gather3A_867 = tpu.vector_load_idx %arg9[%shift_right_arithmetic3A_863, %and3A_866] : memref<1664x16xf32, #tpu.memory_space<vmem>>[vector<16xi32>, vector<16xi32>], vector<16xf32>,
        %mul3A_868 = arith.constant 400 : i32
        %mul3A_869 = arith.muli %scan3A_456, %mul3A_868 : i32
        %add3A_870 = arith.constant 208 : i32
        %add3A_871 = arith.addi %mul3A_869, %add3A_870 : i32
        %swap3A_872 = arith.index_cast %add3A_871 : i32 to index
        %swap3A_873 = tpu.vector_load %arg11[%swap3A_872] {strides = array<i32>} : memref<20800xf32, #tpu.memory_space<vmem>>, vector<16xf32>,
        tpu.vector_store %arg11[%swap3A_872], %gather3A_867 {strides = array<i32>} : memref<20800xf32, #tpu.memory_space<vmem>>, vector<16xf32>,
        %mul3A_874 = arith.constant 8 : i32
        %mul3A_875 = arith.muli %scan3A_456, %mul3A_874 : i32
        %add3A_876 = vector.broadcast %mul3A_875 : i32 to vector<16xi32>
        %add3A_877 = arith.addi %add3A_876, %add3A_209 : vector<16xi32>
        %mul3A_878 = arith.constant 416 : i32
        %mul3A_879 = arith.muli %add3A_443, %mul3A_878 : i32
        %add3A_880 = vector.broadcast %mul3A_879 : i32 to vector<16xi32>
        %add3A_881 = arith.addi %add3A_880, %add3A_877 : vector<16xi32>
        %gather3A_882 = tpu.vector_load_idx %arg5[%add3A_881] : memref<13312xi32, #tpu.memory_space<vmem>>[vector<16xi32>], vector<16xi32>,
        %shift_left3A_883 = arith.constant 6 : i32
        %shift_left3A_884 = vector.broadcast %shift_left3A_883 : i32 to vector<16xi32>
        %shift_left3A_885 = arith.shli %add3A_877, %shift_left3A_884 : vector<16xi32>
        %and3A_886 = arith.constant 15 : i32
        %and3A_887 = vector.broadcast %and3A_886 : i32 to vector<16xi32>
        %and3A_888 = arith.andi %gather3A_882, %and3A_887 : vector<16xi32>
        %add3A_889 = arith.addi %shift_left3A_885, %and3A_888 : vector<16xi32>
        %add3A_890 = arith.addi %add3A_889, %sub3A_216 : vector<16xi32>
        %shift_right_arithmetic3A_891 = arith.constant 4 : i32
        %shift_right_arithmetic3A_892 = vector.broadcast %shift_right_arithmetic3A_891 : i32 to vector<16xi32>
        %shift_right_arithmetic3A_893 = arith.shrsi %add3A_890, %shift_right_arithmetic3A_892 : vector<16xi32>
        %and3A_894 = arith.constant 15 : i32
        %and3A_895 = vector.broadcast %and3A_894 : i32 to vector<16xi32>
        %and3A_896 = arith.andi %add3A_890, %and3A_895 : vector<16xi32>
        %gather3A_897 = tpu.vector_load_idx %arg9[%shift_right_arithmetic3A_893, %and3A_896] : memref<1664x16xf32, #tpu.memory_space<vmem>>[vector<16xi32>, vector<16xi32>], vector<16xf32>,
        %mul3A_898 = arith.constant 400 : i32
        %mul3A_899 = arith.muli %scan3A_456, %mul3A_898 : i32
        %add3A_900 = arith.constant 224 : i32
        %add3A_901 = arith.addi %mul3A_899, %add3A_900 : i32
        %swap3A_902 = arith.index_cast %add3A_901 : i32 to index
        %swap3A_903 = tpu.vector_load %arg11[%swap3A_902] {strides = array<i32>} : memref<20800xf32, #tpu.memory_space<vmem>>, vector<16xf32>,
        tpu.vector_store %arg11[%swap3A_902], %gather3A_897 {strides = array<i32>} : memref<20800xf32, #tpu.memory_space<vmem>>, vector<16xf32>,
        %mul3A_904 = arith.constant 8 : i32
        %mul3A_905 = arith.muli %scan3A_456, %mul3A_904 : i32
        %add3A_906 = vector.broadcast %mul3A_905 : i32 to vector<16xi32>
        %add3A_907 = arith.addi %add3A_906, %add3A_223 : vector<16xi32>
        %mul3A_908 = arith.constant 416 : i32
        %mul3A_909 = arith.muli %add3A_443, %mul3A_908 : i32
        %add3A_910 = vector.broadcast %mul3A_909 : i32 to vector<16xi32>
        %add3A_911 = arith.addi %add3A_910, %add3A_907 : vector<16xi32>
        %gather3A_912 = tpu.vector_load_idx %arg5[%add3A_911] : memref<13312xi32, #tpu.memory_space<vmem>>[vector<16xi32>], vector<16xi32>,
        %shift_left3A_913 = arith.constant 6 : i32
        %shift_left3A_914 = vector.broadcast %shift_left3A_913 : i32 to vector<16xi32>
        %shift_left3A_915 = arith.shli %add3A_907, %shift_left3A_914 : vector<16xi32>
        %and3A_916 = arith.constant 15 : i32
        %and3A_917 = vector.broadcast %and3A_916 : i32 to vector<16xi32>
        %and3A_918 = arith.andi %gather3A_912, %and3A_917 : vector<16xi32>
        %add3A_919 = arith.addi %shift_left3A_915, %and3A_918 : vector<16xi32>
        %add3A_920 = arith.addi %add3A_919, %sub3A_230 : vector<16xi32>
        %shift_right_arithmetic3A_921 = arith.constant 4 : i32
        %shift_right_arithmetic3A_922 = vector.broadcast %shift_right_arithmetic3A_921 : i32 to vector<16xi32>
        %shift_right_arithmetic3A_923 = arith.shrsi %add3A_920, %shift_right_arithmetic3A_922 : vector<16xi32>
        %and3A_924 = arith.constant 15 : i32
        %and3A_925 = vector.broadcast %and3A_924 : i32 to vector<16xi32>
        %and3A_926 = arith.andi %add3A_920, %and3A_925 : vector<16xi32>
        %gather3A_927 = tpu.vector_load_idx %arg9[%shift_right_arithmetic3A_923, %and3A_926] : memref<1664x16xf32, #tpu.memory_space<vmem>>[vector<16xi32>, vector<16xi32>], vector<16xf32>,
        %mul3A_928 = arith.constant 400 : i32
        %mul3A_929 = arith.muli %scan3A_456, %mul3A_928 : i32
        %add3A_930 = arith.constant 240 : i32
        %add3A_931 = arith.addi %mul3A_929, %add3A_930 : i32
        %swap3A_932 = arith.index_cast %add3A_931 : i32 to index
        %swap3A_933 = tpu.vector_load %arg11[%swap3A_932] {strides = array<i32>} : memref<20800xf32, #tpu.memory_space<vmem>>, vector<16xf32>,
        tpu.vector_store %arg11[%swap3A_932], %gather3A_927 {strides = array<i32>} : memref<20800xf32, #tpu.memory_space<vmem>>, vector<16xf32>,
        %mul3A_934 = arith.constant 8 : i32
        %mul3A_935 = arith.muli %scan3A_456, %mul3A_934 : i32
        %add3A_936 = vector.broadcast %mul3A_935 : i32 to vector<16xi32>
        %add3A_937 = arith.addi %add3A_936, %add3A_237 : vector<16xi32>
        %mul3A_938 = arith.constant 416 : i32
        %mul3A_939 = arith.muli %add3A_443, %mul3A_938 : i32
        %add3A_940 = vector.broadcast %mul3A_939 : i32 to vector<16xi32>
        %add3A_941 = arith.addi %add3A_940, %add3A_937 : vector<16xi32>
        %gather3A_942 = tpu.vector_load_idx %arg5[%add3A_941] : memref<13312xi32, #tpu.memory_space<vmem>>[vector<16xi32>], vector<16xi32>,
        %shift_left3A_943 = arith.constant 6 : i32
        %shift_left3A_944 = vector.broadcast %shift_left3A_943 : i32 to vector<16xi32>
        %shift_left3A_945 = arith.shli %add3A_937, %shift_left3A_944 : vector<16xi32>
        %and3A_946 = arith.constant 15 : i32
        %and3A_947 = vector.broadcast %and3A_946 : i32 to vector<16xi32>
        %and3A_948 = arith.andi %gather3A_942, %and3A_947 : vector<16xi32>
        %add3A_949 = arith.addi %shift_left3A_945, %and3A_948 : vector<16xi32>
        %add3A_950 = arith.addi %add3A_949, %sub3A_244 : vector<16xi32>
        %shift_right_arithmetic3A_951 = arith.constant 4 : i32
        %shift_right_arithmetic3A_952 = vector.broadcast %shift_right_arithmetic3A_951 : i32 to vector<16xi32>
        %shift_right_arithmetic3A_953 = arith.shrsi %add3A_950, %shift_right_arithmetic3A_952 : vector<16xi32>
        %and3A_954 = arith.constant 15 : i32
        %and3A_955 = vector.broadcast %and3A_954 : i32 to vector<16xi32>
        %and3A_956 = arith.andi %add3A_950, %and3A_955 : vector<16xi32>
        %gather3A_957 = tpu.vector_load_idx %arg9[%shift_right_arithmetic3A_953, %and3A_956] : memref<1664x16xf32, #tpu.memory_space<vmem>>[vector<16xi32>, vector<16xi32>], vector<16xf32>,
        %mul3A_958 = arith.constant 400 : i32
        %mul3A_959 = arith.muli %scan3A_456, %mul3A_958 : i32
        %add3A_960 = arith.constant 256 : i32
        %add3A_961 = arith.addi %mul3A_959, %add3A_960 : i32
        %swap3A_962 = arith.index_cast %add3A_961 : i32 to index
        %swap3A_963 = tpu.vector_load %arg11[%swap3A_962] {strides = array<i32>} : memref<20800xf32, #tpu.memory_space<vmem>>, vector<16xf32>,
        tpu.vector_store %arg11[%swap3A_962], %gather3A_957 {strides = array<i32>} : memref<20800xf32, #tpu.memory_space<vmem>>, vector<16xf32>,
        %mul3A_964 = arith.constant 8 : i32
        %mul3A_965 = arith.muli %scan3A_456, %mul3A_964 : i32
        %add3A_966 = vector.broadcast %mul3A_965 : i32 to vector<16xi32>
        %add3A_967 = arith.addi %add3A_966, %add3A_251 : vector<16xi32>
        %mul3A_968 = arith.constant 416 : i32
        %mul3A_969 = arith.muli %add3A_443, %mul3A_968 : i32
        %add3A_970 = vector.broadcast %mul3A_969 : i32 to vector<16xi32>
        %add3A_971 = arith.addi %add3A_970, %add3A_967 : vector<16xi32>
        %gather3A_972 = tpu.vector_load_idx %arg5[%add3A_971] : memref<13312xi32, #tpu.memory_space<vmem>>[vector<16xi32>], vector<16xi32>,
        %shift_left3A_973 = arith.constant 6 : i32
        %shift_left3A_974 = vector.broadcast %shift_left3A_973 : i32 to vector<16xi32>
        %shift_left3A_975 = arith.shli %add3A_967, %shift_left3A_974 : vector<16xi32>
        %and3A_976 = arith.constant 15 : i32
        %and3A_977 = vector.broadcast %and3A_976 : i32 to vector<16xi32>
        %and3A_978 = arith.andi %gather3A_972, %and3A_977 : vector<16xi32>
        %add3A_979 = arith.addi %shift_left3A_975, %and3A_978 : vector<16xi32>
        %add3A_980 = arith.addi %add3A_979, %sub3A_258 : vector<16xi32>
        %shift_right_arithmetic3A_981 = arith.constant 4 : i32
        %shift_right_arithmetic3A_982 = vector.broadcast %shift_right_arithmetic3A_981 : i32 to vector<16xi32>
        %shift_right_arithmetic3A_983 = arith.shrsi %add3A_980, %shift_right_arithmetic3A_982 : vector<16xi32>
        %and3A_984 = arith.constant 15 : i32
        %and3A_985 = vector.broadcast %and3A_984 : i32 to vector<16xi32>
        %and3A_986 = arith.andi %add3A_980, %and3A_985 : vector<16xi32>
        %gather3A_987 = tpu.vector_load_idx %arg9[%shift_right_arithmetic3A_983, %and3A_986] : memref<1664x16xf32, #tpu.memory_space<vmem>>[vector<16xi32>, vector<16xi32>], vector<16xf32>,
        %mul3A_988 = arith.constant 400 : i32
        %mul3A_989 = arith.muli %scan3A_456, %mul3A_988 : i32
        %add3A_990 = arith.constant 272 : i32
        %add3A_991 = arith.addi %mul3A_989, %add3A_990 : i32
        %swap3A_992 = arith.index_cast %add3A_991 : i32 to index
        %swap3A_993 = tpu.vector_load %arg11[%swap3A_992] {strides = array<i32>} : memref<20800xf32, #tpu.memory_space<vmem>>, vector<16xf32>,
        tpu.vector_store %arg11[%swap3A_992], %gather3A_987 {strides = array<i32>} : memref<20800xf32, #tpu.memory_space<vmem>>, vector<16xf32>,
        %mul3A_994 = arith.constant 8 : i32
        %mul3A_995 = arith.muli %scan3A_456, %mul3A_994 : i32
        %add3A_996 = vector.broadcast %mul3A_995 : i32 to vector<16xi32>
        %add3A_997 = arith.addi %add3A_996, %add3A_265 : vector<16xi32>
        %mul3A_998 = arith.constant 416 : i32
        %mul3A_999 = arith.muli %add3A_443, %mul3A_998 : i32
        %add3A_1000 = vector.broadcast %mul3A_999 : i32 to vector<16xi32>
        %add3A_1001 = arith.addi %add3A_1000, %add3A_997 : vector<16xi32>
        %gather3A_1002 = tpu.vector_load_idx %arg5[%add3A_1001] : memref<13312xi32, #tpu.memory_space<vmem>>[vector<16xi32>], vector<16xi32>,
        %shift_left3A_1003 = arith.constant 6 : i32
        %shift_left3A_1004 = vector.broadcast %shift_left3A_1003 : i32 to vector<16xi32>
        %shift_left3A_1005 = arith.shli %add3A_997, %shift_left3A_1004 : vector<16xi32>
        %and3A_1006 = arith.constant 15 : i32
        %and3A_1007 = vector.broadcast %and3A_1006 : i32 to vector<16xi32>
        %and3A_1008 = arith.andi %gather3A_1002, %and3A_1007 : vector<16xi32>
        %add3A_1009 = arith.addi %shift_left3A_1005, %and3A_1008 : vector<16xi32>
        %add3A_1010 = arith.addi %add3A_1009, %sub3A_272 : vector<16xi32>
        %shift_right_arithmetic3A_1011 = arith.constant 4 : i32
        %shift_right_arithmetic3A_1012 = vector.broadcast %shift_right_arithmetic3A_1011 : i32 to vector<16xi32>
        %shift_right_arithmetic3A_1013 = arith.shrsi %add3A_1010, %shift_right_arithmetic3A_1012 : vector<16xi32>
        %and3A_1014 = arith.constant 15 : i32
        %and3A_1015 = vector.broadcast %and3A_1014 : i32 to vector<16xi32>
        %and3A_1016 = arith.andi %add3A_1010, %and3A_1015 : vector<16xi32>
        %gather3A_1017 = tpu.vector_load_idx %arg9[%shift_right_arithmetic3A_1013, %and3A_1016] : memref<1664x16xf32, #tpu.memory_space<vmem>>[vector<16xi32>, vector<16xi32>], vector<16xf32>,
        %mul3A_1018 = arith.constant 400 : i32
        %mul3A_1019 = arith.muli %scan3A_456, %mul3A_1018 : i32
        %add3A_1020 = arith.constant 288 : i32
        %add3A_1021 = arith.addi %mul3A_1019, %add3A_1020 : i32
        %swap3A_1022 = arith.index_cast %add3A_1021 : i32 to index
        %swap3A_1023 = tpu.vector_load %arg11[%swap3A_1022] {strides = array<i32>} : memref<20800xf32, #tpu.memory_space<vmem>>, vector<16xf32>,
        tpu.vector_store %arg11[%swap3A_1022], %gather3A_1017 {strides = array<i32>} : memref<20800xf32, #tpu.memory_space<vmem>>, vector<16xf32>,
        %mul3A_1024 = arith.constant 8 : i32
        %mul3A_1025 = arith.muli %scan3A_456, %mul3A_1024 : i32
        %add3A_1026 = vector.broadcast %mul3A_1025 : i32 to vector<16xi32>
        %add3A_1027 = arith.addi %add3A_1026, %add3A_279 : vector<16xi32>
        %mul3A_1028 = arith.constant 416 : i32
        %mul3A_1029 = arith.muli %add3A_443, %mul3A_1028 : i32
        %add3A_1030 = vector.broadcast %mul3A_1029 : i32 to vector<16xi32>
        %add3A_1031 = arith.addi %add3A_1030, %add3A_1027 : vector<16xi32>
        %gather3A_1032 = tpu.vector_load_idx %arg5[%add3A_1031] : memref<13312xi32, #tpu.memory_space<vmem>>[vector<16xi32>], vector<16xi32>,
        %shift_left3A_1033 = arith.constant 6 : i32
        %shift_left3A_1034 = vector.broadcast %shift_left3A_1033 : i32 to vector<16xi32>
        %shift_left3A_1035 = arith.shli %add3A_1027, %shift_left3A_1034 : vector<16xi32>
        %and3A_1036 = arith.constant 15 : i32
        %and3A_1037 = vector.broadcast %and3A_1036 : i32 to vector<16xi32>
        %and3A_1038 = arith.andi %gather3A_1032, %and3A_1037 : vector<16xi32>
        %add3A_1039 = arith.addi %shift_left3A_1035, %and3A_1038 : vector<16xi32>
        %add3A_1040 = arith.addi %add3A_1039, %sub3A_286 : vector<16xi32>
        %shift_right_arithmetic3A_1041 = arith.constant 4 : i32
        %shift_right_arithmetic3A_1042 = vector.broadcast %shift_right_arithmetic3A_1041 : i32 to vector<16xi32>
        %shift_right_arithmetic3A_1043 = arith.shrsi %add3A_1040, %shift_right_arithmetic3A_1042 : vector<16xi32>
        %and3A_1044 = arith.constant 15 : i32
        %and3A_1045 = vector.broadcast %and3A_1044 : i32 to vector<16xi32>
        %and3A_1046 = arith.andi %add3A_1040, %and3A_1045 : vector<16xi32>
        %gather3A_1047 = tpu.vector_load_idx %arg9[%shift_right_arithmetic3A_1043, %and3A_1046] : memref<1664x16xf32, #tpu.memory_space<vmem>>[vector<16xi32>, vector<16xi32>], vector<16xf32>,
        %mul3A_1048 = arith.constant 400 : i32
        %mul3A_1049 = arith.muli %scan3A_456, %mul3A_1048 : i32
        %add3A_1050 = arith.constant 304 : i32
        %add3A_1051 = arith.addi %mul3A_1049, %add3A_1050 : i32
        %swap3A_1052 = arith.index_cast %add3A_1051 : i32 to index
        %swap3A_1053 = tpu.vector_load %arg11[%swap3A_1052] {strides = array<i32>} : memref<20800xf32, #tpu.memory_space<vmem>>, vector<16xf32>,
        tpu.vector_store %arg11[%swap3A_1052], %gather3A_1047 {strides = array<i32>} : memref<20800xf32, #tpu.memory_space<vmem>>, vector<16xf32>,
        %mul3A_1054 = arith.constant 8 : i32
        %mul3A_1055 = arith.muli %scan3A_456, %mul3A_1054 : i32
        %add3A_1056 = vector.broadcast %mul3A_1055 : i32 to vector<16xi32>
        %add3A_1057 = arith.addi %add3A_1056, %add3A_293 : vector<16xi32>
        %mul3A_1058 = arith.constant 416 : i32
        %mul3A_1059 = arith.muli %add3A_443, %mul3A_1058 : i32
        %add3A_1060 = vector.broadcast %mul3A_1059 : i32 to vector<16xi32>
        %add3A_1061 = arith.addi %add3A_1060, %add3A_1057 : vector<16xi32>
        %gather3A_1062 = tpu.vector_load_idx %arg5[%add3A_1061] : memref<13312xi32, #tpu.memory_space<vmem>>[vector<16xi32>], vector<16xi32>,
        %shift_left3A_1063 = arith.constant 6 : i32
        %shift_left3A_1064 = vector.broadcast %shift_left3A_1063 : i32 to vector<16xi32>
        %shift_left3A_1065 = arith.shli %add3A_1057, %shift_left3A_1064 : vector<16xi32>
        %and3A_1066 = arith.constant 15 : i32
        %and3A_1067 = vector.broadcast %and3A_1066 : i32 to vector<16xi32>
        %and3A_1068 = arith.andi %gather3A_1062, %and3A_1067 : vector<16xi32>
        %add3A_1069 = arith.addi %shift_left3A_1065, %and3A_1068 : vector<16xi32>
        %add3A_1070 = arith.addi %add3A_1069, %sub3A_300 : vector<16xi32>
        %shift_right_arithmetic3A_1071 = arith.constant 4 : i32
        %shift_right_arithmetic3A_1072 = vector.broadcast %shift_right_arithmetic3A_1071 : i32 to vector<16xi32>
        %shift_right_arithmetic3A_1073 = arith.shrsi %add3A_1070, %shift_right_arithmetic3A_1072 : vector<16xi32>
        %and3A_1074 = arith.constant 15 : i32
        %and3A_1075 = vector.broadcast %and3A_1074 : i32 to vector<16xi32>
        %and3A_1076 = arith.andi %add3A_1070, %and3A_1075 : vector<16xi32>
        %gather3A_1077 = tpu.vector_load_idx %arg9[%shift_right_arithmetic3A_1073, %and3A_1076] : memref<1664x16xf32, #tpu.memory_space<vmem>>[vector<16xi32>, vector<16xi32>], vector<16xf32>,
        %mul3A_1078 = arith.constant 400 : i32
        %mul3A_1079 = arith.muli %scan3A_456, %mul3A_1078 : i32
        %add3A_1080 = arith.constant 320 : i32
        %add3A_1081 = arith.addi %mul3A_1079, %add3A_1080 : i32
        %swap3A_1082 = arith.index_cast %add3A_1081 : i32 to index
        %swap3A_1083 = tpu.vector_load %arg11[%swap3A_1082] {strides = array<i32>} : memref<20800xf32, #tpu.memory_space<vmem>>, vector<16xf32>,
        tpu.vector_store %arg11[%swap3A_1082], %gather3A_1077 {strides = array<i32>} : memref<20800xf32, #tpu.memory_space<vmem>>, vector<16xf32>,
        %mul3A_1084 = arith.constant 8 : i32
        %mul3A_1085 = arith.muli %scan3A_456, %mul3A_1084 : i32
        %add3A_1086 = vector.broadcast %mul3A_1085 : i32 to vector<16xi32>
        %add3A_1087 = arith.addi %add3A_1086, %add3A_307 : vector<16xi32>
        %mul3A_1088 = arith.constant 416 : i32
        %mul3A_1089 = arith.muli %add3A_443, %mul3A_1088 : i32
        %add3A_1090 = vector.broadcast %mul3A_1089 : i32 to vector<16xi32>
        %add3A_1091 = arith.addi %add3A_1090, %add3A_1087 : vector<16xi32>
        %gather3A_1092 = tpu.vector_load_idx %arg5[%add3A_1091] : memref<13312xi32, #tpu.memory_space<vmem>>[vector<16xi32>], vector<16xi32>,
        %shift_left3A_1093 = arith.constant 6 : i32
        %shift_left3A_1094 = vector.broadcast %shift_left3A_1093 : i32 to vector<16xi32>
        %shift_left3A_1095 = arith.shli %add3A_1087, %shift_left3A_1094 : vector<16xi32>
        %and3A_1096 = arith.constant 15 : i32
        %and3A_1097 = vector.broadcast %and3A_1096 : i32 to vector<16xi32>
        %and3A_1098 = arith.andi %gather3A_1092, %and3A_1097 : vector<16xi32>
        %add3A_1099 = arith.addi %shift_left3A_1095, %and3A_1098 : vector<16xi32>
        %add3A_1100 = arith.addi %add3A_1099, %sub3A_314 : vector<16xi32>
        %shift_right_arithmetic3A_1101 = arith.constant 4 : i32
        %shift_right_arithmetic3A_1102 = vector.broadcast %shift_right_arithmetic3A_1101 : i32 to vector<16xi32>
        %shift_right_arithmetic3A_1103 = arith.shrsi %add3A_1100, %shift_right_arithmetic3A_1102 : vector<16xi32>
        %and3A_1104 = arith.constant 15 : i32
        %and3A_1105 = vector.broadcast %and3A_1104 : i32 to vector<16xi32>
        %and3A_1106 = arith.andi %add3A_1100, %and3A_1105 : vector<16xi32>
        %gather3A_1107 = tpu.vector_load_idx %arg9[%shift_right_arithmetic3A_1103, %and3A_1106] : memref<1664x16xf32, #tpu.memory_space<vmem>>[vector<16xi32>, vector<16xi32>], vector<16xf32>,
        %mul3A_1108 = arith.constant 400 : i32
        %mul3A_1109 = arith.muli %scan3A_456, %mul3A_1108 : i32
        %add3A_1110 = arith.constant 336 : i32
        %add3A_1111 = arith.addi %mul3A_1109, %add3A_1110 : i32
        %swap3A_1112 = arith.index_cast %add3A_1111 : i32 to index
        %swap3A_1113 = tpu.vector_load %arg11[%swap3A_1112] {strides = array<i32>} : memref<20800xf32, #tpu.memory_space<vmem>>, vector<16xf32>,
        tpu.vector_store %arg11[%swap3A_1112], %gather3A_1107 {strides = array<i32>} : memref<20800xf32, #tpu.memory_space<vmem>>, vector<16xf32>,
        %mul3A_1114 = arith.constant 8 : i32
        %mul3A_1115 = arith.muli %scan3A_456, %mul3A_1114 : i32
        %add3A_1116 = vector.broadcast %mul3A_1115 : i32 to vector<16xi32>
        %add3A_1117 = arith.addi %add3A_1116, %add3A_321 : vector<16xi32>
        %mul3A_1118 = arith.constant 416 : i32
        %mul3A_1119 = arith.muli %add3A_443, %mul3A_1118 : i32
        %add3A_1120 = vector.broadcast %mul3A_1119 : i32 to vector<16xi32>
        %add3A_1121 = arith.addi %add3A_1120, %add3A_1117 : vector<16xi32>
        %gather3A_1122 = tpu.vector_load_idx %arg5[%add3A_1121] : memref<13312xi32, #tpu.memory_space<vmem>>[vector<16xi32>], vector<16xi32>,
        %shift_left3A_1123 = arith.constant 6 : i32
        %shift_left3A_1124 = vector.broadcast %shift_left3A_1123 : i32 to vector<16xi32>
        %shift_left3A_1125 = arith.shli %add3A_1117, %shift_left3A_1124 : vector<16xi32>
        %and3A_1126 = arith.constant 15 : i32
        %and3A_1127 = vector.broadcast %and3A_1126 : i32 to vector<16xi32>
        %and3A_1128 = arith.andi %gather3A_1122, %and3A_1127 : vector<16xi32>
        %add3A_1129 = arith.addi %shift_left3A_1125, %and3A_1128 : vector<16xi32>
        %add3A_1130 = arith.addi %add3A_1129, %sub3A_328 : vector<16xi32>
        %shift_right_arithmetic3A_1131 = arith.constant 4 : i32
        %shift_right_arithmetic3A_1132 = vector.broadcast %shift_right_arithmetic3A_1131 : i32 to vector<16xi32>
        %shift_right_arithmetic3A_1133 = arith.shrsi %add3A_1130, %shift_right_arithmetic3A_1132 : vector<16xi32>
        %and3A_1134 = arith.constant 15 : i32
        %and3A_1135 = vector.broadcast %and3A_1134 : i32 to vector<16xi32>
        %and3A_1136 = arith.andi %add3A_1130, %and3A_1135 : vector<16xi32>
        %gather3A_1137 = tpu.vector_load_idx %arg9[%shift_right_arithmetic3A_1133, %and3A_1136] : memref<1664x16xf32, #tpu.memory_space<vmem>>[vector<16xi32>, vector<16xi32>], vector<16xf32>,
        %mul3A_1138 = arith.constant 400 : i32
        %mul3A_1139 = arith.muli %scan3A_456, %mul3A_1138 : i32
        %add3A_1140 = arith.constant 352 : i32
        %add3A_1141 = arith.addi %mul3A_1139, %add3A_1140 : i32
        %swap3A_1142 = arith.index_cast %add3A_1141 : i32 to index
        %swap3A_1143 = tpu.vector_load %arg11[%swap3A_1142] {strides = array<i32>} : memref<20800xf32, #tpu.memory_space<vmem>>, vector<16xf32>,
        tpu.vector_store %arg11[%swap3A_1142], %gather3A_1137 {strides = array<i32>} : memref<20800xf32, #tpu.memory_space<vmem>>, vector<16xf32>,
        %mul3A_1144 = arith.constant 8 : i32
        %mul3A_1145 = arith.muli %scan3A_456, %mul3A_1144 : i32
        %add3A_1146 = vector.broadcast %mul3A_1145 : i32 to vector<16xi32>
        %add3A_1147 = arith.addi %add3A_1146, %add3A_335 : vector<16xi32>
        %mul3A_1148 = arith.constant 416 : i32
        %mul3A_1149 = arith.muli %add3A_443, %mul3A_1148 : i32
        %add3A_1150 = vector.broadcast %mul3A_1149 : i32 to vector<16xi32>
        %add3A_1151 = arith.addi %add3A_1150, %add3A_1147 : vector<16xi32>
        %gather3A_1152 = tpu.vector_load_idx %arg5[%add3A_1151] : memref<13312xi32, #tpu.memory_space<vmem>>[vector<16xi32>], vector<16xi32>,
        %shift_left3A_1153 = arith.constant 6 : i32
        %shift_left3A_1154 = vector.broadcast %shift_left3A_1153 : i32 to vector<16xi32>
        %shift_left3A_1155 = arith.shli %add3A_1147, %shift_left3A_1154 : vector<16xi32>
        %and3A_1156 = arith.constant 15 : i32
        %and3A_1157 = vector.broadcast %and3A_1156 : i32 to vector<16xi32>
        %and3A_1158 = arith.andi %gather3A_1152, %and3A_1157 : vector<16xi32>
        %add3A_1159 = arith.addi %shift_left3A_1155, %and3A_1158 : vector<16xi32>
        %add3A_1160 = arith.addi %add3A_1159, %sub3A_342 : vector<16xi32>
        %shift_right_arithmetic3A_1161 = arith.constant 4 : i32
        %shift_right_arithmetic3A_1162 = vector.broadcast %shift_right_arithmetic3A_1161 : i32 to vector<16xi32>
        %shift_right_arithmetic3A_1163 = arith.shrsi %add3A_1160, %shift_right_arithmetic3A_1162 : vector<16xi32>
        %and3A_1164 = arith.constant 15 : i32
        %and3A_1165 = vector.broadcast %and3A_1164 : i32 to vector<16xi32>
        %and3A_1166 = arith.andi %add3A_1160, %and3A_1165 : vector<16xi32>
        %gather3A_1167 = tpu.vector_load_idx %arg9[%shift_right_arithmetic3A_1163, %and3A_1166] : memref<1664x16xf32, #tpu.memory_space<vmem>>[vector<16xi32>, vector<16xi32>], vector<16xf32>,
        %mul3A_1168 = arith.constant 400 : i32
        %mul3A_1169 = arith.muli %scan3A_456, %mul3A_1168 : i32
        %add3A_1170 = arith.constant 368 : i32
        %add3A_1171 = arith.addi %mul3A_1169, %add3A_1170 : i32
        %swap3A_1172 = arith.index_cast %add3A_1171 : i32 to index
        %swap3A_1173 = tpu.vector_load %arg11[%swap3A_1172] {strides = array<i32>} : memref<20800xf32, #tpu.memory_space<vmem>>, vector<16xf32>,
        tpu.vector_store %arg11[%swap3A_1172], %gather3A_1167 {strides = array<i32>} : memref<20800xf32, #tpu.memory_space<vmem>>, vector<16xf32>,
        %mul3A_1174 = arith.constant 8 : i32
        %mul3A_1175 = arith.muli %scan3A_456, %mul3A_1174 : i32
        %add3A_1176 = vector.broadcast %mul3A_1175 : i32 to vector<16xi32>
        %add3A_1177 = arith.addi %add3A_1176, %add3A_349 : vector<16xi32>
        %mul3A_1178 = arith.constant 416 : i32
        %mul3A_1179 = arith.muli %add3A_443, %mul3A_1178 : i32
        %add3A_1180 = vector.broadcast %mul3A_1179 : i32 to vector<16xi32>
        %add3A_1181 = arith.addi %add3A_1180, %add3A_1177 : vector<16xi32>
        %gather3A_1182 = tpu.vector_load_idx %arg5[%add3A_1181] : memref<13312xi32, #tpu.memory_space<vmem>>[vector<16xi32>], vector<16xi32>,
        %shift_left3A_1183 = arith.constant 6 : i32
        %shift_left3A_1184 = vector.broadcast %shift_left3A_1183 : i32 to vector<16xi32>
        %shift_left3A_1185 = arith.shli %add3A_1177, %shift_left3A_1184 : vector<16xi32>
        %and3A_1186 = arith.constant 15 : i32
        %and3A_1187 = vector.broadcast %and3A_1186 : i32 to vector<16xi32>
        %and3A_1188 = arith.andi %gather3A_1182, %and3A_1187 : vector<16xi32>
        %add3A_1189 = arith.addi %shift_left3A_1185, %and3A_1188 : vector<16xi32>
        %add3A_1190 = arith.addi %add3A_1189, %sub3A_356 : vector<16xi32>
        %shift_right_arithmetic3A_1191 = arith.constant 4 : i32
        %shift_right_arithmetic3A_1192 = vector.broadcast %shift_right_arithmetic3A_1191 : i32 to vector<16xi32>
        %shift_right_arithmetic3A_1193 = arith.shrsi %add3A_1190, %shift_right_arithmetic3A_1192 : vector<16xi32>
        %and3A_1194 = arith.constant 15 : i32
        %and3A_1195 = vector.broadcast %and3A_1194 : i32 to vector<16xi32>
        %and3A_1196 = arith.andi %add3A_1190, %and3A_1195 : vector<16xi32>
        %gather3A_1197 = tpu.vector_load_idx %arg9[%shift_right_arithmetic3A_1193, %and3A_1196] : memref<1664x16xf32, #tpu.memory_space<vmem>>[vector<16xi32>, vector<16xi32>], vector<16xf32>,
        %mul3A_1198 = arith.constant 400 : i32
        %mul3A_1199 = arith.muli %scan3A_456, %mul3A_1198 : i32
        %add3A_1200 = arith.constant 384 : i32
        %add3A_1201 = arith.addi %mul3A_1199, %add3A_1200 : i32
        %swap3A_1202 = arith.index_cast %add3A_1201 : i32 to index
        %swap3A_1203 = tpu.vector_load %arg11[%swap3A_1202] {strides = array<i32>} : memref<20800xf32, #tpu.memory_space<vmem>>, vector<16xf32>,
        tpu.vector_store %arg11[%swap3A_1202], %gather3A_1197 {strides = array<i32>} : memref<20800xf32, #tpu.memory_space<vmem>>, vector<16xf32>,
      }
      %scan3A_452 = arith.constant 52 : i32
      %mul3A_453 = arith.constant 20800 : i32
      %mul3A_454 = arith.muli %add3A_443, %mul3A_453 : i32
      %add3A_455 = arith.addi %mul3A_4, %mul3A_454 : i32
      "tpu.region"() ({
        %run_scoped3A = tpu.sem_alloc : memref<!tpu.dma_semaphore, #tpu.memory_space<semaphore_mem>>
        %dma_start3A_456 = tpu.memref_slice %arg4[%add3A_455] : memref<21299200xf32, #tpu.memory_space<hbm>> -> memref<20800xf32, #tpu.memory_space<hbm>>
        %dma_start3A_457 = tpu.memref_slice %arg4[%add3A_455] : memref<21299200xf32, #tpu.memory_space<hbm>> -> memref<20800xf32, #tpu.memory_space<hbm>>
        tpu.enqueue_dma source(%arg11 : memref<20800xf32, #tpu.memory_space<vmem>>) target(%dma_start3A_457 : memref<20800xf32, #tpu.memory_space<hbm>>) target_semaphore(%run_scoped3A : memref<!tpu.dma_semaphore, #tpu.memory_space<semaphore_mem>>)
        %dma_wait3A_458 = tpu.memref_slice %arg4[%add3A_455] : memref<21299200xf32, #tpu.memory_space<hbm>> -> memref<20800xf32, #tpu.memory_space<hbm>>
        %dma_wait3A_459 = tpu.memref_slice %arg4[%add3A_455] : memref<21299200xf32, #tpu.memory_space<hbm>> -> memref<20800xf32, #tpu.memory_space<hbm>>
        tpu.wait_dma2 semaphore(%run_scoped3A : memref<!tpu.dma_semaphore, #tpu.memory_space<semaphore_mem>>) src(%arg11 : memref<20800xf32, #tpu.memory_space<vmem>>) dst(%dma_wait3A_459 : memref<20800xf32, #tpu.memory_space<hbm>>)
        tpu.yield
      }) : () -> ()
    }
    %scan3A_374 = arith.constant 15 : i32
    %scan3A_375 = arith.constant 0 : i32
    %scan3A_376 = arith.constant 0 : i32
    %scan3A_377 = arith.constant 104 : i32
    %scan3A_378 = arith.addi %scan3A_376, %scan3A_377 : i32
    %scan3A_379 = arith.constant 1 : i32
    scf.for %scan3A_405 = %scan3A_376 to %scan3A_378 step %scan3A_379  : i32 {
      %mul3A_406 = arith.constant 4 : i32
      %mul3A_407 = arith.muli %scan3A_405, %mul3A_406 : i32
      %add3A_408 = arith.constant 12896 : i32
      %add3A_409 = arith.addi %add3A_408, %mul3A_407 : i32
      %add3A_410 = vector.broadcast %add3A_409 : i32 to vector<16xi32>
      %add3A_411 = arith.addi %add3A_410, %shift_right_arithmetic3A_358 : vector<16xi32>
      %gather3A = tpu.vector_load_idx %arg5[%add3A_411] : memref<13312xi32, #tpu.memory_space<vmem>>[vector<16xi32>], vector<16xi32>,
      %shift_right_arithmetic3A_412 = arith.constant 4 : i32
      %shift_right_arithmetic3A_413 = vector.broadcast %shift_right_arithmetic3A_412 : i32 to vector<16xi32>
      %shift_right_arithmetic3A_414 = arith.shrsi %gather3A, %shift_right_arithmetic3A_413 : vector<16xi32>
      %add3A_415 = arith.addi %shift_right_arithmetic3A_414, %and3A_360 : vector<16xi32>
      %mul3A_416 = arith.constant 16 : i32
      %mul3A_417 = arith.muli %scan3A_405, %mul3A_416 : i32
      %swap3A = arith.index_cast %mul3A_417 : i32 to index
      %swap3A_418 = tpu.vector_load %arg7[%swap3A] {strides = array<i32>} : memref<1664xi32, #tpu.memory_space<vmem>>, vector<16xi32>,
      tpu.vector_store %arg7[%swap3A], %add3A_415 {strides = array<i32>} : memref<1664xi32, #tpu.memory_space<vmem>>, vector<16xi32>,
    }
    %scan3A_380 = arith.constant 104 : i32
    %dma_start3A_381 = arith.constant 0 : i32
    %dma_start3A_382 = arith.constant 0 : i32
    %dma_start3A_383 = tpu.memref_slice %arg3[%dma_start3A_381, %dma_start3A_382] : memref<8125000x16xf32, #tpu.memory_space<hbm>> -> memref<8125000x16xf32, #tpu.memory_space<hbm>>
    tpu.enqueue_indirect_dma source(%dma_start3A_383 : memref<8125000x16xf32, #tpu.memory_space<hbm>>) target(%arg9 : memref<1664x16xf32, #tpu.memory_space<vmem>>) offsets(%arg7 : memref<1664xi32, #tpu.memory_space<vmem>>) semaphore(%arg13 : memref<!tpu.dma_semaphore, #tpu.memory_space<semaphore_mem>>)
    %dma_wait3A = arith.constant 0 : i32
    %dma_wait3A_384 = arith.constant 0 : i32
    %dma_wait3A_385 = tpu.memref_slice %arg3[%dma_wait3A, %dma_wait3A_384] : memref<8125000x16xf32, #tpu.memory_space<hbm>> -> memref<8125000x16xf32, #tpu.memory_space<hbm>>
    tpu.wait_indirect_dma semaphore(%arg12 : memref<!tpu.dma_semaphore, #tpu.memory_space<semaphore_mem>>) src(%dma_wait3A_385 : memref<8125000x16xf32, #tpu.memory_space<hbm>>) dst(%arg8 : memref<1664x16xf32, #tpu.memory_space<vmem>>)
    %scan3A_386 = arith.constant 0 : i32
    %scan3A_387 = arith.constant 0 : i32
    %scan3A_388 = arith.constant 52 : i32
    %scan3A_389 = arith.addi %scan3A_387, %scan3A_388 : i32
    %scan3A_390 = arith.constant 1 : i32
    scf.for %scan3A_405 = %scan3A_387 to %scan3A_389 step %scan3A_390  : i32 {
      %mul3A_406 = arith.constant 8 : i32
      %mul3A_407 = arith.muli %scan3A_405, %mul3A_406 : i32
      %add3A_408 = vector.broadcast %mul3A_407 : i32 to vector<16xi32>
      %add3A_409 = arith.addi %add3A_408, %add3A_14 : vector<16xi32>
      %add3A_410 = arith.constant 12480 : i32
      %add3A_411 = vector.broadcast %add3A_410 : i32 to vector<16xi32>
      %add3A_412 = arith.addi %add3A_411, %add3A_409 : vector<16xi32>
      %gather3A = tpu.vector_load_idx %arg5[%add3A_412] : memref<13312xi32, #tpu.memory_space<vmem>>[vector<16xi32>], vector<16xi32>,
      %shift_left3A = arith.constant 6 : i32
      %shift_left3A_413 = vector.broadcast %shift_left3A : i32 to vector<16xi32>
      %shift_left3A_414 = arith.shli %add3A_409, %shift_left3A_413 : vector<16xi32>
      %and3A_415 = arith.constant 15 : i32
      %and3A_416 = vector.broadcast %and3A_415 : i32 to vector<16xi32>
      %and3A_417 = arith.andi %gather3A, %and3A_416 : vector<16xi32>
      %add3A_418 = arith.addi %shift_left3A_414, %and3A_417 : vector<16xi32>
      %add3A_419 = arith.addi %add3A_418, %sub3A : vector<16xi32>
      %shift_right_arithmetic3A_420 = arith.constant 4 : i32
      %shift_right_arithmetic3A_421 = vector.broadcast %shift_right_arithmetic3A_420 : i32 to vector<16xi32>
      %shift_right_arithmetic3A_422 = arith.shrsi %add3A_419, %shift_right_arithmetic3A_421 : vector<16xi32>
      %and3A_423 = arith.constant 15 : i32
      %and3A_424 = vector.broadcast %and3A_423 : i32 to vector<16xi32>
      %and3A_425 = arith.andi %add3A_419, %and3A_424 : vector<16xi32>
      %gather3A_426 = tpu.vector_load_idx %arg8[%shift_right_arithmetic3A_422, %and3A_425] : memref<1664x16xf32, #tpu.memory_space<vmem>>[vector<16xi32>, vector<16xi32>], vector<16xf32>,
      %mul3A_427 = arith.constant 400 : i32
      %mul3A_428 = arith.muli %scan3A_405, %mul3A_427 : i32
      %add3A_429 = arith.constant 0 : i32
      %add3A_430 = arith.addi %mul3A_428, %add3A_429 : i32
      %swap3A = arith.index_cast %add3A_430 : i32 to index
      %swap3A_431 = tpu.vector_load %arg10[%swap3A] {strides = array<i32>} : memref<20800xf32, #tpu.memory_space<vmem>>, vector<16xf32>,
      tpu.vector_store %arg10[%swap3A], %gather3A_426 {strides = array<i32>} : memref<20800xf32, #tpu.memory_space<vmem>>, vector<16xf32>,
      %mul3A_432 = arith.constant 8 : i32
      %mul3A_433 = arith.muli %scan3A_405, %mul3A_432 : i32
      %add3A_434 = vector.broadcast %mul3A_433 : i32 to vector<16xi32>
      %add3A_435 = arith.addi %add3A_434, %add3A_27 : vector<16xi32>
      %add3A_436 = arith.constant 12480 : i32
      %add3A_437 = vector.broadcast %add3A_436 : i32 to vector<16xi32>
      %add3A_438 = arith.addi %add3A_437, %add3A_435 : vector<16xi32>
      %gather3A_439 = tpu.vector_load_idx %arg5[%add3A_438] : memref<13312xi32, #tpu.memory_space<vmem>>[vector<16xi32>], vector<16xi32>,
      %shift_left3A_440 = arith.constant 6 : i32
      %shift_left3A_441 = vector.broadcast %shift_left3A_440 : i32 to vector<16xi32>
      %shift_left3A_442 = arith.shli %add3A_435, %shift_left3A_441 : vector<16xi32>
      %and3A_443 = arith.constant 15 : i32
      %and3A_444 = vector.broadcast %and3A_443 : i32 to vector<16xi32>
      %and3A_445 = arith.andi %gather3A_439, %and3A_444 : vector<16xi32>
      %add3A_446 = arith.addi %shift_left3A_442, %and3A_445 : vector<16xi32>
      %add3A_447 = arith.addi %add3A_446, %sub3A_34 : vector<16xi32>
      %shift_right_arithmetic3A_448 = arith.constant 4 : i32
      %shift_right_arithmetic3A_449 = vector.broadcast %shift_right_arithmetic3A_448 : i32 to vector<16xi32>
      %shift_right_arithmetic3A_450 = arith.shrsi %add3A_447, %shift_right_arithmetic3A_449 : vector<16xi32>
      %and3A_451 = arith.constant 15 : i32
      %and3A_452 = vector.broadcast %and3A_451 : i32 to vector<16xi32>
      %and3A_453 = arith.andi %add3A_447, %and3A_452 : vector<16xi32>
      %gather3A_454 = tpu.vector_load_idx %arg8[%shift_right_arithmetic3A_450, %and3A_453] : memref<1664x16xf32, #tpu.memory_space<vmem>>[vector<16xi32>, vector<16xi32>], vector<16xf32>,
      %mul3A_455 = arith.constant 400 : i32
      %mul3A_456 = arith.muli %scan3A_405, %mul3A_455 : i32
      %add3A_457 = arith.constant 16 : i32
      %add3A_458 = arith.addi %mul3A_456, %add3A_457 : i32
      %swap3A_459 = arith.index_cast %add3A_458 : i32 to index
      %swap3A_460 = tpu.vector_load %arg10[%swap3A_459] {strides = array<i32>} : memref<20800xf32, #tpu.memory_space<vmem>>, vector<16xf32>,
      tpu.vector_store %arg10[%swap3A_459], %gather3A_454 {strides = array<i32>} : memref<20800xf32, #tpu.memory_space<vmem>>, vector<16xf32>,
      %mul3A_461 = arith.constant 8 : i32
      %mul3A_462 = arith.muli %scan3A_405, %mul3A_461 : i32
      %add3A_463 = vector.broadcast %mul3A_462 : i32 to vector<16xi32>
      %add3A_464 = arith.addi %add3A_463, %add3A_41 : vector<16xi32>
      %add3A_465 = arith.constant 12480 : i32
      %add3A_466 = vector.broadcast %add3A_465 : i32 to vector<16xi32>
      %add3A_467 = arith.addi %add3A_466, %add3A_464 : vector<16xi32>
      %gather3A_468 = tpu.vector_load_idx %arg5[%add3A_467] : memref<13312xi32, #tpu.memory_space<vmem>>[vector<16xi32>], vector<16xi32>,
      %shift_left3A_469 = arith.constant 6 : i32
      %shift_left3A_470 = vector.broadcast %shift_left3A_469 : i32 to vector<16xi32>
      %shift_left3A_471 = arith.shli %add3A_464, %shift_left3A_470 : vector<16xi32>
      %and3A_472 = arith.constant 15 : i32
      %and3A_473 = vector.broadcast %and3A_472 : i32 to vector<16xi32>
      %and3A_474 = arith.andi %gather3A_468, %and3A_473 : vector<16xi32>
      %add3A_475 = arith.addi %shift_left3A_471, %and3A_474 : vector<16xi32>
      %add3A_476 = arith.addi %add3A_475, %sub3A_48 : vector<16xi32>
      %shift_right_arithmetic3A_477 = arith.constant 4 : i32
      %shift_right_arithmetic3A_478 = vector.broadcast %shift_right_arithmetic3A_477 : i32 to vector<16xi32>
      %shift_right_arithmetic3A_479 = arith.shrsi %add3A_476, %shift_right_arithmetic3A_478 : vector<16xi32>
      %and3A_480 = arith.constant 15 : i32
      %and3A_481 = vector.broadcast %and3A_480 : i32 to vector<16xi32>
      %and3A_482 = arith.andi %add3A_476, %and3A_481 : vector<16xi32>
      %gather3A_483 = tpu.vector_load_idx %arg8[%shift_right_arithmetic3A_479, %and3A_482] : memref<1664x16xf32, #tpu.memory_space<vmem>>[vector<16xi32>, vector<16xi32>], vector<16xf32>,
      %mul3A_484 = arith.constant 400 : i32
      %mul3A_485 = arith.muli %scan3A_405, %mul3A_484 : i32
      %add3A_486 = arith.constant 32 : i32
      %add3A_487 = arith.addi %mul3A_485, %add3A_486 : i32
      %swap3A_488 = arith.index_cast %add3A_487 : i32 to index
      %swap3A_489 = tpu.vector_load %arg10[%swap3A_488] {strides = array<i32>} : memref<20800xf32, #tpu.memory_space<vmem>>, vector<16xf32>,
      tpu.vector_store %arg10[%swap3A_488], %gather3A_483 {strides = array<i32>} : memref<20800xf32, #tpu.memory_space<vmem>>, vector<16xf32>,
      %mul3A_490 = arith.constant 8 : i32
      %mul3A_491 = arith.muli %scan3A_405, %mul3A_490 : i32
      %add3A_492 = vector.broadcast %mul3A_491 : i32 to vector<16xi32>
      %add3A_493 = arith.addi %add3A_492, %add3A_55 : vector<16xi32>
      %add3A_494 = arith.constant 12480 : i32
      %add3A_495 = vector.broadcast %add3A_494 : i32 to vector<16xi32>
      %add3A_496 = arith.addi %add3A_495, %add3A_493 : vector<16xi32>
      %gather3A_497 = tpu.vector_load_idx %arg5[%add3A_496] : memref<13312xi32, #tpu.memory_space<vmem>>[vector<16xi32>], vector<16xi32>,
      %shift_left3A_498 = arith.constant 6 : i32
      %shift_left3A_499 = vector.broadcast %shift_left3A_498 : i32 to vector<16xi32>
      %shift_left3A_500 = arith.shli %add3A_493, %shift_left3A_499 : vector<16xi32>
      %and3A_501 = arith.constant 15 : i32
      %and3A_502 = vector.broadcast %and3A_501 : i32 to vector<16xi32>
      %and3A_503 = arith.andi %gather3A_497, %and3A_502 : vector<16xi32>
      %add3A_504 = arith.addi %shift_left3A_500, %and3A_503 : vector<16xi32>
      %add3A_505 = arith.addi %add3A_504, %sub3A_62 : vector<16xi32>
      %shift_right_arithmetic3A_506 = arith.constant 4 : i32
      %shift_right_arithmetic3A_507 = vector.broadcast %shift_right_arithmetic3A_506 : i32 to vector<16xi32>
      %shift_right_arithmetic3A_508 = arith.shrsi %add3A_505, %shift_right_arithmetic3A_507 : vector<16xi32>
      %and3A_509 = arith.constant 15 : i32
      %and3A_510 = vector.broadcast %and3A_509 : i32 to vector<16xi32>
      %and3A_511 = arith.andi %add3A_505, %and3A_510 : vector<16xi32>
      %gather3A_512 = tpu.vector_load_idx %arg8[%shift_right_arithmetic3A_508, %and3A_511] : memref<1664x16xf32, #tpu.memory_space<vmem>>[vector<16xi32>, vector<16xi32>], vector<16xf32>,
      %mul3A_513 = arith.constant 400 : i32
      %mul3A_514 = arith.muli %scan3A_405, %mul3A_513 : i32
      %add3A_515 = arith.constant 48 : i32
      %add3A_516 = arith.addi %mul3A_514, %add3A_515 : i32
      %swap3A_517 = arith.index_cast %add3A_516 : i32 to index
      %swap3A_518 = tpu.vector_load %arg10[%swap3A_517] {strides = array<i32>} : memref<20800xf32, #tpu.memory_space<vmem>>, vector<16xf32>,
      tpu.vector_store %arg10[%swap3A_517], %gather3A_512 {strides = array<i32>} : memref<20800xf32, #tpu.memory_space<vmem>>, vector<16xf32>,
      %mul3A_519 = arith.constant 8 : i32
      %mul3A_520 = arith.muli %scan3A_405, %mul3A_519 : i32
      %add3A_521 = vector.broadcast %mul3A_520 : i32 to vector<16xi32>
      %add3A_522 = arith.addi %add3A_521, %add3A_69 : vector<16xi32>
      %add3A_523 = arith.constant 12480 : i32
      %add3A_524 = vector.broadcast %add3A_523 : i32 to vector<16xi32>
      %add3A_525 = arith.addi %add3A_524, %add3A_522 : vector<16xi32>
      %gather3A_526 = tpu.vector_load_idx %arg5[%add3A_525] : memref<13312xi32, #tpu.memory_space<vmem>>[vector<16xi32>], vector<16xi32>,
      %shift_left3A_527 = arith.constant 6 : i32
      %shift_left3A_528 = vector.broadcast %shift_left3A_527 : i32 to vector<16xi32>
      %shift_left3A_529 = arith.shli %add3A_522, %shift_left3A_528 : vector<16xi32>
      %and3A_530 = arith.constant 15 : i32
      %and3A_531 = vector.broadcast %and3A_530 : i32 to vector<16xi32>
      %and3A_532 = arith.andi %gather3A_526, %and3A_531 : vector<16xi32>
      %add3A_533 = arith.addi %shift_left3A_529, %and3A_532 : vector<16xi32>
      %add3A_534 = arith.addi %add3A_533, %sub3A_76 : vector<16xi32>
      %shift_right_arithmetic3A_535 = arith.constant 4 : i32
      %shift_right_arithmetic3A_536 = vector.broadcast %shift_right_arithmetic3A_535 : i32 to vector<16xi32>
      %shift_right_arithmetic3A_537 = arith.shrsi %add3A_534, %shift_right_arithmetic3A_536 : vector<16xi32>
      %and3A_538 = arith.constant 15 : i32
      %and3A_539 = vector.broadcast %and3A_538 : i32 to vector<16xi32>
      %and3A_540 = arith.andi %add3A_534, %and3A_539 : vector<16xi32>
      %gather3A_541 = tpu.vector_load_idx %arg8[%shift_right_arithmetic3A_537, %and3A_540] : memref<1664x16xf32, #tpu.memory_space<vmem>>[vector<16xi32>, vector<16xi32>], vector<16xf32>,
      %mul3A_542 = arith.constant 400 : i32
      %mul3A_543 = arith.muli %scan3A_405, %mul3A_542 : i32
      %add3A_544 = arith.constant 64 : i32
      %add3A_545 = arith.addi %mul3A_543, %add3A_544 : i32
      %swap3A_546 = arith.index_cast %add3A_545 : i32 to index
      %swap3A_547 = tpu.vector_load %arg10[%swap3A_546] {strides = array<i32>} : memref<20800xf32, #tpu.memory_space<vmem>>, vector<16xf32>,
      tpu.vector_store %arg10[%swap3A_546], %gather3A_541 {strides = array<i32>} : memref<20800xf32, #tpu.memory_space<vmem>>, vector<16xf32>,
      %mul3A_548 = arith.constant 8 : i32
      %mul3A_549 = arith.muli %scan3A_405, %mul3A_548 : i32
      %add3A_550 = vector.broadcast %mul3A_549 : i32 to vector<16xi32>
      %add3A_551 = arith.addi %add3A_550, %add3A_83 : vector<16xi32>
      %add3A_552 = arith.constant 12480 : i32
      %add3A_553 = vector.broadcast %add3A_552 : i32 to vector<16xi32>
      %add3A_554 = arith.addi %add3A_553, %add3A_551 : vector<16xi32>
      %gather3A_555 = tpu.vector_load_idx %arg5[%add3A_554] : memref<13312xi32, #tpu.memory_space<vmem>>[vector<16xi32>], vector<16xi32>,
      %shift_left3A_556 = arith.constant 6 : i32
      %shift_left3A_557 = vector.broadcast %shift_left3A_556 : i32 to vector<16xi32>
      %shift_left3A_558 = arith.shli %add3A_551, %shift_left3A_557 : vector<16xi32>
      %and3A_559 = arith.constant 15 : i32
      %and3A_560 = vector.broadcast %and3A_559 : i32 to vector<16xi32>
      %and3A_561 = arith.andi %gather3A_555, %and3A_560 : vector<16xi32>
      %add3A_562 = arith.addi %shift_left3A_558, %and3A_561 : vector<16xi32>
      %add3A_563 = arith.addi %add3A_562, %sub3A_90 : vector<16xi32>
      %shift_right_arithmetic3A_564 = arith.constant 4 : i32
      %shift_right_arithmetic3A_565 = vector.broadcast %shift_right_arithmetic3A_564 : i32 to vector<16xi32>
      %shift_right_arithmetic3A_566 = arith.shrsi %add3A_563, %shift_right_arithmetic3A_565 : vector<16xi32>
      %and3A_567 = arith.constant 15 : i32
      %and3A_568 = vector.broadcast %and3A_567 : i32 to vector<16xi32>
      %and3A_569 = arith.andi %add3A_563, %and3A_568 : vector<16xi32>
      %gather3A_570 = tpu.vector_load_idx %arg8[%shift_right_arithmetic3A_566, %and3A_569] : memref<1664x16xf32, #tpu.memory_space<vmem>>[vector<16xi32>, vector<16xi32>], vector<16xf32>,
      %mul3A_571 = arith.constant 400 : i32
      %mul3A_572 = arith.muli %scan3A_405, %mul3A_571 : i32
      %add3A_573 = arith.constant 80 : i32
      %add3A_574 = arith.addi %mul3A_572, %add3A_573 : i32
      %swap3A_575 = arith.index_cast %add3A_574 : i32 to index
      %swap3A_576 = tpu.vector_load %arg10[%swap3A_575] {strides = array<i32>} : memref<20800xf32, #tpu.memory_space<vmem>>, vector<16xf32>,
      tpu.vector_store %arg10[%swap3A_575], %gather3A_570 {strides = array<i32>} : memref<20800xf32, #tpu.memory_space<vmem>>, vector<16xf32>,
      %mul3A_577 = arith.constant 8 : i32
      %mul3A_578 = arith.muli %scan3A_405, %mul3A_577 : i32
      %add3A_579 = vector.broadcast %mul3A_578 : i32 to vector<16xi32>
      %add3A_580 = arith.addi %add3A_579, %add3A_97 : vector<16xi32>
      %add3A_581 = arith.constant 12480 : i32
      %add3A_582 = vector.broadcast %add3A_581 : i32 to vector<16xi32>
      %add3A_583 = arith.addi %add3A_582, %add3A_580 : vector<16xi32>
      %gather3A_584 = tpu.vector_load_idx %arg5[%add3A_583] : memref<13312xi32, #tpu.memory_space<vmem>>[vector<16xi32>], vector<16xi32>,
      %shift_left3A_585 = arith.constant 6 : i32
      %shift_left3A_586 = vector.broadcast %shift_left3A_585 : i32 to vector<16xi32>
      %shift_left3A_587 = arith.shli %add3A_580, %shift_left3A_586 : vector<16xi32>
      %and3A_588 = arith.constant 15 : i32
      %and3A_589 = vector.broadcast %and3A_588 : i32 to vector<16xi32>
      %and3A_590 = arith.andi %gather3A_584, %and3A_589 : vector<16xi32>
      %add3A_591 = arith.addi %shift_left3A_587, %and3A_590 : vector<16xi32>
      %add3A_592 = arith.addi %add3A_591, %sub3A_104 : vector<16xi32>
      %shift_right_arithmetic3A_593 = arith.constant 4 : i32
      %shift_right_arithmetic3A_594 = vector.broadcast %shift_right_arithmetic3A_593 : i32 to vector<16xi32>
      %shift_right_arithmetic3A_595 = arith.shrsi %add3A_592, %shift_right_arithmetic3A_594 : vector<16xi32>
      %and3A_596 = arith.constant 15 : i32
      %and3A_597 = vector.broadcast %and3A_596 : i32 to vector<16xi32>
      %and3A_598 = arith.andi %add3A_592, %and3A_597 : vector<16xi32>
      %gather3A_599 = tpu.vector_load_idx %arg8[%shift_right_arithmetic3A_595, %and3A_598] : memref<1664x16xf32, #tpu.memory_space<vmem>>[vector<16xi32>, vector<16xi32>], vector<16xf32>,
      %mul3A_600 = arith.constant 400 : i32
      %mul3A_601 = arith.muli %scan3A_405, %mul3A_600 : i32
      %add3A_602 = arith.constant 96 : i32
      %add3A_603 = arith.addi %mul3A_601, %add3A_602 : i32
      %swap3A_604 = arith.index_cast %add3A_603 : i32 to index
      %swap3A_605 = tpu.vector_load %arg10[%swap3A_604] {strides = array<i32>} : memref<20800xf32, #tpu.memory_space<vmem>>, vector<16xf32>,
      tpu.vector_store %arg10[%swap3A_604], %gather3A_599 {strides = array<i32>} : memref<20800xf32, #tpu.memory_space<vmem>>, vector<16xf32>,
      %mul3A_606 = arith.constant 8 : i32
      %mul3A_607 = arith.muli %scan3A_405, %mul3A_606 : i32
      %add3A_608 = vector.broadcast %mul3A_607 : i32 to vector<16xi32>
      %add3A_609 = arith.addi %add3A_608, %add3A_111 : vector<16xi32>
      %add3A_610 = arith.constant 12480 : i32
      %add3A_611 = vector.broadcast %add3A_610 : i32 to vector<16xi32>
      %add3A_612 = arith.addi %add3A_611, %add3A_609 : vector<16xi32>
      %gather3A_613 = tpu.vector_load_idx %arg5[%add3A_612] : memref<13312xi32, #tpu.memory_space<vmem>>[vector<16xi32>], vector<16xi32>,
      %shift_left3A_614 = arith.constant 6 : i32
      %shift_left3A_615 = vector.broadcast %shift_left3A_614 : i32 to vector<16xi32>
      %shift_left3A_616 = arith.shli %add3A_609, %shift_left3A_615 : vector<16xi32>
      %and3A_617 = arith.constant 15 : i32
      %and3A_618 = vector.broadcast %and3A_617 : i32 to vector<16xi32>
      %and3A_619 = arith.andi %gather3A_613, %and3A_618 : vector<16xi32>
      %add3A_620 = arith.addi %shift_left3A_616, %and3A_619 : vector<16xi32>
      %add3A_621 = arith.addi %add3A_620, %sub3A_118 : vector<16xi32>
      %shift_right_arithmetic3A_622 = arith.constant 4 : i32
      %shift_right_arithmetic3A_623 = vector.broadcast %shift_right_arithmetic3A_622 : i32 to vector<16xi32>
      %shift_right_arithmetic3A_624 = arith.shrsi %add3A_621, %shift_right_arithmetic3A_623 : vector<16xi32>
      %and3A_625 = arith.constant 15 : i32
      %and3A_626 = vector.broadcast %and3A_625 : i32 to vector<16xi32>
      %and3A_627 = arith.andi %add3A_621, %and3A_626 : vector<16xi32>
      %gather3A_628 = tpu.vector_load_idx %arg8[%shift_right_arithmetic3A_624, %and3A_627] : memref<1664x16xf32, #tpu.memory_space<vmem>>[vector<16xi32>, vector<16xi32>], vector<16xf32>,
      %mul3A_629 = arith.constant 400 : i32
      %mul3A_630 = arith.muli %scan3A_405, %mul3A_629 : i32
      %add3A_631 = arith.constant 112 : i32
      %add3A_632 = arith.addi %mul3A_630, %add3A_631 : i32
      %swap3A_633 = arith.index_cast %add3A_632 : i32 to index
      %swap3A_634 = tpu.vector_load %arg10[%swap3A_633] {strides = array<i32>} : memref<20800xf32, #tpu.memory_space<vmem>>, vector<16xf32>,
      tpu.vector_store %arg10[%swap3A_633], %gather3A_628 {strides = array<i32>} : memref<20800xf32, #tpu.memory_space<vmem>>, vector<16xf32>,
      %mul3A_635 = arith.constant 8 : i32
      %mul3A_636 = arith.muli %scan3A_405, %mul3A_635 : i32
      %add3A_637 = vector.broadcast %mul3A_636 : i32 to vector<16xi32>
      %add3A_638 = arith.addi %add3A_637, %add3A_125 : vector<16xi32>
      %add3A_639 = arith.constant 12480 : i32
      %add3A_640 = vector.broadcast %add3A_639 : i32 to vector<16xi32>
      %add3A_641 = arith.addi %add3A_640, %add3A_638 : vector<16xi32>
      %gather3A_642 = tpu.vector_load_idx %arg5[%add3A_641] : memref<13312xi32, #tpu.memory_space<vmem>>[vector<16xi32>], vector<16xi32>,
      %shift_left3A_643 = arith.constant 6 : i32
      %shift_left3A_644 = vector.broadcast %shift_left3A_643 : i32 to vector<16xi32>
      %shift_left3A_645 = arith.shli %add3A_638, %shift_left3A_644 : vector<16xi32>
      %and3A_646 = arith.constant 15 : i32
      %and3A_647 = vector.broadcast %and3A_646 : i32 to vector<16xi32>
      %and3A_648 = arith.andi %gather3A_642, %and3A_647 : vector<16xi32>
      %add3A_649 = arith.addi %shift_left3A_645, %and3A_648 : vector<16xi32>
      %add3A_650 = arith.addi %add3A_649, %sub3A_132 : vector<16xi32>
      %shift_right_arithmetic3A_651 = arith.constant 4 : i32
      %shift_right_arithmetic3A_652 = vector.broadcast %shift_right_arithmetic3A_651 : i32 to vector<16xi32>
      %shift_right_arithmetic3A_653 = arith.shrsi %add3A_650, %shift_right_arithmetic3A_652 : vector<16xi32>
      %and3A_654 = arith.constant 15 : i32
      %and3A_655 = vector.broadcast %and3A_654 : i32 to vector<16xi32>
      %and3A_656 = arith.andi %add3A_650, %and3A_655 : vector<16xi32>
      %gather3A_657 = tpu.vector_load_idx %arg8[%shift_right_arithmetic3A_653, %and3A_656] : memref<1664x16xf32, #tpu.memory_space<vmem>>[vector<16xi32>, vector<16xi32>], vector<16xf32>,
      %mul3A_658 = arith.constant 400 : i32
      %mul3A_659 = arith.muli %scan3A_405, %mul3A_658 : i32
      %add3A_660 = arith.constant 128 : i32
      %add3A_661 = arith.addi %mul3A_659, %add3A_660 : i32
      %swap3A_662 = arith.index_cast %add3A_661 : i32 to index
      %swap3A_663 = tpu.vector_load %arg10[%swap3A_662] {strides = array<i32>} : memref<20800xf32, #tpu.memory_space<vmem>>, vector<16xf32>,
      tpu.vector_store %arg10[%swap3A_662], %gather3A_657 {strides = array<i32>} : memref<20800xf32, #tpu.memory_space<vmem>>, vector<16xf32>,
      %mul3A_664 = arith.constant 8 : i32
      %mul3A_665 = arith.muli %scan3A_405, %mul3A_664 : i32
      %add3A_666 = vector.broadcast %mul3A_665 : i32 to vector<16xi32>
      %add3A_667 = arith.addi %add3A_666, %add3A_139 : vector<16xi32>
      %add3A_668 = arith.constant 12480 : i32
      %add3A_669 = vector.broadcast %add3A_668 : i32 to vector<16xi32>
      %add3A_670 = arith.addi %add3A_669, %add3A_667 : vector<16xi32>
      %gather3A_671 = tpu.vector_load_idx %arg5[%add3A_670] : memref<13312xi32, #tpu.memory_space<vmem>>[vector<16xi32>], vector<16xi32>,
      %shift_left3A_672 = arith.constant 6 : i32
      %shift_left3A_673 = vector.broadcast %shift_left3A_672 : i32 to vector<16xi32>
      %shift_left3A_674 = arith.shli %add3A_667, %shift_left3A_673 : vector<16xi32>
      %and3A_675 = arith.constant 15 : i32
      %and3A_676 = vector.broadcast %and3A_675 : i32 to vector<16xi32>
      %and3A_677 = arith.andi %gather3A_671, %and3A_676 : vector<16xi32>
      %add3A_678 = arith.addi %shift_left3A_674, %and3A_677 : vector<16xi32>
      %add3A_679 = arith.addi %add3A_678, %sub3A_146 : vector<16xi32>
      %shift_right_arithmetic3A_680 = arith.constant 4 : i32
      %shift_right_arithmetic3A_681 = vector.broadcast %shift_right_arithmetic3A_680 : i32 to vector<16xi32>
      %shift_right_arithmetic3A_682 = arith.shrsi %add3A_679, %shift_right_arithmetic3A_681 : vector<16xi32>
      %and3A_683 = arith.constant 15 : i32
      %and3A_684 = vector.broadcast %and3A_683 : i32 to vector<16xi32>
      %and3A_685 = arith.andi %add3A_679, %and3A_684 : vector<16xi32>
      %gather3A_686 = tpu.vector_load_idx %arg8[%shift_right_arithmetic3A_682, %and3A_685] : memref<1664x16xf32, #tpu.memory_space<vmem>>[vector<16xi32>, vector<16xi32>], vector<16xf32>,
      %mul3A_687 = arith.constant 400 : i32
      %mul3A_688 = arith.muli %scan3A_405, %mul3A_687 : i32
      %add3A_689 = arith.constant 144 : i32
      %add3A_690 = arith.addi %mul3A_688, %add3A_689 : i32
      %swap3A_691 = arith.index_cast %add3A_690 : i32 to index
      %swap3A_692 = tpu.vector_load %arg10[%swap3A_691] {strides = array<i32>} : memref<20800xf32, #tpu.memory_space<vmem>>, vector<16xf32>,
      tpu.vector_store %arg10[%swap3A_691], %gather3A_686 {strides = array<i32>} : memref<20800xf32, #tpu.memory_space<vmem>>, vector<16xf32>,
      %mul3A_693 = arith.constant 8 : i32
      %mul3A_694 = arith.muli %scan3A_405, %mul3A_693 : i32
      %add3A_695 = vector.broadcast %mul3A_694 : i32 to vector<16xi32>
      %add3A_696 = arith.addi %add3A_695, %add3A_153 : vector<16xi32>
      %add3A_697 = arith.constant 12480 : i32
      %add3A_698 = vector.broadcast %add3A_697 : i32 to vector<16xi32>
      %add3A_699 = arith.addi %add3A_698, %add3A_696 : vector<16xi32>
      %gather3A_700 = tpu.vector_load_idx %arg5[%add3A_699] : memref<13312xi32, #tpu.memory_space<vmem>>[vector<16xi32>], vector<16xi32>,
      %shift_left3A_701 = arith.constant 6 : i32
      %shift_left3A_702 = vector.broadcast %shift_left3A_701 : i32 to vector<16xi32>
      %shift_left3A_703 = arith.shli %add3A_696, %shift_left3A_702 : vector<16xi32>
      %and3A_704 = arith.constant 15 : i32
      %and3A_705 = vector.broadcast %and3A_704 : i32 to vector<16xi32>
      %and3A_706 = arith.andi %gather3A_700, %and3A_705 : vector<16xi32>
      %add3A_707 = arith.addi %shift_left3A_703, %and3A_706 : vector<16xi32>
      %add3A_708 = arith.addi %add3A_707, %sub3A_160 : vector<16xi32>
      %shift_right_arithmetic3A_709 = arith.constant 4 : i32
      %shift_right_arithmetic3A_710 = vector.broadcast %shift_right_arithmetic3A_709 : i32 to vector<16xi32>
      %shift_right_arithmetic3A_711 = arith.shrsi %add3A_708, %shift_right_arithmetic3A_710 : vector<16xi32>
      %and3A_712 = arith.constant 15 : i32
      %and3A_713 = vector.broadcast %and3A_712 : i32 to vector<16xi32>
      %and3A_714 = arith.andi %add3A_708, %and3A_713 : vector<16xi32>
      %gather3A_715 = tpu.vector_load_idx %arg8[%shift_right_arithmetic3A_711, %and3A_714] : memref<1664x16xf32, #tpu.memory_space<vmem>>[vector<16xi32>, vector<16xi32>], vector<16xf32>,
      %mul3A_716 = arith.constant 400 : i32
      %mul3A_717 = arith.muli %scan3A_405, %mul3A_716 : i32
      %add3A_718 = arith.constant 160 : i32
      %add3A_719 = arith.addi %mul3A_717, %add3A_718 : i32
      %swap3A_720 = arith.index_cast %add3A_719 : i32 to index
      %swap3A_721 = tpu.vector_load %arg10[%swap3A_720] {strides = array<i32>} : memref<20800xf32, #tpu.memory_space<vmem>>, vector<16xf32>,
      tpu.vector_store %arg10[%swap3A_720], %gather3A_715 {strides = array<i32>} : memref<20800xf32, #tpu.memory_space<vmem>>, vector<16xf32>,
      %mul3A_722 = arith.constant 8 : i32
      %mul3A_723 = arith.muli %scan3A_405, %mul3A_722 : i32
      %add3A_724 = vector.broadcast %mul3A_723 : i32 to vector<16xi32>
      %add3A_725 = arith.addi %add3A_724, %add3A_167 : vector<16xi32>
      %add3A_726 = arith.constant 12480 : i32
      %add3A_727 = vector.broadcast %add3A_726 : i32 to vector<16xi32>
      %add3A_728 = arith.addi %add3A_727, %add3A_725 : vector<16xi32>
      %gather3A_729 = tpu.vector_load_idx %arg5[%add3A_728] : memref<13312xi32, #tpu.memory_space<vmem>>[vector<16xi32>], vector<16xi32>,
      %shift_left3A_730 = arith.constant 6 : i32
      %shift_left3A_731 = vector.broadcast %shift_left3A_730 : i32 to vector<16xi32>
      %shift_left3A_732 = arith.shli %add3A_725, %shift_left3A_731 : vector<16xi32>
      %and3A_733 = arith.constant 15 : i32
      %and3A_734 = vector.broadcast %and3A_733 : i32 to vector<16xi32>
      %and3A_735 = arith.andi %gather3A_729, %and3A_734 : vector<16xi32>
      %add3A_736 = arith.addi %shift_left3A_732, %and3A_735 : vector<16xi32>
      %add3A_737 = arith.addi %add3A_736, %sub3A_174 : vector<16xi32>
      %shift_right_arithmetic3A_738 = arith.constant 4 : i32
      %shift_right_arithmetic3A_739 = vector.broadcast %shift_right_arithmetic3A_738 : i32 to vector<16xi32>
      %shift_right_arithmetic3A_740 = arith.shrsi %add3A_737, %shift_right_arithmetic3A_739 : vector<16xi32>
      %and3A_741 = arith.constant 15 : i32
      %and3A_742 = vector.broadcast %and3A_741 : i32 to vector<16xi32>
      %and3A_743 = arith.andi %add3A_737, %and3A_742 : vector<16xi32>
      %gather3A_744 = tpu.vector_load_idx %arg8[%shift_right_arithmetic3A_740, %and3A_743] : memref<1664x16xf32, #tpu.memory_space<vmem>>[vector<16xi32>, vector<16xi32>], vector<16xf32>,
      %mul3A_745 = arith.constant 400 : i32
      %mul3A_746 = arith.muli %scan3A_405, %mul3A_745 : i32
      %add3A_747 = arith.constant 176 : i32
      %add3A_748 = arith.addi %mul3A_746, %add3A_747 : i32
      %swap3A_749 = arith.index_cast %add3A_748 : i32 to index
      %swap3A_750 = tpu.vector_load %arg10[%swap3A_749] {strides = array<i32>} : memref<20800xf32, #tpu.memory_space<vmem>>, vector<16xf32>,
      tpu.vector_store %arg10[%swap3A_749], %gather3A_744 {strides = array<i32>} : memref<20800xf32, #tpu.memory_space<vmem>>, vector<16xf32>,
      %mul3A_751 = arith.constant 8 : i32
      %mul3A_752 = arith.muli %scan3A_405, %mul3A_751 : i32
      %add3A_753 = vector.broadcast %mul3A_752 : i32 to vector<16xi32>
      %add3A_754 = arith.addi %add3A_753, %add3A_181 : vector<16xi32>
      %add3A_755 = arith.constant 12480 : i32
      %add3A_756 = vector.broadcast %add3A_755 : i32 to vector<16xi32>
      %add3A_757 = arith.addi %add3A_756, %add3A_754 : vector<16xi32>
      %gather3A_758 = tpu.vector_load_idx %arg5[%add3A_757] : memref<13312xi32, #tpu.memory_space<vmem>>[vector<16xi32>], vector<16xi32>,
      %shift_left3A_759 = arith.constant 6 : i32
      %shift_left3A_760 = vector.broadcast %shift_left3A_759 : i32 to vector<16xi32>
      %shift_left3A_761 = arith.shli %add3A_754, %shift_left3A_760 : vector<16xi32>
      %and3A_762 = arith.constant 15 : i32
      %and3A_763 = vector.broadcast %and3A_762 : i32 to vector<16xi32>
      %and3A_764 = arith.andi %gather3A_758, %and3A_763 : vector<16xi32>
      %add3A_765 = arith.addi %shift_left3A_761, %and3A_764 : vector<16xi32>
      %add3A_766 = arith.addi %add3A_765, %sub3A_188 : vector<16xi32>
      %shift_right_arithmetic3A_767 = arith.constant 4 : i32
      %shift_right_arithmetic3A_768 = vector.broadcast %shift_right_arithmetic3A_767 : i32 to vector<16xi32>
      %shift_right_arithmetic3A_769 = arith.shrsi %add3A_766, %shift_right_arithmetic3A_768 : vector<16xi32>
      %and3A_770 = arith.constant 15 : i32
      %and3A_771 = vector.broadcast %and3A_770 : i32 to vector<16xi32>
      %and3A_772 = arith.andi %add3A_766, %and3A_771 : vector<16xi32>
      %gather3A_773 = tpu.vector_load_idx %arg8[%shift_right_arithmetic3A_769, %and3A_772] : memref<1664x16xf32, #tpu.memory_space<vmem>>[vector<16xi32>, vector<16xi32>], vector<16xf32>,
      %mul3A_774 = arith.constant 400 : i32
      %mul3A_775 = arith.muli %scan3A_405, %mul3A_774 : i32
      %add3A_776 = arith.constant 192 : i32
      %add3A_777 = arith.addi %mul3A_775, %add3A_776 : i32
      %swap3A_778 = arith.index_cast %add3A_777 : i32 to index
      %swap3A_779 = tpu.vector_load %arg10[%swap3A_778] {strides = array<i32>} : memref<20800xf32, #tpu.memory_space<vmem>>, vector<16xf32>,
      tpu.vector_store %arg10[%swap3A_778], %gather3A_773 {strides = array<i32>} : memref<20800xf32, #tpu.memory_space<vmem>>, vector<16xf32>,
      %mul3A_780 = arith.constant 8 : i32
      %mul3A_781 = arith.muli %scan3A_405, %mul3A_780 : i32
      %add3A_782 = vector.broadcast %mul3A_781 : i32 to vector<16xi32>
      %add3A_783 = arith.addi %add3A_782, %add3A_195 : vector<16xi32>
      %add3A_784 = arith.constant 12480 : i32
      %add3A_785 = vector.broadcast %add3A_784 : i32 to vector<16xi32>
      %add3A_786 = arith.addi %add3A_785, %add3A_783 : vector<16xi32>
      %gather3A_787 = tpu.vector_load_idx %arg5[%add3A_786] : memref<13312xi32, #tpu.memory_space<vmem>>[vector<16xi32>], vector<16xi32>,
      %shift_left3A_788 = arith.constant 6 : i32
      %shift_left3A_789 = vector.broadcast %shift_left3A_788 : i32 to vector<16xi32>
      %shift_left3A_790 = arith.shli %add3A_783, %shift_left3A_789 : vector<16xi32>
      %and3A_791 = arith.constant 15 : i32
      %and3A_792 = vector.broadcast %and3A_791 : i32 to vector<16xi32>
      %and3A_793 = arith.andi %gather3A_787, %and3A_792 : vector<16xi32>
      %add3A_794 = arith.addi %shift_left3A_790, %and3A_793 : vector<16xi32>
      %add3A_795 = arith.addi %add3A_794, %sub3A_202 : vector<16xi32>
      %shift_right_arithmetic3A_796 = arith.constant 4 : i32
      %shift_right_arithmetic3A_797 = vector.broadcast %shift_right_arithmetic3A_796 : i32 to vector<16xi32>
      %shift_right_arithmetic3A_798 = arith.shrsi %add3A_795, %shift_right_arithmetic3A_797 : vector<16xi32>
      %and3A_799 = arith.constant 15 : i32
      %and3A_800 = vector.broadcast %and3A_799 : i32 to vector<16xi32>
      %and3A_801 = arith.andi %add3A_795, %and3A_800 : vector<16xi32>
      %gather3A_802 = tpu.vector_load_idx %arg8[%shift_right_arithmetic3A_798, %and3A_801] : memref<1664x16xf32, #tpu.memory_space<vmem>>[vector<16xi32>, vector<16xi32>], vector<16xf32>,
      %mul3A_803 = arith.constant 400 : i32
      %mul3A_804 = arith.muli %scan3A_405, %mul3A_803 : i32
      %add3A_805 = arith.constant 208 : i32
      %add3A_806 = arith.addi %mul3A_804, %add3A_805 : i32
      %swap3A_807 = arith.index_cast %add3A_806 : i32 to index
      %swap3A_808 = tpu.vector_load %arg10[%swap3A_807] {strides = array<i32>} : memref<20800xf32, #tpu.memory_space<vmem>>, vector<16xf32>,
      tpu.vector_store %arg10[%swap3A_807], %gather3A_802 {strides = array<i32>} : memref<20800xf32, #tpu.memory_space<vmem>>, vector<16xf32>,
      %mul3A_809 = arith.constant 8 : i32
      %mul3A_810 = arith.muli %scan3A_405, %mul3A_809 : i32
      %add3A_811 = vector.broadcast %mul3A_810 : i32 to vector<16xi32>
      %add3A_812 = arith.addi %add3A_811, %add3A_209 : vector<16xi32>
      %add3A_813 = arith.constant 12480 : i32
      %add3A_814 = vector.broadcast %add3A_813 : i32 to vector<16xi32>
      %add3A_815 = arith.addi %add3A_814, %add3A_812 : vector<16xi32>
      %gather3A_816 = tpu.vector_load_idx %arg5[%add3A_815] : memref<13312xi32, #tpu.memory_space<vmem>>[vector<16xi32>], vector<16xi32>,
      %shift_left3A_817 = arith.constant 6 : i32
      %shift_left3A_818 = vector.broadcast %shift_left3A_817 : i32 to vector<16xi32>
      %shift_left3A_819 = arith.shli %add3A_812, %shift_left3A_818 : vector<16xi32>
      %and3A_820 = arith.constant 15 : i32
      %and3A_821 = vector.broadcast %and3A_820 : i32 to vector<16xi32>
      %and3A_822 = arith.andi %gather3A_816, %and3A_821 : vector<16xi32>
      %add3A_823 = arith.addi %shift_left3A_819, %and3A_822 : vector<16xi32>
      %add3A_824 = arith.addi %add3A_823, %sub3A_216 : vector<16xi32>
      %shift_right_arithmetic3A_825 = arith.constant 4 : i32
      %shift_right_arithmetic3A_826 = vector.broadcast %shift_right_arithmetic3A_825 : i32 to vector<16xi32>
      %shift_right_arithmetic3A_827 = arith.shrsi %add3A_824, %shift_right_arithmetic3A_826 : vector<16xi32>
      %and3A_828 = arith.constant 15 : i32
      %and3A_829 = vector.broadcast %and3A_828 : i32 to vector<16xi32>
      %and3A_830 = arith.andi %add3A_824, %and3A_829 : vector<16xi32>
      %gather3A_831 = tpu.vector_load_idx %arg8[%shift_right_arithmetic3A_827, %and3A_830] : memref<1664x16xf32, #tpu.memory_space<vmem>>[vector<16xi32>, vector<16xi32>], vector<16xf32>,
      %mul3A_832 = arith.constant 400 : i32
      %mul3A_833 = arith.muli %scan3A_405, %mul3A_832 : i32
      %add3A_834 = arith.constant 224 : i32
      %add3A_835 = arith.addi %mul3A_833, %add3A_834 : i32
      %swap3A_836 = arith.index_cast %add3A_835 : i32 to index
      %swap3A_837 = tpu.vector_load %arg10[%swap3A_836] {strides = array<i32>} : memref<20800xf32, #tpu.memory_space<vmem>>, vector<16xf32>,
      tpu.vector_store %arg10[%swap3A_836], %gather3A_831 {strides = array<i32>} : memref<20800xf32, #tpu.memory_space<vmem>>, vector<16xf32>,
      %mul3A_838 = arith.constant 8 : i32
      %mul3A_839 = arith.muli %scan3A_405, %mul3A_838 : i32
      %add3A_840 = vector.broadcast %mul3A_839 : i32 to vector<16xi32>
      %add3A_841 = arith.addi %add3A_840, %add3A_223 : vector<16xi32>
      %add3A_842 = arith.constant 12480 : i32
      %add3A_843 = vector.broadcast %add3A_842 : i32 to vector<16xi32>
      %add3A_844 = arith.addi %add3A_843, %add3A_841 : vector<16xi32>
      %gather3A_845 = tpu.vector_load_idx %arg5[%add3A_844] : memref<13312xi32, #tpu.memory_space<vmem>>[vector<16xi32>], vector<16xi32>,
      %shift_left3A_846 = arith.constant 6 : i32
      %shift_left3A_847 = vector.broadcast %shift_left3A_846 : i32 to vector<16xi32>
      %shift_left3A_848 = arith.shli %add3A_841, %shift_left3A_847 : vector<16xi32>
      %and3A_849 = arith.constant 15 : i32
      %and3A_850 = vector.broadcast %and3A_849 : i32 to vector<16xi32>
      %and3A_851 = arith.andi %gather3A_845, %and3A_850 : vector<16xi32>
      %add3A_852 = arith.addi %shift_left3A_848, %and3A_851 : vector<16xi32>
      %add3A_853 = arith.addi %add3A_852, %sub3A_230 : vector<16xi32>
      %shift_right_arithmetic3A_854 = arith.constant 4 : i32
      %shift_right_arithmetic3A_855 = vector.broadcast %shift_right_arithmetic3A_854 : i32 to vector<16xi32>
      %shift_right_arithmetic3A_856 = arith.shrsi %add3A_853, %shift_right_arithmetic3A_855 : vector<16xi32>
      %and3A_857 = arith.constant 15 : i32
      %and3A_858 = vector.broadcast %and3A_857 : i32 to vector<16xi32>
      %and3A_859 = arith.andi %add3A_853, %and3A_858 : vector<16xi32>
      %gather3A_860 = tpu.vector_load_idx %arg8[%shift_right_arithmetic3A_856, %and3A_859] : memref<1664x16xf32, #tpu.memory_space<vmem>>[vector<16xi32>, vector<16xi32>], vector<16xf32>,
      %mul3A_861 = arith.constant 400 : i32
      %mul3A_862 = arith.muli %scan3A_405, %mul3A_861 : i32
      %add3A_863 = arith.constant 240 : i32
      %add3A_864 = arith.addi %mul3A_862, %add3A_863 : i32
      %swap3A_865 = arith.index_cast %add3A_864 : i32 to index
      %swap3A_866 = tpu.vector_load %arg10[%swap3A_865] {strides = array<i32>} : memref<20800xf32, #tpu.memory_space<vmem>>, vector<16xf32>,
      tpu.vector_store %arg10[%swap3A_865], %gather3A_860 {strides = array<i32>} : memref<20800xf32, #tpu.memory_space<vmem>>, vector<16xf32>,
      %mul3A_867 = arith.constant 8 : i32
      %mul3A_868 = arith.muli %scan3A_405, %mul3A_867 : i32
      %add3A_869 = vector.broadcast %mul3A_868 : i32 to vector<16xi32>
      %add3A_870 = arith.addi %add3A_869, %add3A_237 : vector<16xi32>
      %add3A_871 = arith.constant 12480 : i32
      %add3A_872 = vector.broadcast %add3A_871 : i32 to vector<16xi32>
      %add3A_873 = arith.addi %add3A_872, %add3A_870 : vector<16xi32>
      %gather3A_874 = tpu.vector_load_idx %arg5[%add3A_873] : memref<13312xi32, #tpu.memory_space<vmem>>[vector<16xi32>], vector<16xi32>,
      %shift_left3A_875 = arith.constant 6 : i32
      %shift_left3A_876 = vector.broadcast %shift_left3A_875 : i32 to vector<16xi32>
      %shift_left3A_877 = arith.shli %add3A_870, %shift_left3A_876 : vector<16xi32>
      %and3A_878 = arith.constant 15 : i32
      %and3A_879 = vector.broadcast %and3A_878 : i32 to vector<16xi32>
      %and3A_880 = arith.andi %gather3A_874, %and3A_879 : vector<16xi32>
      %add3A_881 = arith.addi %shift_left3A_877, %and3A_880 : vector<16xi32>
      %add3A_882 = arith.addi %add3A_881, %sub3A_244 : vector<16xi32>
      %shift_right_arithmetic3A_883 = arith.constant 4 : i32
      %shift_right_arithmetic3A_884 = vector.broadcast %shift_right_arithmetic3A_883 : i32 to vector<16xi32>
      %shift_right_arithmetic3A_885 = arith.shrsi %add3A_882, %shift_right_arithmetic3A_884 : vector<16xi32>
      %and3A_886 = arith.constant 15 : i32
      %and3A_887 = vector.broadcast %and3A_886 : i32 to vector<16xi32>
      %and3A_888 = arith.andi %add3A_882, %and3A_887 : vector<16xi32>
      %gather3A_889 = tpu.vector_load_idx %arg8[%shift_right_arithmetic3A_885, %and3A_888] : memref<1664x16xf32, #tpu.memory_space<vmem>>[vector<16xi32>, vector<16xi32>], vector<16xf32>,
      %mul3A_890 = arith.constant 400 : i32
      %mul3A_891 = arith.muli %scan3A_405, %mul3A_890 : i32
      %add3A_892 = arith.constant 256 : i32
      %add3A_893 = arith.addi %mul3A_891, %add3A_892 : i32
      %swap3A_894 = arith.index_cast %add3A_893 : i32 to index
      %swap3A_895 = tpu.vector_load %arg10[%swap3A_894] {strides = array<i32>} : memref<20800xf32, #tpu.memory_space<vmem>>, vector<16xf32>,
      tpu.vector_store %arg10[%swap3A_894], %gather3A_889 {strides = array<i32>} : memref<20800xf32, #tpu.memory_space<vmem>>, vector<16xf32>,
      %mul3A_896 = arith.constant 8 : i32
      %mul3A_897 = arith.muli %scan3A_405, %mul3A_896 : i32
      %add3A_898 = vector.broadcast %mul3A_897 : i32 to vector<16xi32>
      %add3A_899 = arith.addi %add3A_898, %add3A_251 : vector<16xi32>
      %add3A_900 = arith.constant 12480 : i32
      %add3A_901 = vector.broadcast %add3A_900 : i32 to vector<16xi32>
      %add3A_902 = arith.addi %add3A_901, %add3A_899 : vector<16xi32>
      %gather3A_903 = tpu.vector_load_idx %arg5[%add3A_902] : memref<13312xi32, #tpu.memory_space<vmem>>[vector<16xi32>], vector<16xi32>,
      %shift_left3A_904 = arith.constant 6 : i32
      %shift_left3A_905 = vector.broadcast %shift_left3A_904 : i32 to vector<16xi32>
      %shift_left3A_906 = arith.shli %add3A_899, %shift_left3A_905 : vector<16xi32>
      %and3A_907 = arith.constant 15 : i32
      %and3A_908 = vector.broadcast %and3A_907 : i32 to vector<16xi32>
      %and3A_909 = arith.andi %gather3A_903, %and3A_908 : vector<16xi32>
      %add3A_910 = arith.addi %shift_left3A_906, %and3A_909 : vector<16xi32>
      %add3A_911 = arith.addi %add3A_910, %sub3A_258 : vector<16xi32>
      %shift_right_arithmetic3A_912 = arith.constant 4 : i32
      %shift_right_arithmetic3A_913 = vector.broadcast %shift_right_arithmetic3A_912 : i32 to vector<16xi32>
      %shift_right_arithmetic3A_914 = arith.shrsi %add3A_911, %shift_right_arithmetic3A_913 : vector<16xi32>
      %and3A_915 = arith.constant 15 : i32
      %and3A_916 = vector.broadcast %and3A_915 : i32 to vector<16xi32>
      %and3A_917 = arith.andi %add3A_911, %and3A_916 : vector<16xi32>
      %gather3A_918 = tpu.vector_load_idx %arg8[%shift_right_arithmetic3A_914, %and3A_917] : memref<1664x16xf32, #tpu.memory_space<vmem>>[vector<16xi32>, vector<16xi32>], vector<16xf32>,
      %mul3A_919 = arith.constant 400 : i32
      %mul3A_920 = arith.muli %scan3A_405, %mul3A_919 : i32
      %add3A_921 = arith.constant 272 : i32
      %add3A_922 = arith.addi %mul3A_920, %add3A_921 : i32
      %swap3A_923 = arith.index_cast %add3A_922 : i32 to index
      %swap3A_924 = tpu.vector_load %arg10[%swap3A_923] {strides = array<i32>} : memref<20800xf32, #tpu.memory_space<vmem>>, vector<16xf32>,
      tpu.vector_store %arg10[%swap3A_923], %gather3A_918 {strides = array<i32>} : memref<20800xf32, #tpu.memory_space<vmem>>, vector<16xf32>,
      %mul3A_925 = arith.constant 8 : i32
      %mul3A_926 = arith.muli %scan3A_405, %mul3A_925 : i32
      %add3A_927 = vector.broadcast %mul3A_926 : i32 to vector<16xi32>
      %add3A_928 = arith.addi %add3A_927, %add3A_265 : vector<16xi32>
      %add3A_929 = arith.constant 12480 : i32
      %add3A_930 = vector.broadcast %add3A_929 : i32 to vector<16xi32>
      %add3A_931 = arith.addi %add3A_930, %add3A_928 : vector<16xi32>
      %gather3A_932 = tpu.vector_load_idx %arg5[%add3A_931] : memref<13312xi32, #tpu.memory_space<vmem>>[vector<16xi32>], vector<16xi32>,
      %shift_left3A_933 = arith.constant 6 : i32
      %shift_left3A_934 = vector.broadcast %shift_left3A_933 : i32 to vector<16xi32>
      %shift_left3A_935 = arith.shli %add3A_928, %shift_left3A_934 : vector<16xi32>
      %and3A_936 = arith.constant 15 : i32
      %and3A_937 = vector.broadcast %and3A_936 : i32 to vector<16xi32>
      %and3A_938 = arith.andi %gather3A_932, %and3A_937 : vector<16xi32>
      %add3A_939 = arith.addi %shift_left3A_935, %and3A_938 : vector<16xi32>
      %add3A_940 = arith.addi %add3A_939, %sub3A_272 : vector<16xi32>
      %shift_right_arithmetic3A_941 = arith.constant 4 : i32
      %shift_right_arithmetic3A_942 = vector.broadcast %shift_right_arithmetic3A_941 : i32 to vector<16xi32>
      %shift_right_arithmetic3A_943 = arith.shrsi %add3A_940, %shift_right_arithmetic3A_942 : vector<16xi32>
      %and3A_944 = arith.constant 15 : i32
      %and3A_945 = vector.broadcast %and3A_944 : i32 to vector<16xi32>
      %and3A_946 = arith.andi %add3A_940, %and3A_945 : vector<16xi32>
      %gather3A_947 = tpu.vector_load_idx %arg8[%shift_right_arithmetic3A_943, %and3A_946] : memref<1664x16xf32, #tpu.memory_space<vmem>>[vector<16xi32>, vector<16xi32>], vector<16xf32>,
      %mul3A_948 = arith.constant 400 : i32
      %mul3A_949 = arith.muli %scan3A_405, %mul3A_948 : i32
      %add3A_950 = arith.constant 288 : i32
      %add3A_951 = arith.addi %mul3A_949, %add3A_950 : i32
      %swap3A_952 = arith.index_cast %add3A_951 : i32 to index
      %swap3A_953 = tpu.vector_load %arg10[%swap3A_952] {strides = array<i32>} : memref<20800xf32, #tpu.memory_space<vmem>>, vector<16xf32>,
      tpu.vector_store %arg10[%swap3A_952], %gather3A_947 {strides = array<i32>} : memref<20800xf32, #tpu.memory_space<vmem>>, vector<16xf32>,
      %mul3A_954 = arith.constant 8 : i32
      %mul3A_955 = arith.muli %scan3A_405, %mul3A_954 : i32
      %add3A_956 = vector.broadcast %mul3A_955 : i32 to vector<16xi32>
      %add3A_957 = arith.addi %add3A_956, %add3A_279 : vector<16xi32>
      %add3A_958 = arith.constant 12480 : i32
      %add3A_959 = vector.broadcast %add3A_958 : i32 to vector<16xi32>
      %add3A_960 = arith.addi %add3A_959, %add3A_957 : vector<16xi32>
      %gather3A_961 = tpu.vector_load_idx %arg5[%add3A_960] : memref<13312xi32, #tpu.memory_space<vmem>>[vector<16xi32>], vector<16xi32>,
      %shift_left3A_962 = arith.constant 6 : i32
      %shift_left3A_963 = vector.broadcast %shift_left3A_962 : i32 to vector<16xi32>
      %shift_left3A_964 = arith.shli %add3A_957, %shift_left3A_963 : vector<16xi32>
      %and3A_965 = arith.constant 15 : i32
      %and3A_966 = vector.broadcast %and3A_965 : i32 to vector<16xi32>
      %and3A_967 = arith.andi %gather3A_961, %and3A_966 : vector<16xi32>
      %add3A_968 = arith.addi %shift_left3A_964, %and3A_967 : vector<16xi32>
      %add3A_969 = arith.addi %add3A_968, %sub3A_286 : vector<16xi32>
      %shift_right_arithmetic3A_970 = arith.constant 4 : i32
      %shift_right_arithmetic3A_971 = vector.broadcast %shift_right_arithmetic3A_970 : i32 to vector<16xi32>
      %shift_right_arithmetic3A_972 = arith.shrsi %add3A_969, %shift_right_arithmetic3A_971 : vector<16xi32>
      %and3A_973 = arith.constant 15 : i32
      %and3A_974 = vector.broadcast %and3A_973 : i32 to vector<16xi32>
      %and3A_975 = arith.andi %add3A_969, %and3A_974 : vector<16xi32>
      %gather3A_976 = tpu.vector_load_idx %arg8[%shift_right_arithmetic3A_972, %and3A_975] : memref<1664x16xf32, #tpu.memory_space<vmem>>[vector<16xi32>, vector<16xi32>], vector<16xf32>,
      %mul3A_977 = arith.constant 400 : i32
      %mul3A_978 = arith.muli %scan3A_405, %mul3A_977 : i32
      %add3A_979 = arith.constant 304 : i32
      %add3A_980 = arith.addi %mul3A_978, %add3A_979 : i32
      %swap3A_981 = arith.index_cast %add3A_980 : i32 to index
      %swap3A_982 = tpu.vector_load %arg10[%swap3A_981] {strides = array<i32>} : memref<20800xf32, #tpu.memory_space<vmem>>, vector<16xf32>,
      tpu.vector_store %arg10[%swap3A_981], %gather3A_976 {strides = array<i32>} : memref<20800xf32, #tpu.memory_space<vmem>>, vector<16xf32>,
      %mul3A_983 = arith.constant 8 : i32
      %mul3A_984 = arith.muli %scan3A_405, %mul3A_983 : i32
      %add3A_985 = vector.broadcast %mul3A_984 : i32 to vector<16xi32>
      %add3A_986 = arith.addi %add3A_985, %add3A_293 : vector<16xi32>
      %add3A_987 = arith.constant 12480 : i32
      %add3A_988 = vector.broadcast %add3A_987 : i32 to vector<16xi32>
      %add3A_989 = arith.addi %add3A_988, %add3A_986 : vector<16xi32>
      %gather3A_990 = tpu.vector_load_idx %arg5[%add3A_989] : memref<13312xi32, #tpu.memory_space<vmem>>[vector<16xi32>], vector<16xi32>,
      %shift_left3A_991 = arith.constant 6 : i32
      %shift_left3A_992 = vector.broadcast %shift_left3A_991 : i32 to vector<16xi32>
      %shift_left3A_993 = arith.shli %add3A_986, %shift_left3A_992 : vector<16xi32>
      %and3A_994 = arith.constant 15 : i32
      %and3A_995 = vector.broadcast %and3A_994 : i32 to vector<16xi32>
      %and3A_996 = arith.andi %gather3A_990, %and3A_995 : vector<16xi32>
      %add3A_997 = arith.addi %shift_left3A_993, %and3A_996 : vector<16xi32>
      %add3A_998 = arith.addi %add3A_997, %sub3A_300 : vector<16xi32>
      %shift_right_arithmetic3A_999 = arith.constant 4 : i32
      %shift_right_arithmetic3A_1000 = vector.broadcast %shift_right_arithmetic3A_999 : i32 to vector<16xi32>
      %shift_right_arithmetic3A_1001 = arith.shrsi %add3A_998, %shift_right_arithmetic3A_1000 : vector<16xi32>
      %and3A_1002 = arith.constant 15 : i32
      %and3A_1003 = vector.broadcast %and3A_1002 : i32 to vector<16xi32>
      %and3A_1004 = arith.andi %add3A_998, %and3A_1003 : vector<16xi32>
      %gather3A_1005 = tpu.vector_load_idx %arg8[%shift_right_arithmetic3A_1001, %and3A_1004] : memref<1664x16xf32, #tpu.memory_space<vmem>>[vector<16xi32>, vector<16xi32>], vector<16xf32>,
      %mul3A_1006 = arith.constant 400 : i32
      %mul3A_1007 = arith.muli %scan3A_405, %mul3A_1006 : i32
      %add3A_1008 = arith.constant 320 : i32
      %add3A_1009 = arith.addi %mul3A_1007, %add3A_1008 : i32
      %swap3A_1010 = arith.index_cast %add3A_1009 : i32 to index
      %swap3A_1011 = tpu.vector_load %arg10[%swap3A_1010] {strides = array<i32>} : memref<20800xf32, #tpu.memory_space<vmem>>, vector<16xf32>,
      tpu.vector_store %arg10[%swap3A_1010], %gather3A_1005 {strides = array<i32>} : memref<20800xf32, #tpu.memory_space<vmem>>, vector<16xf32>,
      %mul3A_1012 = arith.constant 8 : i32
      %mul3A_1013 = arith.muli %scan3A_405, %mul3A_1012 : i32
      %add3A_1014 = vector.broadcast %mul3A_1013 : i32 to vector<16xi32>
      %add3A_1015 = arith.addi %add3A_1014, %add3A_307 : vector<16xi32>
      %add3A_1016 = arith.constant 12480 : i32
      %add3A_1017 = vector.broadcast %add3A_1016 : i32 to vector<16xi32>
      %add3A_1018 = arith.addi %add3A_1017, %add3A_1015 : vector<16xi32>
      %gather3A_1019 = tpu.vector_load_idx %arg5[%add3A_1018] : memref<13312xi32, #tpu.memory_space<vmem>>[vector<16xi32>], vector<16xi32>,
      %shift_left3A_1020 = arith.constant 6 : i32
      %shift_left3A_1021 = vector.broadcast %shift_left3A_1020 : i32 to vector<16xi32>
      %shift_left3A_1022 = arith.shli %add3A_1015, %shift_left3A_1021 : vector<16xi32>
      %and3A_1023 = arith.constant 15 : i32
      %and3A_1024 = vector.broadcast %and3A_1023 : i32 to vector<16xi32>
      %and3A_1025 = arith.andi %gather3A_1019, %and3A_1024 : vector<16xi32>
      %add3A_1026 = arith.addi %shift_left3A_1022, %and3A_1025 : vector<16xi32>
      %add3A_1027 = arith.addi %add3A_1026, %sub3A_314 : vector<16xi32>
      %shift_right_arithmetic3A_1028 = arith.constant 4 : i32
      %shift_right_arithmetic3A_1029 = vector.broadcast %shift_right_arithmetic3A_1028 : i32 to vector<16xi32>
      %shift_right_arithmetic3A_1030 = arith.shrsi %add3A_1027, %shift_right_arithmetic3A_1029 : vector<16xi32>
      %and3A_1031 = arith.constant 15 : i32
      %and3A_1032 = vector.broadcast %and3A_1031 : i32 to vector<16xi32>
      %and3A_1033 = arith.andi %add3A_1027, %and3A_1032 : vector<16xi32>
      %gather3A_1034 = tpu.vector_load_idx %arg8[%shift_right_arithmetic3A_1030, %and3A_1033] : memref<1664x16xf32, #tpu.memory_space<vmem>>[vector<16xi32>, vector<16xi32>], vector<16xf32>,
      %mul3A_1035 = arith.constant 400 : i32
      %mul3A_1036 = arith.muli %scan3A_405, %mul3A_1035 : i32
      %add3A_1037 = arith.constant 336 : i32
      %add3A_1038 = arith.addi %mul3A_1036, %add3A_1037 : i32
      %swap3A_1039 = arith.index_cast %add3A_1038 : i32 to index
      %swap3A_1040 = tpu.vector_load %arg10[%swap3A_1039] {strides = array<i32>} : memref<20800xf32, #tpu.memory_space<vmem>>, vector<16xf32>,
      tpu.vector_store %arg10[%swap3A_1039], %gather3A_1034 {strides = array<i32>} : memref<20800xf32, #tpu.memory_space<vmem>>, vector<16xf32>,
      %mul3A_1041 = arith.constant 8 : i32
      %mul3A_1042 = arith.muli %scan3A_405, %mul3A_1041 : i32
      %add3A_1043 = vector.broadcast %mul3A_1042 : i32 to vector<16xi32>
      %add3A_1044 = arith.addi %add3A_1043, %add3A_321 : vector<16xi32>
      %add3A_1045 = arith.constant 12480 : i32
      %add3A_1046 = vector.broadcast %add3A_1045 : i32 to vector<16xi32>
      %add3A_1047 = arith.addi %add3A_1046, %add3A_1044 : vector<16xi32>
      %gather3A_1048 = tpu.vector_load_idx %arg5[%add3A_1047] : memref<13312xi32, #tpu.memory_space<vmem>>[vector<16xi32>], vector<16xi32>,
      %shift_left3A_1049 = arith.constant 6 : i32
      %shift_left3A_1050 = vector.broadcast %shift_left3A_1049 : i32 to vector<16xi32>
      %shift_left3A_1051 = arith.shli %add3A_1044, %shift_left3A_1050 : vector<16xi32>
      %and3A_1052 = arith.constant 15 : i32
      %and3A_1053 = vector.broadcast %and3A_1052 : i32 to vector<16xi32>
      %and3A_1054 = arith.andi %gather3A_1048, %and3A_1053 : vector<16xi32>
      %add3A_1055 = arith.addi %shift_left3A_1051, %and3A_1054 : vector<16xi32>
      %add3A_1056 = arith.addi %add3A_1055, %sub3A_328 : vector<16xi32>
      %shift_right_arithmetic3A_1057 = arith.constant 4 : i32
      %shift_right_arithmetic3A_1058 = vector.broadcast %shift_right_arithmetic3A_1057 : i32 to vector<16xi32>
      %shift_right_arithmetic3A_1059 = arith.shrsi %add3A_1056, %shift_right_arithmetic3A_1058 : vector<16xi32>
      %and3A_1060 = arith.constant 15 : i32
      %and3A_1061 = vector.broadcast %and3A_1060 : i32 to vector<16xi32>
      %and3A_1062 = arith.andi %add3A_1056, %and3A_1061 : vector<16xi32>
      %gather3A_1063 = tpu.vector_load_idx %arg8[%shift_right_arithmetic3A_1059, %and3A_1062] : memref<1664x16xf32, #tpu.memory_space<vmem>>[vector<16xi32>, vector<16xi32>], vector<16xf32>,
      %mul3A_1064 = arith.constant 400 : i32
      %mul3A_1065 = arith.muli %scan3A_405, %mul3A_1064 : i32
      %add3A_1066 = arith.constant 352 : i32
      %add3A_1067 = arith.addi %mul3A_1065, %add3A_1066 : i32
      %swap3A_1068 = arith.index_cast %add3A_1067 : i32 to index
      %swap3A_1069 = tpu.vector_load %arg10[%swap3A_1068] {strides = array<i32>} : memref<20800xf32, #tpu.memory_space<vmem>>, vector<16xf32>,
      tpu.vector_store %arg10[%swap3A_1068], %gather3A_1063 {strides = array<i32>} : memref<20800xf32, #tpu.memory_space<vmem>>, vector<16xf32>,
      %mul3A_1070 = arith.constant 8 : i32
      %mul3A_1071 = arith.muli %scan3A_405, %mul3A_1070 : i32
      %add3A_1072 = vector.broadcast %mul3A_1071 : i32 to vector<16xi32>
      %add3A_1073 = arith.addi %add3A_1072, %add3A_335 : vector<16xi32>
      %add3A_1074 = arith.constant 12480 : i32
      %add3A_1075 = vector.broadcast %add3A_1074 : i32 to vector<16xi32>
      %add3A_1076 = arith.addi %add3A_1075, %add3A_1073 : vector<16xi32>
      %gather3A_1077 = tpu.vector_load_idx %arg5[%add3A_1076] : memref<13312xi32, #tpu.memory_space<vmem>>[vector<16xi32>], vector<16xi32>,
      %shift_left3A_1078 = arith.constant 6 : i32
      %shift_left3A_1079 = vector.broadcast %shift_left3A_1078 : i32 to vector<16xi32>
      %shift_left3A_1080 = arith.shli %add3A_1073, %shift_left3A_1079 : vector<16xi32>
      %and3A_1081 = arith.constant 15 : i32
      %and3A_1082 = vector.broadcast %and3A_1081 : i32 to vector<16xi32>
      %and3A_1083 = arith.andi %gather3A_1077, %and3A_1082 : vector<16xi32>
      %add3A_1084 = arith.addi %shift_left3A_1080, %and3A_1083 : vector<16xi32>
      %add3A_1085 = arith.addi %add3A_1084, %sub3A_342 : vector<16xi32>
      %shift_right_arithmetic3A_1086 = arith.constant 4 : i32
      %shift_right_arithmetic3A_1087 = vector.broadcast %shift_right_arithmetic3A_1086 : i32 to vector<16xi32>
      %shift_right_arithmetic3A_1088 = arith.shrsi %add3A_1085, %shift_right_arithmetic3A_1087 : vector<16xi32>
      %and3A_1089 = arith.constant 15 : i32
      %and3A_1090 = vector.broadcast %and3A_1089 : i32 to vector<16xi32>
      %and3A_1091 = arith.andi %add3A_1085, %and3A_1090 : vector<16xi32>
      %gather3A_1092 = tpu.vector_load_idx %arg8[%shift_right_arithmetic3A_1088, %and3A_1091] : memref<1664x16xf32, #tpu.memory_space<vmem>>[vector<16xi32>, vector<16xi32>], vector<16xf32>,
      %mul3A_1093 = arith.constant 400 : i32
      %mul3A_1094 = arith.muli %scan3A_405, %mul3A_1093 : i32
      %add3A_1095 = arith.constant 368 : i32
      %add3A_1096 = arith.addi %mul3A_1094, %add3A_1095 : i32
      %swap3A_1097 = arith.index_cast %add3A_1096 : i32 to index
      %swap3A_1098 = tpu.vector_load %arg10[%swap3A_1097] {strides = array<i32>} : memref<20800xf32, #tpu.memory_space<vmem>>, vector<16xf32>,
      tpu.vector_store %arg10[%swap3A_1097], %gather3A_1092 {strides = array<i32>} : memref<20800xf32, #tpu.memory_space<vmem>>, vector<16xf32>,
      %mul3A_1099 = arith.constant 8 : i32
      %mul3A_1100 = arith.muli %scan3A_405, %mul3A_1099 : i32
      %add3A_1101 = vector.broadcast %mul3A_1100 : i32 to vector<16xi32>
      %add3A_1102 = arith.addi %add3A_1101, %add3A_349 : vector<16xi32>
      %add3A_1103 = arith.constant 12480 : i32
      %add3A_1104 = vector.broadcast %add3A_1103 : i32 to vector<16xi32>
      %add3A_1105 = arith.addi %add3A_1104, %add3A_1102 : vector<16xi32>
      %gather3A_1106 = tpu.vector_load_idx %arg5[%add3A_1105] : memref<13312xi32, #tpu.memory_space<vmem>>[vector<16xi32>], vector<16xi32>,
      %shift_left3A_1107 = arith.constant 6 : i32
      %shift_left3A_1108 = vector.broadcast %shift_left3A_1107 : i32 to vector<16xi32>
      %shift_left3A_1109 = arith.shli %add3A_1102, %shift_left3A_1108 : vector<16xi32>
      %and3A_1110 = arith.constant 15 : i32
      %and3A_1111 = vector.broadcast %and3A_1110 : i32 to vector<16xi32>
      %and3A_1112 = arith.andi %gather3A_1106, %and3A_1111 : vector<16xi32>
      %add3A_1113 = arith.addi %shift_left3A_1109, %and3A_1112 : vector<16xi32>
      %add3A_1114 = arith.addi %add3A_1113, %sub3A_356 : vector<16xi32>
      %shift_right_arithmetic3A_1115 = arith.constant 4 : i32
      %shift_right_arithmetic3A_1116 = vector.broadcast %shift_right_arithmetic3A_1115 : i32 to vector<16xi32>
      %shift_right_arithmetic3A_1117 = arith.shrsi %add3A_1114, %shift_right_arithmetic3A_1116 : vector<16xi32>
      %and3A_1118 = arith.constant 15 : i32
      %and3A_1119 = vector.broadcast %and3A_1118 : i32 to vector<16xi32>
      %and3A_1120 = arith.andi %add3A_1114, %and3A_1119 : vector<16xi32>
      %gather3A_1121 = tpu.vector_load_idx %arg8[%shift_right_arithmetic3A_1117, %and3A_1120] : memref<1664x16xf32, #tpu.memory_space<vmem>>[vector<16xi32>, vector<16xi32>], vector<16xf32>,
      %mul3A_1122 = arith.constant 400 : i32
      %mul3A_1123 = arith.muli %scan3A_405, %mul3A_1122 : i32
      %add3A_1124 = arith.constant 384 : i32
      %add3A_1125 = arith.addi %mul3A_1123, %add3A_1124 : i32
      %swap3A_1126 = arith.index_cast %add3A_1125 : i32 to index
      %swap3A_1127 = tpu.vector_load %arg10[%swap3A_1126] {strides = array<i32>} : memref<20800xf32, #tpu.memory_space<vmem>>, vector<16xf32>,
      tpu.vector_store %arg10[%swap3A_1126], %gather3A_1121 {strides = array<i32>} : memref<20800xf32, #tpu.memory_space<vmem>>, vector<16xf32>,
    }
    %scan3A_391 = arith.constant 52 : i32
    %add3A_392 = arith.constant 624000 : i32
    %add3A_393 = arith.addi %mul3A_4, %add3A_392 : i32
    "tpu.region"() ({
      %run_scoped3A = tpu.sem_alloc : memref<!tpu.dma_semaphore, #tpu.memory_space<semaphore_mem>>
      %dma_start3A_405 = tpu.memref_slice %arg4[%add3A_393] : memref<21299200xf32, #tpu.memory_space<hbm>> -> memref<20800xf32, #tpu.memory_space<hbm>>
      %dma_start3A_406 = tpu.memref_slice %arg4[%add3A_393] : memref<21299200xf32, #tpu.memory_space<hbm>> -> memref<20800xf32, #tpu.memory_space<hbm>>
      tpu.enqueue_dma source(%arg10 : memref<20800xf32, #tpu.memory_space<vmem>>) target(%dma_start3A_406 : memref<20800xf32, #tpu.memory_space<hbm>>) target_semaphore(%run_scoped3A : memref<!tpu.dma_semaphore, #tpu.memory_space<semaphore_mem>>)
      %dma_wait3A_407 = tpu.memref_slice %arg4[%add3A_393] : memref<21299200xf32, #tpu.memory_space<hbm>> -> memref<20800xf32, #tpu.memory_space<hbm>>
      %dma_wait3A_408 = tpu.memref_slice %arg4[%add3A_393] : memref<21299200xf32, #tpu.memory_space<hbm>> -> memref<20800xf32, #tpu.memory_space<hbm>>
      tpu.wait_dma2 semaphore(%run_scoped3A : memref<!tpu.dma_semaphore, #tpu.memory_space<semaphore_mem>>) src(%arg10 : memref<20800xf32, #tpu.memory_space<vmem>>) dst(%dma_wait3A_408 : memref<20800xf32, #tpu.memory_space<hbm>>)
      tpu.yield
    }) : () -> ()
    %dma_wait3A_394 = arith.constant 0 : i32
    %dma_wait3A_395 = arith.constant 0 : i32
    %dma_wait3A_396 = tpu.memref_slice %arg3[%dma_wait3A_394, %dma_wait3A_395] : memref<8125000x16xf32, #tpu.memory_space<hbm>> -> memref<8125000x16xf32, #tpu.memory_space<hbm>>
    tpu.wait_indirect_dma semaphore(%arg13 : memref<!tpu.dma_semaphore, #tpu.memory_space<semaphore_mem>>) src(%dma_wait3A_396 : memref<8125000x16xf32, #tpu.memory_space<hbm>>) dst(%arg9 : memref<1664x16xf32, #tpu.memory_space<vmem>>)
    %scan3A_397 = arith.constant 0 : i32
    %scan3A_398 = arith.constant 0 : i32
    %scan3A_399 = arith.constant 52 : i32
    %scan3A_400 = arith.addi %scan3A_398, %scan3A_399 : i32
    %scan3A_401 = arith.constant 1 : i32
    scf.for %scan3A_405 = %scan3A_398 to %scan3A_400 step %scan3A_401  : i32 {
      %mul3A_406 = arith.constant 8 : i32
      %mul3A_407 = arith.muli %scan3A_405, %mul3A_406 : i32
      %add3A_408 = vector.broadcast %mul3A_407 : i32 to vector<16xi32>
      %add3A_409 = arith.addi %add3A_408, %add3A_14 : vector<16xi32>
      %add3A_410 = arith.constant 12896 : i32
      %add3A_411 = vector.broadcast %add3A_410 : i32 to vector<16xi32>
      %add3A_412 = arith.addi %add3A_411, %add3A_409 : vector<16xi32>
      %gather3A = tpu.vector_load_idx %arg5[%add3A_412] : memref<13312xi32, #tpu.memory_space<vmem>>[vector<16xi32>], vector<16xi32>,
      %shift_left3A = arith.constant 6 : i32
      %shift_left3A_413 = vector.broadcast %shift_left3A : i32 to vector<16xi32>
      %shift_left3A_414 = arith.shli %add3A_409, %shift_left3A_413 : vector<16xi32>
      %and3A_415 = arith.constant 15 : i32
      %and3A_416 = vector.broadcast %and3A_415 : i32 to vector<16xi32>
      %and3A_417 = arith.andi %gather3A, %and3A_416 : vector<16xi32>
      %add3A_418 = arith.addi %shift_left3A_414, %and3A_417 : vector<16xi32>
      %add3A_419 = arith.addi %add3A_418, %sub3A : vector<16xi32>
      %shift_right_arithmetic3A_420 = arith.constant 4 : i32
      %shift_right_arithmetic3A_421 = vector.broadcast %shift_right_arithmetic3A_420 : i32 to vector<16xi32>
      %shift_right_arithmetic3A_422 = arith.shrsi %add3A_419, %shift_right_arithmetic3A_421 : vector<16xi32>
      %and3A_423 = arith.constant 15 : i32
      %and3A_424 = vector.broadcast %and3A_423 : i32 to vector<16xi32>
      %and3A_425 = arith.andi %add3A_419, %and3A_424 : vector<16xi32>
      %gather3A_426 = tpu.vector_load_idx %arg9[%shift_right_arithmetic3A_422, %and3A_425] : memref<1664x16xf32, #tpu.memory_space<vmem>>[vector<16xi32>, vector<16xi32>], vector<16xf32>,
      %mul3A_427 = arith.constant 400 : i32
      %mul3A_428 = arith.muli %scan3A_405, %mul3A_427 : i32
      %add3A_429 = arith.constant 0 : i32
      %add3A_430 = arith.addi %mul3A_428, %add3A_429 : i32
      %swap3A = arith.index_cast %add3A_430 : i32 to index
      %swap3A_431 = tpu.vector_load %arg11[%swap3A] {strides = array<i32>} : memref<20800xf32, #tpu.memory_space<vmem>>, vector<16xf32>,
      tpu.vector_store %arg11[%swap3A], %gather3A_426 {strides = array<i32>} : memref<20800xf32, #tpu.memory_space<vmem>>, vector<16xf32>,
      %mul3A_432 = arith.constant 8 : i32
      %mul3A_433 = arith.muli %scan3A_405, %mul3A_432 : i32
      %add3A_434 = vector.broadcast %mul3A_433 : i32 to vector<16xi32>
      %add3A_435 = arith.addi %add3A_434, %add3A_27 : vector<16xi32>
      %add3A_436 = arith.constant 12896 : i32
      %add3A_437 = vector.broadcast %add3A_436 : i32 to vector<16xi32>
      %add3A_438 = arith.addi %add3A_437, %add3A_435 : vector<16xi32>
      %gather3A_439 = tpu.vector_load_idx %arg5[%add3A_438] : memref<13312xi32, #tpu.memory_space<vmem>>[vector<16xi32>], vector<16xi32>,
      %shift_left3A_440 = arith.constant 6 : i32
      %shift_left3A_441 = vector.broadcast %shift_left3A_440 : i32 to vector<16xi32>
      %shift_left3A_442 = arith.shli %add3A_435, %shift_left3A_441 : vector<16xi32>
      %and3A_443 = arith.constant 15 : i32
      %and3A_444 = vector.broadcast %and3A_443 : i32 to vector<16xi32>
      %and3A_445 = arith.andi %gather3A_439, %and3A_444 : vector<16xi32>
      %add3A_446 = arith.addi %shift_left3A_442, %and3A_445 : vector<16xi32>
      %add3A_447 = arith.addi %add3A_446, %sub3A_34 : vector<16xi32>
      %shift_right_arithmetic3A_448 = arith.constant 4 : i32
      %shift_right_arithmetic3A_449 = vector.broadcast %shift_right_arithmetic3A_448 : i32 to vector<16xi32>
      %shift_right_arithmetic3A_450 = arith.shrsi %add3A_447, %shift_right_arithmetic3A_449 : vector<16xi32>
      %and3A_451 = arith.constant 15 : i32
      %and3A_452 = vector.broadcast %and3A_451 : i32 to vector<16xi32>
      %and3A_453 = arith.andi %add3A_447, %and3A_452 : vector<16xi32>
      %gather3A_454 = tpu.vector_load_idx %arg9[%shift_right_arithmetic3A_450, %and3A_453] : memref<1664x16xf32, #tpu.memory_space<vmem>>[vector<16xi32>, vector<16xi32>], vector<16xf32>,
      %mul3A_455 = arith.constant 400 : i32
      %mul3A_456 = arith.muli %scan3A_405, %mul3A_455 : i32
      %add3A_457 = arith.constant 16 : i32
      %add3A_458 = arith.addi %mul3A_456, %add3A_457 : i32
      %swap3A_459 = arith.index_cast %add3A_458 : i32 to index
      %swap3A_460 = tpu.vector_load %arg11[%swap3A_459] {strides = array<i32>} : memref<20800xf32, #tpu.memory_space<vmem>>, vector<16xf32>,
      tpu.vector_store %arg11[%swap3A_459], %gather3A_454 {strides = array<i32>} : memref<20800xf32, #tpu.memory_space<vmem>>, vector<16xf32>,
      %mul3A_461 = arith.constant 8 : i32
      %mul3A_462 = arith.muli %scan3A_405, %mul3A_461 : i32
      %add3A_463 = vector.broadcast %mul3A_462 : i32 to vector<16xi32>
      %add3A_464 = arith.addi %add3A_463, %add3A_41 : vector<16xi32>
      %add3A_465 = arith.constant 12896 : i32
      %add3A_466 = vector.broadcast %add3A_465 : i32 to vector<16xi32>
      %add3A_467 = arith.addi %add3A_466, %add3A_464 : vector<16xi32>
      %gather3A_468 = tpu.vector_load_idx %arg5[%add3A_467] : memref<13312xi32, #tpu.memory_space<vmem>>[vector<16xi32>], vector<16xi32>,
      %shift_left3A_469 = arith.constant 6 : i32
      %shift_left3A_470 = vector.broadcast %shift_left3A_469 : i32 to vector<16xi32>
      %shift_left3A_471 = arith.shli %add3A_464, %shift_left3A_470 : vector<16xi32>
      %and3A_472 = arith.constant 15 : i32
      %and3A_473 = vector.broadcast %and3A_472 : i32 to vector<16xi32>
      %and3A_474 = arith.andi %gather3A_468, %and3A_473 : vector<16xi32>
      %add3A_475 = arith.addi %shift_left3A_471, %and3A_474 : vector<16xi32>
      %add3A_476 = arith.addi %add3A_475, %sub3A_48 : vector<16xi32>
      %shift_right_arithmetic3A_477 = arith.constant 4 : i32
      %shift_right_arithmetic3A_478 = vector.broadcast %shift_right_arithmetic3A_477 : i32 to vector<16xi32>
      %shift_right_arithmetic3A_479 = arith.shrsi %add3A_476, %shift_right_arithmetic3A_478 : vector<16xi32>
      %and3A_480 = arith.constant 15 : i32
      %and3A_481 = vector.broadcast %and3A_480 : i32 to vector<16xi32>
      %and3A_482 = arith.andi %add3A_476, %and3A_481 : vector<16xi32>
      %gather3A_483 = tpu.vector_load_idx %arg9[%shift_right_arithmetic3A_479, %and3A_482] : memref<1664x16xf32, #tpu.memory_space<vmem>>[vector<16xi32>, vector<16xi32>], vector<16xf32>,
      %mul3A_484 = arith.constant 400 : i32
      %mul3A_485 = arith.muli %scan3A_405, %mul3A_484 : i32
      %add3A_486 = arith.constant 32 : i32
      %add3A_487 = arith.addi %mul3A_485, %add3A_486 : i32
      %swap3A_488 = arith.index_cast %add3A_487 : i32 to index
      %swap3A_489 = tpu.vector_load %arg11[%swap3A_488] {strides = array<i32>} : memref<20800xf32, #tpu.memory_space<vmem>>, vector<16xf32>,
      tpu.vector_store %arg11[%swap3A_488], %gather3A_483 {strides = array<i32>} : memref<20800xf32, #tpu.memory_space<vmem>>, vector<16xf32>,
      %mul3A_490 = arith.constant 8 : i32
      %mul3A_491 = arith.muli %scan3A_405, %mul3A_490 : i32
      %add3A_492 = vector.broadcast %mul3A_491 : i32 to vector<16xi32>
      %add3A_493 = arith.addi %add3A_492, %add3A_55 : vector<16xi32>
      %add3A_494 = arith.constant 12896 : i32
      %add3A_495 = vector.broadcast %add3A_494 : i32 to vector<16xi32>
      %add3A_496 = arith.addi %add3A_495, %add3A_493 : vector<16xi32>
      %gather3A_497 = tpu.vector_load_idx %arg5[%add3A_496] : memref<13312xi32, #tpu.memory_space<vmem>>[vector<16xi32>], vector<16xi32>,
      %shift_left3A_498 = arith.constant 6 : i32
      %shift_left3A_499 = vector.broadcast %shift_left3A_498 : i32 to vector<16xi32>
      %shift_left3A_500 = arith.shli %add3A_493, %shift_left3A_499 : vector<16xi32>
      %and3A_501 = arith.constant 15 : i32
      %and3A_502 = vector.broadcast %and3A_501 : i32 to vector<16xi32>
      %and3A_503 = arith.andi %gather3A_497, %and3A_502 : vector<16xi32>
      %add3A_504 = arith.addi %shift_left3A_500, %and3A_503 : vector<16xi32>
      %add3A_505 = arith.addi %add3A_504, %sub3A_62 : vector<16xi32>
      %shift_right_arithmetic3A_506 = arith.constant 4 : i32
      %shift_right_arithmetic3A_507 = vector.broadcast %shift_right_arithmetic3A_506 : i32 to vector<16xi32>
      %shift_right_arithmetic3A_508 = arith.shrsi %add3A_505, %shift_right_arithmetic3A_507 : vector<16xi32>
      %and3A_509 = arith.constant 15 : i32
      %and3A_510 = vector.broadcast %and3A_509 : i32 to vector<16xi32>
      %and3A_511 = arith.andi %add3A_505, %and3A_510 : vector<16xi32>
      %gather3A_512 = tpu.vector_load_idx %arg9[%shift_right_arithmetic3A_508, %and3A_511] : memref<1664x16xf32, #tpu.memory_space<vmem>>[vector<16xi32>, vector<16xi32>], vector<16xf32>,
      %mul3A_513 = arith.constant 400 : i32
      %mul3A_514 = arith.muli %scan3A_405, %mul3A_513 : i32
      %add3A_515 = arith.constant 48 : i32
      %add3A_516 = arith.addi %mul3A_514, %add3A_515 : i32
      %swap3A_517 = arith.index_cast %add3A_516 : i32 to index
      %swap3A_518 = tpu.vector_load %arg11[%swap3A_517] {strides = array<i32>} : memref<20800xf32, #tpu.memory_space<vmem>>, vector<16xf32>,
      tpu.vector_store %arg11[%swap3A_517], %gather3A_512 {strides = array<i32>} : memref<20800xf32, #tpu.memory_space<vmem>>, vector<16xf32>,
      %mul3A_519 = arith.constant 8 : i32
      %mul3A_520 = arith.muli %scan3A_405, %mul3A_519 : i32
      %add3A_521 = vector.broadcast %mul3A_520 : i32 to vector<16xi32>
      %add3A_522 = arith.addi %add3A_521, %add3A_69 : vector<16xi32>
      %add3A_523 = arith.constant 12896 : i32
      %add3A_524 = vector.broadcast %add3A_523 : i32 to vector<16xi32>
      %add3A_525 = arith.addi %add3A_524, %add3A_522 : vector<16xi32>
      %gather3A_526 = tpu.vector_load_idx %arg5[%add3A_525] : memref<13312xi32, #tpu.memory_space<vmem>>[vector<16xi32>], vector<16xi32>,
      %shift_left3A_527 = arith.constant 6 : i32
      %shift_left3A_528 = vector.broadcast %shift_left3A_527 : i32 to vector<16xi32>
      %shift_left3A_529 = arith.shli %add3A_522, %shift_left3A_528 : vector<16xi32>
      %and3A_530 = arith.constant 15 : i32
      %and3A_531 = vector.broadcast %and3A_530 : i32 to vector<16xi32>
      %and3A_532 = arith.andi %gather3A_526, %and3A_531 : vector<16xi32>
      %add3A_533 = arith.addi %shift_left3A_529, %and3A_532 : vector<16xi32>
      %add3A_534 = arith.addi %add3A_533, %sub3A_76 : vector<16xi32>
      %shift_right_arithmetic3A_535 = arith.constant 4 : i32
      %shift_right_arithmetic3A_536 = vector.broadcast %shift_right_arithmetic3A_535 : i32 to vector<16xi32>
      %shift_right_arithmetic3A_537 = arith.shrsi %add3A_534, %shift_right_arithmetic3A_536 : vector<16xi32>
      %and3A_538 = arith.constant 15 : i32
      %and3A_539 = vector.broadcast %and3A_538 : i32 to vector<16xi32>
      %and3A_540 = arith.andi %add3A_534, %and3A_539 : vector<16xi32>
      %gather3A_541 = tpu.vector_load_idx %arg9[%shift_right_arithmetic3A_537, %and3A_540] : memref<1664x16xf32, #tpu.memory_space<vmem>>[vector<16xi32>, vector<16xi32>], vector<16xf32>,
      %mul3A_542 = arith.constant 400 : i32
      %mul3A_543 = arith.muli %scan3A_405, %mul3A_542 : i32
      %add3A_544 = arith.constant 64 : i32
      %add3A_545 = arith.addi %mul3A_543, %add3A_544 : i32
      %swap3A_546 = arith.index_cast %add3A_545 : i32 to index
      %swap3A_547 = tpu.vector_load %arg11[%swap3A_546] {strides = array<i32>} : memref<20800xf32, #tpu.memory_space<vmem>>, vector<16xf32>,
      tpu.vector_store %arg11[%swap3A_546], %gather3A_541 {strides = array<i32>} : memref<20800xf32, #tpu.memory_space<vmem>>, vector<16xf32>,
      %mul3A_548 = arith.constant 8 : i32
      %mul3A_549 = arith.muli %scan3A_405, %mul3A_548 : i32
      %add3A_550 = vector.broadcast %mul3A_549 : i32 to vector<16xi32>
      %add3A_551 = arith.addi %add3A_550, %add3A_83 : vector<16xi32>
      %add3A_552 = arith.constant 12896 : i32
      %add3A_553 = vector.broadcast %add3A_552 : i32 to vector<16xi32>
      %add3A_554 = arith.addi %add3A_553, %add3A_551 : vector<16xi32>
      %gather3A_555 = tpu.vector_load_idx %arg5[%add3A_554] : memref<13312xi32, #tpu.memory_space<vmem>>[vector<16xi32>], vector<16xi32>,
      %shift_left3A_556 = arith.constant 6 : i32
      %shift_left3A_557 = vector.broadcast %shift_left3A_556 : i32 to vector<16xi32>
      %shift_left3A_558 = arith.shli %add3A_551, %shift_left3A_557 : vector<16xi32>
      %and3A_559 = arith.constant 15 : i32
      %and3A_560 = vector.broadcast %and3A_559 : i32 to vector<16xi32>
      %and3A_561 = arith.andi %gather3A_555, %and3A_560 : vector<16xi32>
      %add3A_562 = arith.addi %shift_left3A_558, %and3A_561 : vector<16xi32>
      %add3A_563 = arith.addi %add3A_562, %sub3A_90 : vector<16xi32>
      %shift_right_arithmetic3A_564 = arith.constant 4 : i32
      %shift_right_arithmetic3A_565 = vector.broadcast %shift_right_arithmetic3A_564 : i32 to vector<16xi32>
      %shift_right_arithmetic3A_566 = arith.shrsi %add3A_563, %shift_right_arithmetic3A_565 : vector<16xi32>
      %and3A_567 = arith.constant 15 : i32
      %and3A_568 = vector.broadcast %and3A_567 : i32 to vector<16xi32>
      %and3A_569 = arith.andi %add3A_563, %and3A_568 : vector<16xi32>
      %gather3A_570 = tpu.vector_load_idx %arg9[%shift_right_arithmetic3A_566, %and3A_569] : memref<1664x16xf32, #tpu.memory_space<vmem>>[vector<16xi32>, vector<16xi32>], vector<16xf32>,
      %mul3A_571 = arith.constant 400 : i32
      %mul3A_572 = arith.muli %scan3A_405, %mul3A_571 : i32
      %add3A_573 = arith.constant 80 : i32
      %add3A_574 = arith.addi %mul3A_572, %add3A_573 : i32
      %swap3A_575 = arith.index_cast %add3A_574 : i32 to index
      %swap3A_576 = tpu.vector_load %arg11[%swap3A_575] {strides = array<i32>} : memref<20800xf32, #tpu.memory_space<vmem>>, vector<16xf32>,
      tpu.vector_store %arg11[%swap3A_575], %gather3A_570 {strides = array<i32>} : memref<20800xf32, #tpu.memory_space<vmem>>, vector<16xf32>,
      %mul3A_577 = arith.constant 8 : i32
      %mul3A_578 = arith.muli %scan3A_405, %mul3A_577 : i32
      %add3A_579 = vector.broadcast %mul3A_578 : i32 to vector<16xi32>
      %add3A_580 = arith.addi %add3A_579, %add3A_97 : vector<16xi32>
      %add3A_581 = arith.constant 12896 : i32
      %add3A_582 = vector.broadcast %add3A_581 : i32 to vector<16xi32>
      %add3A_583 = arith.addi %add3A_582, %add3A_580 : vector<16xi32>
      %gather3A_584 = tpu.vector_load_idx %arg5[%add3A_583] : memref<13312xi32, #tpu.memory_space<vmem>>[vector<16xi32>], vector<16xi32>,
      %shift_left3A_585 = arith.constant 6 : i32
      %shift_left3A_586 = vector.broadcast %shift_left3A_585 : i32 to vector<16xi32>
      %shift_left3A_587 = arith.shli %add3A_580, %shift_left3A_586 : vector<16xi32>
      %and3A_588 = arith.constant 15 : i32
      %and3A_589 = vector.broadcast %and3A_588 : i32 to vector<16xi32>
      %and3A_590 = arith.andi %gather3A_584, %and3A_589 : vector<16xi32>
      %add3A_591 = arith.addi %shift_left3A_587, %and3A_590 : vector<16xi32>
      %add3A_592 = arith.addi %add3A_591, %sub3A_104 : vector<16xi32>
      %shift_right_arithmetic3A_593 = arith.constant 4 : i32
      %shift_right_arithmetic3A_594 = vector.broadcast %shift_right_arithmetic3A_593 : i32 to vector<16xi32>
      %shift_right_arithmetic3A_595 = arith.shrsi %add3A_592, %shift_right_arithmetic3A_594 : vector<16xi32>
      %and3A_596 = arith.constant 15 : i32
      %and3A_597 = vector.broadcast %and3A_596 : i32 to vector<16xi32>
      %and3A_598 = arith.andi %add3A_592, %and3A_597 : vector<16xi32>
      %gather3A_599 = tpu.vector_load_idx %arg9[%shift_right_arithmetic3A_595, %and3A_598] : memref<1664x16xf32, #tpu.memory_space<vmem>>[vector<16xi32>, vector<16xi32>], vector<16xf32>,
      %mul3A_600 = arith.constant 400 : i32
      %mul3A_601 = arith.muli %scan3A_405, %mul3A_600 : i32
      %add3A_602 = arith.constant 96 : i32
      %add3A_603 = arith.addi %mul3A_601, %add3A_602 : i32
      %swap3A_604 = arith.index_cast %add3A_603 : i32 to index
      %swap3A_605 = tpu.vector_load %arg11[%swap3A_604] {strides = array<i32>} : memref<20800xf32, #tpu.memory_space<vmem>>, vector<16xf32>,
      tpu.vector_store %arg11[%swap3A_604], %gather3A_599 {strides = array<i32>} : memref<20800xf32, #tpu.memory_space<vmem>>, vector<16xf32>,
      %mul3A_606 = arith.constant 8 : i32
      %mul3A_607 = arith.muli %scan3A_405, %mul3A_606 : i32
      %add3A_608 = vector.broadcast %mul3A_607 : i32 to vector<16xi32>
      %add3A_609 = arith.addi %add3A_608, %add3A_111 : vector<16xi32>
      %add3A_610 = arith.constant 12896 : i32
      %add3A_611 = vector.broadcast %add3A_610 : i32 to vector<16xi32>
      %add3A_612 = arith.addi %add3A_611, %add3A_609 : vector<16xi32>
      %gather3A_613 = tpu.vector_load_idx %arg5[%add3A_612] : memref<13312xi32, #tpu.memory_space<vmem>>[vector<16xi32>], vector<16xi32>,
      %shift_left3A_614 = arith.constant 6 : i32
      %shift_left3A_615 = vector.broadcast %shift_left3A_614 : i32 to vector<16xi32>
      %shift_left3A_616 = arith.shli %add3A_609, %shift_left3A_615 : vector<16xi32>
      %and3A_617 = arith.constant 15 : i32
      %and3A_618 = vector.broadcast %and3A_617 : i32 to vector<16xi32>
      %and3A_619 = arith.andi %gather3A_613, %and3A_618 : vector<16xi32>
      %add3A_620 = arith.addi %shift_left3A_616, %and3A_619 : vector<16xi32>
      %add3A_621 = arith.addi %add3A_620, %sub3A_118 : vector<16xi32>
      %shift_right_arithmetic3A_622 = arith.constant 4 : i32
      %shift_right_arithmetic3A_623 = vector.broadcast %shift_right_arithmetic3A_622 : i32 to vector<16xi32>
      %shift_right_arithmetic3A_624 = arith.shrsi %add3A_621, %shift_right_arithmetic3A_623 : vector<16xi32>
      %and3A_625 = arith.constant 15 : i32
      %and3A_626 = vector.broadcast %and3A_625 : i32 to vector<16xi32>
      %and3A_627 = arith.andi %add3A_621, %and3A_626 : vector<16xi32>
      %gather3A_628 = tpu.vector_load_idx %arg9[%shift_right_arithmetic3A_624, %and3A_627] : memref<1664x16xf32, #tpu.memory_space<vmem>>[vector<16xi32>, vector<16xi32>], vector<16xf32>,
      %mul3A_629 = arith.constant 400 : i32
      %mul3A_630 = arith.muli %scan3A_405, %mul3A_629 : i32
      %add3A_631 = arith.constant 112 : i32
      %add3A_632 = arith.addi %mul3A_630, %add3A_631 : i32
      %swap3A_633 = arith.index_cast %add3A_632 : i32 to index
      %swap3A_634 = tpu.vector_load %arg11[%swap3A_633] {strides = array<i32>} : memref<20800xf32, #tpu.memory_space<vmem>>, vector<16xf32>,
      tpu.vector_store %arg11[%swap3A_633], %gather3A_628 {strides = array<i32>} : memref<20800xf32, #tpu.memory_space<vmem>>, vector<16xf32>,
      %mul3A_635 = arith.constant 8 : i32
      %mul3A_636 = arith.muli %scan3A_405, %mul3A_635 : i32
      %add3A_637 = vector.broadcast %mul3A_636 : i32 to vector<16xi32>
      %add3A_638 = arith.addi %add3A_637, %add3A_125 : vector<16xi32>
      %add3A_639 = arith.constant 12896 : i32
      %add3A_640 = vector.broadcast %add3A_639 : i32 to vector<16xi32>
      %add3A_641 = arith.addi %add3A_640, %add3A_638 : vector<16xi32>
      %gather3A_642 = tpu.vector_load_idx %arg5[%add3A_641] : memref<13312xi32, #tpu.memory_space<vmem>>[vector<16xi32>], vector<16xi32>,
      %shift_left3A_643 = arith.constant 6 : i32
      %shift_left3A_644 = vector.broadcast %shift_left3A_643 : i32 to vector<16xi32>
      %shift_left3A_645 = arith.shli %add3A_638, %shift_left3A_644 : vector<16xi32>
      %and3A_646 = arith.constant 15 : i32
      %and3A_647 = vector.broadcast %and3A_646 : i32 to vector<16xi32>
      %and3A_648 = arith.andi %gather3A_642, %and3A_647 : vector<16xi32>
      %add3A_649 = arith.addi %shift_left3A_645, %and3A_648 : vector<16xi32>
      %add3A_650 = arith.addi %add3A_649, %sub3A_132 : vector<16xi32>
      %shift_right_arithmetic3A_651 = arith.constant 4 : i32
      %shift_right_arithmetic3A_652 = vector.broadcast %shift_right_arithmetic3A_651 : i32 to vector<16xi32>
      %shift_right_arithmetic3A_653 = arith.shrsi %add3A_650, %shift_right_arithmetic3A_652 : vector<16xi32>
      %and3A_654 = arith.constant 15 : i32
      %and3A_655 = vector.broadcast %and3A_654 : i32 to vector<16xi32>
      %and3A_656 = arith.andi %add3A_650, %and3A_655 : vector<16xi32>
      %gather3A_657 = tpu.vector_load_idx %arg9[%shift_right_arithmetic3A_653, %and3A_656] : memref<1664x16xf32, #tpu.memory_space<vmem>>[vector<16xi32>, vector<16xi32>], vector<16xf32>,
      %mul3A_658 = arith.constant 400 : i32
      %mul3A_659 = arith.muli %scan3A_405, %mul3A_658 : i32
      %add3A_660 = arith.constant 128 : i32
      %add3A_661 = arith.addi %mul3A_659, %add3A_660 : i32
      %swap3A_662 = arith.index_cast %add3A_661 : i32 to index
      %swap3A_663 = tpu.vector_load %arg11[%swap3A_662] {strides = array<i32>} : memref<20800xf32, #tpu.memory_space<vmem>>, vector<16xf32>,
      tpu.vector_store %arg11[%swap3A_662], %gather3A_657 {strides = array<i32>} : memref<20800xf32, #tpu.memory_space<vmem>>, vector<16xf32>,
      %mul3A_664 = arith.constant 8 : i32
      %mul3A_665 = arith.muli %scan3A_405, %mul3A_664 : i32
      %add3A_666 = vector.broadcast %mul3A_665 : i32 to vector<16xi32>
      %add3A_667 = arith.addi %add3A_666, %add3A_139 : vector<16xi32>
      %add3A_668 = arith.constant 12896 : i32
      %add3A_669 = vector.broadcast %add3A_668 : i32 to vector<16xi32>
      %add3A_670 = arith.addi %add3A_669, %add3A_667 : vector<16xi32>
      %gather3A_671 = tpu.vector_load_idx %arg5[%add3A_670] : memref<13312xi32, #tpu.memory_space<vmem>>[vector<16xi32>], vector<16xi32>,
      %shift_left3A_672 = arith.constant 6 : i32
      %shift_left3A_673 = vector.broadcast %shift_left3A_672 : i32 to vector<16xi32>
      %shift_left3A_674 = arith.shli %add3A_667, %shift_left3A_673 : vector<16xi32>
      %and3A_675 = arith.constant 15 : i32
      %and3A_676 = vector.broadcast %and3A_675 : i32 to vector<16xi32>
      %and3A_677 = arith.andi %gather3A_671, %and3A_676 : vector<16xi32>
      %add3A_678 = arith.addi %shift_left3A_674, %and3A_677 : vector<16xi32>
      %add3A_679 = arith.addi %add3A_678, %sub3A_146 : vector<16xi32>
      %shift_right_arithmetic3A_680 = arith.constant 4 : i32
      %shift_right_arithmetic3A_681 = vector.broadcast %shift_right_arithmetic3A_680 : i32 to vector<16xi32>
      %shift_right_arithmetic3A_682 = arith.shrsi %add3A_679, %shift_right_arithmetic3A_681 : vector<16xi32>
      %and3A_683 = arith.constant 15 : i32
      %and3A_684 = vector.broadcast %and3A_683 : i32 to vector<16xi32>
      %and3A_685 = arith.andi %add3A_679, %and3A_684 : vector<16xi32>
      %gather3A_686 = tpu.vector_load_idx %arg9[%shift_right_arithmetic3A_682, %and3A_685] : memref<1664x16xf32, #tpu.memory_space<vmem>>[vector<16xi32>, vector<16xi32>], vector<16xf32>,
      %mul3A_687 = arith.constant 400 : i32
      %mul3A_688 = arith.muli %scan3A_405, %mul3A_687 : i32
      %add3A_689 = arith.constant 144 : i32
      %add3A_690 = arith.addi %mul3A_688, %add3A_689 : i32
      %swap3A_691 = arith.index_cast %add3A_690 : i32 to index
      %swap3A_692 = tpu.vector_load %arg11[%swap3A_691] {strides = array<i32>} : memref<20800xf32, #tpu.memory_space<vmem>>, vector<16xf32>,
      tpu.vector_store %arg11[%swap3A_691], %gather3A_686 {strides = array<i32>} : memref<20800xf32, #tpu.memory_space<vmem>>, vector<16xf32>,
      %mul3A_693 = arith.constant 8 : i32
      %mul3A_694 = arith.muli %scan3A_405, %mul3A_693 : i32
      %add3A_695 = vector.broadcast %mul3A_694 : i32 to vector<16xi32>
      %add3A_696 = arith.addi %add3A_695, %add3A_153 : vector<16xi32>
      %add3A_697 = arith.constant 12896 : i32
      %add3A_698 = vector.broadcast %add3A_697 : i32 to vector<16xi32>
      %add3A_699 = arith.addi %add3A_698, %add3A_696 : vector<16xi32>
      %gather3A_700 = tpu.vector_load_idx %arg5[%add3A_699] : memref<13312xi32, #tpu.memory_space<vmem>>[vector<16xi32>], vector<16xi32>,
      %shift_left3A_701 = arith.constant 6 : i32
      %shift_left3A_702 = vector.broadcast %shift_left3A_701 : i32 to vector<16xi32>
      %shift_left3A_703 = arith.shli %add3A_696, %shift_left3A_702 : vector<16xi32>
      %and3A_704 = arith.constant 15 : i32
      %and3A_705 = vector.broadcast %and3A_704 : i32 to vector<16xi32>
      %and3A_706 = arith.andi %gather3A_700, %and3A_705 : vector<16xi32>
      %add3A_707 = arith.addi %shift_left3A_703, %and3A_706 : vector<16xi32>
      %add3A_708 = arith.addi %add3A_707, %sub3A_160 : vector<16xi32>
      %shift_right_arithmetic3A_709 = arith.constant 4 : i32
      %shift_right_arithmetic3A_710 = vector.broadcast %shift_right_arithmetic3A_709 : i32 to vector<16xi32>
      %shift_right_arithmetic3A_711 = arith.shrsi %add3A_708, %shift_right_arithmetic3A_710 : vector<16xi32>
      %and3A_712 = arith.constant 15 : i32
      %and3A_713 = vector.broadcast %and3A_712 : i32 to vector<16xi32>
      %and3A_714 = arith.andi %add3A_708, %and3A_713 : vector<16xi32>
      %gather3A_715 = tpu.vector_load_idx %arg9[%shift_right_arithmetic3A_711, %and3A_714] : memref<1664x16xf32, #tpu.memory_space<vmem>>[vector<16xi32>, vector<16xi32>], vector<16xf32>,
      %mul3A_716 = arith.constant 400 : i32
      %mul3A_717 = arith.muli %scan3A_405, %mul3A_716 : i32
      %add3A_718 = arith.constant 160 : i32
      %add3A_719 = arith.addi %mul3A_717, %add3A_718 : i32
      %swap3A_720 = arith.index_cast %add3A_719 : i32 to index
      %swap3A_721 = tpu.vector_load %arg11[%swap3A_720] {strides = array<i32>} : memref<20800xf32, #tpu.memory_space<vmem>>, vector<16xf32>,
      tpu.vector_store %arg11[%swap3A_720], %gather3A_715 {strides = array<i32>} : memref<20800xf32, #tpu.memory_space<vmem>>, vector<16xf32>,
      %mul3A_722 = arith.constant 8 : i32
      %mul3A_723 = arith.muli %scan3A_405, %mul3A_722 : i32
      %add3A_724 = vector.broadcast %mul3A_723 : i32 to vector<16xi32>
      %add3A_725 = arith.addi %add3A_724, %add3A_167 : vector<16xi32>
      %add3A_726 = arith.constant 12896 : i32
      %add3A_727 = vector.broadcast %add3A_726 : i32 to vector<16xi32>
      %add3A_728 = arith.addi %add3A_727, %add3A_725 : vector<16xi32>
      %gather3A_729 = tpu.vector_load_idx %arg5[%add3A_728] : memref<13312xi32, #tpu.memory_space<vmem>>[vector<16xi32>], vector<16xi32>,
      %shift_left3A_730 = arith.constant 6 : i32
      %shift_left3A_731 = vector.broadcast %shift_left3A_730 : i32 to vector<16xi32>
      %shift_left3A_732 = arith.shli %add3A_725, %shift_left3A_731 : vector<16xi32>
      %and3A_733 = arith.constant 15 : i32
      %and3A_734 = vector.broadcast %and3A_733 : i32 to vector<16xi32>
      %and3A_735 = arith.andi %gather3A_729, %and3A_734 : vector<16xi32>
      %add3A_736 = arith.addi %shift_left3A_732, %and3A_735 : vector<16xi32>
      %add3A_737 = arith.addi %add3A_736, %sub3A_174 : vector<16xi32>
      %shift_right_arithmetic3A_738 = arith.constant 4 : i32
      %shift_right_arithmetic3A_739 = vector.broadcast %shift_right_arithmetic3A_738 : i32 to vector<16xi32>
      %shift_right_arithmetic3A_740 = arith.shrsi %add3A_737, %shift_right_arithmetic3A_739 : vector<16xi32>
      %and3A_741 = arith.constant 15 : i32
      %and3A_742 = vector.broadcast %and3A_741 : i32 to vector<16xi32>
      %and3A_743 = arith.andi %add3A_737, %and3A_742 : vector<16xi32>
      %gather3A_744 = tpu.vector_load_idx %arg9[%shift_right_arithmetic3A_740, %and3A_743] : memref<1664x16xf32, #tpu.memory_space<vmem>>[vector<16xi32>, vector<16xi32>], vector<16xf32>,
      %mul3A_745 = arith.constant 400 : i32
      %mul3A_746 = arith.muli %scan3A_405, %mul3A_745 : i32
      %add3A_747 = arith.constant 176 : i32
      %add3A_748 = arith.addi %mul3A_746, %add3A_747 : i32
      %swap3A_749 = arith.index_cast %add3A_748 : i32 to index
      %swap3A_750 = tpu.vector_load %arg11[%swap3A_749] {strides = array<i32>} : memref<20800xf32, #tpu.memory_space<vmem>>, vector<16xf32>,
      tpu.vector_store %arg11[%swap3A_749], %gather3A_744 {strides = array<i32>} : memref<20800xf32, #tpu.memory_space<vmem>>, vector<16xf32>,
      %mul3A_751 = arith.constant 8 : i32
      %mul3A_752 = arith.muli %scan3A_405, %mul3A_751 : i32
      %add3A_753 = vector.broadcast %mul3A_752 : i32 to vector<16xi32>
      %add3A_754 = arith.addi %add3A_753, %add3A_181 : vector<16xi32>
      %add3A_755 = arith.constant 12896 : i32
      %add3A_756 = vector.broadcast %add3A_755 : i32 to vector<16xi32>
      %add3A_757 = arith.addi %add3A_756, %add3A_754 : vector<16xi32>
      %gather3A_758 = tpu.vector_load_idx %arg5[%add3A_757] : memref<13312xi32, #tpu.memory_space<vmem>>[vector<16xi32>], vector<16xi32>,
      %shift_left3A_759 = arith.constant 6 : i32
      %shift_left3A_760 = vector.broadcast %shift_left3A_759 : i32 to vector<16xi32>
      %shift_left3A_761 = arith.shli %add3A_754, %shift_left3A_760 : vector<16xi32>
      %and3A_762 = arith.constant 15 : i32
      %and3A_763 = vector.broadcast %and3A_762 : i32 to vector<16xi32>
      %and3A_764 = arith.andi %gather3A_758, %and3A_763 : vector<16xi32>
      %add3A_765 = arith.addi %shift_left3A_761, %and3A_764 : vector<16xi32>
      %add3A_766 = arith.addi %add3A_765, %sub3A_188 : vector<16xi32>
      %shift_right_arithmetic3A_767 = arith.constant 4 : i32
      %shift_right_arithmetic3A_768 = vector.broadcast %shift_right_arithmetic3A_767 : i32 to vector<16xi32>
      %shift_right_arithmetic3A_769 = arith.shrsi %add3A_766, %shift_right_arithmetic3A_768 : vector<16xi32>
      %and3A_770 = arith.constant 15 : i32
      %and3A_771 = vector.broadcast %and3A_770 : i32 to vector<16xi32>
      %and3A_772 = arith.andi %add3A_766, %and3A_771 : vector<16xi32>
      %gather3A_773 = tpu.vector_load_idx %arg9[%shift_right_arithmetic3A_769, %and3A_772] : memref<1664x16xf32, #tpu.memory_space<vmem>>[vector<16xi32>, vector<16xi32>], vector<16xf32>,
      %mul3A_774 = arith.constant 400 : i32
      %mul3A_775 = arith.muli %scan3A_405, %mul3A_774 : i32
      %add3A_776 = arith.constant 192 : i32
      %add3A_777 = arith.addi %mul3A_775, %add3A_776 : i32
      %swap3A_778 = arith.index_cast %add3A_777 : i32 to index
      %swap3A_779 = tpu.vector_load %arg11[%swap3A_778] {strides = array<i32>} : memref<20800xf32, #tpu.memory_space<vmem>>, vector<16xf32>,
      tpu.vector_store %arg11[%swap3A_778], %gather3A_773 {strides = array<i32>} : memref<20800xf32, #tpu.memory_space<vmem>>, vector<16xf32>,
      %mul3A_780 = arith.constant 8 : i32
      %mul3A_781 = arith.muli %scan3A_405, %mul3A_780 : i32
      %add3A_782 = vector.broadcast %mul3A_781 : i32 to vector<16xi32>
      %add3A_783 = arith.addi %add3A_782, %add3A_195 : vector<16xi32>
      %add3A_784 = arith.constant 12896 : i32
      %add3A_785 = vector.broadcast %add3A_784 : i32 to vector<16xi32>
      %add3A_786 = arith.addi %add3A_785, %add3A_783 : vector<16xi32>
      %gather3A_787 = tpu.vector_load_idx %arg5[%add3A_786] : memref<13312xi32, #tpu.memory_space<vmem>>[vector<16xi32>], vector<16xi32>,
      %shift_left3A_788 = arith.constant 6 : i32
      %shift_left3A_789 = vector.broadcast %shift_left3A_788 : i32 to vector<16xi32>
      %shift_left3A_790 = arith.shli %add3A_783, %shift_left3A_789 : vector<16xi32>
      %and3A_791 = arith.constant 15 : i32
      %and3A_792 = vector.broadcast %and3A_791 : i32 to vector<16xi32>
      %and3A_793 = arith.andi %gather3A_787, %and3A_792 : vector<16xi32>
      %add3A_794 = arith.addi %shift_left3A_790, %and3A_793 : vector<16xi32>
      %add3A_795 = arith.addi %add3A_794, %sub3A_202 : vector<16xi32>
      %shift_right_arithmetic3A_796 = arith.constant 4 : i32
      %shift_right_arithmetic3A_797 = vector.broadcast %shift_right_arithmetic3A_796 : i32 to vector<16xi32>
      %shift_right_arithmetic3A_798 = arith.shrsi %add3A_795, %shift_right_arithmetic3A_797 : vector<16xi32>
      %and3A_799 = arith.constant 15 : i32
      %and3A_800 = vector.broadcast %and3A_799 : i32 to vector<16xi32>
      %and3A_801 = arith.andi %add3A_795, %and3A_800 : vector<16xi32>
      %gather3A_802 = tpu.vector_load_idx %arg9[%shift_right_arithmetic3A_798, %and3A_801] : memref<1664x16xf32, #tpu.memory_space<vmem>>[vector<16xi32>, vector<16xi32>], vector<16xf32>,
      %mul3A_803 = arith.constant 400 : i32
      %mul3A_804 = arith.muli %scan3A_405, %mul3A_803 : i32
      %add3A_805 = arith.constant 208 : i32
      %add3A_806 = arith.addi %mul3A_804, %add3A_805 : i32
      %swap3A_807 = arith.index_cast %add3A_806 : i32 to index
      %swap3A_808 = tpu.vector_load %arg11[%swap3A_807] {strides = array<i32>} : memref<20800xf32, #tpu.memory_space<vmem>>, vector<16xf32>,
      tpu.vector_store %arg11[%swap3A_807], %gather3A_802 {strides = array<i32>} : memref<20800xf32, #tpu.memory_space<vmem>>, vector<16xf32>,
      %mul3A_809 = arith.constant 8 : i32
      %mul3A_810 = arith.muli %scan3A_405, %mul3A_809 : i32
      %add3A_811 = vector.broadcast %mul3A_810 : i32 to vector<16xi32>
      %add3A_812 = arith.addi %add3A_811, %add3A_209 : vector<16xi32>
      %add3A_813 = arith.constant 12896 : i32
      %add3A_814 = vector.broadcast %add3A_813 : i32 to vector<16xi32>
      %add3A_815 = arith.addi %add3A_814, %add3A_812 : vector<16xi32>
      %gather3A_816 = tpu.vector_load_idx %arg5[%add3A_815] : memref<13312xi32, #tpu.memory_space<vmem>>[vector<16xi32>], vector<16xi32>,
      %shift_left3A_817 = arith.constant 6 : i32
      %shift_left3A_818 = vector.broadcast %shift_left3A_817 : i32 to vector<16xi32>
      %shift_left3A_819 = arith.shli %add3A_812, %shift_left3A_818 : vector<16xi32>
      %and3A_820 = arith.constant 15 : i32
      %and3A_821 = vector.broadcast %and3A_820 : i32 to vector<16xi32>
      %and3A_822 = arith.andi %gather3A_816, %and3A_821 : vector<16xi32>
      %add3A_823 = arith.addi %shift_left3A_819, %and3A_822 : vector<16xi32>
      %add3A_824 = arith.addi %add3A_823, %sub3A_216 : vector<16xi32>
      %shift_right_arithmetic3A_825 = arith.constant 4 : i32
      %shift_right_arithmetic3A_826 = vector.broadcast %shift_right_arithmetic3A_825 : i32 to vector<16xi32>
      %shift_right_arithmetic3A_827 = arith.shrsi %add3A_824, %shift_right_arithmetic3A_826 : vector<16xi32>
      %and3A_828 = arith.constant 15 : i32
      %and3A_829 = vector.broadcast %and3A_828 : i32 to vector<16xi32>
      %and3A_830 = arith.andi %add3A_824, %and3A_829 : vector<16xi32>
      %gather3A_831 = tpu.vector_load_idx %arg9[%shift_right_arithmetic3A_827, %and3A_830] : memref<1664x16xf32, #tpu.memory_space<vmem>>[vector<16xi32>, vector<16xi32>], vector<16xf32>,
      %mul3A_832 = arith.constant 400 : i32
      %mul3A_833 = arith.muli %scan3A_405, %mul3A_832 : i32
      %add3A_834 = arith.constant 224 : i32
      %add3A_835 = arith.addi %mul3A_833, %add3A_834 : i32
      %swap3A_836 = arith.index_cast %add3A_835 : i32 to index
      %swap3A_837 = tpu.vector_load %arg11[%swap3A_836] {strides = array<i32>} : memref<20800xf32, #tpu.memory_space<vmem>>, vector<16xf32>,
      tpu.vector_store %arg11[%swap3A_836], %gather3A_831 {strides = array<i32>} : memref<20800xf32, #tpu.memory_space<vmem>>, vector<16xf32>,
      %mul3A_838 = arith.constant 8 : i32
      %mul3A_839 = arith.muli %scan3A_405, %mul3A_838 : i32
      %add3A_840 = vector.broadcast %mul3A_839 : i32 to vector<16xi32>
      %add3A_841 = arith.addi %add3A_840, %add3A_223 : vector<16xi32>
      %add3A_842 = arith.constant 12896 : i32
      %add3A_843 = vector.broadcast %add3A_842 : i32 to vector<16xi32>
      %add3A_844 = arith.addi %add3A_843, %add3A_841 : vector<16xi32>
      %gather3A_845 = tpu.vector_load_idx %arg5[%add3A_844] : memref<13312xi32, #tpu.memory_space<vmem>>[vector<16xi32>], vector<16xi32>,
      %shift_left3A_846 = arith.constant 6 : i32
      %shift_left3A_847 = vector.broadcast %shift_left3A_846 : i32 to vector<16xi32>
      %shift_left3A_848 = arith.shli %add3A_841, %shift_left3A_847 : vector<16xi32>
      %and3A_849 = arith.constant 15 : i32
      %and3A_850 = vector.broadcast %and3A_849 : i32 to vector<16xi32>
      %and3A_851 = arith.andi %gather3A_845, %and3A_850 : vector<16xi32>
      %add3A_852 = arith.addi %shift_left3A_848, %and3A_851 : vector<16xi32>
      %add3A_853 = arith.addi %add3A_852, %sub3A_230 : vector<16xi32>
      %shift_right_arithmetic3A_854 = arith.constant 4 : i32
      %shift_right_arithmetic3A_855 = vector.broadcast %shift_right_arithmetic3A_854 : i32 to vector<16xi32>
      %shift_right_arithmetic3A_856 = arith.shrsi %add3A_853, %shift_right_arithmetic3A_855 : vector<16xi32>
      %and3A_857 = arith.constant 15 : i32
      %and3A_858 = vector.broadcast %and3A_857 : i32 to vector<16xi32>
      %and3A_859 = arith.andi %add3A_853, %and3A_858 : vector<16xi32>
      %gather3A_860 = tpu.vector_load_idx %arg9[%shift_right_arithmetic3A_856, %and3A_859] : memref<1664x16xf32, #tpu.memory_space<vmem>>[vector<16xi32>, vector<16xi32>], vector<16xf32>,
      %mul3A_861 = arith.constant 400 : i32
      %mul3A_862 = arith.muli %scan3A_405, %mul3A_861 : i32
      %add3A_863 = arith.constant 240 : i32
      %add3A_864 = arith.addi %mul3A_862, %add3A_863 : i32
      %swap3A_865 = arith.index_cast %add3A_864 : i32 to index
      %swap3A_866 = tpu.vector_load %arg11[%swap3A_865] {strides = array<i32>} : memref<20800xf32, #tpu.memory_space<vmem>>, vector<16xf32>,
      tpu.vector_store %arg11[%swap3A_865], %gather3A_860 {strides = array<i32>} : memref<20800xf32, #tpu.memory_space<vmem>>, vector<16xf32>,
      %mul3A_867 = arith.constant 8 : i32
      %mul3A_868 = arith.muli %scan3A_405, %mul3A_867 : i32
      %add3A_869 = vector.broadcast %mul3A_868 : i32 to vector<16xi32>
      %add3A_870 = arith.addi %add3A_869, %add3A_237 : vector<16xi32>
      %add3A_871 = arith.constant 12896 : i32
      %add3A_872 = vector.broadcast %add3A_871 : i32 to vector<16xi32>
      %add3A_873 = arith.addi %add3A_872, %add3A_870 : vector<16xi32>
      %gather3A_874 = tpu.vector_load_idx %arg5[%add3A_873] : memref<13312xi32, #tpu.memory_space<vmem>>[vector<16xi32>], vector<16xi32>,
      %shift_left3A_875 = arith.constant 6 : i32
      %shift_left3A_876 = vector.broadcast %shift_left3A_875 : i32 to vector<16xi32>
      %shift_left3A_877 = arith.shli %add3A_870, %shift_left3A_876 : vector<16xi32>
      %and3A_878 = arith.constant 15 : i32
      %and3A_879 = vector.broadcast %and3A_878 : i32 to vector<16xi32>
      %and3A_880 = arith.andi %gather3A_874, %and3A_879 : vector<16xi32>
      %add3A_881 = arith.addi %shift_left3A_877, %and3A_880 : vector<16xi32>
      %add3A_882 = arith.addi %add3A_881, %sub3A_244 : vector<16xi32>
      %shift_right_arithmetic3A_883 = arith.constant 4 : i32
      %shift_right_arithmetic3A_884 = vector.broadcast %shift_right_arithmetic3A_883 : i32 to vector<16xi32>
      %shift_right_arithmetic3A_885 = arith.shrsi %add3A_882, %shift_right_arithmetic3A_884 : vector<16xi32>
      %and3A_886 = arith.constant 15 : i32
      %and3A_887 = vector.broadcast %and3A_886 : i32 to vector<16xi32>
      %and3A_888 = arith.andi %add3A_882, %and3A_887 : vector<16xi32>
      %gather3A_889 = tpu.vector_load_idx %arg9[%shift_right_arithmetic3A_885, %and3A_888] : memref<1664x16xf32, #tpu.memory_space<vmem>>[vector<16xi32>, vector<16xi32>], vector<16xf32>,
      %mul3A_890 = arith.constant 400 : i32
      %mul3A_891 = arith.muli %scan3A_405, %mul3A_890 : i32
      %add3A_892 = arith.constant 256 : i32
      %add3A_893 = arith.addi %mul3A_891, %add3A_892 : i32
      %swap3A_894 = arith.index_cast %add3A_893 : i32 to index
      %swap3A_895 = tpu.vector_load %arg11[%swap3A_894] {strides = array<i32>} : memref<20800xf32, #tpu.memory_space<vmem>>, vector<16xf32>,
      tpu.vector_store %arg11[%swap3A_894], %gather3A_889 {strides = array<i32>} : memref<20800xf32, #tpu.memory_space<vmem>>, vector<16xf32>,
      %mul3A_896 = arith.constant 8 : i32
      %mul3A_897 = arith.muli %scan3A_405, %mul3A_896 : i32
      %add3A_898 = vector.broadcast %mul3A_897 : i32 to vector<16xi32>
      %add3A_899 = arith.addi %add3A_898, %add3A_251 : vector<16xi32>
      %add3A_900 = arith.constant 12896 : i32
      %add3A_901 = vector.broadcast %add3A_900 : i32 to vector<16xi32>
      %add3A_902 = arith.addi %add3A_901, %add3A_899 : vector<16xi32>
      %gather3A_903 = tpu.vector_load_idx %arg5[%add3A_902] : memref<13312xi32, #tpu.memory_space<vmem>>[vector<16xi32>], vector<16xi32>,
      %shift_left3A_904 = arith.constant 6 : i32
      %shift_left3A_905 = vector.broadcast %shift_left3A_904 : i32 to vector<16xi32>
      %shift_left3A_906 = arith.shli %add3A_899, %shift_left3A_905 : vector<16xi32>
      %and3A_907 = arith.constant 15 : i32
      %and3A_908 = vector.broadcast %and3A_907 : i32 to vector<16xi32>
      %and3A_909 = arith.andi %gather3A_903, %and3A_908 : vector<16xi32>
      %add3A_910 = arith.addi %shift_left3A_906, %and3A_909 : vector<16xi32>
      %add3A_911 = arith.addi %add3A_910, %sub3A_258 : vector<16xi32>
      %shift_right_arithmetic3A_912 = arith.constant 4 : i32
      %shift_right_arithmetic3A_913 = vector.broadcast %shift_right_arithmetic3A_912 : i32 to vector<16xi32>
      %shift_right_arithmetic3A_914 = arith.shrsi %add3A_911, %shift_right_arithmetic3A_913 : vector<16xi32>
      %and3A_915 = arith.constant 15 : i32
      %and3A_916 = vector.broadcast %and3A_915 : i32 to vector<16xi32>
      %and3A_917 = arith.andi %add3A_911, %and3A_916 : vector<16xi32>
      %gather3A_918 = tpu.vector_load_idx %arg9[%shift_right_arithmetic3A_914, %and3A_917] : memref<1664x16xf32, #tpu.memory_space<vmem>>[vector<16xi32>, vector<16xi32>], vector<16xf32>,
      %mul3A_919 = arith.constant 400 : i32
      %mul3A_920 = arith.muli %scan3A_405, %mul3A_919 : i32
      %add3A_921 = arith.constant 272 : i32
      %add3A_922 = arith.addi %mul3A_920, %add3A_921 : i32
      %swap3A_923 = arith.index_cast %add3A_922 : i32 to index
      %swap3A_924 = tpu.vector_load %arg11[%swap3A_923] {strides = array<i32>} : memref<20800xf32, #tpu.memory_space<vmem>>, vector<16xf32>,
      tpu.vector_store %arg11[%swap3A_923], %gather3A_918 {strides = array<i32>} : memref<20800xf32, #tpu.memory_space<vmem>>, vector<16xf32>,
      %mul3A_925 = arith.constant 8 : i32
      %mul3A_926 = arith.muli %scan3A_405, %mul3A_925 : i32
      %add3A_927 = vector.broadcast %mul3A_926 : i32 to vector<16xi32>
      %add3A_928 = arith.addi %add3A_927, %add3A_265 : vector<16xi32>
      %add3A_929 = arith.constant 12896 : i32
      %add3A_930 = vector.broadcast %add3A_929 : i32 to vector<16xi32>
      %add3A_931 = arith.addi %add3A_930, %add3A_928 : vector<16xi32>
      %gather3A_932 = tpu.vector_load_idx %arg5[%add3A_931] : memref<13312xi32, #tpu.memory_space<vmem>>[vector<16xi32>], vector<16xi32>,
      %shift_left3A_933 = arith.constant 6 : i32
      %shift_left3A_934 = vector.broadcast %shift_left3A_933 : i32 to vector<16xi32>
      %shift_left3A_935 = arith.shli %add3A_928, %shift_left3A_934 : vector<16xi32>
      %and3A_936 = arith.constant 15 : i32
      %and3A_937 = vector.broadcast %and3A_936 : i32 to vector<16xi32>
      %and3A_938 = arith.andi %gather3A_932, %and3A_937 : vector<16xi32>
      %add3A_939 = arith.addi %shift_left3A_935, %and3A_938 : vector<16xi32>
      %add3A_940 = arith.addi %add3A_939, %sub3A_272 : vector<16xi32>
      %shift_right_arithmetic3A_941 = arith.constant 4 : i32
      %shift_right_arithmetic3A_942 = vector.broadcast %shift_right_arithmetic3A_941 : i32 to vector<16xi32>
      %shift_right_arithmetic3A_943 = arith.shrsi %add3A_940, %shift_right_arithmetic3A_942 : vector<16xi32>
      %and3A_944 = arith.constant 15 : i32
      %and3A_945 = vector.broadcast %and3A_944 : i32 to vector<16xi32>
      %and3A_946 = arith.andi %add3A_940, %and3A_945 : vector<16xi32>
      %gather3A_947 = tpu.vector_load_idx %arg9[%shift_right_arithmetic3A_943, %and3A_946] : memref<1664x16xf32, #tpu.memory_space<vmem>>[vector<16xi32>, vector<16xi32>], vector<16xf32>,
      %mul3A_948 = arith.constant 400 : i32
      %mul3A_949 = arith.muli %scan3A_405, %mul3A_948 : i32
      %add3A_950 = arith.constant 288 : i32
      %add3A_951 = arith.addi %mul3A_949, %add3A_950 : i32
      %swap3A_952 = arith.index_cast %add3A_951 : i32 to index
      %swap3A_953 = tpu.vector_load %arg11[%swap3A_952] {strides = array<i32>} : memref<20800xf32, #tpu.memory_space<vmem>>, vector<16xf32>,
      tpu.vector_store %arg11[%swap3A_952], %gather3A_947 {strides = array<i32>} : memref<20800xf32, #tpu.memory_space<vmem>>, vector<16xf32>,
      %mul3A_954 = arith.constant 8 : i32
      %mul3A_955 = arith.muli %scan3A_405, %mul3A_954 : i32
      %add3A_956 = vector.broadcast %mul3A_955 : i32 to vector<16xi32>
      %add3A_957 = arith.addi %add3A_956, %add3A_279 : vector<16xi32>
      %add3A_958 = arith.constant 12896 : i32
      %add3A_959 = vector.broadcast %add3A_958 : i32 to vector<16xi32>
      %add3A_960 = arith.addi %add3A_959, %add3A_957 : vector<16xi32>
      %gather3A_961 = tpu.vector_load_idx %arg5[%add3A_960] : memref<13312xi32, #tpu.memory_space<vmem>>[vector<16xi32>], vector<16xi32>,
      %shift_left3A_962 = arith.constant 6 : i32
      %shift_left3A_963 = vector.broadcast %shift_left3A_962 : i32 to vector<16xi32>
      %shift_left3A_964 = arith.shli %add3A_957, %shift_left3A_963 : vector<16xi32>
      %and3A_965 = arith.constant 15 : i32
      %and3A_966 = vector.broadcast %and3A_965 : i32 to vector<16xi32>
      %and3A_967 = arith.andi %gather3A_961, %and3A_966 : vector<16xi32>
      %add3A_968 = arith.addi %shift_left3A_964, %and3A_967 : vector<16xi32>
      %add3A_969 = arith.addi %add3A_968, %sub3A_286 : vector<16xi32>
      %shift_right_arithmetic3A_970 = arith.constant 4 : i32
      %shift_right_arithmetic3A_971 = vector.broadcast %shift_right_arithmetic3A_970 : i32 to vector<16xi32>
      %shift_right_arithmetic3A_972 = arith.shrsi %add3A_969, %shift_right_arithmetic3A_971 : vector<16xi32>
      %and3A_973 = arith.constant 15 : i32
      %and3A_974 = vector.broadcast %and3A_973 : i32 to vector<16xi32>
      %and3A_975 = arith.andi %add3A_969, %and3A_974 : vector<16xi32>
      %gather3A_976 = tpu.vector_load_idx %arg9[%shift_right_arithmetic3A_972, %and3A_975] : memref<1664x16xf32, #tpu.memory_space<vmem>>[vector<16xi32>, vector<16xi32>], vector<16xf32>,
      %mul3A_977 = arith.constant 400 : i32
      %mul3A_978 = arith.muli %scan3A_405, %mul3A_977 : i32
      %add3A_979 = arith.constant 304 : i32
      %add3A_980 = arith.addi %mul3A_978, %add3A_979 : i32
      %swap3A_981 = arith.index_cast %add3A_980 : i32 to index
      %swap3A_982 = tpu.vector_load %arg11[%swap3A_981] {strides = array<i32>} : memref<20800xf32, #tpu.memory_space<vmem>>, vector<16xf32>,
      tpu.vector_store %arg11[%swap3A_981], %gather3A_976 {strides = array<i32>} : memref<20800xf32, #tpu.memory_space<vmem>>, vector<16xf32>,
      %mul3A_983 = arith.constant 8 : i32
      %mul3A_984 = arith.muli %scan3A_405, %mul3A_983 : i32
      %add3A_985 = vector.broadcast %mul3A_984 : i32 to vector<16xi32>
      %add3A_986 = arith.addi %add3A_985, %add3A_293 : vector<16xi32>
      %add3A_987 = arith.constant 12896 : i32
      %add3A_988 = vector.broadcast %add3A_987 : i32 to vector<16xi32>
      %add3A_989 = arith.addi %add3A_988, %add3A_986 : vector<16xi32>
      %gather3A_990 = tpu.vector_load_idx %arg5[%add3A_989] : memref<13312xi32, #tpu.memory_space<vmem>>[vector<16xi32>], vector<16xi32>,
      %shift_left3A_991 = arith.constant 6 : i32
      %shift_left3A_992 = vector.broadcast %shift_left3A_991 : i32 to vector<16xi32>
      %shift_left3A_993 = arith.shli %add3A_986, %shift_left3A_992 : vector<16xi32>
      %and3A_994 = arith.constant 15 : i32
      %and3A_995 = vector.broadcast %and3A_994 : i32 to vector<16xi32>
      %and3A_996 = arith.andi %gather3A_990, %and3A_995 : vector<16xi32>
      %add3A_997 = arith.addi %shift_left3A_993, %and3A_996 : vector<16xi32>
      %add3A_998 = arith.addi %add3A_997, %sub3A_300 : vector<16xi32>
      %shift_right_arithmetic3A_999 = arith.constant 4 : i32
      %shift_right_arithmetic3A_1000 = vector.broadcast %shift_right_arithmetic3A_999 : i32 to vector<16xi32>
      %shift_right_arithmetic3A_1001 = arith.shrsi %add3A_998, %shift_right_arithmetic3A_1000 : vector<16xi32>
      %and3A_1002 = arith.constant 15 : i32
      %and3A_1003 = vector.broadcast %and3A_1002 : i32 to vector<16xi32>
      %and3A_1004 = arith.andi %add3A_998, %and3A_1003 : vector<16xi32>
      %gather3A_1005 = tpu.vector_load_idx %arg9[%shift_right_arithmetic3A_1001, %and3A_1004] : memref<1664x16xf32, #tpu.memory_space<vmem>>[vector<16xi32>, vector<16xi32>], vector<16xf32>,
      %mul3A_1006 = arith.constant 400 : i32
      %mul3A_1007 = arith.muli %scan3A_405, %mul3A_1006 : i32
      %add3A_1008 = arith.constant 320 : i32
      %add3A_1009 = arith.addi %mul3A_1007, %add3A_1008 : i32
      %swap3A_1010 = arith.index_cast %add3A_1009 : i32 to index
      %swap3A_1011 = tpu.vector_load %arg11[%swap3A_1010] {strides = array<i32>} : memref<20800xf32, #tpu.memory_space<vmem>>, vector<16xf32>,
      tpu.vector_store %arg11[%swap3A_1010], %gather3A_1005 {strides = array<i32>} : memref<20800xf32, #tpu.memory_space<vmem>>, vector<16xf32>,
      %mul3A_1012 = arith.constant 8 : i32
      %mul3A_1013 = arith.muli %scan3A_405, %mul3A_1012 : i32
      %add3A_1014 = vector.broadcast %mul3A_1013 : i32 to vector<16xi32>
      %add3A_1015 = arith.addi %add3A_1014, %add3A_307 : vector<16xi32>
      %add3A_1016 = arith.constant 12896 : i32
      %add3A_1017 = vector.broadcast %add3A_1016 : i32 to vector<16xi32>
      %add3A_1018 = arith.addi %add3A_1017, %add3A_1015 : vector<16xi32>
      %gather3A_1019 = tpu.vector_load_idx %arg5[%add3A_1018] : memref<13312xi32, #tpu.memory_space<vmem>>[vector<16xi32>], vector<16xi32>,
      %shift_left3A_1020 = arith.constant 6 : i32
      %shift_left3A_1021 = vector.broadcast %shift_left3A_1020 : i32 to vector<16xi32>
      %shift_left3A_1022 = arith.shli %add3A_1015, %shift_left3A_1021 : vector<16xi32>
      %and3A_1023 = arith.constant 15 : i32
      %and3A_1024 = vector.broadcast %and3A_1023 : i32 to vector<16xi32>
      %and3A_1025 = arith.andi %gather3A_1019, %and3A_1024 : vector<16xi32>
      %add3A_1026 = arith.addi %shift_left3A_1022, %and3A_1025 : vector<16xi32>
      %add3A_1027 = arith.addi %add3A_1026, %sub3A_314 : vector<16xi32>
      %shift_right_arithmetic3A_1028 = arith.constant 4 : i32
      %shift_right_arithmetic3A_1029 = vector.broadcast %shift_right_arithmetic3A_1028 : i32 to vector<16xi32>
      %shift_right_arithmetic3A_1030 = arith.shrsi %add3A_1027, %shift_right_arithmetic3A_1029 : vector<16xi32>
      %and3A_1031 = arith.constant 15 : i32
      %and3A_1032 = vector.broadcast %and3A_1031 : i32 to vector<16xi32>
      %and3A_1033 = arith.andi %add3A_1027, %and3A_1032 : vector<16xi32>
      %gather3A_1034 = tpu.vector_load_idx %arg9[%shift_right_arithmetic3A_1030, %and3A_1033] : memref<1664x16xf32, #tpu.memory_space<vmem>>[vector<16xi32>, vector<16xi32>], vector<16xf32>,
      %mul3A_1035 = arith.constant 400 : i32
      %mul3A_1036 = arith.muli %scan3A_405, %mul3A_1035 : i32
      %add3A_1037 = arith.constant 336 : i32
      %add3A_1038 = arith.addi %mul3A_1036, %add3A_1037 : i32
      %swap3A_1039 = arith.index_cast %add3A_1038 : i32 to index
      %swap3A_1040 = tpu.vector_load %arg11[%swap3A_1039] {strides = array<i32>} : memref<20800xf32, #tpu.memory_space<vmem>>, vector<16xf32>,
      tpu.vector_store %arg11[%swap3A_1039], %gather3A_1034 {strides = array<i32>} : memref<20800xf32, #tpu.memory_space<vmem>>, vector<16xf32>,
      %mul3A_1041 = arith.constant 8 : i32
      %mul3A_1042 = arith.muli %scan3A_405, %mul3A_1041 : i32
      %add3A_1043 = vector.broadcast %mul3A_1042 : i32 to vector<16xi32>
      %add3A_1044 = arith.addi %add3A_1043, %add3A_321 : vector<16xi32>
      %add3A_1045 = arith.constant 12896 : i32
      %add3A_1046 = vector.broadcast %add3A_1045 : i32 to vector<16xi32>
      %add3A_1047 = arith.addi %add3A_1046, %add3A_1044 : vector<16xi32>
      %gather3A_1048 = tpu.vector_load_idx %arg5[%add3A_1047] : memref<13312xi32, #tpu.memory_space<vmem>>[vector<16xi32>], vector<16xi32>,
      %shift_left3A_1049 = arith.constant 6 : i32
      %shift_left3A_1050 = vector.broadcast %shift_left3A_1049 : i32 to vector<16xi32>
      %shift_left3A_1051 = arith.shli %add3A_1044, %shift_left3A_1050 : vector<16xi32>
      %and3A_1052 = arith.constant 15 : i32
      %and3A_1053 = vector.broadcast %and3A_1052 : i32 to vector<16xi32>
      %and3A_1054 = arith.andi %gather3A_1048, %and3A_1053 : vector<16xi32>
      %add3A_1055 = arith.addi %shift_left3A_1051, %and3A_1054 : vector<16xi32>
      %add3A_1056 = arith.addi %add3A_1055, %sub3A_328 : vector<16xi32>
      %shift_right_arithmetic3A_1057 = arith.constant 4 : i32
      %shift_right_arithmetic3A_1058 = vector.broadcast %shift_right_arithmetic3A_1057 : i32 to vector<16xi32>
      %shift_right_arithmetic3A_1059 = arith.shrsi %add3A_1056, %shift_right_arithmetic3A_1058 : vector<16xi32>
      %and3A_1060 = arith.constant 15 : i32
      %and3A_1061 = vector.broadcast %and3A_1060 : i32 to vector<16xi32>
      %and3A_1062 = arith.andi %add3A_1056, %and3A_1061 : vector<16xi32>
      %gather3A_1063 = tpu.vector_load_idx %arg9[%shift_right_arithmetic3A_1059, %and3A_1062] : memref<1664x16xf32, #tpu.memory_space<vmem>>[vector<16xi32>, vector<16xi32>], vector<16xf32>,
      %mul3A_1064 = arith.constant 400 : i32
      %mul3A_1065 = arith.muli %scan3A_405, %mul3A_1064 : i32
      %add3A_1066 = arith.constant 352 : i32
      %add3A_1067 = arith.addi %mul3A_1065, %add3A_1066 : i32
      %swap3A_1068 = arith.index_cast %add3A_1067 : i32 to index
      %swap3A_1069 = tpu.vector_load %arg11[%swap3A_1068] {strides = array<i32>} : memref<20800xf32, #tpu.memory_space<vmem>>, vector<16xf32>,
      tpu.vector_store %arg11[%swap3A_1068], %gather3A_1063 {strides = array<i32>} : memref<20800xf32, #tpu.memory_space<vmem>>, vector<16xf32>,
      %mul3A_1070 = arith.constant 8 : i32
      %mul3A_1071 = arith.muli %scan3A_405, %mul3A_1070 : i32
      %add3A_1072 = vector.broadcast %mul3A_1071 : i32 to vector<16xi32>
      %add3A_1073 = arith.addi %add3A_1072, %add3A_335 : vector<16xi32>
      %add3A_1074 = arith.constant 12896 : i32
      %add3A_1075 = vector.broadcast %add3A_1074 : i32 to vector<16xi32>
      %add3A_1076 = arith.addi %add3A_1075, %add3A_1073 : vector<16xi32>
      %gather3A_1077 = tpu.vector_load_idx %arg5[%add3A_1076] : memref<13312xi32, #tpu.memory_space<vmem>>[vector<16xi32>], vector<16xi32>,
      %shift_left3A_1078 = arith.constant 6 : i32
      %shift_left3A_1079 = vector.broadcast %shift_left3A_1078 : i32 to vector<16xi32>
      %shift_left3A_1080 = arith.shli %add3A_1073, %shift_left3A_1079 : vector<16xi32>
      %and3A_1081 = arith.constant 15 : i32
      %and3A_1082 = vector.broadcast %and3A_1081 : i32 to vector<16xi32>
      %and3A_1083 = arith.andi %gather3A_1077, %and3A_1082 : vector<16xi32>
      %add3A_1084 = arith.addi %shift_left3A_1080, %and3A_1083 : vector<16xi32>
      %add3A_1085 = arith.addi %add3A_1084, %sub3A_342 : vector<16xi32>
      %shift_right_arithmetic3A_1086 = arith.constant 4 : i32
      %shift_right_arithmetic3A_1087 = vector.broadcast %shift_right_arithmetic3A_1086 : i32 to vector<16xi32>
      %shift_right_arithmetic3A_1088 = arith.shrsi %add3A_1085, %shift_right_arithmetic3A_1087 : vector<16xi32>
      %and3A_1089 = arith.constant 15 : i32
      %and3A_1090 = vector.broadcast %and3A_1089 : i32 to vector<16xi32>
      %and3A_1091 = arith.andi %add3A_1085, %and3A_1090 : vector<16xi32>
      %gather3A_1092 = tpu.vector_load_idx %arg9[%shift_right_arithmetic3A_1088, %and3A_1091] : memref<1664x16xf32, #tpu.memory_space<vmem>>[vector<16xi32>, vector<16xi32>], vector<16xf32>,
      %mul3A_1093 = arith.constant 400 : i32
      %mul3A_1094 = arith.muli %scan3A_405, %mul3A_1093 : i32
      %add3A_1095 = arith.constant 368 : i32
      %add3A_1096 = arith.addi %mul3A_1094, %add3A_1095 : i32
      %swap3A_1097 = arith.index_cast %add3A_1096 : i32 to index
      %swap3A_1098 = tpu.vector_load %arg11[%swap3A_1097] {strides = array<i32>} : memref<20800xf32, #tpu.memory_space<vmem>>, vector<16xf32>,
      tpu.vector_store %arg11[%swap3A_1097], %gather3A_1092 {strides = array<i32>} : memref<20800xf32, #tpu.memory_space<vmem>>, vector<16xf32>,
      %mul3A_1099 = arith.constant 8 : i32
      %mul3A_1100 = arith.muli %scan3A_405, %mul3A_1099 : i32
      %add3A_1101 = vector.broadcast %mul3A_1100 : i32 to vector<16xi32>
      %add3A_1102 = arith.addi %add3A_1101, %add3A_349 : vector<16xi32>
      %add3A_1103 = arith.constant 12896 : i32
      %add3A_1104 = vector.broadcast %add3A_1103 : i32 to vector<16xi32>
      %add3A_1105 = arith.addi %add3A_1104, %add3A_1102 : vector<16xi32>
      %gather3A_1106 = tpu.vector_load_idx %arg5[%add3A_1105] : memref<13312xi32, #tpu.memory_space<vmem>>[vector<16xi32>], vector<16xi32>,
      %shift_left3A_1107 = arith.constant 6 : i32
      %shift_left3A_1108 = vector.broadcast %shift_left3A_1107 : i32 to vector<16xi32>
      %shift_left3A_1109 = arith.shli %add3A_1102, %shift_left3A_1108 : vector<16xi32>
      %and3A_1110 = arith.constant 15 : i32
      %and3A_1111 = vector.broadcast %and3A_1110 : i32 to vector<16xi32>
      %and3A_1112 = arith.andi %gather3A_1106, %and3A_1111 : vector<16xi32>
      %add3A_1113 = arith.addi %shift_left3A_1109, %and3A_1112 : vector<16xi32>
      %add3A_1114 = arith.addi %add3A_1113, %sub3A_356 : vector<16xi32>
      %shift_right_arithmetic3A_1115 = arith.constant 4 : i32
      %shift_right_arithmetic3A_1116 = vector.broadcast %shift_right_arithmetic3A_1115 : i32 to vector<16xi32>
      %shift_right_arithmetic3A_1117 = arith.shrsi %add3A_1114, %shift_right_arithmetic3A_1116 : vector<16xi32>
      %and3A_1118 = arith.constant 15 : i32
      %and3A_1119 = vector.broadcast %and3A_1118 : i32 to vector<16xi32>
      %and3A_1120 = arith.andi %add3A_1114, %and3A_1119 : vector<16xi32>
      %gather3A_1121 = tpu.vector_load_idx %arg9[%shift_right_arithmetic3A_1117, %and3A_1120] : memref<1664x16xf32, #tpu.memory_space<vmem>>[vector<16xi32>, vector<16xi32>], vector<16xf32>,
      %mul3A_1122 = arith.constant 400 : i32
      %mul3A_1123 = arith.muli %scan3A_405, %mul3A_1122 : i32
      %add3A_1124 = arith.constant 384 : i32
      %add3A_1125 = arith.addi %mul3A_1123, %add3A_1124 : i32
      %swap3A_1126 = arith.index_cast %add3A_1125 : i32 to index
      %swap3A_1127 = tpu.vector_load %arg11[%swap3A_1126] {strides = array<i32>} : memref<20800xf32, #tpu.memory_space<vmem>>, vector<16xf32>,
      tpu.vector_store %arg11[%swap3A_1126], %gather3A_1121 {strides = array<i32>} : memref<20800xf32, #tpu.memory_space<vmem>>, vector<16xf32>,
    }
    %scan3A_402 = arith.constant 52 : i32
    %add3A_403 = arith.constant 644800 : i32
    %add3A_404 = arith.addi %mul3A_4, %add3A_403 : i32
    "tpu.region"() ({
      %run_scoped3A = tpu.sem_alloc : memref<!tpu.dma_semaphore, #tpu.memory_space<semaphore_mem>>
      %dma_start3A_405 = tpu.memref_slice %arg4[%add3A_404] : memref<21299200xf32, #tpu.memory_space<hbm>> -> memref<20800xf32, #tpu.memory_space<hbm>>
      %dma_start3A_406 = tpu.memref_slice %arg4[%add3A_404] : memref<21299200xf32, #tpu.memory_space<hbm>> -> memref<20800xf32, #tpu.memory_space<hbm>>
      tpu.enqueue_dma source(%arg11 : memref<20800xf32, #tpu.memory_space<vmem>>) target(%dma_start3A_406 : memref<20800xf32, #tpu.memory_space<hbm>>) target_semaphore(%run_scoped3A : memref<!tpu.dma_semaphore, #tpu.memory_space<semaphore_mem>>)
      %dma_wait3A_407 = tpu.memref_slice %arg4[%add3A_404] : memref<21299200xf32, #tpu.memory_space<hbm>> -> memref<20800xf32, #tpu.memory_space<hbm>>
      %dma_wait3A_408 = tpu.memref_slice %arg4[%add3A_404] : memref<21299200xf32, #tpu.memory_space<hbm>> -> memref<20800xf32, #tpu.memory_space<hbm>>
      tpu.wait_dma2 semaphore(%run_scoped3A : memref<!tpu.dma_semaphore, #tpu.memory_space<semaphore_mem>>) src(%arg11 : memref<20800xf32, #tpu.memory_space<vmem>>) dst(%dma_wait3A_408 : memref<20800xf32, #tpu.memory_space<hbm>>)
      tpu.yield
    }) : () -> ()
    return
  }
}

</mosaic_0001>

<sc_bundles>
// kernel: kernel.3.cloned.1.call-start
scs
__scs_entry_jumppad:
0x0: {  	(pc) =	sbr.rel $0x88, $3  }
0x1: {  	(tag) =	ssettag $0x0;
	lr =	simm.s32 $0x1  }
0x2: {  	[smem:$0x3F9F] =	sst lr;
	_ =	strace $0xD0000000  }
0x3: {  	_ = 	snop  }
0x4: {  	_ = 	snop  }
0x5: {  	_ = 	snop  }
0x6: {  	_ = 	snop  }
0x7: {  	_ = 	snop  }
__scs_overlays_trampoline_lowered:
0x8: {  	[smem:$0x3FAE] =	sst s0  }
0x9: {  	[smem:$0x3FAF] =	sst s1  }
0xa: {  	[smem:$0x3FB0] =	sst s2  }
0xb: {  	[smem:$0x3FB1] =	sst s3  }
0xc: {  	[smem:$0x3FB2] =	sst s4  }
0xd: {  	[smem:$0x3FB3] =	sst s5  }
0xe: {  	[smem:$0x3FB4] =	sst s6  }
0xf: {  	[smem:$0x3FB5] =	sst s7  }
0x10: {  	[smem:$0x3FB6] =	sst s8  }
0x11: {  	[smem:$0x3FB7] =	sst s9;
	s0 =	simm.s32 @!p0 $0x0  }
0x12: {  	s1 =	sld [smem:$0x3F9D];
	s0 =	simm.s32 @p0 $0x1  }
0x13: {  	[smem:$0x3FB8] =	sst s0;
	s0 =	simm.s32 @!p1 $0x0  }
0x14: {  	s2 =	sld [smem:$0x3F9C];
	s0 =	simm.s32 @p1 $0x1  }
0x15: {  	[smem:$0x3FB9] =	sst s0;
	s0 =	simm.s32 @!p2 $0x0  }
0x16: {  	s3 =	sld [smem:$0x3FDB];
	s0 =	simm.s32 @p2 $0x1  }
0x17: {  	s4 =	simm.s32 $0x1BF5;
	[smem:$0x3FBB] =	sst s0  }
0x18: {  	s0 =	sld [smem:$0x3F9E];
	_ =	swait.ge [sflag:s4], $0x0  }
0x19: {  	s7 =	sld [smem:$0x3F9F]  }
0x1a: {  	s8 =	sadd.s32 $0xFFFFE003, lr  }
0x1b: {  	s9 =	sadd.s32 $0xFFFFFEF7, lr;
	s5 =	simm.s32 $0xFFFFFFFF;
	p2 =	slt.u32 s8, $0xFFFFF086  }
0x1c: {  	p1 =	slt.u32 s9, $0xF7A;
	s5 =	simm.s32 @!p2 $0x0  }
0x1d: {  	s5 =	simm.s32 @p1 $0x1;
	p0 =	seq.s32 s7, s2  }
0x1e: {  	s7 =	smul.u32 @!p0 $0xF7A, s2;
	p2 =	seq.s32 @!p0 s5, $0x0  }
0x1f: {  	s9 =	smul.u32 $0xF7A, s1;
	s8 =	simm.s32 @!p0 $0x1BF5;
	p2 =	por !p2, p0  }
0x20: {  	[sflag:s8] =	ssyncset.s32 @!p0 $0xFFFFF086;
	s6 =	sadd.s32 @!p0 s3, s7;
	s7 =	simm.s32 @!p0 $0x108  }
0x21: {  	s3 =	sadd.s32 s3, s9;
	s6 =	sadd.s32 @!p0 $0x88, s6;
	s7 =	simm.s32 @p2 $0x1082  }
0x22: {  	[simem:s7], [sflag:s8] =	dma.local @!p0 [hbm:s6], $0xF7A  }
0x23: {  	s9 =	sor.u32 $0xD0000000, s2;
	s6 =	simm.s32 $0x108;
	_ =	swait.ge @!p0 [sflag:s8], $0x0  }
0x24: {  	s3 =	sadd.s32 $0x88, s3;
	s6 =	simm.s32 @!p1 $0x1082;
	[sflag:s4] =	ssyncset.s32 $0xFFFFF086  }
0x25: {  	[simem:s6], [sflag:s4] =	dma.local [hbm:s3], $0xF7A  }
0x26: {  	[smem:$0x3F9F] =	sst s1;
	(tag) =	ssettag s2;
	_ =	strace s9  }
0x27: {  	s1 =	sld [smem:$0x3FAF]  }
0x28: {  	s2 =	sld [smem:$0x3FB0]  }
0x29: {  	s4 =	sld [smem:$0x3FB2]  }
0x2a: {  	p0 =	seq.s32 s5, $0x0;
	s5 =	sld [smem:$0x3FB3]  }
0x2b: {  	s6 =	sld [smem:$0x3FB4]  }
0x2c: {  	s7 =	sld [smem:$0x3FB5]  }
0x2d: {  	s3 =	simm.s32 $0x108;
	s8 =	sld [smem:$0x3FB6]  }
0x2e: {  	s3 =	simm.s32 @!p0 $0x1082;
	s9 =	sld [smem:$0x3FB7]  }
0x2f: {  	lr =	sadd.s32 s0, s3;
	s0 =	sld [smem:$0x3FAE]  }
0x30: {  	s3 =	sld [smem:$0x3FB1]  }
0x31: {  	[smem:$0x3FBA] =	sst s10  }
0x32: {  	s10 =	sld [smem:$0x3FB8];
	_ =	sdelay $0x3  }
0x33: {  	p0 =	seq.s32 s10, $0x1;
	s10 =	sld [smem:$0x3FBA];
	_ =	sdelay $0x3  }
0x34: {  	[smem:$0x3FBA] =	sst s10  }
0x35: {  	s10 =	sld [smem:$0x3FB9];
	_ =	sdelay $0x3  }
0x36: {  	p1 =	seq.s32 s10, $0x1;
	s10 =	sld [smem:$0x3FBA];
	_ =	sdelay $0x3  }
0x37: {  	[smem:$0x3FBA] =	sst s10  }
0x38: {  	s10 =	sld [smem:$0x3FBB]  }
0x39: {  	_ = 	snop;
	(pc) =	sbr.ind lr, $3  }
0x3a: {  	_ = 	snop  }
0x3b: {  	_ = 	snop  }
0x3c: {  	p2 =	seq.s32 s10, $0x1;
	s10 =	sld [smem:$0x3FBA]  }
0x3d: {  	_ =	shalt  }
0x3e: {  	_ =	shalt  }
0x3f: {  	_ =	shalt  }
0x40: {  	_ =	shalt  }
0x41: {  	_ =	shalt  }
0x42: {  	_ =	shalt  }
0x43: {  	_ =	shalt  }
0x44: {  	_ =	shalt  }
0x45: {  	_ =	shalt  }
0x46: {  	_ =	shalt  }
0x47: {  	_ =	shalt  }
0x48: {  	_ =	shalt  }
0x49: {  	_ =	shalt  }
0x4a: {  	_ =	shalt  }
0x4b: {  	_ =	shalt  }
0x4c: {  	_ =	shalt  }
0x4d: {  	_ =	shalt  }
0x4e: {  	_ =	shalt  }
0x4f: {  	_ =	shalt  }
0x50: {  	_ =	shalt  }
0x51: {  	_ =	shalt  }
0x52: {  	_ =	shalt  }
0x53: {  	_ =	shalt  }
0x54: {  	_ =	shalt  }
0x55: {  	_ =	shalt  }
0x56: {  	_ =	shalt  }
0x57: {  	_ =	shalt  }
0x58: {  	_ =	shalt  }
0x59: {  	_ =	shalt  }
0x5a: {  	_ =	shalt  }
0x5b: {  	_ =	shalt  }
0x5c: {  	_ =	shalt  }
0x5d: {  	_ =	shalt  }
0x5e: {  	_ =	shalt  }
0x5f: {  	_ =	shalt  }
0x60: {  	_ =	shalt  }
0x61: {  	_ =	shalt  }
0x62: {  	_ =	shalt  }
0x63: {  	_ =	shalt  }
0x64: {  	_ =	shalt  }
0x65: {  	_ =	shalt  }
0x66: {  	_ =	shalt  }
0x67: {  	_ =	shalt  }
0x68: {  	_ =	shalt  }
0x69: {  	_ =	shalt  }
0x6a: {  	_ =	shalt  }
0x6b: {  	_ =	shalt  }
0x6c: {  	_ =	shalt  }
0x6d: {  	_ =	shalt  }
0x6e: {  	_ =	shalt  }
0x6f: {  	_ =	shalt  }
0x70: {  	_ =	shalt  }
0x71: {  	_ =	shalt  }
0x72: {  	_ =	shalt  }
0x73: {  	_ =	shalt  }
0x74: {  	_ =	shalt  }
0x75: {  	_ =	shalt  }
0x76: {  	_ =	shalt  }
0x77: {  	_ =	shalt  }
0x78: {  	_ =	shalt  }
0x79: {  	_ =	shalt  }
0x7a: {  	_ =	shalt  }
0x7b: {  	_ =	shalt  }
0x7c: {  	_ =	shalt  }
0x7d: {  	_ =	shalt  }
0x7e: {  	_ =	shalt  }
0x7f: {  	_ =	shalt  }
0x80: {  	_ =	shalt  }
0x81: {  	_ =	shalt  }
0x82: {  	_ =	shalt  }
0x83: {  	_ =	shalt  }
0x84: {  	_ =	shalt  }
0x85: {  	_ =	shalt  }
0x86: {  	_ =	shalt  }
0x87: {  	_ =	shalt  }
.Lfunc_end0:
.L_simem_size_0:
called_computation.1_lowered:
.L_overlay_start_0:
0x88: {  	s2 =	sld [smem:$0x3FD9]  }
0x89: {  	s3 =	sld [smem:$0x3FFE];
	_ =	sdelay $0x1  }
0x8a: {  	s1 =	srdreg.scid  }
0x8b: {  	s0 =	sand.u32 $0x1, s1  }
0x8c: {  	s17 =	sshll.u32 s0, $0xA;
	s2 =	sadd.s32 s3, s2  }
0x8d: {  	s2 =	sadd.s32 s2, s17  }
0x8e: {  	[smem:$0x3FC6] =	sst s2  }
0x8f: {  	_ = 	snop  }
0x90: {  	s2 =	sld [smem:$0x3FD0];
	(tm) =	ssettm $0x1  }
0x91: {  	s18 =	sld [smem:$0x3FFB];
	_ =	sdelay $0x3  }
0x92: {  	_ =	strace s18  }
0x93: {  	s3 =	sld [smem:$0x3FFC];
	_ =	sdelay $0x3  }
0x94: {  	_ =	strace s3  }
0x95: {  	s3 =	sld [smem:$0x3FFD];
	_ =	sdelay $0x3  }
0x96: {  	_ =	strace s3  }
0x97: {  	_ =	strace $0x8FFFFFFF  }
0x98: {  	s19 =	sld [smem:$0x3FDB];
	_ =	sdelay $0x1  }
0x99: {  	s4 =	simm.s32 $_scs_section_size  }
0x9a: {  	s5 =	simm.s32 $_size__tile_overlayer_lowered;
	s6 =	simm.s32 $_tile_overlayer_lowered  }
0x9b: {  	s22 =	simm.s32 $0x1BFF;
	s21 =	sshll.u32 s6, $0x1;
	s3 =	sadd.s32 s4, s19  }
0x9c: {  	s7 =	simm.s32 $0x0;
	s20 =	sshll.u32 s5, $0x1;
	s5 =	sadd.s32 s21, s3  }
0x9d: {  	[timem:s7], [sflag:s22] =	dma.local [hbm:s5], s20  }
0x9e: {  	_ =	swait.ge [sflag:s22], s20  }
0x9f: {  	s4 =	ssub.s32 $0x0, s20;
	[sflag:s22] =	ssyncset.done $0x0  }
0xa0: {  	[sflag:s22] =	ssyncadd.s32 s4;
	_ =	sdelay $0x1  }
0xa1: {  	s23 =	simm.s32 $0x1B8B  }
0xa2: {  	_ =	swait.ge [sflag:s23], $0x1  }
0xa3: {  	[sflag:s23] =	ssyncset.done $0x0  }
0xa4: {  	s25 =	simm.s32 $0x1B8E;
	s24 =	sld [smem:$0x3FFE];
	[sflag:s23] =	ssyncadd.s32 $0xFFFFFFFF  }
0xa5: {  	s26 =	simm.s32 $execute0_lowered;
	[smem:$0x3FD2] =	sst s25  }
0xa6: {  	s5 =	sshll.u32 s26, $0x1;
	_ =	strace $0x80000046;
	[dreg:$0x1] =	wrdreg $0xFFFFFFFF  }
0xa7: {  	s28 =	simm.s32 $_size_execute0_lowered;
	s3 =	sadd.s32 s3, s5;
	[dreg:$0x0] =	wrdreg $0x0  }
0xa8: {  	s5 =	sshll.u32 s28, $0x1;
	[dreg:$0x2] =	wrdreg s3  }
0xa9: {  	[dreg:$0x3] =	wrdreg s5  }
0xaa: {  	[dreg:$0x4] =	wrdreg $0xC0  }
0xab: {  	_ =	task [dreg:s7], $0x5FFFF  }
0xac: {  	[dreg:$0x1] =	wrdreg $0xFFFFFFFF  }
0xad: {  	[dreg:$0x0] =	wrdreg $0x60  }
0xae: {  	[dreg:$0x2] =	wrdreg s24  }
0xaf: {  	[dreg:$0x3] =	wrdreg s2  }
0xb0: {  	[dreg:$0x4] =	wrdreg $0x9  }
0xb1: {  	_ =	task.clear_ibuf [dreg:s7], $0x5FFFF;
	_ =	strace $0x90000046  }
0xb2: {  	s29 =	simm.s32 $0x9;
	_ =	strace $0x80000048  }
0xb3: {  	_ =	swait.ge [sflag:s29], $0x1  }
0xb4: {  	[sflag:s29] =	ssyncadd.s32 $0xFFFFFFFF  }
0xb5: {  	_ =	strace $0x90000048  }
0xb6: {  	_ =	sfence  }
0xb7: {  	s30 =	sld [smem:$0x0];
	_ =	sdelay $0x2  }
0xb8: {  	s31 =	sshll.u32 s1, $0xD;
	s1 =	sshrl.u32 s1, $0x2  }
0xb9: {  	s3 =	sand.u32 $0x4000, s31;
	s1 =	sadd.s32 s1, s30  }
0xba: {  	s0 =	sor.u32 s3, s0;
	s1 =	sshll.u32 s1, $0x11  }
0xbb: {  	s0 =	sor.u32 s1, s0  }
0xbc: {  	s0 =	sadd.s32 $0x8F2B, s0  }
0xbd: {  	[sflag:s0] =	ssyncadd.remote.s32 $0x1  }
0xbe: {  	_ =	sfence.sel $0xFFFF  }
0xbf: {  	[dreg:$0x0] =	wrdreg $0xFFFFFFFF;
	(pc) =	sbr.abs _section_cstart, $3  }
0xc0: {  	[dreg:$0x1] =	wrdreg $0xFFFFFFFF  }
0xc1: {  	_ =	task.clear_ibuf [dreg:s7], $0x2FFFF;
	_ =	strace $0x9FFFFFFF  }
0xc2: {  	(tm) =	ssettm $0x7FFFFFFF  }
0xc3: {  	_ =	shalt  }
tec
execute0_lowered:
.L_overlay_start_1:
0x0: {  	(tag) =	ssettag $0x1  }
0x1: {  	v0 =	vlaneseq.u32  }
0x2: {  	v3 =	vimm.s32 $0x1C0;
	vm0 =	vcmask $0x3700;
	v4 =	vimm.s32 $0x180  }
0x3: {  	vm1 =	vcmask $0x2F00;
	v5 =	vimm.s32 $0x140;
	vm2 =	vcmask $0x2700  }
0x4: {  	v7 =	vimm.s32 $0xC0;
	vm3 =	vcmask $0x1700;
	v8 =	vimm.s32 $0x80  }
0x5: {  	vm4 =	vcmask $0xF00;
	v9 =	vimm.s32 $0x40;
	v10 =	vimm.s32 $0x54329876  }
0x6: {  	vm5 =	vcmask $0x700;
	v21 =	vimm.s32 $0x3;
	v13 =	vimm.s32 $0x1  }
0x7: {  	v14 =	vimm.s32 $0x1003130;
	vm6 =	vcmask $0x2F10;
	v15 =	vimm.s32 $0x32107654  }
0x8: {  	vm7 =	vcmask $0x3F30;
	v18 =	vimm.s32 $0x31302F2E;
	v19 =	vimm.s32 $0x98765432  }
0x9: {  	v20 =	vimm.s32 $0x2;
	vm15 =	vcmask $0x1F10;
	v25 =	vimm.s32 $0x2D2C2B2A  }
0xa: {  	v27 =	vimm.s32 $0x2B2A2928;
	v44 =	vimm.s32 $0x3020100;
	v33 =	vimm.s32 $0x29282726  }
0xb: {  	v36 =	vimm.s32 $0x6;
	v45 =	vimm.s32 $0x27262524;
	v47 =	vimm.s32 $0x7  }
0xc: {  	v42 =	vimm.s32 $0x30C1;
	v48 =	vimm.s32 $0x30C3;
	v49 =	vimm.s32 $0x30C5  }
0xd: {  	v50 =	vimm.s32 $0x30C7;
	v58 =	vimm.s32 $0x3261;
	v59 =	vimm.s32 $0x3262  }
0xe: {  	v60 =	vimm.s32 $0x3263;
	v61 =	vimm.s32 $0x3265;
	v62 =	vimm.s32 $0x3266  }
0xf: {  	v63 =	vimm.s32 $0x3267;
	v1 =	vshrl.u32 v0, $0x2;
	v2 =	vand.u32 $0x3, v0  }
0x10: {  	v3 =	vsel vm0, $0x180, v3;
	v4 =	vsel vm1, $0x140, v4;
	v5 =	vsel vm2, $0x100, v5  }
0x11: {  	v43 =	vshrl.u32 v0, $0x3;
	v12 =	vunpack.c.l.s4.s8 v10;
	v7 =	vsel vm3, $0x80, v7  }
0x12: {  	v8 =	vsel vm4, $0x40, v8;
	v9 =	vsel vm5, $0x0, v9;
	v28 =	vunpack.c.0.s8.s32 v14  }
0x13: {  	v14 =	vimm.s32 $0xD0C0B0A;
	v17 =	vunpack.c.l.s4.s8 v15;
	v13 =	vsel vm5, $0x0, v13  }
0x14: {  	v15 =	vadd.s32 $0xE, v0;
	v34 =	vunpack.c.0.s8.s32 v18;
	v18 =	vimm.s32 $0xB0A0908  }
0x15: {  	v23 =	vunpack.c.l.s4.s8 v19;
	v19 =	vadd.s32 $0xC, v0;
	v21 =	vsel vm3, $0x2, v21  }
0x16: {  	v24 =	vadd.s32 $0x1A, v0;
	v35 =	vunpack.c.0.s8.s32 v25;
	v25 =	vimm.s32 $0x5040302  }
0x17: {  	v39 =	vunpack.c.0.s8.s32 v27;
	v27 =	vadd.s32 $0x8, v0;
	v37 =	vunpack.c.0.s8.s32 v44  }
0x18: {  	v40 =	vunpack.c.0.s8.s32 v33;
	v33 =	vsel vm1, $0x5, v36;
	v46 =	vunpack.c.0.s8.s32 v45  }
0x19: {  	v36 =	vadd.s32 $0x14, v0;
	v41 =	vadd.s32 $0x22, v0;
	v44 =	vimm.s32 $0x30C2  }
0x1a: {  	v56 =	vsel vm5, $0x30C0, v42;
	v53 =	vadd.s32 $0x4E, v0;
	v45 =	vimm.s32 $0x30C6  }
0x1b: {  	v55 =	vsel vm5, $0x3260, v58;
	v57 =	vsel vm4, $0x3261, v59;
	v58 =	vsel vm3, $0x3262, v60  }
0x1c: {  	v52 =	vsel vm2, $0x3264, v61;
	v54 =	vsel vm1, $0x3265, v62;
	v6 =	vadd.s32 $0x5E, v0  }
0x1d: {  	v11 =	vmul.u32 $0x40, v43;
	v14 =	vunpack.c.0.s8.s32 v14;
	v18 =	vunpack.c.0.s8.s32 v18  }
0x1e: {  	v31 =	vunpack.c.0.s8.s32 v25;
	v25 =	vadd.s32 $0x3, v43;
	v51 =	vsel vm4, $0x30C1, v44  }
0x1f: {  	v12 =	vunpack.c.0.s8.s32 v12;
	v17 =	vunpack.c.0.s8.s32 v17;
	v30 =	vsel vm15, v34, v35  }
0x20: {  	s5 =	rddreg [dreg:$0x0];
	s3 =	simm.s32 $0x0;
	v35 =	vsel vm15, v35, v40;
	v40 =	vadd.s32 $0x12, v0;
	v10 =	vadd.s32 $0xC0, v11  }
0x21: {  	[smem:$0x7FF] =	sst s3;
	v11 =	vor.u32 $0x10, v0;
	v31 =	vsel vm15, v31, v28;
	v12 =	vand.u32 $0xF, v12  }
0x22: {  	s2 =	rddreg [dreg:$0x1];
	_ =	strace $0x80000047;
	[tilespmem:$0x1FF30] =	vst v56;
	v17 =	vand.u32 $0xF, v17;
	v16 =	vsel vm6, v12, v28;
	v12 =	vor.u32 $0x20, v0  }
0x23: {  	[tilespmem:$0x1FF80] =	vst v55;
	v22 =	vsel vm6, v17, v34;
	v17 =	vsel vm4, $0x1, v20;
	v20 =	vimm.s32 $0x2F2E2D2C  }
0x24: {  	s1 =	srdreg.scid;
	s0 =	stileid.u32;
	s12 =	simm.s32 $0x680;
	[tilespmem:$0x1FF90] =	vst v57;
	v34 =	vsel vm15, v37, v34;
	v37 =	vsel vm0, $0x6, v47;
	v47 =	vsel vm2, $0x30C4, v49  }
0x25: {  	s13 =	simm.s32 $0x3400;
	s14 =	simm.s32 $0x4100;
	s15 =	simm.s32 $0x3A80;
	[tilespmem:$0x1FFA0] =	vst v58;
	v49 =	vsel vm0, $0x30C6, v50;
	v50 =	vsel vm0, $0x3266, v63;
	v14 =	vsel vm7, v14, v16  }
0x26: {  	s16 =	simm.s32 $0xA900;
	s17 =	simm.s32 $0x1;
	s18 =	simm.s32 $0x11100;
	[tilespmem:$0x1FFB0] =	vst v52;
	v16 =	vadd.s32 $0x1E, v0;
	v18 =	vsel vm7, v18, v22;
	v22 =	vunpack.c.0.s8.s32 v23  }
0x27: {  	s7 =	sand.u32 $0x1, s1;
	s4 =	sshll.u32 s0, $0x1;
	s10 =	smul.u32 $0x6800, s0;
	[tilespmem:$0x1FFC0] =	vst v54;
	v29 =	vunpack.c.0.s8.s32 v20;
	v20 =	vadd.s32 $0x1C, v0;
	v23 =	vimm.s32 $0x76543210  }
0x28: {  	s19 =	simm.s32 $0x2;
	s4 =	sor.u32 s7, s4;
	s11 =	smul.u32 $0x3400, s7;
	[tilespmem:$0x1FFF0] =	vst v6;
	v34 =	vcombine.low v35, v34;
	v35 =	vadd.s32 $0x4, v0;
	v26 =	vunpack.c.l.s4.s8 v23  }
0x29: {  	s20 =	simm.s32 $0x16240;
	s8 =	ssub.s32 $0x2, s7;
	s6 =	smul.u32 $0x3400, s4;
	[tilespmem:$0x1FF40] =	vst v51;
	v23 =	vadd.s32 $0xA, v0;
	v22 =	vand.u32 $0xF, v22;
	v38 =	vsel vm15, v28, v29  }
0x2a: {  	s21 =	simm.s32 $0x0;
	s4 =	smul.u32 $0xA2800, s4;
	s9 =	sshrl.u32 s8, $0x1;
	[tilespmem:$0x1FF60] =	vst v47;
	v32 =	vsel vm15, v29, v39;
	v28 =	vadd.s32 $0x18, v0;
	v26 =	vunpack.c.0.s8.s32 v26  }
0x2b: {  	s9 =	ssub.s32 s8, s9;
	s10 =	sadd.s32 s11, s10;
	s11 =	simm.s32 $0x3;
	[tilespmem:$0x1FFD0] =	vst v49;
	v39 =	vsel vm15, v39, v46;
	v46 =	vsel vm3, $0x30C2, v48;
	v48 =	vsel vm1, $0x30C5, v45  }
0x2c: {  	s6 =	sshrl.u32 s6, $0x3;
	s31 =	sshrl.u32 s4, $0x3;
	s9 =	smax.u32 s9, $0x1;
	[tilespmem:$0x1FFE0] =	vst v50;
	v22 =	vcombine.low v38, v22;
	v26 =	vcombine.low v30, v26;
	v30 =	vimm.s32 $0x5  }
0x2d: {  	s6 =	sadd.s32 s6, s5;
	s5 =	sadd.s32 $0x27ACE00, s5;
	s8 =	sadd.s32 s2, s31;
	v38 =	vcombine.low v39, v38;
	v39 =	vadd.s32 $0x2, v0;
	[tilespmem:$0x1FF50] =	vst v46;
	v29 =	vsel vm2, $0x4, v30  }
0x2e: {  	s6 =	sadd.s32 $0xA00, s6;
	s7 =	sadd.s32 $0x130B0, s8;
	s8 =	sadd.s32 $0x13AD8, s8;
	[tilespmem:$0x1FF70] =	vst v48;
	v30 =	vcombine.low v32, v31;
	v31 =	vadd.s32 $0x6, v0;
	v32 =	vadd.s32 $0x16, v0  }
.LBB2_1:
0x2f: {  	[tilespmem:s3], [sflag:$0x3] =	stream.linear.gather [hbm4b:s6+s3], $0x3400, $0x38;
	[tilespmem:$0x1B380] =	vst v63  }
0x30: {  	_ =	swait.ge [sflag:s11], $0x3400  }
0x31: {  	v42 =	vor.u32 s10, v0;
	[sflag:s11] =	ssyncset.done $0x0  }
0x32: {  	s22 =	simm.s32 $0x0;
	v44 =	vmulhi.u32 $0x4EC4EC4F, v42;
	[sflag:s11] =	ssyncadd.s32 $0xFFFFCC00  }
0x33: {  	v45 =	vld [tilespmem:s22+$0x0]  }
0x34: {  	v44 =	vshrl.u32 v44, $0x3  }
0x35: {  	v44 =	vmul.u32 $0x1A, v44;
	_ =	sdelay $0x1  }
0x36: {  	v42 =	vsub.s32 v42, v44  }
0x37: {  	v63 =	vmul.u32 $0x4C4B40, v42;
	v62 =	vmul.u32 $0x32, v45  }
0x38: {  	s24 =	sadd.s32 $0x10, s10  }
0x39: {  	s23 =	simm.s32 $0x40;
	s25 =	simm.s32 $0x80;
	v42 =	vor.u32 s24, v0;
	v44 =	vadd.s32 v63, v62  }
.LBB2_2:
0x3a: {  	p0 =	sne.s32 s25, $0xCFC0;
	v45 =	vmulhi.u32 $0x4EC4EC4F, v42;
	[tilespmem:s22+$0x0] =	vst v44;
	s22 =	sshra.s32 s23, $0x2;
	s23 =	smov.u32 s25  }
0x3b: {  	v44 =	vld [tilespmem:s22+$0x0]  }
0x3c: {  	v45 =	vshrl.u32 v45, $0x3  }
0x3d: {  	v45 =	vmul.u32 $0x1A, v45  }
.Ltmp0:
0x3e: {  	(pc) =	sbr.rel @p0 .LBB2_2-.Ltmp0, $4  }
0x3f: {  	v42 =	vsub.s32 v42, v45  }
0x40: {  	v44 =	vmul.u32 $0x32, v44;
	v45 =	vmul.u32 $0x4C4B40, v42  }
0x41: {  	s24 =	sadd.s32 $0x10, s24  }
0x42: {  	s25 =	sadd.s32 $0x40, s25;
	v42 =	vor.u32 s24, v0;
	v44 =	vadd.s32 v45, v44  }
0x43: {  	v45 =	vmulhi.u32 $0x4EC4EC4F, v42;
	s23 =	sshra.s32 s23, $0x2;
	[tilespmem:s22+$0x0] =	vst v44  }
0x44: {  	v44 =	vld [tilespmem:s23+$0x0]  }
0x45: {  	v45 =	vshrl.u32 v45, $0x3  }
0x46: {  	v45 =	vmul.u32 $0x1A, v45  }
0x47: {  	s29 =	simm.s32 $0x0  }
0x48: {  	v62 =	vor.u32 s29, v1;
	v61 =	vsub.s32 v42, v45  }
0x49: {  	v44 =	vmul.u32 $0x32, v44;
	v42 =	vmul.u32 $0x4C4B40, v61;
	_ =	sdelay $0x1  }
0x4a: {  	v42 =	vadd.s32 v42, v44  }
0x4b: {  	[tilespmem:s23+$0x0] =	vst v42  }
0x4c: {  	v42 =	vld.idx.msk [tilespmem:v62+s3+$0x0], $0xffff;
	_ =	sdelay $0x1  }
0x4d: {  	s30 =	simm.s32 $0x4  }
0x4e: {  	v63 =	vor.u32 s30, v1;
	_ =	sdelay $0x1  }
0x4f: {  	v42 =	vshra.s32 v42, $0x4  }
0x50: {  	s22 =	simm.s32 $0x3400;
	v42 =	vadd.s32 v2, v42  }
0x51: {  	[tilespmem:s22+$0x0] =	vst v42  }
0x52: {  	v44 =	vld.idx.msk [tilespmem:v63+s3+$0x0], $0xffff;
	_ =	sdelay $0x1  }
0x53: {  	s31 =	simm.s32 $0x8  }
0x54: {  	s23 =	simm.s32 $0xC;
	v42 =	vor.u32 s31, v1  }
.LBB2_4:
0x55: {  	p0 =	sne.s32 s23, $0x19C  }
0x56: {  	v44 =	vshra.s32 v44, $0x4  }
0x57: {  	s22 =	sadd.s32 $0x10, s22;
	v44 =	vadd.s32 v2, v44  }
0x58: {  	[tilespmem:s22+$0x0] =	vst v44  }
.Ltmp1:
0x59: {  	v44 =	vld.idx.msk [tilespmem:v42+s3+$0x0], $0xffff;
	(pc) =	sbr.rel @p0 .LBB2_4-.Ltmp1, $2  }
0x5a: {  	_ =	sdelay $0x2  }
0x5b: {  	v42 =	vor.u32 s23, v1;
	s23 =	sadd.s32 $0x4, s23  }
0x5c: {  	_ = 	snop  }
0x5d: {  	v44 =	vshra.s32 v44, $0x4  }
0x5e: {  	s22 =	sadd.s32 $0x10, s22;
	v44 =	vadd.s32 v2, v44  }
0x5f: {  	[tilespmem:s22+$0x0] =	vst v44  }
0x60: {  	v42 =	vld.idx.msk [tilespmem:v42+s3+$0x0], $0xffff;
	_ =	sdelay $0x4  }
0x61: {  	v42 =	vshra.s32 v42, $0x4  }
0x62: {  	s22 =	sadd.s32 $0x10, s22;
	v42 =	vadd.s32 v2, v42  }
0x63: {  	s23 =	simm.s32 $0x1A0;
	s24 =	simm.s32 $0x340;
	[tilespmem:s22+$0x0] =	vst v42;
	s22 =	simm.s32 $0x0  }
0x64: {  	[tilespmem:s14], [sflag:$0x1] =	stream.indirect.gather [hbm4b:s5+s12], $0x10, s13, s12, $0xb8;
	[tilespmem:$0x1B380] =	vst v63  }
.LBB2_6:
0x65: {  	v42 =	vor.u32 s23, v1;
	_ =	sdelay $0x4  }
0x66: {  	v44 =	vld.idx.msk [tilespmem:v42+s3+$0x0], $0xffff;
	_ =	sdelay $0x1  }
0x67: {  	s25 =	sshllo.u32 s22, $0x1;
	s29 =	sadd.s32 $0x4, s23;
	s28 =	simm.s32 $0x40  }
0x68: {  	s31 =	simm.s32 $0x80;
	s30 =	simm.s32 $0x0;
	s26 =	smul.u32 $0x1A0, s25;
	v42 =	vor.u32 s29, v1  }
.LBB2_7:
0x69: {  	p0 =	sne.s32 s31, $0x19C0  }
0x6a: {  	v44 =	vshra.s32 v44, $0x4  }
0x6b: {  	s1 =	sshra.s32 s30, $0x2;
	s30 =	smov.u32 s28;
	s28 =	smov.u32 s31;
	v44 =	vadd.s32 v2, v44  }
0x6c: {  	[tilespmem:s1+$0x3A80] =	vst v44  }
.Ltmp2:
0x6d: {  	v44 =	vld.idx.msk [tilespmem:v42+s3+$0x0], $0xffff;
	(pc) =	sbr.rel @p0 .LBB2_7-.Ltmp2, $3  }
0x6e: {  	_ =	sdelay $0x1  }
0x6f: {  	s29 =	sadd.s32 $0x4, s29  }
0x70: {  	s31 =	sadd.s32 $0x40, s31;
	v42 =	vor.u32 s29, v1  }
0x71: {  	_ = 	snop  }
0x72: {  	v44 =	vshra.s32 v44, $0x4  }
0x73: {  	s1 =	sshra.s32 s30, $0x2;
	v44 =	vadd.s32 v2, v44  }
0x74: {  	[tilespmem:s1+$0x3A80] =	vst v44  }
0x75: {  	v42 =	vld.idx.msk [tilespmem:v42+s3+$0x0], $0xffff;
	_ =	sdelay $0x4  }
0x76: {  	v42 =	vshra.s32 v42, $0x4  }
0x77: {  	s30 =	sshra.s32 s28, $0x2;
	v42 =	vadd.s32 v2, v42  }
0x78: {  	[tilespmem:s30+$0x3A80] =	vst v42  }
0x79: {  	[tilespmem:s16], [sflag:$0x2] =	stream.indirect.gather [hbm4b:s5+s12], $0x10, s15, s12, $0xb8;
	[tilespmem:$0x1B380] =	vst v63  }
0x7a: {  	s31 =	smul.u32 $0x340, s22;
	_ =	swait.ge [sflag:s17], $0x6800  }
0x7b: {  	[sflag:s17] =	ssyncset.done $0x0  }
0x7c: {  	s28 =	simm.s32 $0x0;
	s29 =	simm.s32 $0x111C0;
	v42 =	vmov s31;
	[sflag:s17] =	ssyncadd.s32 $0xFFFF9800  }
.LBB2_9:
0x7d: {  	v46 =	vadd.s32 s28, v42;
	_ =	sdelay $0x4  }
0x7e: {  	v47 =	vld.idx.msk [tilespmem:v46+s3+$0x0], $0xffff;
	_ =	sdelay $0x3  }
0x7f: {  	v44 =	vmov s28  }
0x80: {  	v45 =	vshll.u32 v44, $0x6;
	v47 =	vand.u32 $0xF, v47  }
0x81: {  	v47 =	vor.u32 v45, v47  }
0x82: {  	v47 =	vadd.s32 v0, v47;
	_ =	sdelay $0x4  }
0x83: {  	v47 =	vld.idx.msk [tilespmem:v47+s14+$0x0], $0xffff;
	_ =	sdelay $0x4  }
0x84: {  	[tilespmem:s29+$0xFFFFFF40] =	vst v47  }
0x85: {  	v47 =	vld.idx.msk [tilespmem:v46+s3+$0x0], $0xffff;
	_ =	sdelay $0x4  }
0x86: {  	v47 =	vand.u32 $0xF, v47  }
0x87: {  	v47 =	vor.u32 v45, v47  }
0x88: {  	v47 =	vadd.s32 v11, v47;
	_ =	sdelay $0x4  }
0x89: {  	v47 =	vld.idx.msk [tilespmem:v47+s14+$0x0], $0xffff;
	_ =	sdelay $0x4  }
0x8a: {  	[tilespmem:s29+$0xFFFFFF50] =	vst v47  }
0x8b: {  	v47 =	vld.idx.msk [tilespmem:v46+s3+$0x0], $0xffff;
	_ =	sdelay $0x4  }
0x8c: {  	v47 =	vand.u32 $0xF, v47  }
0x8d: {  	v47 =	vor.u32 v45, v47  }
0x8e: {  	v47 =	vadd.s32 v12, v47;
	_ =	sdelay $0x4  }
0x8f: {  	v46 =	vand.u32 $0x7FF8, v46;
	v47 =	vld.idx.msk [tilespmem:v47+s14+$0x0], $0xffff  }
0x90: {  	v48 =	vor.u32 v13, v46;
	_ =	sdelay $0x3  }
0x91: {  	[tilespmem:s29+$0xFFFFFF60] =	vst v47  }
0x92: {  	v47 =	vld.idx.msk [tilespmem:v48+s3+$0x0], $0xffff;
	_ =	sdelay $0x4  }
0x93: {  	v61 =	vor.u32 v9, v45;
	v47 =	vand.u32 $0xF, v47  }
0x94: {  	v47 =	vor.u32 v61, v47  }
0x95: {  	v47 =	vadd.s32 v14, v47;
	_ =	sdelay $0x4  }
0x96: {  	v62 =	vor.u32 $0x1, v44;
	v47 =	vld.idx.msk [tilespmem:v47+s14+$0x0], $0xffff  }
0x97: {  	v49 =	vadd.s32 v42, v62;
	_ =	sdelay $0x3  }
0x98: {  	[tilespmem:s29+$0xFFFFFF70] =	vst v47  }
0x99: {  	v47 =	vld.idx.msk [tilespmem:v49+s3+$0x0], $0xffff;
	_ =	sdelay $0x4  }
0x9a: {  	v48 =	vshll.u32 v62, $0x6;
	v47 =	vand.u32 $0xF, v47  }
0x9b: {  	v47 =	vor.u32 v48, v47  }
0x9c: {  	v47 =	vadd.s32 v15, v47;
	_ =	sdelay $0x4  }
0x9d: {  	v47 =	vld.idx.msk [tilespmem:v47+s14+$0x0], $0xffff;
	_ =	sdelay $0x4  }
0x9e: {  	[tilespmem:s29+$0xFFFFFF80] =	vst v47  }
0x9f: {  	v47 =	vld.idx.msk [tilespmem:v49+s3+$0x0], $0xffff;
	_ =	sdelay $0x4  }
0xa0: {  	v47 =	vand.u32 $0xF, v47  }
0xa1: {  	v47 =	vor.u32 v48, v47  }
0xa2: {  	v47 =	vadd.s32 v16, v47;
	_ =	sdelay $0x4  }
0xa3: {  	v47 =	vld.idx.msk [tilespmem:v47+s14+$0x0], $0xffff  }
0xa4: {  	v63 =	vor.u32 v17, v46;
	_ =	sdelay $0x3  }
0xa5: {  	[tilespmem:s29+$0xFFFFFF90] =	vst v47  }
0xa6: {  	v47 =	vld.idx.msk [tilespmem:v63+s3+$0x0], $0xffff;
	_ =	sdelay $0x4  }
0xa7: {  	v52 =	vor.u32 v8, v45;
	v47 =	vand.u32 $0xF, v47  }
0xa8: {  	v47 =	vor.u32 v52, v47  }
0xa9: {  	v47 =	vadd.s32 v18, v47;
	_ =	sdelay $0x4  }
0xaa: {  	v54 =	vor.u32 $0x2, v44;
	v47 =	vld.idx.msk [tilespmem:v47+s14+$0x0], $0xffff  }
0xab: {  	v55 =	vadd.s32 v42, v54;
	_ =	sdelay $0x3  }
0xac: {  	[tilespmem:s29+$0xFFFFFFA0] =	vst v47  }
0xad: {  	v47 =	vld.idx.msk [tilespmem:v55+s3+$0x0], $0xffff;
	_ =	sdelay $0x4  }
0xae: {  	v48 =	vshll.u32 v54, $0x6;
	v47 =	vand.u32 $0xF, v47  }
0xaf: {  	v47 =	vor.u32 v48, v47  }
0xb0: {  	v47 =	vadd.s32 v19, v47;
	_ =	sdelay $0x4  }
0xb1: {  	v47 =	vld.idx.msk [tilespmem:v47+s14+$0x0], $0xffff;
	_ =	sdelay $0x4  }
0xb2: {  	[tilespmem:s29+$0xFFFFFFB0] =	vst v47  }
0xb3: {  	v47 =	vld.idx.msk [tilespmem:v55+s3+$0x0], $0xffff;
	_ =	sdelay $0x4  }
0xb4: {  	v47 =	vand.u32 $0xF, v47  }
0xb5: {  	v47 =	vor.u32 v48, v47  }
0xb6: {  	v47 =	vadd.s32 v20, v47;
	_ =	sdelay $0x4  }
0xb7: {  	v47 =	vld.idx.msk [tilespmem:v47+s14+$0x0], $0xffff  }
0xb8: {  	v57 =	vor.u32 v21, v46;
	_ =	sdelay $0x3  }
0xb9: {  	[tilespmem:s29+$0xFFFFFFC0] =	vst v47  }
0xba: {  	v47 =	vld.idx.msk [tilespmem:v57+s3+$0x0], $0xffff;
	_ =	sdelay $0x4  }
0xbb: {  	v58 =	vor.u32 v7, v45;
	v47 =	vand.u32 $0xF, v47  }
0xbc: {  	v47 =	vor.u32 v58, v47  }
0xbd: {  	v47 =	vadd.s32 v22, v47;
	_ =	sdelay $0x4  }
0xbe: {  	v59 =	vor.u32 $0x3, v44;
	v47 =	vld.idx.msk [tilespmem:v47+s14+$0x0], $0xffff  }
0xbf: {  	v60 =	vadd.s32 v42, v59;
	_ =	sdelay $0x3  }
0xc0: {  	[tilespmem:s29+$0xFFFFFFD0] =	vst v47  }
0xc1: {  	v47 =	vld.idx.msk [tilespmem:v60+s3+$0x0], $0xffff;
	_ =	sdelay $0x4  }
0xc2: {  	v48 =	vshll.u32 v59, $0x6;
	v47 =	vand.u32 $0xF, v47  }
0xc3: {  	v47 =	vor.u32 v48, v47  }
0xc4: {  	v47 =	vadd.s32 v23, v47;
	_ =	sdelay $0x4  }
0xc5: {  	v47 =	vld.idx.msk [tilespmem:v47+s14+$0x0], $0xffff;
	_ =	sdelay $0x4  }
0xc6: {  	[tilespmem:s29+$0xFFFFFFE0] =	vst v47  }
0xc7: {  	v47 =	vld.idx.msk [tilespmem:v60+s3+$0x0], $0xffff;
	_ =	sdelay $0x4  }
0xc8: {  	v47 =	vand.u32 $0xF, v47  }
0xc9: {  	v47 =	vor.u32 v48, v47  }
0xca: {  	v47 =	vadd.s32 v24, v47;
	_ =	sdelay $0x4  }
0xcb: {  	v47 =	vld.idx.msk [tilespmem:v47+s14+$0x0], $0xffff  }
0xcc: {  	v61 =	vor.u32 v25, v46;
	_ =	sdelay $0x3  }
0xcd: {  	[tilespmem:s29+$0xFFFFFFF0] =	vst v47  }
0xce: {  	v47 =	vld.idx.msk [tilespmem:v61+s3+$0x0], $0xffff;
	_ =	sdelay $0x4  }
0xcf: {  	v62 =	vor.u32 v10, v45;
	v47 =	vand.u32 $0xF, v47  }
0xd0: {  	v47 =	vor.u32 v62, v47  }
0xd1: {  	v47 =	vadd.s32 v26, v47;
	_ =	sdelay $0x4  }
0xd2: {  	v63 =	vor.u32 $0x4, v44;
	v47 =	vld.idx.msk [tilespmem:v47+s14+$0x0], $0xffff  }
0xd3: {  	v52 =	vadd.s32 v42, v63;
	_ =	sdelay $0x3  }
0xd4: {  	[tilespmem:s29+$0x0] =	vst v47  }
0xd5: {  	v47 =	vld.idx.msk [tilespmem:v52+s3+$0x0], $0xffff;
	_ =	sdelay $0x4  }
0xd6: {  	v48 =	vshll.u32 v63, $0x6;
	v47 =	vand.u32 $0xF, v47  }
0xd7: {  	v47 =	vor.u32 v48, v47  }
0xd8: {  	v47 =	vadd.s32 v27, v47;
	_ =	sdelay $0x4  }
0xd9: {  	v47 =	vld.idx.msk [tilespmem:v47+s14+$0x0], $0xffff;
	_ =	sdelay $0x4  }
0xda: {  	[tilespmem:s29+$0x10] =	vst v47  }
0xdb: {  	v47 =	vld.idx.msk [tilespmem:v52+s3+$0x0], $0xffff;
	_ =	sdelay $0x4  }
0xdc: {  	v47 =	vand.u32 $0xF, v47  }
0xdd: {  	v47 =	vor.u32 v48, v47  }
0xde: {  	v47 =	vadd.s32 v28, v47;
	_ =	sdelay $0x4  }
0xdf: {  	v47 =	vld.idx.msk [tilespmem:v47+s14+$0x0], $0xffff  }
0xe0: {  	v54 =	vor.u32 v29, v46;
	_ =	sdelay $0x3  }
0xe1: {  	[tilespmem:s29+$0x20] =	vst v47  }
0xe2: {  	v47 =	vld.idx.msk [tilespmem:v54+s3+$0x0], $0xffff;
	_ =	sdelay $0x4  }
0xe3: {  	v55 =	vor.u32 v5, v45;
	v47 =	vand.u32 $0xF, v47  }
0xe4: {  	v47 =	vor.u32 v55, v47  }
0xe5: {  	v47 =	vadd.s32 v30, v47;
	_ =	sdelay $0x4  }
0xe6: {  	v57 =	vor.u32 $0x5, v44;
	v47 =	vld.idx.msk [tilespmem:v47+s14+$0x0], $0xffff  }
0xe7: {  	v58 =	vadd.s32 v42, v57;
	_ =	sdelay $0x3  }
0xe8: {  	[tilespmem:s29+$0x30] =	vst v47  }
0xe9: {  	v47 =	vld.idx.msk [tilespmem:v58+s3+$0x0], $0xffff;
	_ =	sdelay $0x4  }
0xea: {  	v48 =	vshll.u32 v57, $0x6;
	v47 =	vand.u32 $0xF, v47  }
0xeb: {  	v47 =	vor.u32 v48, v47  }
0xec: {  	v47 =	vadd.s32 v31, v47;
	_ =	sdelay $0x4  }
0xed: {  	v47 =	vld.idx.msk [tilespmem:v47+s14+$0x0], $0xffff;
	_ =	sdelay $0x4  }
0xee: {  	[tilespmem:s29+$0x40] =	vst v47  }
0xef: {  	v47 =	vld.idx.msk [tilespmem:v58+s3+$0x0], $0xffff;
	_ =	sdelay $0x4  }
0xf0: {  	v47 =	vand.u32 $0xF, v47  }
0xf1: {  	v47 =	vor.u32 v48, v47  }
0xf2: {  	v47 =	vadd.s32 v32, v47;
	_ =	sdelay $0x4  }
0xf3: {  	v47 =	vld.idx.msk [tilespmem:v47+s14+$0x0], $0xffff  }
0xf4: {  	v59 =	vor.u32 v33, v46;
	_ =	sdelay $0x3  }
0xf5: {  	[tilespmem:s29+$0x50] =	vst v47  }
0xf6: {  	v47 =	vld.idx.msk [tilespmem:v59+s3+$0x0], $0xffff;
	_ =	sdelay $0x4  }
0xf7: {  	v60 =	vor.u32 v4, v45;
	v47 =	vand.u32 $0xF, v47  }
0xf8: {  	v47 =	vor.u32 v60, v47  }
0xf9: {  	v47 =	vadd.s32 v34, v47;
	_ =	sdelay $0x4  }
0xfa: {  	v61 =	vor.u32 $0x6, v44;
	v47 =	vld.idx.msk [tilespmem:v47+s14+$0x0], $0xffff  }
0xfb: {  	v62 =	vadd.s32 v42, v61;
	_ =	sdelay $0x3  }
0xfc: {  	[tilespmem:s29+$0x60] =	vst v47  }
0xfd: {  	v47 =	vld.idx.msk [tilespmem:v62+s3+$0x0], $0xffff;
	_ =	sdelay $0x4  }
0xfe: {  	v48 =	vshll.u32 v61, $0x6;
	v47 =	vand.u32 $0xF, v47  }
0xff: {  	v47 =	vor.u32 v48, v47  }
0x100: {  	v47 =	vadd.s32 v35, v47;
	_ =	sdelay $0x4  }
0x101: {  	v47 =	vld.idx.msk [tilespmem:v47+s14+$0x0], $0xffff;
	_ =	sdelay $0x4  }
0x102: {  	[tilespmem:s29+$0x70] =	vst v47  }
0x103: {  	v47 =	vld.idx.msk [tilespmem:v62+s3+$0x0], $0xffff;
	_ =	sdelay $0x4  }
0x104: {  	v47 =	vand.u32 $0xF, v47  }
0x105: {  	v47 =	vor.u32 v48, v47  }
0x106: {  	v47 =	vadd.s32 v36, v47;
	_ =	sdelay $0x4  }
0x107: {  	v47 =	vld.idx.msk [tilespmem:v47+s14+$0x0], $0xffff  }
0x108: {  	v46 =	vor.u32 v37, v46;
	_ =	sdelay $0x3  }
0x109: {  	[tilespmem:s29+$0x80] =	vst v47  }
0x10a: {  	v46 =	vld.idx.msk [tilespmem:v46+s3+$0x0], $0xffff;
	_ =	sdelay $0x4  }
0x10b: {  	v45 =	vor.u32 v3, v45;
	v46 =	vand.u32 $0xF, v46  }
0x10c: {  	v45 =	vor.u32 v45, v46  }
0x10d: {  	v45 =	vadd.s32 v38, v45;
	_ =	sdelay $0x4  }
0x10e: {  	v44 =	vor.u32 $0x7, v44;
	v45 =	vld.idx.msk [tilespmem:v45+s14+$0x0], $0xffff  }
0x10f: {  	v63 =	vadd.s32 v42, v44;
	_ =	sdelay $0x3  }
0x110: {  	[tilespmem:s29+$0x90] =	vst v45  }
0x111: {  	v45 =	vld.idx.msk [tilespmem:v63+s3+$0x0], $0xffff;
	_ =	sdelay $0x4  }
0x112: {  	v44 =	vshll.u32 v44, $0x6;
	v45 =	vand.u32 $0xF, v45  }
0x113: {  	v45 =	vor.u32 v44, v45  }
0x114: {  	v45 =	vadd.s32 v39, v45;
	_ =	sdelay $0x4  }
0x115: {  	v45 =	vld.idx.msk [tilespmem:v45+s14+$0x0], $0xffff;
	_ =	sdelay $0x4  }
0x116: {  	[tilespmem:s29+$0xA0] =	vst v45  }
0x117: {  	v45 =	vld.idx.msk [tilespmem:v63+s3+$0x0], $0xffff;
	_ =	sdelay $0x4  }
0x118: {  	v45 =	vand.u32 $0xF, v45  }
0x119: {  	v45 =	vor.u32 v44, v45  }
0x11a: {  	v45 =	vadd.s32 v40, v45;
	_ =	sdelay $0x4  }
0x11b: {  	v45 =	vld.idx.msk [tilespmem:v45+s14+$0x0], $0xffff;
	_ =	sdelay $0x4  }
0x11c: {  	[tilespmem:s29+$0xB0] =	vst v45  }
0x11d: {  	v45 =	vld.idx.msk [tilespmem:v63+s3+$0x0], $0xffff;
	_ =	sdelay $0x4  }
0x11e: {  	v45 =	vand.u32 $0xF, v45  }
0x11f: {  	v44 =	vor.u32 v44, v45  }
0x120: {  	v44 =	vadd.s32 v41, v44;
	_ =	sdelay $0x4  }
0x121: {  	p0 =	sne.s32 s28, $0x198;
	v44 =	vld.idx.msk [tilespmem:v44+s14+$0x0], $0xffff  }
.Ltmp3:
0x122: {  	_ = 	snop;
	(pc) =	sbr.rel @p0 .LBB2_9-.Ltmp3, $2  }
0x123: {  	_ =	sdelay $0x2  }
0x124: {  	s28 =	sadd.s32 $0x8, s28;
	[tilespmem:s29+$0xC0] =	vst v44;
	s29 =	sadd.s32 $0x190, s29  }
0x125: {  	s1 =	smul.u32 $0xA280, s22;
	_ =	sdelay $0x1  }
0x126: {  	s1 =	sadd.s32 s4, s1  }
0x127: {  	s1 =	sshrl.u32 s1, $0x3  }
0x128: {  	s28 =	simm.s32 $0x0;
	v42 =	vor.u32 s24, v1;
	s1 =	sadd.s32 s2, s1  }
0x129: {  	[hbm4b:s1+s28] =	stream.linear.scatter [tilespmem:s18], [sflag:$0x3], $0x5140, $0x38;
	[tilespmem:$0x1B380] =	vst v63  }
0x12a: {  	_ =	swait.ge [sflag:s11], $0x5140  }
0x12b: {  	[sflag:s11] =	ssyncset.done $0x0  }
0x12c: {  	[sflag:s11] =	ssyncadd.s32 $0xFFFFAEC0  }
0x12d: {  	v44 =	vld.idx.msk [tilespmem:v42+s3+$0x0], $0xffff;
	_ =	sdelay $0x1  }
0x12e: {  	s30 =	sadd.s32 $0x4, s24  }
0x12f: {  	s29 =	simm.s32 $0x40;
	s31 =	simm.s32 $0x80;
	v42 =	vor.u32 s30, v1  }
.LBB2_11:
0x130: {  	p0 =	sne.s32 s31, $0x19C0  }
0x131: {  	v44 =	vshra.s32 v44, $0x4  }
0x132: {  	s1 =	sshra.s32 s28, $0x2;
	s28 =	smov.u32 s29;
	s29 =	smov.u32 s31;
	v44 =	vadd.s32 v2, v44  }
0x133: {  	[tilespmem:s1+$0x3400] =	vst v44  }
.Ltmp4:
0x134: {  	v44 =	vld.idx.msk [tilespmem:v42+s3+$0x0], $0xffff;
	(pc) =	sbr.rel @p0 .LBB2_11-.Ltmp4, $3  }
0x135: {  	_ =	sdelay $0x1  }
0x136: {  	s30 =	sadd.s32 $0x4, s30  }
0x137: {  	s31 =	sadd.s32 $0x40, s31;
	v42 =	vor.u32 s30, v1  }
0x138: {  	_ = 	snop  }
0x139: {  	v44 =	vshra.s32 v44, $0x4  }
0x13a: {  	s1 =	sshra.s32 s28, $0x2;
	v44 =	vadd.s32 v2, v44  }
0x13b: {  	[tilespmem:s1+$0x3400] =	vst v44  }
0x13c: {  	v42 =	vld.idx.msk [tilespmem:v42+s3+$0x0], $0xffff;
	_ =	sdelay $0x4  }
0x13d: {  	v42 =	vshra.s32 v42, $0x4  }
0x13e: {  	s31 =	sshra.s32 s29, $0x2;
	v42 =	vadd.s32 v2, v42  }
0x13f: {  	[tilespmem:s31+$0x3400] =	vst v42  }
0x140: {  	[tilespmem:s14], [sflag:$0x1] =	stream.indirect.gather [hbm4b:s5+s12], $0x10, s13, s12, $0xb8;
	[tilespmem:$0x1B380] =	vst v63  }
0x141: {  	_ =	swait.ge [sflag:s19], $0x6800  }
0x142: {  	[sflag:s19] =	ssyncset.done $0x0  }
0x143: {  	s28 =	simm.s32 $0x16300;
	v42 =	vmov s26;
	s26 =	simm.s32 $0x0;
	[sflag:s19] =	ssyncadd.s32 $0xFFFF9800  }
.LBB2_13:
0x144: {  	v46 =	vadd.s32 s26, v42;
	_ =	sdelay $0x4  }
0x145: {  	v47 =	vld.idx.msk [tilespmem:v46+s3+$0x0], $0xffff;
	_ =	sdelay $0x3  }
0x146: {  	v44 =	vmov s26  }
0x147: {  	v45 =	vshll.u32 v44, $0x6;
	v47 =	vand.u32 $0xF, v47  }
0x148: {  	v47 =	vor.u32 v45, v47  }
0x149: {  	v47 =	vadd.s32 v0, v47;
	_ =	sdelay $0x4  }
0x14a: {  	v47 =	vld.idx.msk [tilespmem:v47+s16+$0x0], $0xffff;
	_ =	sdelay $0x4  }
0x14b: {  	[tilespmem:s28+$0xFFFFFF40] =	vst v47  }
0x14c: {  	v47 =	vld.idx.msk [tilespmem:v46+s3+$0x0], $0xffff;
	_ =	sdelay $0x4  }
0x14d: {  	v47 =	vand.u32 $0xF, v47  }
0x14e: {  	v47 =	vor.u32 v45, v47  }
0x14f: {  	v47 =	vadd.s32 v11, v47;
	_ =	sdelay $0x4  }
0x150: {  	v47 =	vld.idx.msk [tilespmem:v47+s16+$0x0], $0xffff;
	_ =	sdelay $0x4  }
0x151: {  	[tilespmem:s28+$0xFFFFFF50] =	vst v47  }
0x152: {  	v47 =	vld.idx.msk [tilespmem:v46+s3+$0x0], $0xffff;
	_ =	sdelay $0x4  }
0x153: {  	v47 =	vand.u32 $0xF, v47  }
0x154: {  	v47 =	vor.u32 v45, v47  }
0x155: {  	v47 =	vadd.s32 v12, v47;
	_ =	sdelay $0x4  }
0x156: {  	v46 =	vand.u32 $0x7FFFFFF8, v46;
	v47 =	vld.idx.msk [tilespmem:v47+s16+$0x0], $0xffff  }
0x157: {  	v48 =	vor.u32 v13, v46;
	_ =	sdelay $0x3  }
0x158: {  	[tilespmem:s28+$0xFFFFFF60] =	vst v47  }
0x159: {  	v47 =	vld.idx.msk [tilespmem:v48+s3+$0x0], $0xffff;
	_ =	sdelay $0x4  }
0x15a: {  	v61 =	vor.u32 v9, v45;
	v47 =	vand.u32 $0xF, v47  }
0x15b: {  	v47 =	vor.u32 v61, v47  }
0x15c: {  	v47 =	vadd.s32 v14, v47;
	_ =	sdelay $0x4  }
0x15d: {  	v62 =	vor.u32 $0x1, v44;
	v47 =	vld.idx.msk [tilespmem:v47+s16+$0x0], $0xffff  }
0x15e: {  	v49 =	vadd.s32 v42, v62;
	_ =	sdelay $0x3  }
0x15f: {  	[tilespmem:s28+$0xFFFFFF70] =	vst v47  }
0x160: {  	v47 =	vld.idx.msk [tilespmem:v49+s3+$0x0], $0xffff;
	_ =	sdelay $0x4  }
0x161: {  	v48 =	vshll.u32 v62, $0x6;
	v47 =	vand.u32 $0xF, v47  }
0x162: {  	v47 =	vor.u32 v48, v47  }
0x163: {  	v47 =	vadd.s32 v15, v47;
	_ =	sdelay $0x4  }
0x164: {  	v47 =	vld.idx.msk [tilespmem:v47+s16+$0x0], $0xffff;
	_ =	sdelay $0x4  }
0x165: {  	[tilespmem:s28+$0xFFFFFF80] =	vst v47  }
0x166: {  	v47 =	vld.idx.msk [tilespmem:v49+s3+$0x0], $0xffff;
	_ =	sdelay $0x4  }
0x167: {  	v47 =	vand.u32 $0xF, v47  }
0x168: {  	v47 =	vor.u32 v48, v47  }
0x169: {  	v47 =	vadd.s32 v16, v47;
	_ =	sdelay $0x4  }
0x16a: {  	v47 =	vld.idx.msk [tilespmem:v47+s16+$0x0], $0xffff  }
0x16b: {  	v63 =	vor.u32 v17, v46;
	_ =	sdelay $0x3  }
0x16c: {  	[tilespmem:s28+$0xFFFFFF90] =	vst v47  }
0x16d: {  	v47 =	vld.idx.msk [tilespmem:v63+s3+$0x0], $0xffff;
	_ =	sdelay $0x4  }
0x16e: {  	v52 =	vor.u32 v8, v45;
	v47 =	vand.u32 $0xF, v47  }
0x16f: {  	v47 =	vor.u32 v52, v47  }
0x170: {  	v47 =	vadd.s32 v18, v47;
	_ =	sdelay $0x4  }
0x171: {  	v54 =	vor.u32 $0x2, v44;
	v47 =	vld.idx.msk [tilespmem:v47+s16+$0x0], $0xffff  }
0x172: {  	v55 =	vadd.s32 v42, v54;
	_ =	sdelay $0x3  }
0x173: {  	[tilespmem:s28+$0xFFFFFFA0] =	vst v47  }
0x174: {  	v47 =	vld.idx.msk [tilespmem:v55+s3+$0x0], $0xffff;
	_ =	sdelay $0x4  }
0x175: {  	v48 =	vshll.u32 v54, $0x6;
	v47 =	vand.u32 $0xF, v47  }
0x176: {  	v47 =	vor.u32 v48, v47  }
0x177: {  	v47 =	vadd.s32 v19, v47;
	_ =	sdelay $0x4  }
0x178: {  	v47 =	vld.idx.msk [tilespmem:v47+s16+$0x0], $0xffff;
	_ =	sdelay $0x4  }
0x179: {  	[tilespmem:s28+$0xFFFFFFB0] =	vst v47  }
0x17a: {  	v47 =	vld.idx.msk [tilespmem:v55+s3+$0x0], $0xffff;
	_ =	sdelay $0x4  }
0x17b: {  	v47 =	vand.u32 $0xF, v47  }
0x17c: {  	v47 =	vor.u32 v48, v47  }
0x17d: {  	v47 =	vadd.s32 v20, v47;
	_ =	sdelay $0x4  }
0x17e: {  	v47 =	vld.idx.msk [tilespmem:v47+s16+$0x0], $0xffff  }
0x17f: {  	v57 =	vor.u32 v21, v46;
	_ =	sdelay $0x3  }
0x180: {  	[tilespmem:s28+$0xFFFFFFC0] =	vst v47  }
0x181: {  	v47 =	vld.idx.msk [tilespmem:v57+s3+$0x0], $0xffff;
	_ =	sdelay $0x4  }
0x182: {  	v58 =	vor.u32 v7, v45;
	v47 =	vand.u32 $0xF, v47  }
0x183: {  	v47 =	vor.u32 v58, v47  }
0x184: {  	v47 =	vadd.s32 v22, v47;
	_ =	sdelay $0x4  }
0x185: {  	v59 =	vor.u32 $0x3, v44;
	v47 =	vld.idx.msk [tilespmem:v47+s16+$0x0], $0xffff  }
0x186: {  	v60 =	vadd.s32 v42, v59;
	_ =	sdelay $0x3  }
0x187: {  	[tilespmem:s28+$0xFFFFFFD0] =	vst v47  }
0x188: {  	v47 =	vld.idx.msk [tilespmem:v60+s3+$0x0], $0xffff;
	_ =	sdelay $0x4  }
0x189: {  	v48 =	vshll.u32 v59, $0x6;
	v47 =	vand.u32 $0xF, v47  }
0x18a: {  	v47 =	vor.u32 v48, v47  }
0x18b: {  	v47 =	vadd.s32 v23, v47;
	_ =	sdelay $0x4  }
0x18c: {  	v47 =	vld.idx.msk [tilespmem:v47+s16+$0x0], $0xffff;
	_ =	sdelay $0x4  }
0x18d: {  	[tilespmem:s28+$0xFFFFFFE0] =	vst v47  }
0x18e: {  	v47 =	vld.idx.msk [tilespmem:v60+s3+$0x0], $0xffff;
	_ =	sdelay $0x4  }
0x18f: {  	v47 =	vand.u32 $0xF, v47  }
0x190: {  	v47 =	vor.u32 v48, v47  }
0x191: {  	v47 =	vadd.s32 v24, v47;
	_ =	sdelay $0x4  }
0x192: {  	v47 =	vld.idx.msk [tilespmem:v47+s16+$0x0], $0xffff  }
0x193: {  	v61 =	vor.u32 v25, v46;
	_ =	sdelay $0x3  }
0x194: {  	[tilespmem:s28+$0xFFFFFFF0] =	vst v47  }
0x195: {  	v47 =	vld.idx.msk [tilespmem:v61+s3+$0x0], $0xffff;
	_ =	sdelay $0x4  }
0x196: {  	v62 =	vor.u32 v10, v45;
	v47 =	vand.u32 $0xF, v47  }
0x197: {  	v47 =	vor.u32 v62, v47  }
0x198: {  	v47 =	vadd.s32 v26, v47;
	_ =	sdelay $0x4  }
0x199: {  	v63 =	vor.u32 $0x4, v44;
	v47 =	vld.idx.msk [tilespmem:v47+s16+$0x0], $0xffff  }
0x19a: {  	v52 =	vadd.s32 v42, v63;
	_ =	sdelay $0x3  }
0x19b: {  	[tilespmem:s28+$0x0] =	vst v47  }
0x19c: {  	v47 =	vld.idx.msk [tilespmem:v52+s3+$0x0], $0xffff;
	_ =	sdelay $0x4  }
0x19d: {  	v48 =	vshll.u32 v63, $0x6;
	v47 =	vand.u32 $0xF, v47  }
0x19e: {  	v47 =	vor.u32 v48, v47  }
0x19f: {  	v47 =	vadd.s32 v27, v47;
	_ =	sdelay $0x4  }
0x1a0: {  	v47 =	vld.idx.msk [tilespmem:v47+s16+$0x0], $0xffff;
	_ =	sdelay $0x4  }
0x1a1: {  	[tilespmem:s28+$0x10] =	vst v47  }
0x1a2: {  	v47 =	vld.idx.msk [tilespmem:v52+s3+$0x0], $0xffff;
	_ =	sdelay $0x4  }
0x1a3: {  	v47 =	vand.u32 $0xF, v47  }
0x1a4: {  	v47 =	vor.u32 v48, v47  }
0x1a5: {  	v47 =	vadd.s32 v28, v47;
	_ =	sdelay $0x4  }
0x1a6: {  	v47 =	vld.idx.msk [tilespmem:v47+s16+$0x0], $0xffff  }
0x1a7: {  	v54 =	vor.u32 v29, v46;
	_ =	sdelay $0x3  }
0x1a8: {  	[tilespmem:s28+$0x20] =	vst v47  }
0x1a9: {  	v47 =	vld.idx.msk [tilespmem:v54+s3+$0x0], $0xffff;
	_ =	sdelay $0x4  }
0x1aa: {  	v55 =	vor.u32 v5, v45;
	v47 =	vand.u32 $0xF, v47  }
0x1ab: {  	v47 =	vor.u32 v55, v47  }
0x1ac: {  	v47 =	vadd.s32 v30, v47;
	_ =	sdelay $0x4  }
0x1ad: {  	v57 =	vor.u32 $0x5, v44;
	v47 =	vld.idx.msk [tilespmem:v47+s16+$0x0], $0xffff  }
0x1ae: {  	v58 =	vadd.s32 v42, v57;
	_ =	sdelay $0x3  }
0x1af: {  	[tilespmem:s28+$0x30] =	vst v47  }
0x1b0: {  	v47 =	vld.idx.msk [tilespmem:v58+s3+$0x0], $0xffff;
	_ =	sdelay $0x4  }
0x1b1: {  	v48 =	vshll.u32 v57, $0x6;
	v47 =	vand.u32 $0xF, v47  }
0x1b2: {  	v47 =	vor.u32 v48, v47  }
0x1b3: {  	v47 =	vadd.s32 v31, v47;
	_ =	sdelay $0x4  }
0x1b4: {  	v47 =	vld.idx.msk [tilespmem:v47+s16+$0x0], $0xffff;
	_ =	sdelay $0x4  }
0x1b5: {  	[tilespmem:s28+$0x40] =	vst v47  }
0x1b6: {  	v47 =	vld.idx.msk [tilespmem:v58+s3+$0x0], $0xffff;
	_ =	sdelay $0x4  }
0x1b7: {  	v47 =	vand.u32 $0xF, v47  }
0x1b8: {  	v47 =	vor.u32 v48, v47  }
0x1b9: {  	v47 =	vadd.s32 v32, v47;
	_ =	sdelay $0x4  }
0x1ba: {  	v47 =	vld.idx.msk [tilespmem:v47+s16+$0x0], $0xffff  }
0x1bb: {  	v59 =	vor.u32 v33, v46;
	_ =	sdelay $0x3  }
0x1bc: {  	[tilespmem:s28+$0x50] =	vst v47  }
0x1bd: {  	v47 =	vld.idx.msk [tilespmem:v59+s3+$0x0], $0xffff;
	_ =	sdelay $0x4  }
0x1be: {  	v60 =	vor.u32 v4, v45;
	v47 =	vand.u32 $0xF, v47  }
0x1bf: {  	v47 =	vor.u32 v60, v47  }
0x1c0: {  	v47 =	vadd.s32 v34, v47;
	_ =	sdelay $0x4  }
0x1c1: {  	v61 =	vor.u32 $0x6, v44;
	v47 =	vld.idx.msk [tilespmem:v47+s16+$0x0], $0xffff  }
0x1c2: {  	v62 =	vadd.s32 v42, v61;
	_ =	sdelay $0x3  }
0x1c3: {  	[tilespmem:s28+$0x60] =	vst v47  }
0x1c4: {  	v47 =	vld.idx.msk [tilespmem:v62+s3+$0x0], $0xffff;
	_ =	sdelay $0x4  }
0x1c5: {  	v48 =	vshll.u32 v61, $0x6;
	v47 =	vand.u32 $0xF, v47  }
0x1c6: {  	v47 =	vor.u32 v48, v47  }
0x1c7: {  	v47 =	vadd.s32 v35, v47;
	_ =	sdelay $0x4  }
0x1c8: {  	v47 =	vld.idx.msk [tilespmem:v47+s16+$0x0], $0xffff;
	_ =	sdelay $0x4  }
0x1c9: {  	[tilespmem:s28+$0x70] =	vst v47  }
0x1ca: {  	v47 =	vld.idx.msk [tilespmem:v62+s3+$0x0], $0xffff;
	_ =	sdelay $0x4  }
0x1cb: {  	v47 =	vand.u32 $0xF, v47  }
0x1cc: {  	v47 =	vor.u32 v48, v47  }
0x1cd: {  	v47 =	vadd.s32 v36, v47;
	_ =	sdelay $0x4  }
0x1ce: {  	v47 =	vld.idx.msk [tilespmem:v47+s16+$0x0], $0xffff  }
0x1cf: {  	v46 =	vor.u32 v37, v46;
	_ =	sdelay $0x3  }
0x1d0: {  	[tilespmem:s28+$0x80] =	vst v47  }
0x1d1: {  	v46 =	vld.idx.msk [tilespmem:v46+s3+$0x0], $0xffff;
	_ =	sdelay $0x4  }
0x1d2: {  	v45 =	vor.u32 v3, v45;
	v46 =	vand.u32 $0xF, v46  }
0x1d3: {  	v45 =	vor.u32 v45, v46  }
0x1d4: {  	v45 =	vadd.s32 v38, v45;
	_ =	sdelay $0x4  }
0x1d5: {  	v44 =	vor.u32 $0x7, v44;
	v45 =	vld.idx.msk [tilespmem:v45+s16+$0x0], $0xffff  }
0x1d6: {  	v63 =	vadd.s32 v42, v44;
	_ =	sdelay $0x3  }
0x1d7: {  	[tilespmem:s28+$0x90] =	vst v45  }
0x1d8: {  	v45 =	vld.idx.msk [tilespmem:v63+s3+$0x0], $0xffff;
	_ =	sdelay $0x4  }
0x1d9: {  	v44 =	vshll.u32 v44, $0x6;
	v45 =	vand.u32 $0xF, v45  }
0x1da: {  	v45 =	vor.u32 v44, v45  }
0x1db: {  	v45 =	vadd.s32 v39, v45;
	_ =	sdelay $0x4  }
0x1dc: {  	v45 =	vld.idx.msk [tilespmem:v45+s16+$0x0], $0xffff;
	_ =	sdelay $0x4  }
0x1dd: {  	[tilespmem:s28+$0xA0] =	vst v45  }
0x1de: {  	v45 =	vld.idx.msk [tilespmem:v63+s3+$0x0], $0xffff;
	_ =	sdelay $0x4  }
0x1df: {  	v45 =	vand.u32 $0xF, v45  }
0x1e0: {  	v45 =	vor.u32 v44, v45  }
0x1e1: {  	v45 =	vadd.s32 v40, v45;
	_ =	sdelay $0x4  }
0x1e2: {  	v45 =	vld.idx.msk [tilespmem:v45+s16+$0x0], $0xffff;
	_ =	sdelay $0x4  }
0x1e3: {  	[tilespmem:s28+$0xB0] =	vst v45  }
0x1e4: {  	v45 =	vld.idx.msk [tilespmem:v63+s3+$0x0], $0xffff;
	_ =	sdelay $0x4  }
0x1e5: {  	v45 =	vand.u32 $0xF, v45  }
0x1e6: {  	v44 =	vor.u32 v44, v45  }
0x1e7: {  	v44 =	vadd.s32 v41, v44;
	_ =	sdelay $0x4  }
0x1e8: {  	p0 =	sne.s32 s26, $0x198;
	v44 =	vld.idx.msk [tilespmem:v44+s16+$0x0], $0xffff  }
.Ltmp5:
0x1e9: {  	_ = 	snop;
	(pc) =	sbr.rel @p0 .LBB2_13-.Ltmp5, $2  }
0x1ea: {  	_ =	sdelay $0x2  }
0x1eb: {  	s26 =	sadd.s32 $0x8, s26;
	[tilespmem:s28+$0xC0] =	vst v44;
	s28 =	sadd.s32 $0x190, s28  }
0x1ec: {  	s1 =	smul.u32 $0x5140, s25;
	_ =	sdelay $0x1  }
0x1ed: {  	s22 =	sadd.s32 $0x1, s22;
	s1 =	sadd.s32 s4, s1  }
0x1ee: {  	p0 =	sne.s32 s22, $0xF;
	s1 =	sshrl.u32 s1, $0x3  }
.Ltmp6:
0x1ef: {  	s1 =	sadd.s32 s2, s1;
	(pc) =	sbr.rel @p0 .LBB2_6-.Ltmp6, $4  }
0x1f0: {  	[hbm4b:s1+s3] =	stream.linear.scatter [tilespmem:s20], [sflag:$0x3], $0x5140, $0x38;
	[tilespmem:$0x1B380] =	vst v63  }
0x1f1: {  	_ =	swait.ge [sflag:s11], $0x5140  }
0x1f2: {  	[sflag:s11] =	ssyncset.done $0x0  }
0x1f3: {  	s23 =	sadd.s32 $0x340, s23;
	s24 =	sadd.s32 $0x340, s24;
	[sflag:s11] =	ssyncadd.s32 $0xFFFFAEC0  }
0x1f4: {  	s1 =	simm.s32 $0x3260  }
0x1f5: {  	v42 =	vor.u32 s1, v1;
	_ =	sdelay $0x4  }
0x1f6: {  	v42 =	vld.idx.msk [tilespmem:v42+s3+$0x0], $0xffff;
	_ =	sdelay $0x1  }
0x1f7: {  	s30 =	simm.s32 $0x3264  }
0x1f8: {  	v44 =	vor.u32 s30, v1;
	_ =	sdelay $0x1  }
0x1f9: {  	v42 =	vshra.s32 v42, $0x4  }
0x1fa: {  	s22 =	simm.s32 $0x3A80;
	v42 =	vadd.s32 v2, v42  }
0x1fb: {  	[tilespmem:s22+$0x0] =	vst v42  }
0x1fc: {  	v44 =	vld.idx.msk [tilespmem:v44+s3+$0x0], $0xffff;
	_ =	sdelay $0x1  }
0x1fd: {  	s31 =	simm.s32 $0x3268  }
0x1fe: {  	v6 =	vmov v51;
	v51 =	vmov v56;
	s23 =	simm.s32 $0x326C;
	v42 =	vor.u32 s31, v1  }
.LBB2_16:
0x1ff: {  	p0 =	sne.s32 s23, $0x33FC  }
0x200: {  	v44 =	vshra.s32 v44, $0x4  }
0x201: {  	s22 =	sadd.s32 $0x10, s22;
	v44 =	vadd.s32 v2, v44  }
0x202: {  	[tilespmem:s22+$0x0] =	vst v44  }
.Ltmp7:
0x203: {  	v44 =	vld.idx.msk [tilespmem:v42+s3+$0x0], $0xffff;
	(pc) =	sbr.rel @p0 .LBB2_16-.Ltmp7, $2  }
0x204: {  	_ =	sdelay $0x2  }
0x205: {  	v42 =	vor.u32 s23, v1;
	s23 =	sadd.s32 $0x4, s23  }
0x206: {  	_ = 	snop  }
0x207: {  	v44 =	vshra.s32 v44, $0x4  }
0x208: {  	s1 =	sadd.s32 $0x10, s22;
	v44 =	vadd.s32 v2, v44  }
0x209: {  	[tilespmem:s1+$0x0] =	vst v44  }
0x20a: {  	v42 =	vld.idx.msk [tilespmem:v42+s3+$0x0], $0xffff;
	_ =	sdelay $0x4  }
0x20b: {  	v42 =	vshra.s32 v42, $0x4  }
0x20c: {  	s1 =	sadd.s32 $0x10, s1;
	v42 =	vadd.s32 v2, v42  }
0x20d: {  	[tilespmem:s1+$0x0] =	vst v42  }
0x20e: {  	[tilespmem:s16], [sflag:$0x2] =	stream.indirect.gather [hbm4b:s5+s12], $0x10, s15, s12, $0xb8;
	[tilespmem:$0x1B380] =	vst v63  }
0x20f: {  	_ =	swait.ge [sflag:s17], $0x6800  }
0x210: {  	v52 =	vld [tilespmem:$0x1FF50]  }
0x211: {  	v54 =	vld [tilespmem:$0x1FF60]  }
0x212: {  	[sflag:s17] =	ssyncset.done $0x0;
	v55 =	vld [tilespmem:$0x1FF70]  }
0x213: {  	s22 =	simm.s32 $0x0;
	s23 =	simm.s32 $0x111C0;
	v50 =	vld [tilespmem:$0x1FFD0];
	[sflag:s17] =	ssyncadd.s32 $0xFFFF9800  }
.LBB2_18:
0x214: {  	v45 =	vmov s22  }
0x215: {  	v42 =	vadd.s32 $0x30C0, v45;
	_ =	sdelay $0x4  }
0x216: {  	v44 =	vld.idx.msk [tilespmem:v42+s3+$0x0], $0xffff;
	_ =	sdelay $0x4  }
0x217: {  	v48 =	vshll.u32 v45, $0x6;
	v44 =	vand.u32 $0xF, v44  }
0x218: {  	v44 =	vor.u32 v48, v44  }
0x219: {  	v44 =	vadd.s32 v0, v44;
	_ =	sdelay $0x4  }
0x21a: {  	v44 =	vld.idx.msk [tilespmem:v44+s14+$0x0], $0xffff;
	_ =	sdelay $0x4  }
0x21b: {  	[tilespmem:s23+$0xFFFFFF40] =	vst v44  }
0x21c: {  	v44 =	vld.idx.msk [tilespmem:v42+s3+$0x0], $0xffff;
	_ =	sdelay $0x4  }
0x21d: {  	v44 =	vand.u32 $0xF, v44  }
0x21e: {  	v44 =	vor.u32 v48, v44  }
0x21f: {  	v44 =	vadd.s32 v11, v44;
	_ =	sdelay $0x4  }
0x220: {  	v44 =	vld.idx.msk [tilespmem:v44+s14+$0x0], $0xffff;
	_ =	sdelay $0x4  }
0x221: {  	[tilespmem:s23+$0xFFFFFF50] =	vst v44  }
0x222: {  	v42 =	vld.idx.msk [tilespmem:v42+s3+$0x0], $0xffff;
	_ =	sdelay $0x4  }
0x223: {  	v42 =	vand.u32 $0xF, v42  }
0x224: {  	v42 =	vor.u32 v48, v42  }
0x225: {  	v42 =	vadd.s32 v12, v42;
	_ =	sdelay $0x3  }
0x226: {  	v58 =	vadd.s32 s22, v51  }
0x227: {  	v44 =	vand.u32 $0x33F8, v58;
	v42 =	vld.idx.msk [tilespmem:v42+s14+$0x0], $0xffff  }
0x228: {  	v44 =	vor.u32 v13, v44;
	_ =	sdelay $0x3  }
0x229: {  	[tilespmem:s23+$0xFFFFFF60] =	vst v42  }
0x22a: {  	v42 =	vld.idx.msk [tilespmem:v44+s3+$0x0], $0xffff;
	_ =	sdelay $0x4  }
0x22b: {  	v59 =	vor.u32 v9, v48;
	v42 =	vand.u32 $0xF, v42  }
0x22c: {  	v42 =	vor.u32 v59, v42  }
0x22d: {  	v42 =	vadd.s32 v14, v42;
	_ =	sdelay $0x4  }
0x22e: {  	v42 =	vld.idx.msk [tilespmem:v42+s14+$0x0], $0xffff  }
0x22f: {  	v60 =	vadd.s32 $0x30C1, v45;
	_ =	sdelay $0x3  }
0x230: {  	[tilespmem:s23+$0xFFFFFF70] =	vst v42  }
0x231: {  	v42 =	vld.idx.msk [tilespmem:v60+s3+$0x0], $0xffff;
	_ =	sdelay $0x4  }
0x232: {  	v42 =	vand.u32 $0xF, v42  }
0x233: {  	v42 =	vor.u32 v48, v42  }
0x234: {  	v42 =	vadd.s32 v53, v42;
	_ =	sdelay $0x4  }
0x235: {  	v42 =	vld.idx.msk [tilespmem:v42+s14+$0x0], $0xffff;
	_ =	sdelay $0x4  }
0x236: {  	[tilespmem:s23+$0xFFFFFF80] =	vst v42  }
0x237: {  	v42 =	vld.idx.msk [tilespmem:v60+s3+$0x0], $0xffff;
	_ =	sdelay $0x1  }
0x238: {  	v61 =	vld [tilespmem:$0x1FFF0];
	_ =	sdelay $0x2  }
0x239: {  	v42 =	vand.u32 $0xF, v42  }
0x23a: {  	v42 =	vor.u32 v48, v42  }
0x23b: {  	v42 =	vadd.s32 v61, v42;
	_ =	sdelay $0x3  }
0x23c: {  	v62 =	vadd.s32 s22, v6  }
0x23d: {  	v44 =	vand.u32 $0x33F8, v62;
	v42 =	vld.idx.msk [tilespmem:v42+s14+$0x0], $0xffff  }
0x23e: {  	v44 =	vor.u32 v17, v44;
	_ =	sdelay $0x3  }
0x23f: {  	[tilespmem:s23+$0xFFFFFF90] =	vst v42  }
0x240: {  	v42 =	vld.idx.msk [tilespmem:v44+s3+$0x0], $0xffff;
	_ =	sdelay $0x4  }
0x241: {  	v63 =	vor.u32 v8, v48;
	v42 =	vand.u32 $0xF, v42  }
0x242: {  	v42 =	vor.u32 v63, v42  }
0x243: {  	v42 =	vadd.s32 v18, v42;
	_ =	sdelay $0x4  }
0x244: {  	v42 =	vld.idx.msk [tilespmem:v42+s14+$0x0], $0xffff  }
0x245: {  	v49 =	vadd.s32 $0x30C2, v45;
	_ =	sdelay $0x3  }
0x246: {  	[tilespmem:s23+$0xFFFFFFA0] =	vst v42  }
0x247: {  	v42 =	vld.idx.msk [tilespmem:v49+s3+$0x0], $0xffff;
	_ =	sdelay $0x4  }
0x248: {  	v42 =	vand.u32 $0xF, v42  }
0x249: {  	v56 =	vadd.s32 $0x8C, v0;
	v42 =	vor.u32 v48, v42  }
0x24a: {  	v42 =	vadd.s32 v56, v42;
	_ =	sdelay $0x4  }
0x24b: {  	v42 =	vld.idx.msk [tilespmem:v42+s14+$0x0], $0xffff;
	_ =	sdelay $0x4  }
0x24c: {  	[tilespmem:s23+$0xFFFFFFB0] =	vst v42  }
0x24d: {  	v42 =	vld.idx.msk [tilespmem:v49+s3+$0x0], $0xffff;
	_ =	sdelay $0x4  }
0x24e: {  	v42 =	vand.u32 $0xF, v42  }
0x24f: {  	v57 =	vadd.s32 $0x9C, v0;
	v42 =	vor.u32 v48, v42  }
0x250: {  	v42 =	vadd.s32 v57, v42;
	_ =	sdelay $0x3  }
0x251: {  	v59 =	vadd.s32 s22, v52  }
0x252: {  	v44 =	vand.u32 $0x33F8, v59;
	v42 =	vld.idx.msk [tilespmem:v42+s14+$0x0], $0xffff  }
0x253: {  	v44 =	vor.u32 v21, v44;
	_ =	sdelay $0x3  }
0x254: {  	[tilespmem:s23+$0xFFFFFFC0] =	vst v42  }
0x255: {  	v42 =	vld.idx.msk [tilespmem:v44+s3+$0x0], $0xffff;
	_ =	sdelay $0x4  }
0x256: {  	v60 =	vor.u32 v7, v48;
	v42 =	vand.u32 $0xF, v42  }
0x257: {  	v42 =	vor.u32 v60, v42  }
0x258: {  	v42 =	vadd.s32 v22, v42;
	_ =	sdelay $0x4  }
0x259: {  	v42 =	vld.idx.msk [tilespmem:v42+s14+$0x0], $0xffff  }
0x25a: {  	v61 =	vadd.s32 $0x30C3, v45;
	_ =	sdelay $0x3  }
0x25b: {  	[tilespmem:s23+$0xFFFFFFD0] =	vst v42  }
0x25c: {  	v42 =	vld.idx.msk [tilespmem:v61+s3+$0x0], $0xffff;
	_ =	sdelay $0x4  }
0x25d: {  	v42 =	vand.u32 $0xF, v42  }
0x25e: {  	v58 =	vadd.s32 $0xCA, v0;
	v42 =	vor.u32 v48, v42  }
0x25f: {  	v42 =	vadd.s32 v58, v42;
	_ =	sdelay $0x4  }
0x260: {  	v42 =	vld.idx.msk [tilespmem:v42+s14+$0x0], $0xffff;
	_ =	sdelay $0x4  }
0x261: {  	[tilespmem:s23+$0xFFFFFFE0] =	vst v42  }
0x262: {  	v42 =	vld.idx.msk [tilespmem:v61+s3+$0x0], $0xffff;
	_ =	sdelay $0x4  }
0x263: {  	v42 =	vand.u32 $0xF, v42  }
0x264: {  	v59 =	vadd.s32 $0xDA, v0;
	v42 =	vor.u32 v48, v42  }
0x265: {  	v42 =	vadd.s32 v59, v42;
	_ =	sdelay $0x2  }
0x266: {  	v62 =	vadd.s32 $0x30C3, v43  }
0x267: {  	v44 =	vadd.s32 s22, v62  }
0x268: {  	v44 =	vand.u32 $0x33F8, v44;
	v42 =	vld.idx.msk [tilespmem:v42+s14+$0x0], $0xffff  }
0x269: {  	v44 =	vor.u32 v25, v44;
	_ =	sdelay $0x3  }
0x26a: {  	[tilespmem:s23+$0xFFFFFFF0] =	vst v42  }
0x26b: {  	v42 =	vld.idx.msk [tilespmem:v44+s3+$0x0], $0xffff;
	_ =	sdelay $0x4  }
0x26c: {  	v63 =	vor.u32 v10, v48;
	v42 =	vand.u32 $0xF, v42  }
0x26d: {  	v42 =	vor.u32 v63, v42  }
0x26e: {  	v42 =	vadd.s32 v26, v42;
	_ =	sdelay $0x4  }
0x26f: {  	v42 =	vld.idx.msk [tilespmem:v42+s14+$0x0], $0xffff  }
0x270: {  	v49 =	vadd.s32 $0x30C4, v45;
	_ =	sdelay $0x3  }
0x271: {  	[tilespmem:s23+$0x0] =	vst v42  }
0x272: {  	v42 =	vld.idx.msk [tilespmem:v49+s3+$0x0], $0xffff;
	_ =	sdelay $0x4  }
0x273: {  	v42 =	vand.u32 $0xF, v42  }
0x274: {  	v60 =	vadd.s32 $0x108, v0;
	v42 =	vor.u32 v48, v42  }
0x275: {  	v42 =	vadd.s32 v60, v42;
	_ =	sdelay $0x4  }
0x276: {  	v42 =	vld.idx.msk [tilespmem:v42+s14+$0x0], $0xffff;
	_ =	sdelay $0x4  }
0x277: {  	[tilespmem:s23+$0x10] =	vst v42  }
0x278: {  	v42 =	vld.idx.msk [tilespmem:v49+s3+$0x0], $0xffff;
	_ =	sdelay $0x4  }
0x279: {  	v42 =	vand.u32 $0xF, v42  }
0x27a: {  	v61 =	vadd.s32 $0x118, v0;
	v42 =	vor.u32 v48, v42  }
0x27b: {  	v42 =	vadd.s32 v61, v42;
	_ =	sdelay $0x3  }
0x27c: {  	v62 =	vadd.s32 s22, v54  }
0x27d: {  	v44 =	vand.u32 $0x33F8, v62;
	v42 =	vld.idx.msk [tilespmem:v42+s14+$0x0], $0xffff  }
0x27e: {  	v44 =	vor.u32 v29, v44;
	_ =	sdelay $0x3  }
0x27f: {  	[tilespmem:s23+$0x20] =	vst v42  }
0x280: {  	v42 =	vld.idx.msk [tilespmem:v44+s3+$0x0], $0xffff;
	_ =	sdelay $0x4  }
0x281: {  	v63 =	vor.u32 v5, v48;
	v42 =	vand.u32 $0xF, v42  }
0x282: {  	v42 =	vor.u32 v63, v42  }
0x283: {  	v42 =	vadd.s32 v30, v42;
	_ =	sdelay $0x4  }
0x284: {  	v42 =	vld.idx.msk [tilespmem:v42+s14+$0x0], $0xffff  }
0x285: {  	v49 =	vadd.s32 $0x30C5, v45;
	_ =	sdelay $0x3  }
0x286: {  	[tilespmem:s23+$0x30] =	vst v42  }
0x287: {  	v42 =	vld.idx.msk [tilespmem:v49+s3+$0x0], $0xffff;
	_ =	sdelay $0x4  }
0x288: {  	v42 =	vand.u32 $0xF, v42  }
0x289: {  	v62 =	vadd.s32 $0x146, v0;
	v42 =	vor.u32 v48, v42  }
0x28a: {  	v42 =	vadd.s32 v62, v42;
	_ =	sdelay $0x4  }
0x28b: {  	v42 =	vld.idx.msk [tilespmem:v42+s14+$0x0], $0xffff;
	_ =	sdelay $0x4  }
0x28c: {  	[tilespmem:s23+$0x40] =	vst v42  }
0x28d: {  	v42 =	vld.idx.msk [tilespmem:v49+s3+$0x0], $0xffff;
	_ =	sdelay $0x4  }
0x28e: {  	v42 =	vand.u32 $0xF, v42  }
0x28f: {  	v63 =	vadd.s32 $0x156, v0;
	v42 =	vor.u32 v48, v42  }
0x290: {  	v42 =	vadd.s32 v63, v42;
	_ =	sdelay $0x3  }
0x291: {  	v49 =	vadd.s32 s22, v55  }
0x292: {  	v44 =	vand.u32 $0x33F8, v49;
	v42 =	vld.idx.msk [tilespmem:v42+s14+$0x0], $0xffff  }
0x293: {  	v44 =	vor.u32 v33, v44;
	_ =	sdelay $0x3  }
0x294: {  	[tilespmem:s23+$0x50] =	vst v42  }
0x295: {  	v42 =	vld.idx.msk [tilespmem:v44+s3+$0x0], $0xffff;
	_ =	sdelay $0x4  }
0x296: {  	v49 =	vor.u32 v4, v48;
	v42 =	vand.u32 $0xF, v42  }
0x297: {  	v42 =	vor.u32 v49, v42  }
0x298: {  	v42 =	vadd.s32 v34, v42;
	_ =	sdelay $0x4  }
0x299: {  	v42 =	vld.idx.msk [tilespmem:v42+s14+$0x0], $0xffff  }
0x29a: {  	v49 =	vadd.s32 $0x30C6, v45;
	_ =	sdelay $0x3  }
0x29b: {  	[tilespmem:s23+$0x60] =	vst v42  }
0x29c: {  	v42 =	vld.idx.msk [tilespmem:v49+s3+$0x0], $0xffff;
	_ =	sdelay $0x4  }
0x29d: {  	v46 =	vand.u32 $0xF, v42  }
0x29e: {  	v42 =	vadd.s32 $0x184, v0;
	v46 =	vor.u32 v48, v46  }
0x29f: {  	v46 =	vadd.s32 v42, v46;
	_ =	sdelay $0x4  }
0x2a0: {  	v46 =	vld.idx.msk [tilespmem:v46+s14+$0x0], $0xffff;
	_ =	sdelay $0x4  }
0x2a1: {  	[tilespmem:s23+$0x70] =	vst v46  }
0x2a2: {  	v44 =	vld.idx.msk [tilespmem:v49+s3+$0x0], $0xffff;
	_ =	sdelay $0x4  }
0x2a3: {  	v49 =	vand.u32 $0xF, v44  }
0x2a4: {  	v44 =	vadd.s32 $0x194, v0;
	v46 =	vor.u32 v48, v49  }
0x2a5: {  	v46 =	vadd.s32 v44, v46;
	_ =	sdelay $0x3  }
0x2a6: {  	v47 =	vadd.s32 s22, v50  }
0x2a7: {  	v47 =	vand.u32 $0x33F8, v47;
	v46 =	vld.idx.msk [tilespmem:v46+s14+$0x0], $0xffff  }
0x2a8: {  	v47 =	vor.u32 v37, v47;
	_ =	sdelay $0x3  }
0x2a9: {  	[tilespmem:s23+$0x80] =	vst v46  }
0x2aa: {  	v46 =	vld.idx.msk [tilespmem:v47+s3+$0x0], $0xffff;
	_ =	sdelay $0x4  }
0x2ab: {  	v49 =	vor.u32 v3, v48;
	v46 =	vand.u32 $0xF, v46  }
0x2ac: {  	v46 =	vor.u32 v49, v46  }
0x2ad: {  	v46 =	vadd.s32 v38, v46;
	_ =	sdelay $0x4  }
0x2ae: {  	v46 =	vld.idx.msk [tilespmem:v46+s14+$0x0], $0xffff  }
0x2af: {  	v47 =	vadd.s32 $0x30C7, v45;
	_ =	sdelay $0x3  }
0x2b0: {  	[tilespmem:s23+$0x90] =	vst v46  }
0x2b1: {  	v45 =	vld.idx.msk [tilespmem:v47+s3+$0x0], $0xffff;
	_ =	sdelay $0x4  }
0x2b2: {  	v49 =	vand.u32 $0xF, v45  }
0x2b3: {  	v45 =	vadd.s32 $0x1C2, v0;
	v46 =	vor.u32 v48, v49  }
0x2b4: {  	v46 =	vadd.s32 v45, v46;
	_ =	sdelay $0x4  }
0x2b5: {  	v46 =	vld.idx.msk [tilespmem:v46+s14+$0x0], $0xffff;
	_ =	sdelay $0x4  }
0x2b6: {  	[tilespmem:s23+$0xA0] =	vst v46  }
0x2b7: {  	v46 =	vld.idx.msk [tilespmem:v47+s3+$0x0], $0xffff;
	_ =	sdelay $0x4  }
0x2b8: {  	v49 =	vand.u32 $0xF, v46  }
0x2b9: {  	v46 =	vadd.s32 $0x1D2, v0;
	v49 =	vor.u32 v48, v49  }
0x2ba: {  	v49 =	vadd.s32 v46, v49;
	_ =	sdelay $0x4  }
0x2bb: {  	v49 =	vld.idx.msk [tilespmem:v49+s14+$0x0], $0xffff;
	_ =	sdelay $0x4  }
0x2bc: {  	[tilespmem:s23+$0xB0] =	vst v49  }
0x2bd: {  	v47 =	vld.idx.msk [tilespmem:v47+s3+$0x0], $0xffff;
	_ =	sdelay $0x4  }
0x2be: {  	v49 =	vand.u32 $0xF, v47  }
0x2bf: {  	v47 =	vadd.s32 $0x1E2, v0;
	v48 =	vor.u32 v48, v49  }
0x2c0: {  	v48 =	vadd.s32 v47, v48;
	_ =	sdelay $0x4  }
0x2c1: {  	p0 =	sne.s32 s22, $0x198;
	v48 =	vld.idx.msk [tilespmem:v48+s14+$0x0], $0xffff  }
.Ltmp8:
0x2c2: {  	_ = 	snop;
	(pc) =	sbr.rel @p0 .LBB2_18-.Ltmp8, $2  }
0x2c3: {  	_ =	sdelay $0x2  }
0x2c4: {  	s22 =	sadd.s32 $0x8, s22;
	[tilespmem:s23+$0xC0] =	vst v48;
	s23 =	sadd.s32 $0x190, s23  }
0x2c5: {  	s22 =	simm.s32 $0x0  }
0x2c6: {  	[hbm4b:s7+s22] =	stream.linear.scatter [tilespmem:s18], [sflag:$0x3], $0x5140, $0x38;
	[tilespmem:$0x1B380] =	vst v63  }
0x2c7: {  	_ =	swait.ge [sflag:s11], $0x5140  }
0x2c8: {  	[sflag:s11] =	ssyncset.done $0x0  }
0x2c9: {  	[sflag:s11] =	ssyncadd.s32 $0xFFFFAEC0  }
0x2ca: {  	_ =	swait.ge [sflag:s19], $0x6800  }
0x2cb: {  	v52 =	vld [tilespmem:$0x1FFB0]  }
0x2cc: {  	v54 =	vld [tilespmem:$0x1FFC0]  }
0x2cd: {  	[sflag:s19] =	ssyncset.done $0x0;
	v55 =	vld [tilespmem:$0x1FFE0]  }
0x2ce: {  	s23 =	simm.s32 $0x16300;
	v6 =	vld [tilespmem:$0x1FFF0];
	[sflag:s19] =	ssyncadd.s32 $0xFFFF9800  }
.LBB2_20:
0x2cf: {  	v49 =	vmov s22  }
0x2d0: {  	v50 =	vadd.s32 $0x3260, v49;
	_ =	sdelay $0x4  }
0x2d1: {  	v51 =	vld.idx.msk [tilespmem:v50+s3+$0x0], $0xffff;
	_ =	sdelay $0x4  }
0x2d2: {  	v48 =	vshll.u32 v49, $0x6;
	v51 =	vand.u32 $0xF, v51  }
0x2d3: {  	v51 =	vor.u32 v48, v51  }
0x2d4: {  	v51 =	vadd.s32 v0, v51;
	_ =	sdelay $0x4  }
0x2d5: {  	v51 =	vld.idx.msk [tilespmem:v51+s16+$0x0], $0xffff;
	_ =	sdelay $0x4  }
0x2d6: {  	[tilespmem:s23+$0xFFFFFF40] =	vst v51  }
0x2d7: {  	v51 =	vld.idx.msk [tilespmem:v50+s3+$0x0], $0xffff;
	_ =	sdelay $0x4  }
0x2d8: {  	v51 =	vand.u32 $0xF, v51  }
0x2d9: {  	v51 =	vor.u32 v48, v51  }
0x2da: {  	v51 =	vadd.s32 v11, v51;
	_ =	sdelay $0x4  }
0x2db: {  	v51 =	vld.idx.msk [tilespmem:v51+s16+$0x0], $0xffff;
	_ =	sdelay $0x4  }
0x2dc: {  	[tilespmem:s23+$0xFFFFFF50] =	vst v51  }
0x2dd: {  	v50 =	vld.idx.msk [tilespmem:v50+s3+$0x0], $0xffff;
	_ =	sdelay $0x4  }
0x2de: {  	v50 =	vand.u32 $0xF, v50  }
0x2df: {  	v51 =	vld [tilespmem:$0x1FF80];
	v50 =	vor.u32 v48, v50  }
0x2e0: {  	v50 =	vadd.s32 v12, v50;
	_ =	sdelay $0x3  }
0x2e1: {  	v51 =	vadd.s32 s22, v51  }
0x2e2: {  	v51 =	vand.u32 $0x37F8, v51;
	v50 =	vld.idx.msk [tilespmem:v50+s16+$0x0], $0xffff  }
0x2e3: {  	v51 =	vor.u32 v13, v51;
	_ =	sdelay $0x3  }
0x2e4: {  	[tilespmem:s23+$0xFFFFFF60] =	vst v50  }
0x2e5: {  	v50 =	vld.idx.msk [tilespmem:v51+s3+$0x0], $0xffff;
	_ =	sdelay $0x4  }
0x2e6: {  	v51 =	vor.u32 v9, v48;
	v50 =	vand.u32 $0xF, v50  }
0x2e7: {  	v50 =	vor.u32 v51, v50  }
0x2e8: {  	v50 =	vadd.s32 v14, v50;
	_ =	sdelay $0x4  }
0x2e9: {  	v50 =	vld.idx.msk [tilespmem:v50+s16+$0x0], $0xffff  }
0x2ea: {  	v51 =	vadd.s32 $0x3261, v49;
	_ =	sdelay $0x3  }
0x2eb: {  	[tilespmem:s23+$0xFFFFFF70] =	vst v50  }
0x2ec: {  	v50 =	vld.idx.msk [tilespmem:v51+s3+$0x0], $0xffff;
	_ =	sdelay $0x4  }
0x2ed: {  	v50 =	vand.u32 $0xF, v50  }
0x2ee: {  	v50 =	vor.u32 v48, v50  }
0x2ef: {  	v50 =	vadd.s32 v53, v50;
	_ =	sdelay $0x4  }
0x2f0: {  	v50 =	vld.idx.msk [tilespmem:v50+s16+$0x0], $0xffff;
	_ =	sdelay $0x4  }
0x2f1: {  	[tilespmem:s23+$0xFFFFFF80] =	vst v50  }
0x2f2: {  	v50 =	vld.idx.msk [tilespmem:v51+s3+$0x0], $0xffff;
	_ =	sdelay $0x4  }
0x2f3: {  	v50 =	vand.u32 $0xF, v50  }
0x2f4: {  	v51 =	vld [tilespmem:$0x1FF90];
	v50 =	vor.u32 v48, v50  }
0x2f5: {  	v50 =	vadd.s32 v6, v50;
	_ =	sdelay $0x3  }
0x2f6: {  	v51 =	vadd.s32 s22, v51  }
0x2f7: {  	v51 =	vand.u32 $0x37F8, v51;
	v50 =	vld.idx.msk [tilespmem:v50+s16+$0x0], $0xffff  }
0x2f8: {  	v51 =	vor.u32 v17, v51;
	_ =	sdelay $0x3  }
0x2f9: {  	[tilespmem:s23+$0xFFFFFF90] =	vst v50  }
0x2fa: {  	v50 =	vld.idx.msk [tilespmem:v51+s3+$0x0], $0xffff;
	_ =	sdelay $0x4  }
0x2fb: {  	v51 =	vor.u32 v8, v48;
	v50 =	vand.u32 $0xF, v50  }
0x2fc: {  	v50 =	vor.u32 v51, v50  }
0x2fd: {  	v50 =	vadd.s32 v18, v50;
	_ =	sdelay $0x4  }
0x2fe: {  	v50 =	vld.idx.msk [tilespmem:v50+s16+$0x0], $0xffff  }
0x2ff: {  	v51 =	vadd.s32 $0x3262, v49;
	_ =	sdelay $0x3  }
0x300: {  	[tilespmem:s23+$0xFFFFFFA0] =	vst v50  }
0x301: {  	v50 =	vld.idx.msk [tilespmem:v51+s3+$0x0], $0xffff;
	_ =	sdelay $0x4  }
0x302: {  	v50 =	vand.u32 $0xF, v50  }
0x303: {  	v50 =	vor.u32 v48, v50  }
0x304: {  	v50 =	vadd.s32 v56, v50;
	_ =	sdelay $0x4  }
0x305: {  	v50 =	vld.idx.msk [tilespmem:v50+s16+$0x0], $0xffff;
	_ =	sdelay $0x4  }
0x306: {  	[tilespmem:s23+$0xFFFFFFB0] =	vst v50  }
0x307: {  	v50 =	vld.idx.msk [tilespmem:v51+s3+$0x0], $0xffff;
	_ =	sdelay $0x4  }
0x308: {  	v50 =	vand.u32 $0xF, v50  }
0x309: {  	v51 =	vld [tilespmem:$0x1FFA0];
	v50 =	vor.u32 v48, v50  }
0x30a: {  	v50 =	vadd.s32 v57, v50;
	_ =	sdelay $0x3  }
0x30b: {  	v51 =	vadd.s32 s22, v51  }
0x30c: {  	v51 =	vand.u32 $0x37F8, v51;
	v50 =	vld.idx.msk [tilespmem:v50+s16+$0x0], $0xffff  }
0x30d: {  	v51 =	vor.u32 v21, v51;
	_ =	sdelay $0x3  }
0x30e: {  	[tilespmem:s23+$0xFFFFFFC0] =	vst v50  }
0x30f: {  	v50 =	vld.idx.msk [tilespmem:v51+s3+$0x0], $0xffff;
	_ =	sdelay $0x4  }
0x310: {  	v51 =	vor.u32 v7, v48;
	v50 =	vand.u32 $0xF, v50  }
0x311: {  	v50 =	vor.u32 v51, v50  }
0x312: {  	v50 =	vadd.s32 v22, v50;
	_ =	sdelay $0x4  }
0x313: {  	v50 =	vld.idx.msk [tilespmem:v50+s16+$0x0], $0xffff  }
0x314: {  	v51 =	vadd.s32 $0x3263, v49;
	_ =	sdelay $0x3  }
0x315: {  	[tilespmem:s23+$0xFFFFFFD0] =	vst v50  }
0x316: {  	v50 =	vld.idx.msk [tilespmem:v51+s3+$0x0], $0xffff;
	_ =	sdelay $0x4  }
0x317: {  	v50 =	vand.u32 $0xF, v50  }
0x318: {  	v50 =	vor.u32 v48, v50  }
0x319: {  	v50 =	vadd.s32 v58, v50;
	_ =	sdelay $0x4  }
0x31a: {  	v50 =	vld.idx.msk [tilespmem:v50+s16+$0x0], $0xffff;
	_ =	sdelay $0x4  }
0x31b: {  	[tilespmem:s23+$0xFFFFFFE0] =	vst v50  }
0x31c: {  	v50 =	vld.idx.msk [tilespmem:v51+s3+$0x0], $0xffff;
	_ =	sdelay $0x4  }
0x31d: {  	v50 =	vand.u32 $0xF, v50  }
0x31e: {  	v50 =	vor.u32 v48, v50  }
0x31f: {  	v50 =	vadd.s32 v59, v50;
	_ =	sdelay $0x2  }
0x320: {  	v51 =	vadd.s32 $0x3263, v43  }
0x321: {  	v51 =	vadd.s32 s22, v51  }
0x322: {  	v51 =	vand.u32 $0x37F8, v51;
	v50 =	vld.idx.msk [tilespmem:v50+s16+$0x0], $0xffff  }
0x323: {  	v51 =	vor.u32 v25, v51;
	_ =	sdelay $0x3  }
0x324: {  	[tilespmem:s23+$0xFFFFFFF0] =	vst v50  }
0x325: {  	v50 =	vld.idx.msk [tilespmem:v51+s3+$0x0], $0xffff;
	_ =	sdelay $0x4  }
0x326: {  	v51 =	vor.u32 v10, v48;
	v50 =	vand.u32 $0xF, v50  }
0x327: {  	v50 =	vor.u32 v51, v50  }
0x328: {  	v50 =	vadd.s32 v26, v50;
	_ =	sdelay $0x4  }
0x329: {  	v50 =	vld.idx.msk [tilespmem:v50+s16+$0x0], $0xffff  }
0x32a: {  	v51 =	vadd.s32 $0x3264, v49;
	_ =	sdelay $0x3  }
0x32b: {  	[tilespmem:s23+$0x0] =	vst v50  }
0x32c: {  	v50 =	vld.idx.msk [tilespmem:v51+s3+$0x0], $0xffff;
	_ =	sdelay $0x4  }
0x32d: {  	v50 =	vand.u32 $0xF, v50  }
0x32e: {  	v50 =	vor.u32 v48, v50  }
0x32f: {  	v50 =	vadd.s32 v60, v50;
	_ =	sdelay $0x4  }
0x330: {  	v50 =	vld.idx.msk [tilespmem:v50+s16+$0x0], $0xffff;
	_ =	sdelay $0x4  }
0x331: {  	[tilespmem:s23+$0x10] =	vst v50  }
0x332: {  	v50 =	vld.idx.msk [tilespmem:v51+s3+$0x0], $0xffff;
	_ =	sdelay $0x4  }
0x333: {  	v50 =	vand.u32 $0xF, v50  }
0x334: {  	v50 =	vor.u32 v48, v50  }
0x335: {  	v50 =	vadd.s32 v61, v50;
	_ =	sdelay $0x3  }
0x336: {  	v51 =	vadd.s32 s22, v52  }
0x337: {  	v51 =	vand.u32 $0x37F8, v51;
	v50 =	vld.idx.msk [tilespmem:v50+s16+$0x0], $0xffff  }
0x338: {  	v51 =	vor.u32 v29, v51;
	_ =	sdelay $0x3  }
0x339: {  	[tilespmem:s23+$0x20] =	vst v50  }
0x33a: {  	v50 =	vld.idx.msk [tilespmem:v51+s3+$0x0], $0xffff;
	_ =	sdelay $0x4  }
0x33b: {  	v51 =	vor.u32 v5, v48;
	v50 =	vand.u32 $0xF, v50  }
0x33c: {  	v50 =	vor.u32 v51, v50  }
0x33d: {  	v50 =	vadd.s32 v30, v50;
	_ =	sdelay $0x4  }
0x33e: {  	v50 =	vld.idx.msk [tilespmem:v50+s16+$0x0], $0xffff  }
0x33f: {  	v51 =	vadd.s32 $0x3265, v49;
	_ =	sdelay $0x3  }
0x340: {  	[tilespmem:s23+$0x30] =	vst v50  }
0x341: {  	v50 =	vld.idx.msk [tilespmem:v51+s3+$0x0], $0xffff;
	_ =	sdelay $0x4  }
0x342: {  	v50 =	vand.u32 $0xF, v50  }
0x343: {  	v50 =	vor.u32 v48, v50  }
0x344: {  	v50 =	vadd.s32 v62, v50;
	_ =	sdelay $0x4  }
0x345: {  	v50 =	vld.idx.msk [tilespmem:v50+s16+$0x0], $0xffff;
	_ =	sdelay $0x4  }
0x346: {  	[tilespmem:s23+$0x40] =	vst v50  }
0x347: {  	v50 =	vld.idx.msk [tilespmem:v51+s3+$0x0], $0xffff;
	_ =	sdelay $0x4  }
0x348: {  	v50 =	vand.u32 $0xF, v50  }
0x349: {  	v50 =	vor.u32 v48, v50  }
0x34a: {  	v50 =	vadd.s32 v63, v50;
	_ =	sdelay $0x3  }
0x34b: {  	v51 =	vadd.s32 s22, v54  }
0x34c: {  	v51 =	vand.u32 $0x37F8, v51;
	v50 =	vld.idx.msk [tilespmem:v50+s16+$0x0], $0xffff  }
0x34d: {  	v51 =	vor.u32 v33, v51;
	_ =	sdelay $0x3  }
0x34e: {  	[tilespmem:s23+$0x50] =	vst v50  }
0x34f: {  	v50 =	vld.idx.msk [tilespmem:v51+s3+$0x0], $0xffff;
	_ =	sdelay $0x4  }
0x350: {  	v51 =	vor.u32 v4, v48;
	v50 =	vand.u32 $0xF, v50  }
0x351: {  	v50 =	vor.u32 v51, v50  }
0x352: {  	v50 =	vadd.s32 v34, v50;
	_ =	sdelay $0x4  }
0x353: {  	v50 =	vld.idx.msk [tilespmem:v50+s16+$0x0], $0xffff  }
0x354: {  	v51 =	vadd.s32 $0x3266, v49;
	_ =	sdelay $0x3  }
0x355: {  	[tilespmem:s23+$0x60] =	vst v50  }
0x356: {  	v50 =	vld.idx.msk [tilespmem:v51+s3+$0x0], $0xffff;
	_ =	sdelay $0x4  }
0x357: {  	v50 =	vand.u32 $0xF, v50  }
0x358: {  	v50 =	vor.u32 v48, v50  }
0x359: {  	v50 =	vadd.s32 v42, v50;
	_ =	sdelay $0x4  }
0x35a: {  	v50 =	vld.idx.msk [tilespmem:v50+s16+$0x0], $0xffff;
	_ =	sdelay $0x4  }
0x35b: {  	[tilespmem:s23+$0x70] =	vst v50  }
0x35c: {  	v50 =	vld.idx.msk [tilespmem:v51+s3+$0x0], $0xffff;
	_ =	sdelay $0x4  }
0x35d: {  	v50 =	vand.u32 $0xF, v50  }
0x35e: {  	v50 =	vor.u32 v48, v50  }
0x35f: {  	v50 =	vadd.s32 v44, v50;
	_ =	sdelay $0x3  }
0x360: {  	v51 =	vadd.s32 s22, v55  }
0x361: {  	v51 =	vand.u32 $0x37F8, v51;
	v50 =	vld.idx.msk [tilespmem:v50+s16+$0x0], $0xffff  }
0x362: {  	v51 =	vor.u32 v37, v51;
	_ =	sdelay $0x3  }
0x363: {  	[tilespmem:s23+$0x80] =	vst v50  }
0x364: {  	v50 =	vld.idx.msk [tilespmem:v51+s3+$0x0], $0xffff;
	_ =	sdelay $0x4  }
0x365: {  	v51 =	vor.u32 v3, v48;
	v50 =	vand.u32 $0xF, v50  }
0x366: {  	v50 =	vor.u32 v51, v50  }
0x367: {  	v50 =	vadd.s32 v38, v50;
	_ =	sdelay $0x4  }
0x368: {  	v50 =	vld.idx.msk [tilespmem:v50+s16+$0x0], $0xffff  }
0x369: {  	v49 =	vadd.s32 $0x3267, v49;
	_ =	sdelay $0x3  }
0x36a: {  	[tilespmem:s23+$0x90] =	vst v50  }
0x36b: {  	v50 =	vld.idx.msk [tilespmem:v49+s3+$0x0], $0xffff;
	_ =	sdelay $0x4  }
0x36c: {  	v50 =	vand.u32 $0xF, v50  }
0x36d: {  	v50 =	vor.u32 v48, v50  }
0x36e: {  	v50 =	vadd.s32 v45, v50;
	_ =	sdelay $0x4  }
0x36f: {  	v50 =	vld.idx.msk [tilespmem:v50+s16+$0x0], $0xffff;
	_ =	sdelay $0x4  }
0x370: {  	[tilespmem:s23+$0xA0] =	vst v50  }
0x371: {  	v50 =	vld.idx.msk [tilespmem:v49+s3+$0x0], $0xffff;
	_ =	sdelay $0x4  }
0x372: {  	v50 =	vand.u32 $0xF, v50  }
0x373: {  	v50 =	vor.u32 v48, v50  }
0x374: {  	v50 =	vadd.s32 v46, v50;
	_ =	sdelay $0x4  }
0x375: {  	v50 =	vld.idx.msk [tilespmem:v50+s16+$0x0], $0xffff;
	_ =	sdelay $0x4  }
0x376: {  	[tilespmem:s23+$0xB0] =	vst v50  }
0x377: {  	v49 =	vld.idx.msk [tilespmem:v49+s3+$0x0], $0xffff;
	_ =	sdelay $0x4  }
0x378: {  	v49 =	vand.u32 $0xF, v49  }
0x379: {  	v48 =	vor.u32 v48, v49  }
0x37a: {  	v48 =	vadd.s32 v47, v48;
	_ =	sdelay $0x4  }
0x37b: {  	p0 =	sne.s32 s22, $0x198;
	v48 =	vld.idx.msk [tilespmem:v48+s16+$0x0], $0xffff  }
.Ltmp9:
0x37c: {  	_ = 	snop;
	(pc) =	sbr.rel @p0 .LBB2_20-.Ltmp9, $2  }
0x37d: {  	_ =	sdelay $0x2  }
0x37e: {  	s22 =	sadd.s32 $0x8, s22;
	[tilespmem:s23+$0xC0] =	vst v48;
	s23 =	sadd.s32 $0x190, s23  }
0x37f: {  	s21 =	sadd.s32 $0x1, s21  }
0x380: {  	p0 =	sne.s32 s21, s9  }
.Ltmp10:
0x381: {  	_ = 	snop;
	(pc) =	sbr.rel @p0 .LBB2_1-.Ltmp10, $4  }
0x382: {  	[hbm4b:s8+s3] =	stream.linear.scatter [tilespmem:s20], [sflag:$0x3], $0x5140, $0x38;
	[tilespmem:$0x1B380] =	vst v63  }
0x383: {  	_ =	swait.ge [sflag:s11], $0x5140  }
0x384: {  	[sflag:s11] =	ssyncset.done $0x0;
	v56 =	vld [tilespmem:$0x1FF30]  }
0x385: {  	v51 =	vld [tilespmem:$0x1FF40];
	[sflag:s11] =	ssyncadd.s32 $0xFFFFAEC0  }
0x386: {  	_ =	sfence.sel $0x180000  }
0x387: {  	[bflag:$0x0] =	sbarrier.arrive $0xFFFF  }
0x388: {  	_ =	strace $0x90000047  }
0x389: {  	[bflag:$0x2] =	sbarrier.arrive $0xFFFF  }
0x38a: {  	p0 =	sne.s32 s0, $0x0;
	s0 =	rddreg [dreg:$0x2]  }
0x38b: {  	s0 =	sadd.s32 @!p0 $0x100000, s0  }
0x38c: {  	[sflag:s0] =	ssyncadd.tile.s32 @!p0 $0x1;
	_ =	shalt  }
.Lfunc_end2:
_tile_overlayer_lowered:
.L_overlay_start_2:
0x38d: {  	(tag) =	ssettag $0x2  }
0x38e: {  	s0 =	rddreg [dreg:$0x0];
	s2 =	stileid.u32  }
0x38f: {  	s1 =	rddreg [dreg:$0x1];
	p0 =	sne.s32 s2, $0x0  }
0x390: {  	s3 =	rddreg [dreg:$0x2];
	[bflag:$0x3] =	sbarrier.arrive $0xFFFF;
	s2 =	simm.s32 @!p0 $0x1C03  }
0x391: {  	[timem:s3], [sflag:s2] =	dma.local @!p0 [hbm:s0], s1  }
0x392: {  	s0 =	simm.s32 @!p0 $0x3  }
0x393: {  	_ =	swait.ge @!p0 [sflag:s0], s1  }
0x394: {  	s1 =	ssub.s32 @!p0 $0x0, s1;
	[sflag:s0] =	ssyncset.done @!p0 $0x0  }
0x395: {  	[sflag:s0] =	ssyncadd.s32 @!p0 s1  }
0x396: {  	[bflag:$0x3] =	sbarrier.arrive $0xFFFF  }
0x397: {  	_ =	shalt  }

// kernel: sparse-core-data-format-call.cloned.1.call-start
scs
called_computation_lowered:
.L_overlay_start_0:
0x0: {  	s2 =	sld [smem:$0x3FD9]  }
0x1: {  	s3 =	sld [smem:$0x3FFE];
	_ =	sdelay $0x1  }
0x2: {  	s1 =	srdreg.scid  }
0x3: {  	s0 =	sand.u32 $0x1, s1  }
0x4: {  	s18 =	sshll.u32 s0, $0xA;
	s2 =	sadd.s32 s3, s2  }
0x5: {  	s2 =	sadd.s32 s2, s18  }
0x6: {  	[smem:$0x3FC6] =	sst s2  }
0x7: {  	_ = 	snop  }
0x8: {  	s2 =	sld [smem:$0x3FD0];
	(tm) =	ssettm $0x1  }
0x9: {  	s19 =	sld [smem:$0x3FFB];
	_ =	sdelay $0x3  }
0xa: {  	_ =	strace s19  }
0xb: {  	s3 =	sld [smem:$0x3FFC];
	_ =	sdelay $0x3  }
0xc: {  	_ =	strace s3  }
0xd: {  	s3 =	sld [smem:$0x3FFD];
	_ =	sdelay $0x3  }
0xe: {  	_ =	strace s3  }
0xf: {  	_ =	strace $0x8FFFFFFF  }
0x10: {  	s20 =	sld [smem:$0x3FDB];
	_ =	sdelay $0x1  }
0x11: {  	s4 =	simm.s32 $_scs_section_size  }
0x12: {  	s5 =	simm.s32 $_size__tile_overlayer_lowered;
	s6 =	simm.s32 $_tile_overlayer_lowered  }
0x13: {  	s23 =	simm.s32 $0x1BFF;
	s22 =	sshll.u32 s6, $0x1;
	s3 =	sadd.s32 s4, s20  }
0x14: {  	s7 =	simm.s32 $0x0;
	s21 =	sshll.u32 s5, $0x1;
	s5 =	sadd.s32 s22, s3  }
0x15: {  	[timem:s7], [sflag:s23] =	dma.local [hbm:s5], s21  }
0x16: {  	_ =	swait.ge [sflag:s23], s21  }
0x17: {  	s4 =	ssub.s32 $0x0, s21;
	[sflag:s23] =	ssyncset.done $0x0  }
0x18: {  	[sflag:s23] =	ssyncadd.s32 s4;
	_ =	sdelay $0x1  }
0x19: {  	s24 =	simm.s32 $0x1B8B  }
0x1a: {  	_ =	swait.ge [sflag:s24], $0x1  }
0x1b: {  	[sflag:s24] =	ssyncset.done $0x0  }
0x1c: {  	s26 =	simm.s32 $0x1B8E;
	s25 =	sld [smem:$0x3FFE];
	[sflag:s24] =	ssyncadd.s32 $0xFFFFFFFF  }
0x1d: {  	s27 =	simm.s32 $execute0_lowered;
	[smem:$0x3FD2] =	sst s26  }
0x1e: {  	s5 =	sshll.u32 s27, $0x1;
	_ =	strace $0x80000049;
	[dreg:$0x1] =	wrdreg $0xFFFFFFFF  }
0x1f: {  	s28 =	simm.s32 $_size_execute0_lowered;
	s3 =	sadd.s32 s3, s5;
	[dreg:$0x0] =	wrdreg $0x0  }
0x20: {  	s5 =	sshll.u32 s28, $0x1;
	[dreg:$0x2] =	wrdreg s3  }
0x21: {  	[dreg:$0x3] =	wrdreg s5  }
0x22: {  	[dreg:$0x4] =	wrdreg $0xC0  }
0x23: {  	_ =	task [dreg:s7], $0x5FFFF  }
0x24: {  	[dreg:$0x1] =	wrdreg $0xFFFFFFFF  }
0x25: {  	[dreg:$0x0] =	wrdreg $0x60  }
0x26: {  	[dreg:$0x2] =	wrdreg s25  }
0x27: {  	[dreg:$0x3] =	wrdreg s2  }
0x28: {  	[dreg:$0x4] =	wrdreg $0x9  }
0x29: {  	_ =	task.clear_ibuf [dreg:s7], $0x5FFFF;
	_ =	strace $0x90000049  }
0x2a: {  	s29 =	simm.s32 $0x9;
	_ =	strace $0x8000004B  }
0x2b: {  	_ =	swait.ge [sflag:s29], $0x1  }
0x2c: {  	[sflag:s29] =	ssyncadd.s32 $0xFFFFFFFF  }
0x2d: {  	_ =	strace $0x9000004B  }
0x2e: {  	_ =	sfence  }
0x2f: {  	s30 =	sld [smem:$0x0];
	_ =	sdelay $0x2  }
0x30: {  	s31 =	sshll.u32 s1, $0xD;
	s1 =	sshrl.u32 s1, $0x2  }
0x31: {  	s3 =	sand.u32 $0x4000, s31;
	s1 =	sadd.s32 s1, s30  }
0x32: {  	s0 =	sor.u32 s3, s0;
	s1 =	sshll.u32 s1, $0x11  }
0x33: {  	s0 =	sor.u32 s1, s0  }
0x34: {  	s0 =	sadd.s32 $0x8F2B, s0  }
0x35: {  	[sflag:s0] =	ssyncadd.remote.s32 $0x1  }
0x36: {  	_ =	sfence.sel $0xFFFF  }
0x37: {  	[dreg:$0x0] =	wrdreg $0xFFFFFFFF;
	(pc) =	sbr.abs _section_cstart, $3  }
0x38: {  	[dreg:$0x1] =	wrdreg $0xFFFFFFFF  }
0x39: {  	_ =	task.clear_ibuf [dreg:s7], $0x2FFFF;
	_ =	strace $0x9FFFFFFF  }
0x3a: {  	(tm) =	ssettm $0x7FFFFFFF  }
0x3b: {  	_ =	shalt  }
tec
execute0_lowered:
.L_overlay_start_1:
0x0: {  	(tag) =	ssettag $0x1  }
0x1: {  	s0 =	srdreg.scid  }
0x2: {  	s1 =	sshll.u32 s0, $0x4  }
0x3: {  	s6 =	rddreg [dreg:$0x0];
	s0 =	stileid.u32;
	s1 =	sand.u32 $0x10, s1  }
0x4: {  	s3 =	rddreg [dreg:$0x1];
	s1 =	sor.u32 s0, s1  }
0x5: {  	s5 =	simm.s32 $0x1;
	s31 =	simm.s32 $0x2;
	s2 =	sshll.u32 s1, $0x7  }
0x6: {  	s15 =	simm.s32 $0x0;
	s8 =	simm.s32 $0x20000;
	s4 =	ssub.s32 $0x4000, s2  }
0x7: {  	s14 =	simm.s32 $0x0;
	s9 =	simm.s32 $0x0;
	s30 =	sand.u32 $0xF80, s4  }
0x8: {  	s10 =	simm.s32 $0x0;
	s11 =	simm.s32 $0x0;
	p0 =	sne.s32 s30, $0x0  }
.Ltmp0:
0x9: {  	s7 =	sshrl.u32 s4, $0xC;
	s5 =	simm.s32 @!p0 $0x0;
	(pc) =	sbr.rel .LBB1_1-.Ltmp0, $4  }
0xa: {  	s13 =	simm.s32 $0x0;
	s1 =	rddreg [dreg:$0x2];
	s5 =	sadd.s32 s5, s7  }
0xb: {  	_ =	strace $0x8000004A;
	s4 =	simm.s32 $0x1;
	s5 =	smul.u32 $0xB, s5  }
0xc: {  	s6 =	sadd.s32 $0xA00, s6;
	s12 =	smov.u32 s2;
	[sflag:s4] =	ssyncpa.u1 $0x0  }
0xd: {  	[sflag:s31] =	ssyncpa.u1 $0x0;
	p0 =	por $0x0, $0x0;
	s7 =	sadd.s32 $0x1, s5  }
.LBB1_4:
0xe: {  	s20 =	sshra.s32 s20, $0x2  }
0xf: {  	s28 =	sand.u32 $0x78, s10;
	s21 =	sshll.u32 s9, $0xE;
	s22 =	sshll.u32 s10, $0x3  }
0x10: {  	s24 =	sshll.u32 s9, $0x7;
	p1 =	sgt.s32 s9, $0x498;
	s30 =	sshra.s32 s9, $0x1F  }
0x11: {  	s26 =	sshra.s32 s10, $0x1F;
	s19 =	sadd.s32 s20, s19;
	s21 =	sand.u32 $0xFFFE0000, s21  }
0x12: {  	v5 =	vld [tilespmem:s17+$0xFFFFFFD0];
	[tilespmem:s18+$0x2040 ss:$0x81] =	vst.msk $0xffff, v4;
	s23 =	sand.u32 $0xFFFFFC00, s22;
	s29 =	sand.u32 $0x380, s24;
	s22 =	sand.u32 $0x3C00, s22  }
0x13: {  	v58 =	vld [tilespmem:s17+$0xFFFFFFE0];
	[tilespmem:s18+$0x2850 ss:$0x81] =	vst.msk $0xffff, v3;
	s21 =	sadd.s32 s23, s21;
	s20 =	sor.u32 s28, s22;
	s22 =	smov.u32 s9  }
0x14: {  	v59 =	vld [tilespmem:s17+$0xFFFFFFF0];
	[tilespmem:s18+$0x3060 ss:$0x81] =	vst.msk $0xffff, v2;
	s24 =	sand.u32 s30, s9;
	s21 =	sshrl.u32 s21, $0xE;
	s22 =	simm.s32 @!p1 $0x498  }
0x15: {  	v60 =	vld [tilespmem:s17+$0x0];
	[tilespmem:s18+$0x0 ss:$0x81] =	vst.msk $0xffff, v1;
	p1 =	sgt.s32 s10, $0x3F80;
	s31 =	ssub.s32 s22, s24;
	s22 =	smov.u32 s10  }
0x16: {  	v61 =	vld [tilespmem:s17+$0x10];
	[tilespmem:s19+$0x3870 ss:$0x81] =	vst.msk $0xffff, v0;
	s25 =	smulhi.u32 $0x3241F7, s21;
	s24 =	sand.u32 s26, s10;
	s22 =	simm.s32 @!p1 $0x3F80  }
0x17: {  	v62 =	vld [tilespmem:s17+$0x20];
	s20 =	sor.u32 s29, s20;
	[tilespmem:s19+$0x810 ss:$0x81] =	vst.msk $0xffff, v5;
	s27 =	sadd.s32 $0xFFFFFB68, s31;
	s22 =	ssub.s32 s22, s24  }
0x18: {  	v63 =	vld [tilespmem:s17+$0xFFFFFFC0];
	[tilespmem:s19+$0x1020 ss:$0x81] =	vst.msk $0xffff, v58;
	s18 =	ssub.s32 $0x518, s31;
	s28 =	smul.u32 $0x518, s25;
	s29 =	sadd.s32 $0xFFFFC080, s22  }
0x19: {  	[tilespmem:s19+$0x1830 ss:$0x81] =	vst.msk $0xffff, v59;
	p1 =	sgt.s32 s27, $0x7F;
	s22 =	ssub.s32 $0x4000, s22;
	p2 =	sgt.s32 s29, $0x7F  }
0x1a: {  	s30 =	sand.u32 $0x7, s10;
	[tilespmem:s19+$0x2040 ss:$0x81] =	vst.msk $0xffff, v60;
	s18 =	simm.s32 @p1 $0x0;
	s22 =	simm.s32 @p2 $0x0  }
0x1b: {  	s20 =	sshrl.u32 s20, $0x3;
	[tilespmem:s19+$0x2850 ss:$0x81] =	vst.msk $0xffff, v61;
	s17 =	ssub.s32 s21, s28;
	s18 =	smul.u32 s22, s18  }
0x1c: {  	[tilespmem:s19+$0x3060 ss:$0x81] =	vst.msk $0xffff, v62;
	s20 =	sadd.s32 s3, s20;
	s21 =	sshll.u32 s30, $0x12;
	s17 =	sshll.u32 s17, $0xB  }
0x1d: {  	[tilespmem:s19+$0x0 ss:$0x81] =	vst.msk $0xffff, v63;
	s31 =	sor.u32 $0x400, s21;
	s17 =	sadd.s32 s17, s20;
	s18 =	sand.u32 $0x3FFFFFFF, s18  }
0x1e: {  	[hbm4b:s17+s31] =	stream.strided.scatter [tilespmem:s16], [sflag:$0x2], s18, s8, s31, $0x20;
	[tilespmem:$0x10100] =	vst v63  }
.LBB1_5:
0x1f: {  	p1 =	slt.u32 s13, $0x2  }
0x20: {  	s17 =	smov.u32 s15;
	p2 =	sgt.s32 @!p1 s15, $0x498;
	s16 =	sshra.s32 @!p1 s15, $0x1F  }
0x21: {  	p3 =	sgt.s32 @!p1 s14, $0x3F80;
	s18 =	sshra.s32 @!p1 s14, $0x1F;
	p2 =	por !p2, p1  }
0x22: {  	s15 =	sand.u32 @!p1 s16, s15;
	p3 =	por !p3, p1;
	s16 =	smov.u32 s14  }
0x23: {  	s14 =	sand.u32 @!p1 s18, s14;
	s17 =	simm.s32 @p2 $0x498;
	s16 =	simm.s32 @p3 $0x3F80  }
0x24: {  	s15 =	ssub.s32 @!p1 s17, s15;
	s14 =	ssub.s32 @!p1 s16, s14  }
0x25: {  	s18 =	smov.u32 s12;
	s16 =	sadd.s32 @!p1 $0xFFFFFB68, s15;
	s17 =	sadd.s32 @!p1 $0xFFFFC080, s14  }
0x26: {  	s15 =	ssub.s32 @!p1 $0x518, s15;
	p2 =	sgt.s32 @!p1 s16, $0x7F;
	p3 =	sgt.s32 @!p1 s17, $0x7F  }
0x27: {  	s14 =	ssub.s32 @!p1 $0x4000, s14;
	p2 =	por !p2, p1;
	p3 =	por !p3, p1  }
0x28: {  	s16 =	sadd.s32 $0x80, s11;
	s15 =	simm.s32 @!p2 $0x0;
	s14 =	simm.s32 @!p3 $0x0  }
0x29: {  	p2 =	sgt.s32 s16, $0x513;
	s14 =	smul.u32 @!p1 s14, s15;
	s15 =	sadd.s32 $0x1000, s12  }
0x2a: {  	s18 =	smov.u32 @p2 s15  }
0x2b: {  	s16 =	simm.s32 @p2 $0x0;
	p2 =	sgt.s32 s18, $0x3FFF  }
0x2c: {  	s18 =	smov.u32 @p2 s2;
	p2 =	sne.s32 s13, s7  }
.Ltmp1:
0x2d: {  	p0 =	por !p0, !p0;
	s17 =	simm.s32 @!p1 $0x2;
	(pc) =	sbr.rel @!p2 .LBB1_6-.Ltmp1, $4  }
0x2e: {  	s15 =	smov.u32 s9;
	s9 =	smov.u32 s11;
	s14 =	sand.u32 @!p1 $0x3FFFFFFF, s14  }
0x2f: {  	s11 =	smov.u32 s16;
	_ =	swait.ge @!p1 [sflag:s17], s14;
	s19 =	ssub.s32 @!p1 $0x0, s14  }
0x30: {  	s14 =	smov.u32 s10;
	s13 =	sadd.s32 $0x1, s13;
	[sflag:s17] =	ssyncset.done @!p1 $0x0  }
0x31: {  	s10 =	smov.u32 s12;
	s12 =	smov.u32 s18;
	[sflag:s17] =	ssyncadd.s32 @!p1 s19  }
.LBB1_1:
0x32: {  	p1 =	sge.u32 s13, s5  }
0x33: {  	s16 =	sshrl.u32 @!p1 s12, $0x3  }
0x34: {  	s17 =	sshll.u32 @!p1 s11, $0x3;
	s16 =	smul.u32 @!p1 $0x2C00, s16  }
0x35: {  	s18 =	sshll.u32 @!p1 s12, $0x7;
	s17 =	sand.u32 @!p1 $0xFFFFFC00, s17  }
0x36: {  	s16 =	sadd.s32 @!p1 s16, s17;
	s17 =	sand.u32 @!p1 $0x380, s18  }
0x37: {  	s18 =	sand.u32 @!p1 $0x7F, s11;
	s16 =	sor.u32 @!p1 s17, s16  }
0x38: {  	s17 =	sor.u32 @!p1 s18, s16  }
0x39: {  	s18 =	smulhi.u32 @!p1 $0xBA2E8BA3, s17;
	_ =	sdelay $0x1  }
0x3a: {  	s16 =	smulhi.u32 @!p1 $0xBA2E8BA3, s16;
	s18 =	sshrl.u32 @!p1 s18, $0xA  }
0x3b: {  	s18 =	smul.u32 @!p1 $0x580, s18  }
0x3c: {  	s31 =	sadd.s32 $0xFFFFFFFF, s13;
	s19 =	sxor.u32 @!p1 $0xFFFFFFFF, s13;
	s16 =	sshrl.u32 @!p1 s16, $0xA  }
0x3d: {  	s19 =	sshll.u32 @!p1 s19, $0xE;
	s16 =	sand.u32 @!p1 $0x3FFF, s16;
	s17 =	ssub.s32 @!p1 s17, s18  }
0x3e: {  	s16 =	smul.u32 @!p1 $0xB0, s16;
	s18 =	sshrl.u32 @!p1 s17, $0x3;
	s17 =	sand.u32 @!p1 $0x7, s17  }
0x3f: {  	s19 =	sand.u32 @!p1 $0x4000, s19;
	s18 =	sadd.s32 @!p1 s6, s18;
	s17 =	sshll.u32 @!p1 s17, $0x12  }
0x40: {  	s16 =	sadd.s32 @!p1 s16, s18;
	s17 =	sor.u32 @!p1 $0x400, s17;
	s18 =	simm.s32 @!p1 $0x2C00  }
0x41: {  	[tilespmem:s19], [sflag:$0x1] =	stream.strided.gather @!p1 [hbm4b:s16+s17], $0x4000, s18, s17, $0x38;
	[tilespmem:$0x10100] =	vst v63  }
0x42: {  	p1 =	sge.u32 s31, s5  }
.Ltmp2:
0x43: {  	_ = 	snop;
	(pc) =	sbr.rel @p1 .LBB1_5-.Ltmp2, $1  }
0x44: {  	_ =	sdelay $0x3  }
0x45: {  	s16 =	simm.s32 $0x1  }
0x46: {  	_ =	swait.ge [sflag:s4], $0x4000;
	s16 =	simm.s32 @!p0 $0x0  }
0x47: {  	[sflag:s4] =	ssyncset.done $0x0;
	s17 =	sshll.u32 s16, $0xE  }
0x48: {  	[sflag:s4] =	ssyncadd.s32 $0xFFFFC000;
	s17 =	sor.u32 $0x40, s17  }
0x49: {  	s16 =	smul.u32 $0x10200, s16;
	v0 =	vld [tilespmem:s17+$0x30]  }
0x4a: {  	v1 =	vld [tilespmem:s17+$0xFFFFFFD0]  }
0x4b: {  	s16 =	sshrl.u32 s16, $0x2;
	v5 =	vld [tilespmem:s17+$0xFFFFFFE0]  }
0x4c: {  	v6 =	vld [tilespmem:s17+$0xFFFFFFF0];
	s19 =	sor.u32 $0x8000, s16  }
0x4d: {  	s31 =	sand.u32 $0x1, s13;
	v4 =	vld [tilespmem:s17+$0x0];
	s18 =	sadd.s32 $0x0, s19  }
0x4e: {  	v3 =	vld [tilespmem:s17+$0x10];
	s16 =	smul.u32 $0x10200, s31;
	[tilespmem:s18+$0x3870 ss:$0x81] =	vst.msk $0xffff, v0  }
0x4f: {  	v2 =	vld [tilespmem:s17+$0x20];
	[tilespmem:s18+$0x810 ss:$0x81] =	vst.msk $0xffff, v1  }
0x50: {  	s16 =	sshrl.u32 s16, $0x2;
	v1 =	vld [tilespmem:s17+$0xFFFFFFC0];
	[tilespmem:s18+$0x1020 ss:$0x81] =	vst.msk $0xffff, v5;
	s17 =	sadd.s32 $0x80, s17  }
0x51: {  	s20 =	simm.s32 $0x4;
	s21 =	simm.s32 $0x8;
	s16 =	sor.u32 $0x8000, s16;
	[tilespmem:s18+$0x1830 ss:$0x81] =	vst.msk $0xffff, v6;
	v0 =	vld [tilespmem:s17+$0x30]  }
.LBB1_3:
0x52: {  	p1 =	sne.s32 s21, $0x1FC;
	v5 =	vld [tilespmem:s17+$0xFFFFFFD0];
	[tilespmem:s18+$0x2040 ss:$0x81] =	vst.msk $0xffff, v4  }
0x53: {  	v6 =	vld [tilespmem:s17+$0xFFFFFFE0];
	[tilespmem:s18+$0x2850 ss:$0x81] =	vst.msk $0xffff, v3  }
0x54: {  	s22 =	sshra.s32 s20, $0x2;
	s20 =	smov.u32 s21;
	v7 =	vld [tilespmem:s17+$0xFFFFFFF0];
	[tilespmem:s18+$0x3060 ss:$0x81] =	vst.msk $0xffff, v2  }
.Ltmp3:
0x55: {  	v4 =	vld [tilespmem:s17+$0x0];
	[tilespmem:s18+$0x0 ss:$0x81] =	vst.msk $0xffff, v1;
	s18 =	sadd.s32 s22, s19;
	(pc) =	sbr.rel @p1 .LBB1_3-.Ltmp3, $4  }
0x56: {  	v3 =	vld [tilespmem:s17+$0x10];
	[tilespmem:s18+$0x3870 ss:$0x81] =	vst.msk $0xffff, v0  }
0x57: {  	[tilespmem:s18+$0x810 ss:$0x81] =	vst.msk $0xffff, v5;
	v2 =	vld [tilespmem:s17+$0x20]  }
0x58: {  	v1 =	vld [tilespmem:s17+$0xFFFFFFC0];
	[tilespmem:s18+$0x1020 ss:$0x81] =	vst.msk $0xffff, v6;
	s17 =	sadd.s32 $0x80, s17  }
0x59: {  	s21 =	sadd.s32 $0x4, s21;
	v0 =	vld [tilespmem:s17+$0x30];
	[tilespmem:s18+$0x1830 ss:$0x81] =	vst.msk $0xffff, v7  }
.Ltmp4:
0x5a: {  	_ = 	snop;
	(pc) =	sbr.rel .LBB1_4-.Ltmp4, $1  }
0x5b: {  	_ =	sdelay $0x3  }
.LBB1_6:
0x5c: {  	_ =	sfence.sel $0x180000  }
0x5d: {  	s2 =	simm.s32 $0x1;
	[bflag:$0x0] =	sbarrier.arrive $0xFFFF  }
0x5e: {  	s31 =	simm.s32 $0x2;
	[sflag:s2] =	ssyncpa.u1 $0x1  }
0x5f: {  	[sflag:s31] =	ssyncpa.u1 $0x1  }
0x60: {  	p0 =	sne.s32 s0, $0x0;
	_ =	strace $0x9000004A  }
0x61: {  	s0 =	sadd.s32 @!p0 $0x100000, s1;
	[bflag:$0x2] =	sbarrier.arrive $0xFFFF  }
0x62: {  	[sflag:s0] =	ssyncadd.tile.s32 @!p0 $0x1;
	_ =	shalt  }
.Lfunc_end1:
_tile_overlayer_lowered:
.L_overlay_start_2:
0x63: {  	(tag) =	ssettag $0x2  }
0x64: {  	s0 =	rddreg [dreg:$0x0];
	s2 =	stileid.u32  }
0x65: {  	s1 =	rddreg [dreg:$0x1];
	p0 =	sne.s32 s2, $0x0  }
0x66: {  	s3 =	rddreg [dreg:$0x2];
	[bflag:$0x3] =	sbarrier.arrive $0xFFFF;
	s2 =	simm.s32 @!p0 $0x1C01  }
0x67: {  	[timem:s3], [sflag:s2] =	dma.local @!p0 [hbm:s0], s1  }
0x68: {  	s0 =	simm.s32 @!p0 $0x1  }
0x69: {  	_ =	swait.ge @!p0 [sflag:s0], s1  }
0x6a: {  	s1 =	ssub.s32 @!p0 $0x0, s1;
	[sflag:s0] =	ssyncset.done @!p0 $0x0  }
0x6b: {  	[sflag:s0] =	ssyncadd.s32 @!p0 s1  }
0x6c: {  	[bflag:$0x3] =	sbarrier.arrive $0xFFFF  }
0x6d: {  	_ =	shalt  }

</sc_bundles>
